<compile_context>
chip_gen: v7x
topology: tpu7x:2x2x1
jax: 0.10.2.dev20260603
libtpu: 0.0.44.dev20260713+nightly
codegen_flags: <defaults>
</compile_context>

<pallas_src>
import functools

import jax
import jax.numpy as jnp
from jax import lax
from jax.experimental import pallas as pl
from jax.experimental.pallas import tpu as pltpu
from jax.experimental.pallas import tpu_sc as plsc

NC = 2
NS = 16
NW = NC * NS

F = 16
CHUNK = 2048
KJ = CHUNK // 128


def _sc_mesh():
    return plsc.VectorSubcoreMesh(core_axis_name="c", subcore_axis_name="s")


_SC_PARAMS = pltpu.CompilerParams(use_tc_tiling_on_sc=False)


def _make_deg_kernel(n_pad, e_pad):
    per_tile = e_pad // NW
    n_it = per_tile // CHUNK
    rows_per_tile = n_pad // NS

    @functools.partial(
        pl.kernel,
        out_type=jax.ShapeDtypeStruct((NC, n_pad, F), jnp.float32),
        mesh=_sc_mesh(),
        compiler_params=_SC_PARAMS,
        scratch_types=[
            pltpu.VMEM_SHARED((n_pad,), jnp.float32),
            pltpu.VMEM((KJ, 128), jnp.int32),
            pltpu.VMEM((KJ, 128), jnp.int32),
            pltpu.VMEM((CHUNK,), jnp.float32),
            pltpu.VMEM((rows_per_tile,), jnp.float32),
            pltpu.VMEM((rows_per_tile, F), jnp.float32),
            pltpu.SemaphoreType.DMA,
        ],
    )
    def deg_kernel(ed_hbm, ones_hbm, zeros_hbm, out_hbm, acc, didx0, didx1,
                   ones_v, db, d16, sem):
        c = lax.axis_index("c")
        s = lax.axis_index("s")
        wid = c * NS + s
        didx = (didx0, didx1)
        pltpu.sync_copy(zeros_hbm.at[pl.ds(s * rows_per_tile, rows_per_tile)],
                        acc.at[pl.ds(s * rows_per_tile, rows_per_tile)])
        pltpu.sync_copy(ones_hbm, ones_v)
        plsc.subcore_barrier()
        pltpu.sync_copy(ed_hbm.at[1, pl.ds(wid * (per_tile // 128), KJ)],
                        didx[0])
        for it in range(n_it):
            b = it & 1

            def body(j, _):
                pltpu.async_copy(ones_v.at[pl.ds(j * 128, 128)],
                                 acc.at[didx[b].at[j]], sem, add=True)
                return 0

            lax.fori_loop(0, KJ, body, 0)
            if it + 1 < n_it:
                row_base = wid * (per_tile // 128) + (it + 1) * KJ
                pltpu.sync_copy(ed_hbm.at[1, pl.ds(row_base, KJ)],
                                didx[1 - b])
            pltpu.make_async_copy(ones_hbm, ones_v, sem).wait()
        plsc.subcore_barrier()
        pltpu.sync_copy(acc.at[pl.ds(s * rows_per_tile, rows_per_tile)], db)

        def bbody(i, _):
            v = db[pl.ds(i * 16, 16)]
            for j in range(16):
                d16[i * 16 + j, :] = jnp.full((F,), v[j], dtype=jnp.float32)
            return 0

        lax.fori_loop(0, rows_per_tile // 16, bbody, 0)
        pltpu.sync_copy(d16, out_hbm.at[c, pl.ds(s * rows_per_tile,
                                                 rows_per_tile)])

    return deg_kernel


def _make_agg_kernel(n_pad, e_pad, out_rows=None):
    per_tile = e_pad // NW
    n_it = per_tile // CHUNK
    rows_per_tile = n_pad // NS
    out_shape = (NC, n_pad, F) if out_rows is None else (NC, 8, F)

    @functools.partial(
        pl.kernel,
        out_type=jax.ShapeDtypeStruct(out_shape, jnp.float32),
        mesh=_sc_mesh(),
        compiler_params=_SC_PARAMS,
        scratch_types=[
            pltpu.VMEM_SHARED((n_pad, F), jnp.float32),
            pltpu.VMEM_SHARED((n_pad, F), jnp.float32),
            pltpu.VMEM((KJ, 128), jnp.int32),
            pltpu.VMEM((KJ, 128), jnp.int32),
            pltpu.VMEM((KJ, 128), jnp.int32),
            pltpu.VMEM((KJ, 128), jnp.int32),
            pltpu.VMEM((CHUNK, F), jnp.float32),
            pltpu.VMEM((CHUNK, F), jnp.float32),
            pltpu.SemaphoreType.DMA,
            pltpu.SemaphoreType.DMA,
        ],
    )
    def agg_kernel(ed_hbm, z_hbm, zeros_hbm, out_hbm, acc, z_sh,
                   sidx0, sidx1, didx0, didx1, rows0, rows1, semg, sems):
        c = lax.axis_index("c")
        s = lax.axis_index("s")
        wid = c * NS + s
        sidx = (sidx0, sidx1)
        didx = (didx0, didx1)
        rows = (rows0, rows1)
        pltpu.sync_copy(zeros_hbm.at[pl.ds(s * rows_per_tile, rows_per_tile)],
                        acc.at[pl.ds(s * rows_per_tile, rows_per_tile)])
        pltpu.sync_copy(z_hbm.at[pl.ds(s * rows_per_tile, rows_per_tile)],
                        z_sh.at[pl.ds(s * rows_per_tile, rows_per_tile)])
        plsc.subcore_barrier()

        def stage(it, b):
            row_base = wid * (per_tile // 128) + it * KJ
            pltpu.sync_copy(ed_hbm.at[0, pl.ds(row_base, KJ)], sidx[b])
            pltpu.sync_copy(ed_hbm.at[1, pl.ds(row_base, KJ)], didx[b])

        def fire_gathers(b):
            def gbody(j, _):
                pltpu.async_copy(z_sh.at[sidx[b].at[j]],
                                 rows[b].at[pl.ds(j * 128, 128)], semg)
                return 0
            lax.fori_loop(0, KJ, gbody, 0)

        def drain(sem):
            pltpu.make_async_copy(zeros_hbm.at[pl.ds(0, CHUNK)], rows[0],
                                  sem).wait()

        stage(0, 0)
        fire_gathers(0)
        for it in range(n_it):
            b = it & 1
            drain(semg)

            def sbody(j, _):
                pltpu.async_copy(rows[b].at[pl.ds(j * 128, 128)],
                                 acc.at[didx[b].at[j]], sems, add=True)
                return 0

            lax.fori_loop(0, KJ, sbody, 0)
            if it + 1 < n_it:
                stage(it + 1, 1 - b)
                fire_gathers(1 - b)
            drain(sems)
        plsc.subcore_barrier()
        if out_rows is None:
            pltpu.sync_copy(acc.at[pl.ds(s * rows_per_tile, rows_per_tile)],
                            out_hbm.at[c, pl.ds(s * rows_per_tile,
                                                rows_per_tile)])
        else:
            @pl.when(s == 0)
            def _():
                for k, r in enumerate(out_rows):
                    pltpu.sync_copy(acc.at[pl.ds(r, 1)],
                                    out_hbm.at[c, pl.ds(k, 1)])

    return agg_kernel


def _rows8(v, rows):
    return jnp.concatenate(
        [v[r:r + 1] for r in rows] + [jnp.zeros((8 - len(rows), v.shape[1]),
                                                jnp.float32)], axis=0)


def _tc1a(n_pad, x_ref, w1_ref, xw_ref):
    xw = jnp.dot(x_ref[...], w1_ref[...], preferred_element_type=jnp.float32)
    xw_ref[...] = jnp.concatenate(
        [xw, jnp.zeros((n_pad - xw.shape[0], xw.shape[1]), jnp.float32)])


def _make_tc1(rows):
    def _tc1(xw_ref, d_ref, z1_ref, dis_ref, disr_ref):
        deg = d_ref[0] + d_ref[1] + 1.0
        dis = lax.rsqrt(deg)
        z1_ref[...] = dis * xw_ref[...]
        dis_ref[...] = dis
        disr_ref[...] = _rows8(dis, rows)
    return _tc1


def _make_tc2(rows):
    def _tc2(p_ref, z1_ref, dis_ref, mask_ref, w2_ref, b1_ref,
             z2_ref, z2r_ref):
        out1 = dis_ref[...] * (p_ref[0] + p_ref[1] + z1_ref[...]) + b1_ref[...]
        m = mask_ref[...]
        mp = jnp.concatenate(
            [m, jnp.zeros((out1.shape[0] - m.shape[0], m.shape[1]),
                          jnp.float32)])
        h1 = mp * jnp.maximum(out1, 0.0)
        z2 = dis_ref[...] * jnp.dot(h1, w2_ref[...],
                                    preferred_element_type=jnp.float32)
        z2_ref[...] = z2
        z2r_ref[...] = _rows8(z2, rows)
    return _tc2


def _tc3(qr_ref, z2r_ref, disr_ref, b2_ref, f1_ref, b1_ref, f2_ref, b2m_ref,
         o_ref):
    out2 = disr_ref[...] * (qr_ref[0] + qr_ref[1] + z2r_ref[...]) + b2_ref[...]
    t = jnp.maximum(out2, 0.0)
    r = jnp.maximum(jnp.dot(t, f1_ref[...],
                            preferred_element_type=jnp.float32) + b1_ref[...],
                    0.0)
    o_ref[...] = jnp.dot(r, f2_ref[...],
                         preferred_element_type=jnp.float32) + b2m_ref[...]


def kernel(x, edge_index, y, W1, b1, W2, b2, fc1_w, fc1_b, fc2_w, fc2_b):
    n, d = x.shape
    e = edge_index.shape[1]
    yn = y.shape[0]

    n_pad = ((n + NS * 16 - 1) // (NS * 16)) * (NS * 16)
    n_pad = ((n_pad + 127) // 128) * 128
    per_tile = ((e + NW * CHUNK - 1) // (NW * CHUNK)) * CHUNK
    e_pad = per_tile * NW

    pad_e = e_pad - e
    fill = jnp.full((2, pad_e), n, dtype=jnp.int32)
    edp = jnp.concatenate([edge_index, fill], axis=1).reshape(2, e_pad // 128,
                                                              128)
    ones_e = jnp.ones((CHUNK,), jnp.float32)
    zeros_n = jnp.zeros((n_pad,), jnp.float32)
    zeros_nf = jnp.zeros((n_pad, F), jnp.float32)
    keep = jax.random.bernoulli(jax.random.key(42), 0.6, (n, F))
    mask = jnp.where(keep, jnp.float32(1.0 / 0.6), jnp.float32(0.0))

    rows = tuple(1423 + 1431 * k for k in range(yn))
    deg_kernel = _make_deg_kernel(n_pad, e_pad)
    agg_kernel = _make_agg_kernel(n_pad, e_pad)
    agg2_kernel = _make_agg_kernel(n_pad, e_pad, out_rows=rows)

    deg16 = deg_kernel(edp, ones_e, zeros_n)

    xw = pl.pallas_call(
        functools.partial(_tc1a, n_pad),
        out_shape=jax.ShapeDtypeStruct((n_pad, F), jnp.float32),
    )(x, W1)

    z1, dis16, disr = pl.pallas_call(
        _make_tc1(rows),
        out_shape=[jax.ShapeDtypeStruct((n_pad, F), jnp.float32),
                   jax.ShapeDtypeStruct((n_pad, F), jnp.float32),
                   jax.ShapeDtypeStruct((8, F), jnp.float32)],
    )(xw, deg16)

    p = agg_kernel(edp, z1, zeros_nf)

    z2, z2r = pl.pallas_call(
        _make_tc2(rows),
        out_shape=[jax.ShapeDtypeStruct((n_pad, F), jnp.float32),
                   jax.ShapeDtypeStruct((8, F), jnp.float32)],
    )(p, z1, dis16, mask, W2, b1.reshape(1, F))

    qr = agg2_kernel(edp, z2, zeros_nf)

    f1b = jnp.broadcast_to(fc1_b.reshape(1, -1), (1, fc1_w.shape[1]))
    o = pl.pallas_call(
        _tc3,
        out_shape=jax.ShapeDtypeStruct((8, 1), jnp.float32),
    )(qr, z2r, disr, b2.reshape(1, F), fc1_w, f1b, fc2_w,
      fc2_b.reshape(1, 1))
    return o[:yn]

# --- scband reference (transcript-rebuilt; emitter-appended) ---
"""Pipeline reference for scband-gcninference-network-66778151518900 (READ-ONLY COPY).

The authoritative reference and input builder live on the scoring server;
editing this copy changes nothing except your own understanding.
"""

import jax, jax.numpy as jnp
import numpy as np

N = 10017
E = 320544
D = 128
Y = 7

def setup_inputs(seed: int = 0) -> dict:
    key = jax.random.key(seed)
    ks = jax.random.split(key, 8)
    x = jax.random.normal(ks[0], (N, D), dtype=jnp.float32)
    edge_index = jax.random.randint(ks[1], (2, E), 0, N, dtype=jnp.int32)
    y = jax.random.normal(ks[2], (Y,), dtype=jnp.float32)
    W1 = jax.random.normal(ks[3], (D, 16), dtype=jnp.float32) * (1.0 / np.sqrt(D))
    b1 = jnp.zeros((16,), dtype=jnp.float32)
    W2 = jax.random.normal(ks[4], (16, 16), dtype=jnp.float32) * 0.25
    b2 = jnp.zeros((16,), dtype=jnp.float32)
    fc1_w = jax.random.normal(ks[5], (16, 8), dtype=jnp.float32) * 0.25
    fc1_b = jnp.zeros((8,), dtype=jnp.float32)
    fc2_w = jax.random.normal(ks[6], (8, 1), dtype=jnp.float32) * (1.0 / np.sqrt(8))
    fc2_b = jnp.zeros((1,), dtype=jnp.float32)
    return {"x": x, "edge_index": edge_index, "y": y, "W1": W1, "b1": b1,
            "W2": W2, "b2": b2, "fc1_w": fc1_w, "fc1_b": fc1_b,
            "fc2_w": fc2_w, "fc2_b": fc2_b}

def _gcn(x, src, dst, W, b):
    # PyG GCNConv: add self-loops (done by caller), symmetric D^-1/2 (A+I) D^-1/2 x W + b
    n = x.shape[0]
    xw = x @ W
    deg = jnp.zeros((n,), dtype=x.dtype).at[dst].add(1.0)
    dis = jnp.where(deg > 0, 1.0 / jnp.sqrt(deg), 0.0)
    norm = (dis[src] * dis[dst])[:, None]
    out = jnp.zeros((n, W.shape[1]), dtype=x.dtype).at[dst].add(xw[src] * norm)
    return out + b

def _dropout(h, p, key):
    keep = jax.random.bernoulli(key, 1.0 - p, h.shape)
    return jnp.where(keep, h / (1.0 - p), 0.0)

def reference(x, edge_index, y, W1, b1, W2, b2, fc1_w, fc1_b, fc2_w, fc2_b):
    n = x.shape[0]
    loop = jnp.arange(n, dtype=edge_index.dtype)
    src = jnp.concatenate([edge_index[0], loop])
    dst = jnp.concatenate([edge_index[1], loop])
    h = jax.nn.relu(_gcn(x, src, dst, W1, b1))
    # F.dropout(x, p=0.4) runs with training=True in the original; use fixed key for determinism
    h = _dropout(h, 0.4, jax.random.key(42))
    h = jax.nn.relu(_gcn(h, src, dst, W2, b2))
    idx = 1423 + jnp.arange(y.shape[0], dtype=jnp.int32) * 1431
    t = h[idx]
    t = jax.nn.relu(t @ fc1_w + fc1_b)
    return t @ fc2_w + fc2_b

if __name__ == "__main__":
    import jax
    _d = setup_inputs()
    print(jax.jit(kernel)(*tuple(_d.values())))

</pallas_src>

<mosaic_0001>
#map = affine_map<(d0, d1) -> (0, 0, 0)>
#map1 = affine_map<(d0, d1) -> (0, 0)>
module attributes {stable_mosaic.version = 14 : i64} {
  func.func @agg_kernel(%arg0: i32, %arg1: i32, %arg2: memref<2x2560x128xi32, #tpu.memory_space<hbm>>, %arg3: memref<10240x16xf32, #tpu.memory_space<hbm>>, %arg4: memref<10240x16xf32, #tpu.memory_space<hbm>>, %arg5: memref<2x8x16xf32, #tpu.memory_space<hbm>>, %arg6: memref<10240x16xf32, #tpu.memory_space<vmem_shared>>, %arg7: memref<10240x16xf32, #tpu.memory_space<vmem_shared>>, %arg8: memref<16x128xi32, #tpu.memory_space<vmem>>, %arg9: memref<16x128xi32, #tpu.memory_space<vmem>>, %arg10: memref<16x128xi32, #tpu.memory_space<vmem>>, %arg11: memref<16x128xi32, #tpu.memory_space<vmem>>, %arg12: memref<2048x16xf32, #tpu.memory_space<vmem>>, %arg13: memref<2048x16xf32, #tpu.memory_space<vmem>>, %arg14: memref<!tpu.dma_semaphore, #tpu.memory_space<semaphore_mem>>, %arg15: memref<!tpu.dma_semaphore, #tpu.memory_space<semaphore_mem>>) attributes {dimension_semantics = [#tpu.dimension_semantics<core_parallel>, #tpu.dimension_semantics<subcore_parallel>], iteration_bounds = array<i64: 2, 16>, scalar_prefetch = 0 : i64, scratch_operands = 10 : i64, tpu.core_type = #tpu.core_type<sc_vector_subcore>, window_params = [{transform_indices = #map}, {transform_indices = #map1}, {transform_indices = #map1}, {transform_indices = #map}]} {
    %mul3A = arith.constant 16 : i32
    %mul3A_0 = arith.muli %arg0, %mul3A : i32
    %add3A = arith.addi %mul3A_0, %arg1 : i32
    %mul3A_1 = arith.constant 640 : i32
    %mul3A_2 = arith.muli %arg1, %mul3A_1 : i32
    %mul3A_3 = arith.constant 640 : i32
    %mul3A_4 = arith.muli %arg1, %mul3A_3 : i32
    "tpu.region"() ({
      %run_scoped3A_169 = tpu.sem_alloc : memref<!tpu.dma_semaphore, #tpu.memory_space<semaphore_mem>>
      %dma_start3A = arith.constant 0 : i32
      %dma_start3A_170 = tpu.memref_slice %arg6[%mul3A_4, %dma_start3A] : memref<10240x16xf32, #tpu.memory_space<vmem_shared>> -> memref<640x16xf32, #tpu.memory_space<vmem_shared>>
      %dma_start3A_171 = arith.constant 0 : i32
      %dma_start3A_172 = tpu.memref_slice %arg4[%mul3A_2, %dma_start3A_171] : memref<10240x16xf32, #tpu.memory_space<hbm>> -> memref<640x16xf32, #tpu.memory_space<hbm>>
      tpu.enqueue_dma source(%dma_start3A_172 : memref<640x16xf32, #tpu.memory_space<hbm>>) target(%dma_start3A_170 : memref<640x16xf32, #tpu.memory_space<vmem_shared>>) target_semaphore(%run_scoped3A_169 : memref<!tpu.dma_semaphore, #tpu.memory_space<semaphore_mem>>)
      %dma_wait3A_173 = arith.constant 0 : i32
      %dma_wait3A_174 = tpu.memref_slice %arg6[%mul3A_4, %dma_wait3A_173] : memref<10240x16xf32, #tpu.memory_space<vmem_shared>> -> memref<640x16xf32, #tpu.memory_space<vmem_shared>>
      %dma_wait3A_175 = arith.constant 0 : i32
      %dma_wait3A_176 = tpu.memref_slice %arg4[%mul3A_2, %dma_wait3A_175] : memref<10240x16xf32, #tpu.memory_space<hbm>> -> memref<640x16xf32, #tpu.memory_space<hbm>>
      tpu.wait_dma2 semaphore(%run_scoped3A_169 : memref<!tpu.dma_semaphore, #tpu.memory_space<semaphore_mem>>) src(%dma_wait3A_176 : memref<640x16xf32, #tpu.memory_space<hbm>>) dst(%dma_wait3A_174 : memref<640x16xf32, #tpu.memory_space<vmem_shared>>)
      tpu.yield
    }) : () -> ()
    %mul3A_5 = arith.constant 640 : i32
    %mul3A_6 = arith.muli %arg1, %mul3A_5 : i32
    %mul3A_7 = arith.constant 640 : i32
    %mul3A_8 = arith.muli %arg1, %mul3A_7 : i32
    "tpu.region"() ({
      %run_scoped3A_169 = tpu.sem_alloc : memref<!tpu.dma_semaphore, #tpu.memory_space<semaphore_mem>>
      %dma_start3A = arith.constant 0 : i32
      %dma_start3A_170 = tpu.memref_slice %arg7[%mul3A_8, %dma_start3A] : memref<10240x16xf32, #tpu.memory_space<vmem_shared>> -> memref<640x16xf32, #tpu.memory_space<vmem_shared>>
      %dma_start3A_171 = arith.constant 0 : i32
      %dma_start3A_172 = tpu.memref_slice %arg3[%mul3A_6, %dma_start3A_171] : memref<10240x16xf32, #tpu.memory_space<hbm>> -> memref<640x16xf32, #tpu.memory_space<hbm>>
      tpu.enqueue_dma source(%dma_start3A_172 : memref<640x16xf32, #tpu.memory_space<hbm>>) target(%dma_start3A_170 : memref<640x16xf32, #tpu.memory_space<vmem_shared>>) target_semaphore(%run_scoped3A_169 : memref<!tpu.dma_semaphore, #tpu.memory_space<semaphore_mem>>)
      %dma_wait3A_173 = arith.constant 0 : i32
      %dma_wait3A_174 = tpu.memref_slice %arg7[%mul3A_8, %dma_wait3A_173] : memref<10240x16xf32, #tpu.memory_space<vmem_shared>> -> memref<640x16xf32, #tpu.memory_space<vmem_shared>>
      %dma_wait3A_175 = arith.constant 0 : i32
      %dma_wait3A_176 = tpu.memref_slice %arg3[%mul3A_6, %dma_wait3A_175] : memref<10240x16xf32, #tpu.memory_space<hbm>> -> memref<640x16xf32, #tpu.memory_space<hbm>>
      tpu.wait_dma2 semaphore(%run_scoped3A_169 : memref<!tpu.dma_semaphore, #tpu.memory_space<semaphore_mem>>) src(%dma_wait3A_176 : memref<640x16xf32, #tpu.memory_space<hbm>>) dst(%dma_wait3A_174 : memref<640x16xf32, #tpu.memory_space<vmem_shared>>)
      tpu.yield
    }) : () -> ()
    %barrier3A = arith.constant 0 : index
    tpu.barrier barrier_id(%barrier3A)
    %mul3A_9 = arith.constant 80 : i32
    %mul3A_10 = arith.muli %add3A, %mul3A_9 : i32
    %add3A_11 = arith.constant 0 : i32
    %add3A_12 = arith.addi %mul3A_10, %add3A_11 : i32
    %run_scoped3A = arith.constant 0 : i32
    "tpu.region"() ({
      %run_scoped3A_169 = tpu.sem_alloc : memref<!tpu.dma_semaphore, #tpu.memory_space<semaphore_mem>>
      %dma_start3A = arith.constant 0 : i32
      %dma_start3A_170 = tpu.memref_slice %arg2[%run_scoped3A, %add3A_12, %dma_start3A] : memref<2x2560x128xi32, #tpu.memory_space<hbm>> -> memref<1x16x128xi32, #tpu.memory_space<hbm>>
      %dma_start3A_171 = tpu.memref_squeeze %dma_start3A_170 : memref<1x16x128xi32, #tpu.memory_space<hbm>> -> memref<16x128xi32, #tpu.memory_space<hbm>>
      %dma_start3A_172 = arith.constant 0 : i32
      %dma_start3A_173 = tpu.memref_slice %arg2[%run_scoped3A, %add3A_12, %dma_start3A_172] : memref<2x2560x128xi32, #tpu.memory_space<hbm>> -> memref<1x16x128xi32, #tpu.memory_space<hbm>>
      %dma_start3A_174 = tpu.memref_squeeze %dma_start3A_173 : memref<1x16x128xi32, #tpu.memory_space<hbm>> -> memref<16x128xi32, #tpu.memory_space<hbm>>
      tpu.enqueue_dma source(%dma_start3A_174 : memref<16x128xi32, #tpu.memory_space<hbm>>) target(%arg8 : memref<16x128xi32, #tpu.memory_space<vmem>>) target_semaphore(%run_scoped3A_169 : memref<!tpu.dma_semaphore, #tpu.memory_space<semaphore_mem>>)
      %dma_wait3A_175 = arith.constant 0 : i32
      %dma_wait3A_176 = tpu.memref_slice %arg2[%run_scoped3A, %add3A_12, %dma_wait3A_175] : memref<2x2560x128xi32, #tpu.memory_space<hbm>> -> memref<1x16x128xi32, #tpu.memory_space<hbm>>
      %dma_wait3A_177 = tpu.memref_squeeze %dma_wait3A_176 : memref<1x16x128xi32, #tpu.memory_space<hbm>> -> memref<16x128xi32, #tpu.memory_space<hbm>>
      %dma_wait3A_178 = arith.constant 0 : i32
      %dma_wait3A_179 = tpu.memref_slice %arg2[%run_scoped3A, %add3A_12, %dma_wait3A_178] : memref<2x2560x128xi32, #tpu.memory_space<hbm>> -> memref<1x16x128xi32, #tpu.memory_space<hbm>>
      %dma_wait3A_180 = tpu.memref_squeeze %dma_wait3A_179 : memref<1x16x128xi32, #tpu.memory_space<hbm>> -> memref<16x128xi32, #tpu.memory_space<hbm>>
      tpu.wait_dma2 semaphore(%run_scoped3A_169 : memref<!tpu.dma_semaphore, #tpu.memory_space<semaphore_mem>>) src(%dma_wait3A_180 : memref<16x128xi32, #tpu.memory_space<hbm>>) dst(%arg8 : memref<16x128xi32, #tpu.memory_space<vmem>>)
      tpu.yield
    }) : () -> ()
    %run_scoped3A_13 = arith.constant 1 : i32
    "tpu.region"() ({
      %run_scoped3A_169 = tpu.sem_alloc : memref<!tpu.dma_semaphore, #tpu.memory_space<semaphore_mem>>
      %dma_start3A = arith.constant 0 : i32
      %dma_start3A_170 = tpu.memref_slice %arg2[%run_scoped3A_13, %add3A_12, %dma_start3A] : memref<2x2560x128xi32, #tpu.memory_space<hbm>> -> memref<1x16x128xi32, #tpu.memory_space<hbm>>
      %dma_start3A_171 = tpu.memref_squeeze %dma_start3A_170 : memref<1x16x128xi32, #tpu.memory_space<hbm>> -> memref<16x128xi32, #tpu.memory_space<hbm>>
      %dma_start3A_172 = arith.constant 0 : i32
      %dma_start3A_173 = tpu.memref_slice %arg2[%run_scoped3A_13, %add3A_12, %dma_start3A_172] : memref<2x2560x128xi32, #tpu.memory_space<hbm>> -> memref<1x16x128xi32, #tpu.memory_space<hbm>>
      %dma_start3A_174 = tpu.memref_squeeze %dma_start3A_173 : memref<1x16x128xi32, #tpu.memory_space<hbm>> -> memref<16x128xi32, #tpu.memory_space<hbm>>
      tpu.enqueue_dma source(%dma_start3A_174 : memref<16x128xi32, #tpu.memory_space<hbm>>) target(%arg10 : memref<16x128xi32, #tpu.memory_space<vmem>>) target_semaphore(%run_scoped3A_169 : memref<!tpu.dma_semaphore, #tpu.memory_space<semaphore_mem>>)
      %dma_wait3A_175 = arith.constant 0 : i32
      %dma_wait3A_176 = tpu.memref_slice %arg2[%run_scoped3A_13, %add3A_12, %dma_wait3A_175] : memref<2x2560x128xi32, #tpu.memory_space<hbm>> -> memref<1x16x128xi32, #tpu.memory_space<hbm>>
      %dma_wait3A_177 = tpu.memref_squeeze %dma_wait3A_176 : memref<1x16x128xi32, #tpu.memory_space<hbm>> -> memref<16x128xi32, #tpu.memory_space<hbm>>
      %dma_wait3A_178 = arith.constant 0 : i32
      %dma_wait3A_179 = tpu.memref_slice %arg2[%run_scoped3A_13, %add3A_12, %dma_wait3A_178] : memref<2x2560x128xi32, #tpu.memory_space<hbm>> -> memref<1x16x128xi32, #tpu.memory_space<hbm>>
      %dma_wait3A_180 = tpu.memref_squeeze %dma_wait3A_179 : memref<1x16x128xi32, #tpu.memory_space<hbm>> -> memref<16x128xi32, #tpu.memory_space<hbm>>
      tpu.wait_dma2 semaphore(%run_scoped3A_169 : memref<!tpu.dma_semaphore, #tpu.memory_space<semaphore_mem>>) src(%dma_wait3A_180 : memref<16x128xi32, #tpu.memory_space<hbm>>) dst(%arg10 : memref<16x128xi32, #tpu.memory_space<vmem>>)
      tpu.yield
    }) : () -> ()
    %scan3A = arith.constant 0 : i32
    %scan3A_14 = arith.constant 0 : i32
    %scan3A_15 = arith.constant 16 : i32
    %scan3A_16 = arith.addi %scan3A_14, %scan3A_15 : i32
    %scan3A_17 = arith.constant 1 : i32
    %scan3A_18 = scf.for %scan3A_169 = %scan3A_14 to %scan3A_16 step %scan3A_17 iter_args(%scan3A_170 = %scan3A) -> (i32)  : i32 {
      %mul3A_171 = arith.constant 128 : i32
      %mul3A_172 = arith.muli %scan3A_169, %mul3A_171 : i32
      %dma_start3A = arith.constant 0 : i32
      %dma_start3A_173 = tpu.memref_slice %arg12[%mul3A_172, %dma_start3A] : memref<2048x16xf32, #tpu.memory_space<vmem>> -> memref<128x16xf32, #tpu.memory_space<vmem>>
      %dma_start3A_174 = arith.constant 0 : i32
      %dma_start3A_175 = tpu.memref_slice %arg8[%scan3A_169, %dma_start3A_174] : memref<16x128xi32, #tpu.memory_space<vmem>> -> memref<1x128xi32, #tpu.memory_space<vmem>>
      %dma_start3A_176 = tpu.memref_squeeze %dma_start3A_175 : memref<1x128xi32, #tpu.memory_space<vmem>> -> memref<128xi32, #tpu.memory_space<vmem>>
      %dma_start3A_177 = arith.constant 0 : i32
      %dma_start3A_178 = arith.constant 0 : i32
      %dma_start3A_179 = tpu.memref_slice %arg7[%dma_start3A_177, %dma_start3A_178] : memref<10240x16xf32, #tpu.memory_space<vmem_shared>> -> memref<10240x16xf32, #tpu.memory_space<vmem_shared>>
      tpu.enqueue_indirect_dma source(%dma_start3A_179 : memref<10240x16xf32, #tpu.memory_space<vmem_shared>>) target(%dma_start3A_173 : memref<128x16xf32, #tpu.memory_space<vmem>>) offsets(%dma_start3A_176 : memref<128xi32, #tpu.memory_space<vmem>>) semaphore(%arg14 : memref<!tpu.dma_semaphore, #tpu.memory_space<semaphore_mem>>)
      %scan3A_180 = arith.constant 0 : i32
      scf.yield %scan3A_180 : i32
    }
    %scan3A_19 = arith.constant 16 : i32
    %dma_wait3A = arith.constant 0 : i32
    %dma_wait3A_20 = arith.constant 0 : i32
    %dma_wait3A_21 = tpu.memref_slice %arg4[%dma_wait3A, %dma_wait3A_20] : memref<10240x16xf32, #tpu.memory_space<hbm>> -> memref<2048x16xf32, #tpu.memory_space<hbm>>
    %dma_wait3A_22 = arith.constant 0 : i32
    %dma_wait3A_23 = arith.constant 0 : i32
    %dma_wait3A_24 = tpu.memref_slice %arg4[%dma_wait3A_22, %dma_wait3A_23] : memref<10240x16xf32, #tpu.memory_space<hbm>> -> memref<2048x16xf32, #tpu.memory_space<hbm>>
    tpu.wait_dma2 semaphore(%arg14 : memref<!tpu.dma_semaphore, #tpu.memory_space<semaphore_mem>>) src(%dma_wait3A_24 : memref<2048x16xf32, #tpu.memory_space<hbm>>) dst(%arg12 : memref<2048x16xf32, #tpu.memory_space<vmem>>)
    %scan3A_25 = arith.constant 0 : i32
    %scan3A_26 = arith.constant 0 : i32
    %scan3A_27 = arith.constant 16 : i32
    %scan3A_28 = arith.addi %scan3A_26, %scan3A_27 : i32
    %scan3A_29 = arith.constant 1 : i32
    %scan3A_30 = scf.for %scan3A_169 = %scan3A_26 to %scan3A_28 step %scan3A_29 iter_args(%scan3A_170 = %scan3A_25) -> (i32)  : i32 {
      %mul3A_171 = arith.constant 128 : i32
      %mul3A_172 = arith.muli %scan3A_169, %mul3A_171 : i32
      %dma_start3A = arith.constant 0 : i32
      %dma_start3A_173 = tpu.memref_slice %arg12[%mul3A_172, %dma_start3A] : memref<2048x16xf32, #tpu.memory_space<vmem>> -> memref<128x16xf32, #tpu.memory_space<vmem>>
      %dma_start3A_174 = arith.constant 0 : i32
      %dma_start3A_175 = tpu.memref_slice %arg10[%scan3A_169, %dma_start3A_174] : memref<16x128xi32, #tpu.memory_space<vmem>> -> memref<1x128xi32, #tpu.memory_space<vmem>>
      %dma_start3A_176 = tpu.memref_squeeze %dma_start3A_175 : memref<1x128xi32, #tpu.memory_space<vmem>> -> memref<128xi32, #tpu.memory_space<vmem>>
      %dma_start3A_177 = arith.constant 0 : i32
      %dma_start3A_178 = arith.constant 0 : i32
      %dma_start3A_179 = tpu.memref_slice %arg6[%dma_start3A_177, %dma_start3A_178] : memref<10240x16xf32, #tpu.memory_space<vmem_shared>> -> memref<10240x16xf32, #tpu.memory_space<vmem_shared>>
      tpu.enqueue_indirect_dma source(%dma_start3A_173 : memref<128x16xf32, #tpu.memory_space<vmem>>) target(%dma_start3A_179 : memref<10240x16xf32, #tpu.memory_space<vmem_shared>>) offsets(%dma_start3A_176 : memref<128xi32, #tpu.memory_space<vmem>>) semaphore(%arg15 : memref<!tpu.dma_semaphore, #tpu.memory_space<semaphore_mem>>) {add = true}
      %scan3A_180 = arith.constant 0 : i32
      scf.yield %scan3A_180 : i32
    }
    %scan3A_31 = arith.constant 16 : i32
    %mul3A_32 = arith.constant 80 : i32
    %mul3A_33 = arith.muli %add3A, %mul3A_32 : i32
    %add3A_34 = arith.constant 16 : i32
    %add3A_35 = arith.addi %mul3A_33, %add3A_34 : i32
    %run_scoped3A_36 = arith.constant 0 : i32
    "tpu.region"() ({
      %run_scoped3A_169 = tpu.sem_alloc : memref<!tpu.dma_semaphore, #tpu.memory_space<semaphore_mem>>
      %dma_start3A = arith.constant 0 : i32
      %dma_start3A_170 = tpu.memref_slice %arg2[%run_scoped3A_36, %add3A_35, %dma_start3A] : memref<2x2560x128xi32, #tpu.memory_space<hbm>> -> memref<1x16x128xi32, #tpu.memory_space<hbm>>
      %dma_start3A_171 = tpu.memref_squeeze %dma_start3A_170 : memref<1x16x128xi32, #tpu.memory_space<hbm>> -> memref<16x128xi32, #tpu.memory_space<hbm>>
      %dma_start3A_172 = arith.constant 0 : i32
      %dma_start3A_173 = tpu.memref_slice %arg2[%run_scoped3A_36, %add3A_35, %dma_start3A_172] : memref<2x2560x128xi32, #tpu.memory_space<hbm>> -> memref<1x16x128xi32, #tpu.memory_space<hbm>>
      %dma_start3A_174 = tpu.memref_squeeze %dma_start3A_173 : memref<1x16x128xi32, #tpu.memory_space<hbm>> -> memref<16x128xi32, #tpu.memory_space<hbm>>
      tpu.enqueue_dma source(%dma_start3A_174 : memref<16x128xi32, #tpu.memory_space<hbm>>) target(%arg9 : memref<16x128xi32, #tpu.memory_space<vmem>>) target_semaphore(%run_scoped3A_169 : memref<!tpu.dma_semaphore, #tpu.memory_space<semaphore_mem>>)
      %dma_wait3A_175 = arith.constant 0 : i32
      %dma_wait3A_176 = tpu.memref_slice %arg2[%run_scoped3A_36, %add3A_35, %dma_wait3A_175] : memref<2x2560x128xi32, #tpu.memory_space<hbm>> -> memref<1x16x128xi32, #tpu.memory_space<hbm>>
      %dma_wait3A_177 = tpu.memref_squeeze %dma_wait3A_176 : memref<1x16x128xi32, #tpu.memory_space<hbm>> -> memref<16x128xi32, #tpu.memory_space<hbm>>
      %dma_wait3A_178 = arith.constant 0 : i32
      %dma_wait3A_179 = tpu.memref_slice %arg2[%run_scoped3A_36, %add3A_35, %dma_wait3A_178] : memref<2x2560x128xi32, #tpu.memory_space<hbm>> -> memref<1x16x128xi32, #tpu.memory_space<hbm>>
      %dma_wait3A_180 = tpu.memref_squeeze %dma_wait3A_179 : memref<1x16x128xi32, #tpu.memory_space<hbm>> -> memref<16x128xi32, #tpu.memory_space<hbm>>
      tpu.wait_dma2 semaphore(%run_scoped3A_169 : memref<!tpu.dma_semaphore, #tpu.memory_space<semaphore_mem>>) src(%dma_wait3A_180 : memref<16x128xi32, #tpu.memory_space<hbm>>) dst(%arg9 : memref<16x128xi32, #tpu.memory_space<vmem>>)
      tpu.yield
    }) : () -> ()
    %run_scoped3A_37 = arith.constant 1 : i32
    "tpu.region"() ({
      %run_scoped3A_169 = tpu.sem_alloc : memref<!tpu.dma_semaphore, #tpu.memory_space<semaphore_mem>>
      %dma_start3A = arith.constant 0 : i32
      %dma_start3A_170 = tpu.memref_slice %arg2[%run_scoped3A_37, %add3A_35, %dma_start3A] : memref<2x2560x128xi32, #tpu.memory_space<hbm>> -> memref<1x16x128xi32, #tpu.memory_space<hbm>>
      %dma_start3A_171 = tpu.memref_squeeze %dma_start3A_170 : memref<1x16x128xi32, #tpu.memory_space<hbm>> -> memref<16x128xi32, #tpu.memory_space<hbm>>
      %dma_start3A_172 = arith.constant 0 : i32
      %dma_start3A_173 = tpu.memref_slice %arg2[%run_scoped3A_37, %add3A_35, %dma_start3A_172] : memref<2x2560x128xi32, #tpu.memory_space<hbm>> -> memref<1x16x128xi32, #tpu.memory_space<hbm>>
      %dma_start3A_174 = tpu.memref_squeeze %dma_start3A_173 : memref<1x16x128xi32, #tpu.memory_space<hbm>> -> memref<16x128xi32, #tpu.memory_space<hbm>>
      tpu.enqueue_dma source(%dma_start3A_174 : memref<16x128xi32, #tpu.memory_space<hbm>>) target(%arg11 : memref<16x128xi32, #tpu.memory_space<vmem>>) target_semaphore(%run_scoped3A_169 : memref<!tpu.dma_semaphore, #tpu.memory_space<semaphore_mem>>)
      %dma_wait3A_175 = arith.constant 0 : i32
      %dma_wait3A_176 = tpu.memref_slice %arg2[%run_scoped3A_37, %add3A_35, %dma_wait3A_175] : memref<2x2560x128xi32, #tpu.memory_space<hbm>> -> memref<1x16x128xi32, #tpu.memory_space<hbm>>
      %dma_wait3A_177 = tpu.memref_squeeze %dma_wait3A_176 : memref<1x16x128xi32, #tpu.memory_space<hbm>> -> memref<16x128xi32, #tpu.memory_space<hbm>>
      %dma_wait3A_178 = arith.constant 0 : i32
      %dma_wait3A_179 = tpu.memref_slice %arg2[%run_scoped3A_37, %add3A_35, %dma_wait3A_178] : memref<2x2560x128xi32, #tpu.memory_space<hbm>> -> memref<1x16x128xi32, #tpu.memory_space<hbm>>
      %dma_wait3A_180 = tpu.memref_squeeze %dma_wait3A_179 : memref<1x16x128xi32, #tpu.memory_space<hbm>> -> memref<16x128xi32, #tpu.memory_space<hbm>>
      tpu.wait_dma2 semaphore(%run_scoped3A_169 : memref<!tpu.dma_semaphore, #tpu.memory_space<semaphore_mem>>) src(%dma_wait3A_180 : memref<16x128xi32, #tpu.memory_space<hbm>>) dst(%arg11 : memref<16x128xi32, #tpu.memory_space<vmem>>)
      tpu.yield
    }) : () -> ()
    %scan3A_38 = arith.constant 0 : i32
    %scan3A_39 = arith.constant 0 : i32
    %scan3A_40 = arith.constant 16 : i32
    %scan3A_41 = arith.addi %scan3A_39, %scan3A_40 : i32
    %scan3A_42 = arith.constant 1 : i32
    %scan3A_43 = scf.for %scan3A_169 = %scan3A_39 to %scan3A_41 step %scan3A_42 iter_args(%scan3A_170 = %scan3A_38) -> (i32)  : i32 {
      %mul3A_171 = arith.constant 128 : i32
      %mul3A_172 = arith.muli %scan3A_169, %mul3A_171 : i32
      %dma_start3A = arith.constant 0 : i32
      %dma_start3A_173 = tpu.memref_slice %arg13[%mul3A_172, %dma_start3A] : memref<2048x16xf32, #tpu.memory_space<vmem>> -> memref<128x16xf32, #tpu.memory_space<vmem>>
      %dma_start3A_174 = arith.constant 0 : i32
      %dma_start3A_175 = tpu.memref_slice %arg9[%scan3A_169, %dma_start3A_174] : memref<16x128xi32, #tpu.memory_space<vmem>> -> memref<1x128xi32, #tpu.memory_space<vmem>>
      %dma_start3A_176 = tpu.memref_squeeze %dma_start3A_175 : memref<1x128xi32, #tpu.memory_space<vmem>> -> memref<128xi32, #tpu.memory_space<vmem>>
      %dma_start3A_177 = arith.constant 0 : i32
      %dma_start3A_178 = arith.constant 0 : i32
      %dma_start3A_179 = tpu.memref_slice %arg7[%dma_start3A_177, %dma_start3A_178] : memref<10240x16xf32, #tpu.memory_space<vmem_shared>> -> memref<10240x16xf32, #tpu.memory_space<vmem_shared>>
      tpu.enqueue_indirect_dma source(%dma_start3A_179 : memref<10240x16xf32, #tpu.memory_space<vmem_shared>>) target(%dma_start3A_173 : memref<128x16xf32, #tpu.memory_space<vmem>>) offsets(%dma_start3A_176 : memref<128xi32, #tpu.memory_space<vmem>>) semaphore(%arg14 : memref<!tpu.dma_semaphore, #tpu.memory_space<semaphore_mem>>)
      %scan3A_180 = arith.constant 0 : i32
      scf.yield %scan3A_180 : i32
    }
    %scan3A_44 = arith.constant 16 : i32
    %dma_wait3A_45 = arith.constant 0 : i32
    %dma_wait3A_46 = arith.constant 0 : i32
    %dma_wait3A_47 = tpu.memref_slice %arg4[%dma_wait3A_45, %dma_wait3A_46] : memref<10240x16xf32, #tpu.memory_space<hbm>> -> memref<2048x16xf32, #tpu.memory_space<hbm>>
    %dma_wait3A_48 = arith.constant 0 : i32
    %dma_wait3A_49 = arith.constant 0 : i32
    %dma_wait3A_50 = tpu.memref_slice %arg4[%dma_wait3A_48, %dma_wait3A_49] : memref<10240x16xf32, #tpu.memory_space<hbm>> -> memref<2048x16xf32, #tpu.memory_space<hbm>>
    tpu.wait_dma2 semaphore(%arg15 : memref<!tpu.dma_semaphore, #tpu.memory_space<semaphore_mem>>) src(%dma_wait3A_50 : memref<2048x16xf32, #tpu.memory_space<hbm>>) dst(%arg12 : memref<2048x16xf32, #tpu.memory_space<vmem>>)
    %dma_wait3A_51 = arith.constant 0 : i32
    %dma_wait3A_52 = arith.constant 0 : i32
    %dma_wait3A_53 = tpu.memref_slice %arg4[%dma_wait3A_51, %dma_wait3A_52] : memref<10240x16xf32, #tpu.memory_space<hbm>> -> memref<2048x16xf32, #tpu.memory_space<hbm>>
    %dma_wait3A_54 = arith.constant 0 : i32
    %dma_wait3A_55 = arith.constant 0 : i32
    %dma_wait3A_56 = tpu.memref_slice %arg4[%dma_wait3A_54, %dma_wait3A_55] : memref<10240x16xf32, #tpu.memory_space<hbm>> -> memref<2048x16xf32, #tpu.memory_space<hbm>>
    tpu.wait_dma2 semaphore(%arg14 : memref<!tpu.dma_semaphore, #tpu.memory_space<semaphore_mem>>) src(%dma_wait3A_56 : memref<2048x16xf32, #tpu.memory_space<hbm>>) dst(%arg12 : memref<2048x16xf32, #tpu.memory_space<vmem>>)
    %scan3A_57 = arith.constant 0 : i32
    %scan3A_58 = arith.constant 0 : i32
    %scan3A_59 = arith.constant 16 : i32
    %scan3A_60 = arith.addi %scan3A_58, %scan3A_59 : i32
    %scan3A_61 = arith.constant 1 : i32
    %scan3A_62 = scf.for %scan3A_169 = %scan3A_58 to %scan3A_60 step %scan3A_61 iter_args(%scan3A_170 = %scan3A_57) -> (i32)  : i32 {
      %mul3A_171 = arith.constant 128 : i32
      %mul3A_172 = arith.muli %scan3A_169, %mul3A_171 : i32
      %dma_start3A = arith.constant 0 : i32
      %dma_start3A_173 = tpu.memref_slice %arg13[%mul3A_172, %dma_start3A] : memref<2048x16xf32, #tpu.memory_space<vmem>> -> memref<128x16xf32, #tpu.memory_space<vmem>>
      %dma_start3A_174 = arith.constant 0 : i32
      %dma_start3A_175 = tpu.memref_slice %arg11[%scan3A_169, %dma_start3A_174] : memref<16x128xi32, #tpu.memory_space<vmem>> -> memref<1x128xi32, #tpu.memory_space<vmem>>
      %dma_start3A_176 = tpu.memref_squeeze %dma_start3A_175 : memref<1x128xi32, #tpu.memory_space<vmem>> -> memref<128xi32, #tpu.memory_space<vmem>>
      %dma_start3A_177 = arith.constant 0 : i32
      %dma_start3A_178 = arith.constant 0 : i32
      %dma_start3A_179 = tpu.memref_slice %arg6[%dma_start3A_177, %dma_start3A_178] : memref<10240x16xf32, #tpu.memory_space<vmem_shared>> -> memref<10240x16xf32, #tpu.memory_space<vmem_shared>>
      tpu.enqueue_indirect_dma source(%dma_start3A_173 : memref<128x16xf32, #tpu.memory_space<vmem>>) target(%dma_start3A_179 : memref<10240x16xf32, #tpu.memory_space<vmem_shared>>) offsets(%dma_start3A_176 : memref<128xi32, #tpu.memory_space<vmem>>) semaphore(%arg15 : memref<!tpu.dma_semaphore, #tpu.memory_space<semaphore_mem>>) {add = true}
      %scan3A_180 = arith.constant 0 : i32
      scf.yield %scan3A_180 : i32
    }
    %scan3A_63 = arith.constant 16 : i32
    %mul3A_64 = arith.constant 80 : i32
    %mul3A_65 = arith.muli %add3A, %mul3A_64 : i32
    %add3A_66 = arith.constant 32 : i32
    %add3A_67 = arith.addi %mul3A_65, %add3A_66 : i32
    %run_scoped3A_68 = arith.constant 0 : i32
    "tpu.region"() ({
      %run_scoped3A_169 = tpu.sem_alloc : memref<!tpu.dma_semaphore, #tpu.memory_space<semaphore_mem>>
      %dma_start3A = arith.constant 0 : i32
      %dma_start3A_170 = tpu.memref_slice %arg2[%run_scoped3A_68, %add3A_67, %dma_start3A] : memref<2x2560x128xi32, #tpu.memory_space<hbm>> -> memref<1x16x128xi32, #tpu.memory_space<hbm>>
      %dma_start3A_171 = tpu.memref_squeeze %dma_start3A_170 : memref<1x16x128xi32, #tpu.memory_space<hbm>> -> memref<16x128xi32, #tpu.memory_space<hbm>>
      %dma_start3A_172 = arith.constant 0 : i32
      %dma_start3A_173 = tpu.memref_slice %arg2[%run_scoped3A_68, %add3A_67, %dma_start3A_172] : memref<2x2560x128xi32, #tpu.memory_space<hbm>> -> memref<1x16x128xi32, #tpu.memory_space<hbm>>
      %dma_start3A_174 = tpu.memref_squeeze %dma_start3A_173 : memref<1x16x128xi32, #tpu.memory_space<hbm>> -> memref<16x128xi32, #tpu.memory_space<hbm>>
      tpu.enqueue_dma source(%dma_start3A_174 : memref<16x128xi32, #tpu.memory_space<hbm>>) target(%arg8 : memref<16x128xi32, #tpu.memory_space<vmem>>) target_semaphore(%run_scoped3A_169 : memref<!tpu.dma_semaphore, #tpu.memory_space<semaphore_mem>>)
      %dma_wait3A_175 = arith.constant 0 : i32
      %dma_wait3A_176 = tpu.memref_slice %arg2[%run_scoped3A_68, %add3A_67, %dma_wait3A_175] : memref<2x2560x128xi32, #tpu.memory_space<hbm>> -> memref<1x16x128xi32, #tpu.memory_space<hbm>>
      %dma_wait3A_177 = tpu.memref_squeeze %dma_wait3A_176 : memref<1x16x128xi32, #tpu.memory_space<hbm>> -> memref<16x128xi32, #tpu.memory_space<hbm>>
      %dma_wait3A_178 = arith.constant 0 : i32
      %dma_wait3A_179 = tpu.memref_slice %arg2[%run_scoped3A_68, %add3A_67, %dma_wait3A_178] : memref<2x2560x128xi32, #tpu.memory_space<hbm>> -> memref<1x16x128xi32, #tpu.memory_space<hbm>>
      %dma_wait3A_180 = tpu.memref_squeeze %dma_wait3A_179 : memref<1x16x128xi32, #tpu.memory_space<hbm>> -> memref<16x128xi32, #tpu.memory_space<hbm>>
      tpu.wait_dma2 semaphore(%run_scoped3A_169 : memref<!tpu.dma_semaphore, #tpu.memory_space<semaphore_mem>>) src(%dma_wait3A_180 : memref<16x128xi32, #tpu.memory_space<hbm>>) dst(%arg8 : memref<16x128xi32, #tpu.memory_space<vmem>>)
      tpu.yield
    }) : () -> ()
    %run_scoped3A_69 = arith.constant 1 : i32
    "tpu.region"() ({
      %run_scoped3A_169 = tpu.sem_alloc : memref<!tpu.dma_semaphore, #tpu.memory_space<semaphore_mem>>
      %dma_start3A = arith.constant 0 : i32
      %dma_start3A_170 = tpu.memref_slice %arg2[%run_scoped3A_69, %add3A_67, %dma_start3A] : memref<2x2560x128xi32, #tpu.memory_space<hbm>> -> memref<1x16x128xi32, #tpu.memory_space<hbm>>
      %dma_start3A_171 = tpu.memref_squeeze %dma_start3A_170 : memref<1x16x128xi32, #tpu.memory_space<hbm>> -> memref<16x128xi32, #tpu.memory_space<hbm>>
      %dma_start3A_172 = arith.constant 0 : i32
      %dma_start3A_173 = tpu.memref_slice %arg2[%run_scoped3A_69, %add3A_67, %dma_start3A_172] : memref<2x2560x128xi32, #tpu.memory_space<hbm>> -> memref<1x16x128xi32, #tpu.memory_space<hbm>>
      %dma_start3A_174 = tpu.memref_squeeze %dma_start3A_173 : memref<1x16x128xi32, #tpu.memory_space<hbm>> -> memref<16x128xi32, #tpu.memory_space<hbm>>
      tpu.enqueue_dma source(%dma_start3A_174 : memref<16x128xi32, #tpu.memory_space<hbm>>) target(%arg10 : memref<16x128xi32, #tpu.memory_space<vmem>>) target_semaphore(%run_scoped3A_169 : memref<!tpu.dma_semaphore, #tpu.memory_space<semaphore_mem>>)
      %dma_wait3A_175 = arith.constant 0 : i32
      %dma_wait3A_176 = tpu.memref_slice %arg2[%run_scoped3A_69, %add3A_67, %dma_wait3A_175] : memref<2x2560x128xi32, #tpu.memory_space<hbm>> -> memref<1x16x128xi32, #tpu.memory_space<hbm>>
      %dma_wait3A_177 = tpu.memref_squeeze %dma_wait3A_176 : memref<1x16x128xi32, #tpu.memory_space<hbm>> -> memref<16x128xi32, #tpu.memory_space<hbm>>
      %dma_wait3A_178 = arith.constant 0 : i32
      %dma_wait3A_179 = tpu.memref_slice %arg2[%run_scoped3A_69, %add3A_67, %dma_wait3A_178] : memref<2x2560x128xi32, #tpu.memory_space<hbm>> -> memref<1x16x128xi32, #tpu.memory_space<hbm>>
      %dma_wait3A_180 = tpu.memref_squeeze %dma_wait3A_179 : memref<1x16x128xi32, #tpu.memory_space<hbm>> -> memref<16x128xi32, #tpu.memory_space<hbm>>
      tpu.wait_dma2 semaphore(%run_scoped3A_169 : memref<!tpu.dma_semaphore, #tpu.memory_space<semaphore_mem>>) src(%dma_wait3A_180 : memref<16x128xi32, #tpu.memory_space<hbm>>) dst(%arg10 : memref<16x128xi32, #tpu.memory_space<vmem>>)
      tpu.yield
    }) : () -> ()
    %scan3A_70 = arith.constant 0 : i32
    %scan3A_71 = arith.constant 0 : i32
    %scan3A_72 = arith.constant 16 : i32
    %scan3A_73 = arith.addi %scan3A_71, %scan3A_72 : i32
    %scan3A_74 = arith.constant 1 : i32
    %scan3A_75 = scf.for %scan3A_169 = %scan3A_71 to %scan3A_73 step %scan3A_74 iter_args(%scan3A_170 = %scan3A_70) -> (i32)  : i32 {
      %mul3A_171 = arith.constant 128 : i32
      %mul3A_172 = arith.muli %scan3A_169, %mul3A_171 : i32
      %dma_start3A = arith.constant 0 : i32
      %dma_start3A_173 = tpu.memref_slice %arg12[%mul3A_172, %dma_start3A] : memref<2048x16xf32, #tpu.memory_space<vmem>> -> memref<128x16xf32, #tpu.memory_space<vmem>>
      %dma_start3A_174 = arith.constant 0 : i32
      %dma_start3A_175 = tpu.memref_slice %arg8[%scan3A_169, %dma_start3A_174] : memref<16x128xi32, #tpu.memory_space<vmem>> -> memref<1x128xi32, #tpu.memory_space<vmem>>
      %dma_start3A_176 = tpu.memref_squeeze %dma_start3A_175 : memref<1x128xi32, #tpu.memory_space<vmem>> -> memref<128xi32, #tpu.memory_space<vmem>>
      %dma_start3A_177 = arith.constant 0 : i32
      %dma_start3A_178 = arith.constant 0 : i32
      %dma_start3A_179 = tpu.memref_slice %arg7[%dma_start3A_177, %dma_start3A_178] : memref<10240x16xf32, #tpu.memory_space<vmem_shared>> -> memref<10240x16xf32, #tpu.memory_space<vmem_shared>>
      tpu.enqueue_indirect_dma source(%dma_start3A_179 : memref<10240x16xf32, #tpu.memory_space<vmem_shared>>) target(%dma_start3A_173 : memref<128x16xf32, #tpu.memory_space<vmem>>) offsets(%dma_start3A_176 : memref<128xi32, #tpu.memory_space<vmem>>) semaphore(%arg14 : memref<!tpu.dma_semaphore, #tpu.memory_space<semaphore_mem>>)
      %scan3A_180 = arith.constant 0 : i32
      scf.yield %scan3A_180 : i32
    }
    %scan3A_76 = arith.constant 16 : i32
    %dma_wait3A_77 = arith.constant 0 : i32
    %dma_wait3A_78 = arith.constant 0 : i32
    %dma_wait3A_79 = tpu.memref_slice %arg4[%dma_wait3A_77, %dma_wait3A_78] : memref<10240x16xf32, #tpu.memory_space<hbm>> -> memref<2048x16xf32, #tpu.memory_space<hbm>>
    %dma_wait3A_80 = arith.constant 0 : i32
    %dma_wait3A_81 = arith.constant 0 : i32
    %dma_wait3A_82 = tpu.memref_slice %arg4[%dma_wait3A_80, %dma_wait3A_81] : memref<10240x16xf32, #tpu.memory_space<hbm>> -> memref<2048x16xf32, #tpu.memory_space<hbm>>
    tpu.wait_dma2 semaphore(%arg15 : memref<!tpu.dma_semaphore, #tpu.memory_space<semaphore_mem>>) src(%dma_wait3A_82 : memref<2048x16xf32, #tpu.memory_space<hbm>>) dst(%arg12 : memref<2048x16xf32, #tpu.memory_space<vmem>>)
    %dma_wait3A_83 = arith.constant 0 : i32
    %dma_wait3A_84 = arith.constant 0 : i32
    %dma_wait3A_85 = tpu.memref_slice %arg4[%dma_wait3A_83, %dma_wait3A_84] : memref<10240x16xf32, #tpu.memory_space<hbm>> -> memref<2048x16xf32, #tpu.memory_space<hbm>>
    %dma_wait3A_86 = arith.constant 0 : i32
    %dma_wait3A_87 = arith.constant 0 : i32
    %dma_wait3A_88 = tpu.memref_slice %arg4[%dma_wait3A_86, %dma_wait3A_87] : memref<10240x16xf32, #tpu.memory_space<hbm>> -> memref<2048x16xf32, #tpu.memory_space<hbm>>
    tpu.wait_dma2 semaphore(%arg14 : memref<!tpu.dma_semaphore, #tpu.memory_space<semaphore_mem>>) src(%dma_wait3A_88 : memref<2048x16xf32, #tpu.memory_space<hbm>>) dst(%arg12 : memref<2048x16xf32, #tpu.memory_space<vmem>>)
    %scan3A_89 = arith.constant 0 : i32
    %scan3A_90 = arith.constant 0 : i32
    %scan3A_91 = arith.constant 16 : i32
    %scan3A_92 = arith.addi %scan3A_90, %scan3A_91 : i32
    %scan3A_93 = arith.constant 1 : i32
    %scan3A_94 = scf.for %scan3A_169 = %scan3A_90 to %scan3A_92 step %scan3A_93 iter_args(%scan3A_170 = %scan3A_89) -> (i32)  : i32 {
      %mul3A_171 = arith.constant 128 : i32
      %mul3A_172 = arith.muli %scan3A_169, %mul3A_171 : i32
      %dma_start3A = arith.constant 0 : i32
      %dma_start3A_173 = tpu.memref_slice %arg12[%mul3A_172, %dma_start3A] : memref<2048x16xf32, #tpu.memory_space<vmem>> -> memref<128x16xf32, #tpu.memory_space<vmem>>
      %dma_start3A_174 = arith.constant 0 : i32
      %dma_start3A_175 = tpu.memref_slice %arg10[%scan3A_169, %dma_start3A_174] : memref<16x128xi32, #tpu.memory_space<vmem>> -> memref<1x128xi32, #tpu.memory_space<vmem>>
      %dma_start3A_176 = tpu.memref_squeeze %dma_start3A_175 : memref<1x128xi32, #tpu.memory_space<vmem>> -> memref<128xi32, #tpu.memory_space<vmem>>
      %dma_start3A_177 = arith.constant 0 : i32
      %dma_start3A_178 = arith.constant 0 : i32
      %dma_start3A_179 = tpu.memref_slice %arg6[%dma_start3A_177, %dma_start3A_178] : memref<10240x16xf32, #tpu.memory_space<vmem_shared>> -> memref<10240x16xf32, #tpu.memory_space<vmem_shared>>
      tpu.enqueue_indirect_dma source(%dma_start3A_173 : memref<128x16xf32, #tpu.memory_space<vmem>>) target(%dma_start3A_179 : memref<10240x16xf32, #tpu.memory_space<vmem_shared>>) offsets(%dma_start3A_176 : memref<128xi32, #tpu.memory_space<vmem>>) semaphore(%arg15 : memref<!tpu.dma_semaphore, #tpu.memory_space<semaphore_mem>>) {add = true}
      %scan3A_180 = arith.constant 0 : i32
      scf.yield %scan3A_180 : i32
    }
    %scan3A_95 = arith.constant 16 : i32
    %mul3A_96 = arith.constant 80 : i32
    %mul3A_97 = arith.muli %add3A, %mul3A_96 : i32
    %add3A_98 = arith.constant 48 : i32
    %add3A_99 = arith.addi %mul3A_97, %add3A_98 : i32
    %run_scoped3A_100 = arith.constant 0 : i32
    "tpu.region"() ({
      %run_scoped3A_169 = tpu.sem_alloc : memref<!tpu.dma_semaphore, #tpu.memory_space<semaphore_mem>>
      %dma_start3A = arith.constant 0 : i32
      %dma_start3A_170 = tpu.memref_slice %arg2[%run_scoped3A_100, %add3A_99, %dma_start3A] : memref<2x2560x128xi32, #tpu.memory_space<hbm>> -> memref<1x16x128xi32, #tpu.memory_space<hbm>>
      %dma_start3A_171 = tpu.memref_squeeze %dma_start3A_170 : memref<1x16x128xi32, #tpu.memory_space<hbm>> -> memref<16x128xi32, #tpu.memory_space<hbm>>
      %dma_start3A_172 = arith.constant 0 : i32
      %dma_start3A_173 = tpu.memref_slice %arg2[%run_scoped3A_100, %add3A_99, %dma_start3A_172] : memref<2x2560x128xi32, #tpu.memory_space<hbm>> -> memref<1x16x128xi32, #tpu.memory_space<hbm>>
      %dma_start3A_174 = tpu.memref_squeeze %dma_start3A_173 : memref<1x16x128xi32, #tpu.memory_space<hbm>> -> memref<16x128xi32, #tpu.memory_space<hbm>>
      tpu.enqueue_dma source(%dma_start3A_174 : memref<16x128xi32, #tpu.memory_space<hbm>>) target(%arg9 : memref<16x128xi32, #tpu.memory_space<vmem>>) target_semaphore(%run_scoped3A_169 : memref<!tpu.dma_semaphore, #tpu.memory_space<semaphore_mem>>)
      %dma_wait3A_175 = arith.constant 0 : i32
      %dma_wait3A_176 = tpu.memref_slice %arg2[%run_scoped3A_100, %add3A_99, %dma_wait3A_175] : memref<2x2560x128xi32, #tpu.memory_space<hbm>> -> memref<1x16x128xi32, #tpu.memory_space<hbm>>
      %dma_wait3A_177 = tpu.memref_squeeze %dma_wait3A_176 : memref<1x16x128xi32, #tpu.memory_space<hbm>> -> memref<16x128xi32, #tpu.memory_space<hbm>>
      %dma_wait3A_178 = arith.constant 0 : i32
      %dma_wait3A_179 = tpu.memref_slice %arg2[%run_scoped3A_100, %add3A_99, %dma_wait3A_178] : memref<2x2560x128xi32, #tpu.memory_space<hbm>> -> memref<1x16x128xi32, #tpu.memory_space<hbm>>
      %dma_wait3A_180 = tpu.memref_squeeze %dma_wait3A_179 : memref<1x16x128xi32, #tpu.memory_space<hbm>> -> memref<16x128xi32, #tpu.memory_space<hbm>>
      tpu.wait_dma2 semaphore(%run_scoped3A_169 : memref<!tpu.dma_semaphore, #tpu.memory_space<semaphore_mem>>) src(%dma_wait3A_180 : memref<16x128xi32, #tpu.memory_space<hbm>>) dst(%arg9 : memref<16x128xi32, #tpu.memory_space<vmem>>)
      tpu.yield
    }) : () -> ()
    %run_scoped3A_101 = arith.constant 1 : i32
    "tpu.region"() ({
      %run_scoped3A_169 = tpu.sem_alloc : memref<!tpu.dma_semaphore, #tpu.memory_space<semaphore_mem>>
      %dma_start3A = arith.constant 0 : i32
      %dma_start3A_170 = tpu.memref_slice %arg2[%run_scoped3A_101, %add3A_99, %dma_start3A] : memref<2x2560x128xi32, #tpu.memory_space<hbm>> -> memref<1x16x128xi32, #tpu.memory_space<hbm>>
      %dma_start3A_171 = tpu.memref_squeeze %dma_start3A_170 : memref<1x16x128xi32, #tpu.memory_space<hbm>> -> memref<16x128xi32, #tpu.memory_space<hbm>>
      %dma_start3A_172 = arith.constant 0 : i32
      %dma_start3A_173 = tpu.memref_slice %arg2[%run_scoped3A_101, %add3A_99, %dma_start3A_172] : memref<2x2560x128xi32, #tpu.memory_space<hbm>> -> memref<1x16x128xi32, #tpu.memory_space<hbm>>
      %dma_start3A_174 = tpu.memref_squeeze %dma_start3A_173 : memref<1x16x128xi32, #tpu.memory_space<hbm>> -> memref<16x128xi32, #tpu.memory_space<hbm>>
      tpu.enqueue_dma source(%dma_start3A_174 : memref<16x128xi32, #tpu.memory_space<hbm>>) target(%arg11 : memref<16x128xi32, #tpu.memory_space<vmem>>) target_semaphore(%run_scoped3A_169 : memref<!tpu.dma_semaphore, #tpu.memory_space<semaphore_mem>>)
      %dma_wait3A_175 = arith.constant 0 : i32
      %dma_wait3A_176 = tpu.memref_slice %arg2[%run_scoped3A_101, %add3A_99, %dma_wait3A_175] : memref<2x2560x128xi32, #tpu.memory_space<hbm>> -> memref<1x16x128xi32, #tpu.memory_space<hbm>>
      %dma_wait3A_177 = tpu.memref_squeeze %dma_wait3A_176 : memref<1x16x128xi32, #tpu.memory_space<hbm>> -> memref<16x128xi32, #tpu.memory_space<hbm>>
      %dma_wait3A_178 = arith.constant 0 : i32
      %dma_wait3A_179 = tpu.memref_slice %arg2[%run_scoped3A_101, %add3A_99, %dma_wait3A_178] : memref<2x2560x128xi32, #tpu.memory_space<hbm>> -> memref<1x16x128xi32, #tpu.memory_space<hbm>>
      %dma_wait3A_180 = tpu.memref_squeeze %dma_wait3A_179 : memref<1x16x128xi32, #tpu.memory_space<hbm>> -> memref<16x128xi32, #tpu.memory_space<hbm>>
      tpu.wait_dma2 semaphore(%run_scoped3A_169 : memref<!tpu.dma_semaphore, #tpu.memory_space<semaphore_mem>>) src(%dma_wait3A_180 : memref<16x128xi32, #tpu.memory_space<hbm>>) dst(%arg11 : memref<16x128xi32, #tpu.memory_space<vmem>>)
      tpu.yield
    }) : () -> ()
    %scan3A_102 = arith.constant 0 : i32
    %scan3A_103 = arith.constant 0 : i32
    %scan3A_104 = arith.constant 16 : i32
    %scan3A_105 = arith.addi %scan3A_103, %scan3A_104 : i32
    %scan3A_106 = arith.constant 1 : i32
    %scan3A_107 = scf.for %scan3A_169 = %scan3A_103 to %scan3A_105 step %scan3A_106 iter_args(%scan3A_170 = %scan3A_102) -> (i32)  : i32 {
      %mul3A_171 = arith.constant 128 : i32
      %mul3A_172 = arith.muli %scan3A_169, %mul3A_171 : i32
      %dma_start3A = arith.constant 0 : i32
      %dma_start3A_173 = tpu.memref_slice %arg13[%mul3A_172, %dma_start3A] : memref<2048x16xf32, #tpu.memory_space<vmem>> -> memref<128x16xf32, #tpu.memory_space<vmem>>
      %dma_start3A_174 = arith.constant 0 : i32
      %dma_start3A_175 = tpu.memref_slice %arg9[%scan3A_169, %dma_start3A_174] : memref<16x128xi32, #tpu.memory_space<vmem>> -> memref<1x128xi32, #tpu.memory_space<vmem>>
      %dma_start3A_176 = tpu.memref_squeeze %dma_start3A_175 : memref<1x128xi32, #tpu.memory_space<vmem>> -> memref<128xi32, #tpu.memory_space<vmem>>
      %dma_start3A_177 = arith.constant 0 : i32
      %dma_start3A_178 = arith.constant 0 : i32
      %dma_start3A_179 = tpu.memref_slice %arg7[%dma_start3A_177, %dma_start3A_178] : memref<10240x16xf32, #tpu.memory_space<vmem_shared>> -> memref<10240x16xf32, #tpu.memory_space<vmem_shared>>
      tpu.enqueue_indirect_dma source(%dma_start3A_179 : memref<10240x16xf32, #tpu.memory_space<vmem_shared>>) target(%dma_start3A_173 : memref<128x16xf32, #tpu.memory_space<vmem>>) offsets(%dma_start3A_176 : memref<128xi32, #tpu.memory_space<vmem>>) semaphore(%arg14 : memref<!tpu.dma_semaphore, #tpu.memory_space<semaphore_mem>>)
      %scan3A_180 = arith.constant 0 : i32
      scf.yield %scan3A_180 : i32
    }
    %scan3A_108 = arith.constant 16 : i32
    %dma_wait3A_109 = arith.constant 0 : i32
    %dma_wait3A_110 = arith.constant 0 : i32
    %dma_wait3A_111 = tpu.memref_slice %arg4[%dma_wait3A_109, %dma_wait3A_110] : memref<10240x16xf32, #tpu.memory_space<hbm>> -> memref<2048x16xf32, #tpu.memory_space<hbm>>
    %dma_wait3A_112 = arith.constant 0 : i32
    %dma_wait3A_113 = arith.constant 0 : i32
    %dma_wait3A_114 = tpu.memref_slice %arg4[%dma_wait3A_112, %dma_wait3A_113] : memref<10240x16xf32, #tpu.memory_space<hbm>> -> memref<2048x16xf32, #tpu.memory_space<hbm>>
    tpu.wait_dma2 semaphore(%arg15 : memref<!tpu.dma_semaphore, #tpu.memory_space<semaphore_mem>>) src(%dma_wait3A_114 : memref<2048x16xf32, #tpu.memory_space<hbm>>) dst(%arg12 : memref<2048x16xf32, #tpu.memory_space<vmem>>)
    %dma_wait3A_115 = arith.constant 0 : i32
    %dma_wait3A_116 = arith.constant 0 : i32
    %dma_wait3A_117 = tpu.memref_slice %arg4[%dma_wait3A_115, %dma_wait3A_116] : memref<10240x16xf32, #tpu.memory_space<hbm>> -> memref<2048x16xf32, #tpu.memory_space<hbm>>
    %dma_wait3A_118 = arith.constant 0 : i32
    %dma_wait3A_119 = arith.constant 0 : i32
    %dma_wait3A_120 = tpu.memref_slice %arg4[%dma_wait3A_118, %dma_wait3A_119] : memref<10240x16xf32, #tpu.memory_space<hbm>> -> memref<2048x16xf32, #tpu.memory_space<hbm>>
    tpu.wait_dma2 semaphore(%arg14 : memref<!tpu.dma_semaphore, #tpu.memory_space<semaphore_mem>>) src(%dma_wait3A_120 : memref<2048x16xf32, #tpu.memory_space<hbm>>) dst(%arg12 : memref<2048x16xf32, #tpu.memory_space<vmem>>)
    %scan3A_121 = arith.constant 0 : i32
    %scan3A_122 = arith.constant 0 : i32
    %scan3A_123 = arith.constant 16 : i32
    %scan3A_124 = arith.addi %scan3A_122, %scan3A_123 : i32
    %scan3A_125 = arith.constant 1 : i32
    %scan3A_126 = scf.for %scan3A_169 = %scan3A_122 to %scan3A_124 step %scan3A_125 iter_args(%scan3A_170 = %scan3A_121) -> (i32)  : i32 {
      %mul3A_171 = arith.constant 128 : i32
      %mul3A_172 = arith.muli %scan3A_169, %mul3A_171 : i32
      %dma_start3A = arith.constant 0 : i32
      %dma_start3A_173 = tpu.memref_slice %arg13[%mul3A_172, %dma_start3A] : memref<2048x16xf32, #tpu.memory_space<vmem>> -> memref<128x16xf32, #tpu.memory_space<vmem>>
      %dma_start3A_174 = arith.constant 0 : i32
      %dma_start3A_175 = tpu.memref_slice %arg11[%scan3A_169, %dma_start3A_174] : memref<16x128xi32, #tpu.memory_space<vmem>> -> memref<1x128xi32, #tpu.memory_space<vmem>>
      %dma_start3A_176 = tpu.memref_squeeze %dma_start3A_175 : memref<1x128xi32, #tpu.memory_space<vmem>> -> memref<128xi32, #tpu.memory_space<vmem>>
      %dma_start3A_177 = arith.constant 0 : i32
      %dma_start3A_178 = arith.constant 0 : i32
      %dma_start3A_179 = tpu.memref_slice %arg6[%dma_start3A_177, %dma_start3A_178] : memref<10240x16xf32, #tpu.memory_space<vmem_shared>> -> memref<10240x16xf32, #tpu.memory_space<vmem_shared>>
      tpu.enqueue_indirect_dma source(%dma_start3A_173 : memref<128x16xf32, #tpu.memory_space<vmem>>) target(%dma_start3A_179 : memref<10240x16xf32, #tpu.memory_space<vmem_shared>>) offsets(%dma_start3A_176 : memref<128xi32, #tpu.memory_space<vmem>>) semaphore(%arg15 : memref<!tpu.dma_semaphore, #tpu.memory_space<semaphore_mem>>) {add = true}
      %scan3A_180 = arith.constant 0 : i32
      scf.yield %scan3A_180 : i32
    }
    %scan3A_127 = arith.constant 16 : i32
    %mul3A_128 = arith.constant 80 : i32
    %mul3A_129 = arith.muli %add3A, %mul3A_128 : i32
    %add3A_130 = arith.constant 64 : i32
    %add3A_131 = arith.addi %mul3A_129, %add3A_130 : i32
    %run_scoped3A_132 = arith.constant 0 : i32
    "tpu.region"() ({
      %run_scoped3A_169 = tpu.sem_alloc : memref<!tpu.dma_semaphore, #tpu.memory_space<semaphore_mem>>
      %dma_start3A = arith.constant 0 : i32
      %dma_start3A_170 = tpu.memref_slice %arg2[%run_scoped3A_132, %add3A_131, %dma_start3A] : memref<2x2560x128xi32, #tpu.memory_space<hbm>> -> memref<1x16x128xi32, #tpu.memory_space<hbm>>
      %dma_start3A_171 = tpu.memref_squeeze %dma_start3A_170 : memref<1x16x128xi32, #tpu.memory_space<hbm>> -> memref<16x128xi32, #tpu.memory_space<hbm>>
      %dma_start3A_172 = arith.constant 0 : i32
      %dma_start3A_173 = tpu.memref_slice %arg2[%run_scoped3A_132, %add3A_131, %dma_start3A_172] : memref<2x2560x128xi32, #tpu.memory_space<hbm>> -> memref<1x16x128xi32, #tpu.memory_space<hbm>>
      %dma_start3A_174 = tpu.memref_squeeze %dma_start3A_173 : memref<1x16x128xi32, #tpu.memory_space<hbm>> -> memref<16x128xi32, #tpu.memory_space<hbm>>
      tpu.enqueue_dma source(%dma_start3A_174 : memref<16x128xi32, #tpu.memory_space<hbm>>) target(%arg8 : memref<16x128xi32, #tpu.memory_space<vmem>>) target_semaphore(%run_scoped3A_169 : memref<!tpu.dma_semaphore, #tpu.memory_space<semaphore_mem>>)
      %dma_wait3A_175 = arith.constant 0 : i32
      %dma_wait3A_176 = tpu.memref_slice %arg2[%run_scoped3A_132, %add3A_131, %dma_wait3A_175] : memref<2x2560x128xi32, #tpu.memory_space<hbm>> -> memref<1x16x128xi32, #tpu.memory_space<hbm>>
      %dma_wait3A_177 = tpu.memref_squeeze %dma_wait3A_176 : memref<1x16x128xi32, #tpu.memory_space<hbm>> -> memref<16x128xi32, #tpu.memory_space<hbm>>
      %dma_wait3A_178 = arith.constant 0 : i32
      %dma_wait3A_179 = tpu.memref_slice %arg2[%run_scoped3A_132, %add3A_131, %dma_wait3A_178] : memref<2x2560x128xi32, #tpu.memory_space<hbm>> -> memref<1x16x128xi32, #tpu.memory_space<hbm>>
      %dma_wait3A_180 = tpu.memref_squeeze %dma_wait3A_179 : memref<1x16x128xi32, #tpu.memory_space<hbm>> -> memref<16x128xi32, #tpu.memory_space<hbm>>
      tpu.wait_dma2 semaphore(%run_scoped3A_169 : memref<!tpu.dma_semaphore, #tpu.memory_space<semaphore_mem>>) src(%dma_wait3A_180 : memref<16x128xi32, #tpu.memory_space<hbm>>) dst(%arg8 : memref<16x128xi32, #tpu.memory_space<vmem>>)
      tpu.yield
    }) : () -> ()
    %run_scoped3A_133 = arith.constant 1 : i32
    "tpu.region"() ({
      %run_scoped3A_169 = tpu.sem_alloc : memref<!tpu.dma_semaphore, #tpu.memory_space<semaphore_mem>>
      %dma_start3A = arith.constant 0 : i32
      %dma_start3A_170 = tpu.memref_slice %arg2[%run_scoped3A_133, %add3A_131, %dma_start3A] : memref<2x2560x128xi32, #tpu.memory_space<hbm>> -> memref<1x16x128xi32, #tpu.memory_space<hbm>>
      %dma_start3A_171 = tpu.memref_squeeze %dma_start3A_170 : memref<1x16x128xi32, #tpu.memory_space<hbm>> -> memref<16x128xi32, #tpu.memory_space<hbm>>
      %dma_start3A_172 = arith.constant 0 : i32
      %dma_start3A_173 = tpu.memref_slice %arg2[%run_scoped3A_133, %add3A_131, %dma_start3A_172] : memref<2x2560x128xi32, #tpu.memory_space<hbm>> -> memref<1x16x128xi32, #tpu.memory_space<hbm>>
      %dma_start3A_174 = tpu.memref_squeeze %dma_start3A_173 : memref<1x16x128xi32, #tpu.memory_space<hbm>> -> memref<16x128xi32, #tpu.memory_space<hbm>>
      tpu.enqueue_dma source(%dma_start3A_174 : memref<16x128xi32, #tpu.memory_space<hbm>>) target(%arg10 : memref<16x128xi32, #tpu.memory_space<vmem>>) target_semaphore(%run_scoped3A_169 : memref<!tpu.dma_semaphore, #tpu.memory_space<semaphore_mem>>)
      %dma_wait3A_175 = arith.constant 0 : i32
      %dma_wait3A_176 = tpu.memref_slice %arg2[%run_scoped3A_133, %add3A_131, %dma_wait3A_175] : memref<2x2560x128xi32, #tpu.memory_space<hbm>> -> memref<1x16x128xi32, #tpu.memory_space<hbm>>
      %dma_wait3A_177 = tpu.memref_squeeze %dma_wait3A_176 : memref<1x16x128xi32, #tpu.memory_space<hbm>> -> memref<16x128xi32, #tpu.memory_space<hbm>>
      %dma_wait3A_178 = arith.constant 0 : i32
      %dma_wait3A_179 = tpu.memref_slice %arg2[%run_scoped3A_133, %add3A_131, %dma_wait3A_178] : memref<2x2560x128xi32, #tpu.memory_space<hbm>> -> memref<1x16x128xi32, #tpu.memory_space<hbm>>
      %dma_wait3A_180 = tpu.memref_squeeze %dma_wait3A_179 : memref<1x16x128xi32, #tpu.memory_space<hbm>> -> memref<16x128xi32, #tpu.memory_space<hbm>>
      tpu.wait_dma2 semaphore(%run_scoped3A_169 : memref<!tpu.dma_semaphore, #tpu.memory_space<semaphore_mem>>) src(%dma_wait3A_180 : memref<16x128xi32, #tpu.memory_space<hbm>>) dst(%arg10 : memref<16x128xi32, #tpu.memory_space<vmem>>)
      tpu.yield
    }) : () -> ()
    %scan3A_134 = arith.constant 0 : i32
    %scan3A_135 = arith.constant 0 : i32
    %scan3A_136 = arith.constant 16 : i32
    %scan3A_137 = arith.addi %scan3A_135, %scan3A_136 : i32
    %scan3A_138 = arith.constant 1 : i32
    %scan3A_139 = scf.for %scan3A_169 = %scan3A_135 to %scan3A_137 step %scan3A_138 iter_args(%scan3A_170 = %scan3A_134) -> (i32)  : i32 {
      %mul3A_171 = arith.constant 128 : i32
      %mul3A_172 = arith.muli %scan3A_169, %mul3A_171 : i32
      %dma_start3A = arith.constant 0 : i32
      %dma_start3A_173 = tpu.memref_slice %arg12[%mul3A_172, %dma_start3A] : memref<2048x16xf32, #tpu.memory_space<vmem>> -> memref<128x16xf32, #tpu.memory_space<vmem>>
      %dma_start3A_174 = arith.constant 0 : i32
      %dma_start3A_175 = tpu.memref_slice %arg8[%scan3A_169, %dma_start3A_174] : memref<16x128xi32, #tpu.memory_space<vmem>> -> memref<1x128xi32, #tpu.memory_space<vmem>>
      %dma_start3A_176 = tpu.memref_squeeze %dma_start3A_175 : memref<1x128xi32, #tpu.memory_space<vmem>> -> memref<128xi32, #tpu.memory_space<vmem>>
      %dma_start3A_177 = arith.constant 0 : i32
      %dma_start3A_178 = arith.constant 0 : i32
      %dma_start3A_179 = tpu.memref_slice %arg7[%dma_start3A_177, %dma_start3A_178] : memref<10240x16xf32, #tpu.memory_space<vmem_shared>> -> memref<10240x16xf32, #tpu.memory_space<vmem_shared>>
      tpu.enqueue_indirect_dma source(%dma_start3A_179 : memref<10240x16xf32, #tpu.memory_space<vmem_shared>>) target(%dma_start3A_173 : memref<128x16xf32, #tpu.memory_space<vmem>>) offsets(%dma_start3A_176 : memref<128xi32, #tpu.memory_space<vmem>>) semaphore(%arg14 : memref<!tpu.dma_semaphore, #tpu.memory_space<semaphore_mem>>)
      %scan3A_180 = arith.constant 0 : i32
      scf.yield %scan3A_180 : i32
    }
    %scan3A_140 = arith.constant 16 : i32
    %dma_wait3A_141 = arith.constant 0 : i32
    %dma_wait3A_142 = arith.constant 0 : i32
    %dma_wait3A_143 = tpu.memref_slice %arg4[%dma_wait3A_141, %dma_wait3A_142] : memref<10240x16xf32, #tpu.memory_space<hbm>> -> memref<2048x16xf32, #tpu.memory_space<hbm>>
    %dma_wait3A_144 = arith.constant 0 : i32
    %dma_wait3A_145 = arith.constant 0 : i32
    %dma_wait3A_146 = tpu.memref_slice %arg4[%dma_wait3A_144, %dma_wait3A_145] : memref<10240x16xf32, #tpu.memory_space<hbm>> -> memref<2048x16xf32, #tpu.memory_space<hbm>>
    tpu.wait_dma2 semaphore(%arg15 : memref<!tpu.dma_semaphore, #tpu.memory_space<semaphore_mem>>) src(%dma_wait3A_146 : memref<2048x16xf32, #tpu.memory_space<hbm>>) dst(%arg12 : memref<2048x16xf32, #tpu.memory_space<vmem>>)
    %dma_wait3A_147 = arith.constant 0 : i32
    %dma_wait3A_148 = arith.constant 0 : i32
    %dma_wait3A_149 = tpu.memref_slice %arg4[%dma_wait3A_147, %dma_wait3A_148] : memref<10240x16xf32, #tpu.memory_space<hbm>> -> memref<2048x16xf32, #tpu.memory_space<hbm>>
    %dma_wait3A_150 = arith.constant 0 : i32
    %dma_wait3A_151 = arith.constant 0 : i32
    %dma_wait3A_152 = tpu.memref_slice %arg4[%dma_wait3A_150, %dma_wait3A_151] : memref<10240x16xf32, #tpu.memory_space<hbm>> -> memref<2048x16xf32, #tpu.memory_space<hbm>>
    tpu.wait_dma2 semaphore(%arg14 : memref<!tpu.dma_semaphore, #tpu.memory_space<semaphore_mem>>) src(%dma_wait3A_152 : memref<2048x16xf32, #tpu.memory_space<hbm>>) dst(%arg12 : memref<2048x16xf32, #tpu.memory_space<vmem>>)
    %scan3A_153 = arith.constant 0 : i32
    %scan3A_154 = arith.constant 0 : i32
    %scan3A_155 = arith.constant 16 : i32
    %scan3A_156 = arith.addi %scan3A_154, %scan3A_155 : i32
    %scan3A_157 = arith.constant 1 : i32
    %scan3A_158 = scf.for %scan3A_169 = %scan3A_154 to %scan3A_156 step %scan3A_157 iter_args(%scan3A_170 = %scan3A_153) -> (i32)  : i32 {
      %mul3A_171 = arith.constant 128 : i32
      %mul3A_172 = arith.muli %scan3A_169, %mul3A_171 : i32
      %dma_start3A = arith.constant 0 : i32
      %dma_start3A_173 = tpu.memref_slice %arg12[%mul3A_172, %dma_start3A] : memref<2048x16xf32, #tpu.memory_space<vmem>> -> memref<128x16xf32, #tpu.memory_space<vmem>>
      %dma_start3A_174 = arith.constant 0 : i32
      %dma_start3A_175 = tpu.memref_slice %arg10[%scan3A_169, %dma_start3A_174] : memref<16x128xi32, #tpu.memory_space<vmem>> -> memref<1x128xi32, #tpu.memory_space<vmem>>
      %dma_start3A_176 = tpu.memref_squeeze %dma_start3A_175 : memref<1x128xi32, #tpu.memory_space<vmem>> -> memref<128xi32, #tpu.memory_space<vmem>>
      %dma_start3A_177 = arith.constant 0 : i32
      %dma_start3A_178 = arith.constant 0 : i32
      %dma_start3A_179 = tpu.memref_slice %arg6[%dma_start3A_177, %dma_start3A_178] : memref<10240x16xf32, #tpu.memory_space<vmem_shared>> -> memref<10240x16xf32, #tpu.memory_space<vmem_shared>>
      tpu.enqueue_indirect_dma source(%dma_start3A_173 : memref<128x16xf32, #tpu.memory_space<vmem>>) target(%dma_start3A_179 : memref<10240x16xf32, #tpu.memory_space<vmem_shared>>) offsets(%dma_start3A_176 : memref<128xi32, #tpu.memory_space<vmem>>) semaphore(%arg15 : memref<!tpu.dma_semaphore, #tpu.memory_space<semaphore_mem>>) {add = true}
      %scan3A_180 = arith.constant 0 : i32
      scf.yield %scan3A_180 : i32
    }
    %scan3A_159 = arith.constant 16 : i32
    %dma_wait3A_160 = arith.constant 0 : i32
    %dma_wait3A_161 = arith.constant 0 : i32
    %dma_wait3A_162 = tpu.memref_slice %arg4[%dma_wait3A_160, %dma_wait3A_161] : memref<10240x16xf32, #tpu.memory_space<hbm>> -> memref<2048x16xf32, #tpu.memory_space<hbm>>
    %dma_wait3A_163 = arith.constant 0 : i32
    %dma_wait3A_164 = arith.constant 0 : i32
    %dma_wait3A_165 = tpu.memref_slice %arg4[%dma_wait3A_163, %dma_wait3A_164] : memref<10240x16xf32, #tpu.memory_space<hbm>> -> memref<2048x16xf32, #tpu.memory_space<hbm>>
    tpu.wait_dma2 semaphore(%arg15 : memref<!tpu.dma_semaphore, #tpu.memory_space<semaphore_mem>>) src(%dma_wait3A_165 : memref<2048x16xf32, #tpu.memory_space<hbm>>) dst(%arg12 : memref<2048x16xf32, #tpu.memory_space<vmem>>)
    %barrier3A_166 = arith.constant 0 : index
    tpu.barrier barrier_id(%barrier3A_166)
    %eq3A = arith.constant 0 : i32
    %eq3A_167 = arith.cmpi eq, %arg1, %eq3A : i32
    %convert_element_type3A = arith.extui %eq3A_167 : i1 to i32
    %cond3A = arith.constant 0 : i32
    %cond3A_168 = arith.cmpi ne, %convert_element_type3A, %cond3A : i32
    scf.if %cond3A_168 {
      "tpu.region"() ({
        %run_scoped3A_169 = tpu.sem_alloc : memref<!tpu.dma_semaphore, #tpu.memory_space<semaphore_mem>>
        %dma_start3A = arith.constant 0 : i32
        %dma_start3A_170 = arith.constant 0 : i32
        %dma_start3A_171 = tpu.memref_slice %arg5[%arg0, %dma_start3A, %dma_start3A_170] : memref<2x8x16xf32, #tpu.memory_space<hbm>> -> memref<1x1x16xf32, #tpu.memory_space<hbm>>
        %dma_start3A_172 = tpu.memref_squeeze %dma_start3A_171 : memref<1x1x16xf32, #tpu.memory_space<hbm>> -> memref<1x16xf32, #tpu.memory_space<hbm>>
        %dma_start3A_173 = arith.constant 1423 : i32
        %dma_start3A_174 = arith.constant 0 : i32
        %dma_start3A_175 = tpu.memref_slice %arg6[%dma_start3A_173, %dma_start3A_174] : memref<10240x16xf32, #tpu.memory_space<vmem_shared>> -> memref<1x16xf32, #tpu.memory_space<vmem_shared>>
        tpu.enqueue_dma source(%dma_start3A_175 : memref<1x16xf32, #tpu.memory_space<vmem_shared>>) target(%dma_start3A_172 : memref<1x16xf32, #tpu.memory_space<hbm>>) target_semaphore(%run_scoped3A_169 : memref<!tpu.dma_semaphore, #tpu.memory_space<semaphore_mem>>)
        %dma_wait3A_176 = arith.constant 0 : i32
        %dma_wait3A_177 = arith.constant 0 : i32
        %dma_wait3A_178 = tpu.memref_slice %arg5[%arg0, %dma_wait3A_176, %dma_wait3A_177] : memref<2x8x16xf32, #tpu.memory_space<hbm>> -> memref<1x1x16xf32, #tpu.memory_space<hbm>>
        %dma_wait3A_179 = tpu.memref_squeeze %dma_wait3A_178 : memref<1x1x16xf32, #tpu.memory_space<hbm>> -> memref<1x16xf32, #tpu.memory_space<hbm>>
        %dma_wait3A_180 = arith.constant 1423 : i32
        %dma_wait3A_181 = arith.constant 0 : i32
        %dma_wait3A_182 = tpu.memref_slice %arg6[%dma_wait3A_180, %dma_wait3A_181] : memref<10240x16xf32, #tpu.memory_space<vmem_shared>> -> memref<1x16xf32, #tpu.memory_space<vmem_shared>>
        tpu.wait_dma2 semaphore(%run_scoped3A_169 : memref<!tpu.dma_semaphore, #tpu.memory_space<semaphore_mem>>) src(%dma_wait3A_182 : memref<1x16xf32, #tpu.memory_space<vmem_shared>>) dst(%dma_wait3A_179 : memref<1x16xf32, #tpu.memory_space<hbm>>)
        tpu.yield
      }) : () -> ()
      "tpu.region"() ({
        %run_scoped3A_169 = tpu.sem_alloc : memref<!tpu.dma_semaphore, #tpu.memory_space<semaphore_mem>>
        %dma_start3A = arith.constant 1 : i32
        %dma_start3A_170 = arith.constant 0 : i32
        %dma_start3A_171 = tpu.memref_slice %arg5[%arg0, %dma_start3A, %dma_start3A_170] : memref<2x8x16xf32, #tpu.memory_space<hbm>> -> memref<1x1x16xf32, #tpu.memory_space<hbm>>
        %dma_start3A_172 = tpu.memref_squeeze %dma_start3A_171 : memref<1x1x16xf32, #tpu.memory_space<hbm>> -> memref<1x16xf32, #tpu.memory_space<hbm>>
        %dma_start3A_173 = arith.constant 2854 : i32
        %dma_start3A_174 = arith.constant 0 : i32
        %dma_start3A_175 = tpu.memref_slice %arg6[%dma_start3A_173, %dma_start3A_174] : memref<10240x16xf32, #tpu.memory_space<vmem_shared>> -> memref<1x16xf32, #tpu.memory_space<vmem_shared>>
        tpu.enqueue_dma source(%dma_start3A_175 : memref<1x16xf32, #tpu.memory_space<vmem_shared>>) target(%dma_start3A_172 : memref<1x16xf32, #tpu.memory_space<hbm>>) target_semaphore(%run_scoped3A_169 : memref<!tpu.dma_semaphore, #tpu.memory_space<semaphore_mem>>)
        %dma_wait3A_176 = arith.constant 1 : i32
        %dma_wait3A_177 = arith.constant 0 : i32
        %dma_wait3A_178 = tpu.memref_slice %arg5[%arg0, %dma_wait3A_176, %dma_wait3A_177] : memref<2x8x16xf32, #tpu.memory_space<hbm>> -> memref<1x1x16xf32, #tpu.memory_space<hbm>>
        %dma_wait3A_179 = tpu.memref_squeeze %dma_wait3A_178 : memref<1x1x16xf32, #tpu.memory_space<hbm>> -> memref<1x16xf32, #tpu.memory_space<hbm>>
        %dma_wait3A_180 = arith.constant 2854 : i32
        %dma_wait3A_181 = arith.constant 0 : i32
        %dma_wait3A_182 = tpu.memref_slice %arg6[%dma_wait3A_180, %dma_wait3A_181] : memref<10240x16xf32, #tpu.memory_space<vmem_shared>> -> memref<1x16xf32, #tpu.memory_space<vmem_shared>>
        tpu.wait_dma2 semaphore(%run_scoped3A_169 : memref<!tpu.dma_semaphore, #tpu.memory_space<semaphore_mem>>) src(%dma_wait3A_182 : memref<1x16xf32, #tpu.memory_space<vmem_shared>>) dst(%dma_wait3A_179 : memref<1x16xf32, #tpu.memory_space<hbm>>)
        tpu.yield
      }) : () -> ()
      "tpu.region"() ({
        %run_scoped3A_169 = tpu.sem_alloc : memref<!tpu.dma_semaphore, #tpu.memory_space<semaphore_mem>>
        %dma_start3A = arith.constant 2 : i32
        %dma_start3A_170 = arith.constant 0 : i32
        %dma_start3A_171 = tpu.memref_slice %arg5[%arg0, %dma_start3A, %dma_start3A_170] : memref<2x8x16xf32, #tpu.memory_space<hbm>> -> memref<1x1x16xf32, #tpu.memory_space<hbm>>
        %dma_start3A_172 = tpu.memref_squeeze %dma_start3A_171 : memref<1x1x16xf32, #tpu.memory_space<hbm>> -> memref<1x16xf32, #tpu.memory_space<hbm>>
        %dma_start3A_173 = arith.constant 4285 : i32
        %dma_start3A_174 = arith.constant 0 : i32
        %dma_start3A_175 = tpu.memref_slice %arg6[%dma_start3A_173, %dma_start3A_174] : memref<10240x16xf32, #tpu.memory_space<vmem_shared>> -> memref<1x16xf32, #tpu.memory_space<vmem_shared>>
        tpu.enqueue_dma source(%dma_start3A_175 : memref<1x16xf32, #tpu.memory_space<vmem_shared>>) target(%dma_start3A_172 : memref<1x16xf32, #tpu.memory_space<hbm>>) target_semaphore(%run_scoped3A_169 : memref<!tpu.dma_semaphore, #tpu.memory_space<semaphore_mem>>)
        %dma_wait3A_176 = arith.constant 2 : i32
        %dma_wait3A_177 = arith.constant 0 : i32
        %dma_wait3A_178 = tpu.memref_slice %arg5[%arg0, %dma_wait3A_176, %dma_wait3A_177] : memref<2x8x16xf32, #tpu.memory_space<hbm>> -> memref<1x1x16xf32, #tpu.memory_space<hbm>>
        %dma_wait3A_179 = tpu.memref_squeeze %dma_wait3A_178 : memref<1x1x16xf32, #tpu.memory_space<hbm>> -> memref<1x16xf32, #tpu.memory_space<hbm>>
        %dma_wait3A_180 = arith.constant 4285 : i32
        %dma_wait3A_181 = arith.constant 0 : i32
        %dma_wait3A_182 = tpu.memref_slice %arg6[%dma_wait3A_180, %dma_wait3A_181] : memref<10240x16xf32, #tpu.memory_space<vmem_shared>> -> memref<1x16xf32, #tpu.memory_space<vmem_shared>>
        tpu.wait_dma2 semaphore(%run_scoped3A_169 : memref<!tpu.dma_semaphore, #tpu.memory_space<semaphore_mem>>) src(%dma_wait3A_182 : memref<1x16xf32, #tpu.memory_space<vmem_shared>>) dst(%dma_wait3A_179 : memref<1x16xf32, #tpu.memory_space<hbm>>)
        tpu.yield
      }) : () -> ()
      "tpu.region"() ({
        %run_scoped3A_169 = tpu.sem_alloc : memref<!tpu.dma_semaphore, #tpu.memory_space<semaphore_mem>>
        %dma_start3A = arith.constant 3 : i32
        %dma_start3A_170 = arith.constant 0 : i32
        %dma_start3A_171 = tpu.memref_slice %arg5[%arg0, %dma_start3A, %dma_start3A_170] : memref<2x8x16xf32, #tpu.memory_space<hbm>> -> memref<1x1x16xf32, #tpu.memory_space<hbm>>
        %dma_start3A_172 = tpu.memref_squeeze %dma_start3A_171 : memref<1x1x16xf32, #tpu.memory_space<hbm>> -> memref<1x16xf32, #tpu.memory_space<hbm>>
        %dma_start3A_173 = arith.constant 5716 : i32
        %dma_start3A_174 = arith.constant 0 : i32
        %dma_start3A_175 = tpu.memref_slice %arg6[%dma_start3A_173, %dma_start3A_174] : memref<10240x16xf32, #tpu.memory_space<vmem_shared>> -> memref<1x16xf32, #tpu.memory_space<vmem_shared>>
        tpu.enqueue_dma source(%dma_start3A_175 : memref<1x16xf32, #tpu.memory_space<vmem_shared>>) target(%dma_start3A_172 : memref<1x16xf32, #tpu.memory_space<hbm>>) target_semaphore(%run_scoped3A_169 : memref<!tpu.dma_semaphore, #tpu.memory_space<semaphore_mem>>)
        %dma_wait3A_176 = arith.constant 3 : i32
        %dma_wait3A_177 = arith.constant 0 : i32
        %dma_wait3A_178 = tpu.memref_slice %arg5[%arg0, %dma_wait3A_176, %dma_wait3A_177] : memref<2x8x16xf32, #tpu.memory_space<hbm>> -> memref<1x1x16xf32, #tpu.memory_space<hbm>>
        %dma_wait3A_179 = tpu.memref_squeeze %dma_wait3A_178 : memref<1x1x16xf32, #tpu.memory_space<hbm>> -> memref<1x16xf32, #tpu.memory_space<hbm>>
        %dma_wait3A_180 = arith.constant 5716 : i32
        %dma_wait3A_181 = arith.constant 0 : i32
        %dma_wait3A_182 = tpu.memref_slice %arg6[%dma_wait3A_180, %dma_wait3A_181] : memref<10240x16xf32, #tpu.memory_space<vmem_shared>> -> memref<1x16xf32, #tpu.memory_space<vmem_shared>>
        tpu.wait_dma2 semaphore(%run_scoped3A_169 : memref<!tpu.dma_semaphore, #tpu.memory_space<semaphore_mem>>) src(%dma_wait3A_182 : memref<1x16xf32, #tpu.memory_space<vmem_shared>>) dst(%dma_wait3A_179 : memref<1x16xf32, #tpu.memory_space<hbm>>)
        tpu.yield
      }) : () -> ()
      "tpu.region"() ({
        %run_scoped3A_169 = tpu.sem_alloc : memref<!tpu.dma_semaphore, #tpu.memory_space<semaphore_mem>>
        %dma_start3A = arith.constant 4 : i32
        %dma_start3A_170 = arith.constant 0 : i32
        %dma_start3A_171 = tpu.memref_slice %arg5[%arg0, %dma_start3A, %dma_start3A_170] : memref<2x8x16xf32, #tpu.memory_space<hbm>> -> memref<1x1x16xf32, #tpu.memory_space<hbm>>
        %dma_start3A_172 = tpu.memref_squeeze %dma_start3A_171 : memref<1x1x16xf32, #tpu.memory_space<hbm>> -> memref<1x16xf32, #tpu.memory_space<hbm>>
        %dma_start3A_173 = arith.constant 7147 : i32
        %dma_start3A_174 = arith.constant 0 : i32
        %dma_start3A_175 = tpu.memref_slice %arg6[%dma_start3A_173, %dma_start3A_174] : memref<10240x16xf32, #tpu.memory_space<vmem_shared>> -> memref<1x16xf32, #tpu.memory_space<vmem_shared>>
        tpu.enqueue_dma source(%dma_start3A_175 : memref<1x16xf32, #tpu.memory_space<vmem_shared>>) target(%dma_start3A_172 : memref<1x16xf32, #tpu.memory_space<hbm>>) target_semaphore(%run_scoped3A_169 : memref<!tpu.dma_semaphore, #tpu.memory_space<semaphore_mem>>)
        %dma_wait3A_176 = arith.constant 4 : i32
        %dma_wait3A_177 = arith.constant 0 : i32
        %dma_wait3A_178 = tpu.memref_slice %arg5[%arg0, %dma_wait3A_176, %dma_wait3A_177] : memref<2x8x16xf32, #tpu.memory_space<hbm>> -> memref<1x1x16xf32, #tpu.memory_space<hbm>>
        %dma_wait3A_179 = tpu.memref_squeeze %dma_wait3A_178 : memref<1x1x16xf32, #tpu.memory_space<hbm>> -> memref<1x16xf32, #tpu.memory_space<hbm>>
        %dma_wait3A_180 = arith.constant 7147 : i32
        %dma_wait3A_181 = arith.constant 0 : i32
        %dma_wait3A_182 = tpu.memref_slice %arg6[%dma_wait3A_180, %dma_wait3A_181] : memref<10240x16xf32, #tpu.memory_space<vmem_shared>> -> memref<1x16xf32, #tpu.memory_space<vmem_shared>>
        tpu.wait_dma2 semaphore(%run_scoped3A_169 : memref<!tpu.dma_semaphore, #tpu.memory_space<semaphore_mem>>) src(%dma_wait3A_182 : memref<1x16xf32, #tpu.memory_space<vmem_shared>>) dst(%dma_wait3A_179 : memref<1x16xf32, #tpu.memory_space<hbm>>)
        tpu.yield
      }) : () -> ()
      "tpu.region"() ({
        %run_scoped3A_169 = tpu.sem_alloc : memref<!tpu.dma_semaphore, #tpu.memory_space<semaphore_mem>>
        %dma_start3A = arith.constant 5 : i32
        %dma_start3A_170 = arith.constant 0 : i32
        %dma_start3A_171 = tpu.memref_slice %arg5[%arg0, %dma_start3A, %dma_start3A_170] : memref<2x8x16xf32, #tpu.memory_space<hbm>> -> memref<1x1x16xf32, #tpu.memory_space<hbm>>
        %dma_start3A_172 = tpu.memref_squeeze %dma_start3A_171 : memref<1x1x16xf32, #tpu.memory_space<hbm>> -> memref<1x16xf32, #tpu.memory_space<hbm>>
        %dma_start3A_173 = arith.constant 8578 : i32
        %dma_start3A_174 = arith.constant 0 : i32
        %dma_start3A_175 = tpu.memref_slice %arg6[%dma_start3A_173, %dma_start3A_174] : memref<10240x16xf32, #tpu.memory_space<vmem_shared>> -> memref<1x16xf32, #tpu.memory_space<vmem_shared>>
        tpu.enqueue_dma source(%dma_start3A_175 : memref<1x16xf32, #tpu.memory_space<vmem_shared>>) target(%dma_start3A_172 : memref<1x16xf32, #tpu.memory_space<hbm>>) target_semaphore(%run_scoped3A_169 : memref<!tpu.dma_semaphore, #tpu.memory_space<semaphore_mem>>)
        %dma_wait3A_176 = arith.constant 5 : i32
        %dma_wait3A_177 = arith.constant 0 : i32
        %dma_wait3A_178 = tpu.memref_slice %arg5[%arg0, %dma_wait3A_176, %dma_wait3A_177] : memref<2x8x16xf32, #tpu.memory_space<hbm>> -> memref<1x1x16xf32, #tpu.memory_space<hbm>>
        %dma_wait3A_179 = tpu.memref_squeeze %dma_wait3A_178 : memref<1x1x16xf32, #tpu.memory_space<hbm>> -> memref<1x16xf32, #tpu.memory_space<hbm>>
        %dma_wait3A_180 = arith.constant 8578 : i32
        %dma_wait3A_181 = arith.constant 0 : i32
        %dma_wait3A_182 = tpu.memref_slice %arg6[%dma_wait3A_180, %dma_wait3A_181] : memref<10240x16xf32, #tpu.memory_space<vmem_shared>> -> memref<1x16xf32, #tpu.memory_space<vmem_shared>>
        tpu.wait_dma2 semaphore(%run_scoped3A_169 : memref<!tpu.dma_semaphore, #tpu.memory_space<semaphore_mem>>) src(%dma_wait3A_182 : memref<1x16xf32, #tpu.memory_space<vmem_shared>>) dst(%dma_wait3A_179 : memref<1x16xf32, #tpu.memory_space<hbm>>)
        tpu.yield
      }) : () -> ()
      "tpu.region"() ({
        %run_scoped3A_169 = tpu.sem_alloc : memref<!tpu.dma_semaphore, #tpu.memory_space<semaphore_mem>>
        %dma_start3A = arith.constant 6 : i32
        %dma_start3A_170 = arith.constant 0 : i32
        %dma_start3A_171 = tpu.memref_slice %arg5[%arg0, %dma_start3A, %dma_start3A_170] : memref<2x8x16xf32, #tpu.memory_space<hbm>> -> memref<1x1x16xf32, #tpu.memory_space<hbm>>
        %dma_start3A_172 = tpu.memref_squeeze %dma_start3A_171 : memref<1x1x16xf32, #tpu.memory_space<hbm>> -> memref<1x16xf32, #tpu.memory_space<hbm>>
        %dma_start3A_173 = arith.constant 10009 : i32
        %dma_start3A_174 = arith.constant 0 : i32
        %dma_start3A_175 = tpu.memref_slice %arg6[%dma_start3A_173, %dma_start3A_174] : memref<10240x16xf32, #tpu.memory_space<vmem_shared>> -> memref<1x16xf32, #tpu.memory_space<vmem_shared>>
        tpu.enqueue_dma source(%dma_start3A_175 : memref<1x16xf32, #tpu.memory_space<vmem_shared>>) target(%dma_start3A_172 : memref<1x16xf32, #tpu.memory_space<hbm>>) target_semaphore(%run_scoped3A_169 : memref<!tpu.dma_semaphore, #tpu.memory_space<semaphore_mem>>)
        %dma_wait3A_176 = arith.constant 6 : i32
        %dma_wait3A_177 = arith.constant 0 : i32
        %dma_wait3A_178 = tpu.memref_slice %arg5[%arg0, %dma_wait3A_176, %dma_wait3A_177] : memref<2x8x16xf32, #tpu.memory_space<hbm>> -> memref<1x1x16xf32, #tpu.memory_space<hbm>>
        %dma_wait3A_179 = tpu.memref_squeeze %dma_wait3A_178 : memref<1x1x16xf32, #tpu.memory_space<hbm>> -> memref<1x16xf32, #tpu.memory_space<hbm>>
        %dma_wait3A_180 = arith.constant 10009 : i32
        %dma_wait3A_181 = arith.constant 0 : i32
        %dma_wait3A_182 = tpu.memref_slice %arg6[%dma_wait3A_180, %dma_wait3A_181] : memref<10240x16xf32, #tpu.memory_space<vmem_shared>> -> memref<1x16xf32, #tpu.memory_space<vmem_shared>>
        tpu.wait_dma2 semaphore(%run_scoped3A_169 : memref<!tpu.dma_semaphore, #tpu.memory_space<semaphore_mem>>) src(%dma_wait3A_182 : memref<1x16xf32, #tpu.memory_space<vmem_shared>>) dst(%dma_wait3A_179 : memref<1x16xf32, #tpu.memory_space<hbm>>)
        tpu.yield
      }) : () -> ()
    } else {
    }
    return
  }
}

#map = affine_map<(d0, d1) -> (0, 0, 0)>
#map1 = affine_map<(d0, d1) -> (0)>
module attributes {stable_mosaic.version = 14 : i64} {
  func.func @deg_kernel(%arg0: i32, %arg1: i32, %arg2: memref<2x2560x128xi32, #tpu.memory_space<hbm>>, %arg3: memref<2048xf32, #tpu.memory_space<hbm>>, %arg4: memref<10240xf32, #tpu.memory_space<hbm>>, %arg5: memref<2x10240x16xf32, #tpu.memory_space<hbm>>, %arg6: memref<10240xf32, #tpu.memory_space<vmem_shared>>, %arg7: memref<16x128xi32, #tpu.memory_space<vmem>>, %arg8: memref<16x128xi32, #tpu.memory_space<vmem>>, %arg9: memref<2048xf32, #tpu.memory_space<vmem>>, %arg10: memref<640xf32, #tpu.memory_space<vmem>>, %arg11: memref<640x16xf32, #tpu.memory_space<vmem>>, %arg12: memref<!tpu.dma_semaphore, #tpu.memory_space<semaphore_mem>>) attributes {dimension_semantics = [#tpu.dimension_semantics<core_parallel>, #tpu.dimension_semantics<subcore_parallel>], iteration_bounds = array<i64: 2, 16>, scalar_prefetch = 0 : i64, scratch_operands = 7 : i64, tpu.core_type = #tpu.core_type<sc_vector_subcore>, window_params = [{transform_indices = #map}, {transform_indices = #map1}, {transform_indices = #map1}, {transform_indices = #map}]} {
    %mul3A = arith.constant 16 : i32
    %mul3A_0 = arith.muli %arg0, %mul3A : i32
    %add3A = arith.addi %mul3A_0, %arg1 : i32
    %mul3A_1 = arith.constant 640 : i32
    %mul3A_2 = arith.muli %arg1, %mul3A_1 : i32
    %mul3A_3 = arith.constant 640 : i32
    %mul3A_4 = arith.muli %arg1, %mul3A_3 : i32
    "tpu.region"() ({
      %run_scoped3A_73 = tpu.sem_alloc : memref<!tpu.dma_semaphore, #tpu.memory_space<semaphore_mem>>
      %dma_start3A = tpu.memref_slice %arg6[%mul3A_4] : memref<10240xf32, #tpu.memory_space<vmem_shared>> -> memref<640xf32, #tpu.memory_space<vmem_shared>>
      %dma_start3A_74 = tpu.memref_slice %arg4[%mul3A_2] : memref<10240xf32, #tpu.memory_space<hbm>> -> memref<640xf32, #tpu.memory_space<hbm>>
      tpu.enqueue_dma source(%dma_start3A_74 : memref<640xf32, #tpu.memory_space<hbm>>) target(%dma_start3A : memref<640xf32, #tpu.memory_space<vmem_shared>>) target_semaphore(%run_scoped3A_73 : memref<!tpu.dma_semaphore, #tpu.memory_space<semaphore_mem>>)
      %dma_wait3A = tpu.memref_slice %arg6[%mul3A_4] : memref<10240xf32, #tpu.memory_space<vmem_shared>> -> memref<640xf32, #tpu.memory_space<vmem_shared>>
      %dma_wait3A_75 = tpu.memref_slice %arg4[%mul3A_2] : memref<10240xf32, #tpu.memory_space<hbm>> -> memref<640xf32, #tpu.memory_space<hbm>>
      tpu.wait_dma2 semaphore(%run_scoped3A_73 : memref<!tpu.dma_semaphore, #tpu.memory_space<semaphore_mem>>) src(%dma_wait3A_75 : memref<640xf32, #tpu.memory_space<hbm>>) dst(%dma_wait3A : memref<640xf32, #tpu.memory_space<vmem_shared>>)
      tpu.yield
    }) : () -> ()
    "tpu.region"() ({
      %run_scoped3A_73 = tpu.sem_alloc : memref<!tpu.dma_semaphore, #tpu.memory_space<semaphore_mem>>
      tpu.enqueue_dma source(%arg3 : memref<2048xf32, #tpu.memory_space<hbm>>) target(%arg9 : memref<2048xf32, #tpu.memory_space<vmem>>) target_semaphore(%run_scoped3A_73 : memref<!tpu.dma_semaphore, #tpu.memory_space<semaphore_mem>>)
      tpu.wait_dma2 semaphore(%run_scoped3A_73 : memref<!tpu.dma_semaphore, #tpu.memory_space<semaphore_mem>>) src(%arg3 : memref<2048xf32, #tpu.memory_space<hbm>>) dst(%arg9 : memref<2048xf32, #tpu.memory_space<vmem>>)
      tpu.yield
    }) : () -> ()
    %barrier3A = arith.constant 0 : index
    tpu.barrier barrier_id(%barrier3A)
    %mul3A_5 = arith.constant 80 : i32
    %mul3A_6 = arith.muli %add3A, %mul3A_5 : i32
    %run_scoped3A = arith.constant 1 : i32
    "tpu.region"() ({
      %run_scoped3A_73 = tpu.sem_alloc : memref<!tpu.dma_semaphore, #tpu.memory_space<semaphore_mem>>
      %dma_start3A = arith.constant 0 : i32
      %dma_start3A_74 = tpu.memref_slice %arg2[%run_scoped3A, %mul3A_6, %dma_start3A] : memref<2x2560x128xi32, #tpu.memory_space<hbm>> -> memref<1x16x128xi32, #tpu.memory_space<hbm>>
      %dma_start3A_75 = tpu.memref_squeeze %dma_start3A_74 : memref<1x16x128xi32, #tpu.memory_space<hbm>> -> memref<16x128xi32, #tpu.memory_space<hbm>>
      %dma_start3A_76 = arith.constant 0 : i32
      %dma_start3A_77 = tpu.memref_slice %arg2[%run_scoped3A, %mul3A_6, %dma_start3A_76] : memref<2x2560x128xi32, #tpu.memory_space<hbm>> -> memref<1x16x128xi32, #tpu.memory_space<hbm>>
      %dma_start3A_78 = tpu.memref_squeeze %dma_start3A_77 : memref<1x16x128xi32, #tpu.memory_space<hbm>> -> memref<16x128xi32, #tpu.memory_space<hbm>>
      tpu.enqueue_dma source(%dma_start3A_78 : memref<16x128xi32, #tpu.memory_space<hbm>>) target(%arg7 : memref<16x128xi32, #tpu.memory_space<vmem>>) target_semaphore(%run_scoped3A_73 : memref<!tpu.dma_semaphore, #tpu.memory_space<semaphore_mem>>)
      %dma_wait3A = arith.constant 0 : i32
      %dma_wait3A_79 = tpu.memref_slice %arg2[%run_scoped3A, %mul3A_6, %dma_wait3A] : memref<2x2560x128xi32, #tpu.memory_space<hbm>> -> memref<1x16x128xi32, #tpu.memory_space<hbm>>
      %dma_wait3A_80 = tpu.memref_squeeze %dma_wait3A_79 : memref<1x16x128xi32, #tpu.memory_space<hbm>> -> memref<16x128xi32, #tpu.memory_space<hbm>>
      %dma_wait3A_81 = arith.constant 0 : i32
      %dma_wait3A_82 = tpu.memref_slice %arg2[%run_scoped3A, %mul3A_6, %dma_wait3A_81] : memref<2x2560x128xi32, #tpu.memory_space<hbm>> -> memref<1x16x128xi32, #tpu.memory_space<hbm>>
      %dma_wait3A_83 = tpu.memref_squeeze %dma_wait3A_82 : memref<1x16x128xi32, #tpu.memory_space<hbm>> -> memref<16x128xi32, #tpu.memory_space<hbm>>
      tpu.wait_dma2 semaphore(%run_scoped3A_73 : memref<!tpu.dma_semaphore, #tpu.memory_space<semaphore_mem>>) src(%dma_wait3A_83 : memref<16x128xi32, #tpu.memory_space<hbm>>) dst(%arg7 : memref<16x128xi32, #tpu.memory_space<vmem>>)
      tpu.yield
    }) : () -> ()
    %scan3A = arith.constant 0 : i32
    %scan3A_7 = arith.constant 0 : i32
    %scan3A_8 = arith.constant 16 : i32
    %scan3A_9 = arith.addi %scan3A_7, %scan3A_8 : i32
    %scan3A_10 = arith.constant 1 : i32
    %scan3A_11 = scf.for %scan3A_73 = %scan3A_7 to %scan3A_9 step %scan3A_10 iter_args(%scan3A_74 = %scan3A) -> (i32)  : i32 {
      %mul3A_75 = arith.constant 128 : i32
      %mul3A_76 = arith.muli %scan3A_73, %mul3A_75 : i32
      %dma_start3A = tpu.memref_slice %arg9[%mul3A_76] : memref<2048xf32, #tpu.memory_space<vmem>> -> memref<128xf32, #tpu.memory_space<vmem>>
      %dma_start3A_77 = arith.constant 0 : i32
      %dma_start3A_78 = tpu.memref_slice %arg7[%scan3A_73, %dma_start3A_77] : memref<16x128xi32, #tpu.memory_space<vmem>> -> memref<1x128xi32, #tpu.memory_space<vmem>>
      %dma_start3A_79 = tpu.memref_squeeze %dma_start3A_78 : memref<1x128xi32, #tpu.memory_space<vmem>> -> memref<128xi32, #tpu.memory_space<vmem>>
      %dma_start3A_80 = arith.constant 0 : i32
      %dma_start3A_81 = tpu.memref_slice %arg6[%dma_start3A_80] : memref<10240xf32, #tpu.memory_space<vmem_shared>> -> memref<10240xf32, #tpu.memory_space<vmem_shared>>
      tpu.enqueue_indirect_dma source(%dma_start3A : memref<128xf32, #tpu.memory_space<vmem>>) target(%dma_start3A_81 : memref<10240xf32, #tpu.memory_space<vmem_shared>>) offsets(%dma_start3A_79 : memref<128xi32, #tpu.memory_space<vmem>>) semaphore(%arg12 : memref<!tpu.dma_semaphore, #tpu.memory_space<semaphore_mem>>) {add = true}
      %scan3A_82 = arith.constant 0 : i32
      scf.yield %scan3A_82 : i32
    }
    %scan3A_12 = arith.constant 16 : i32
    %mul3A_13 = arith.constant 80 : i32
    %mul3A_14 = arith.muli %add3A, %mul3A_13 : i32
    %add3A_15 = arith.constant 16 : i32
    %add3A_16 = arith.addi %mul3A_14, %add3A_15 : i32
    %run_scoped3A_17 = arith.constant 1 : i32
    "tpu.region"() ({
      %run_scoped3A_73 = tpu.sem_alloc : memref<!tpu.dma_semaphore, #tpu.memory_space<semaphore_mem>>
      %dma_start3A = arith.constant 0 : i32
      %dma_start3A_74 = tpu.memref_slice %arg2[%run_scoped3A_17, %add3A_16, %dma_start3A] : memref<2x2560x128xi32, #tpu.memory_space<hbm>> -> memref<1x16x128xi32, #tpu.memory_space<hbm>>
      %dma_start3A_75 = tpu.memref_squeeze %dma_start3A_74 : memref<1x16x128xi32, #tpu.memory_space<hbm>> -> memref<16x128xi32, #tpu.memory_space<hbm>>
      %dma_start3A_76 = arith.constant 0 : i32
      %dma_start3A_77 = tpu.memref_slice %arg2[%run_scoped3A_17, %add3A_16, %dma_start3A_76] : memref<2x2560x128xi32, #tpu.memory_space<hbm>> -> memref<1x16x128xi32, #tpu.memory_space<hbm>>
      %dma_start3A_78 = tpu.memref_squeeze %dma_start3A_77 : memref<1x16x128xi32, #tpu.memory_space<hbm>> -> memref<16x128xi32, #tpu.memory_space<hbm>>
      tpu.enqueue_dma source(%dma_start3A_78 : memref<16x128xi32, #tpu.memory_space<hbm>>) target(%arg8 : memref<16x128xi32, #tpu.memory_space<vmem>>) target_semaphore(%run_scoped3A_73 : memref<!tpu.dma_semaphore, #tpu.memory_space<semaphore_mem>>)
      %dma_wait3A = arith.constant 0 : i32
      %dma_wait3A_79 = tpu.memref_slice %arg2[%run_scoped3A_17, %add3A_16, %dma_wait3A] : memref<2x2560x128xi32, #tpu.memory_space<hbm>> -> memref<1x16x128xi32, #tpu.memory_space<hbm>>
      %dma_wait3A_80 = tpu.memref_squeeze %dma_wait3A_79 : memref<1x16x128xi32, #tpu.memory_space<hbm>> -> memref<16x128xi32, #tpu.memory_space<hbm>>
      %dma_wait3A_81 = arith.constant 0 : i32
      %dma_wait3A_82 = tpu.memref_slice %arg2[%run_scoped3A_17, %add3A_16, %dma_wait3A_81] : memref<2x2560x128xi32, #tpu.memory_space<hbm>> -> memref<1x16x128xi32, #tpu.memory_space<hbm>>
      %dma_wait3A_83 = tpu.memref_squeeze %dma_wait3A_82 : memref<1x16x128xi32, #tpu.memory_space<hbm>> -> memref<16x128xi32, #tpu.memory_space<hbm>>
      tpu.wait_dma2 semaphore(%run_scoped3A_73 : memref<!tpu.dma_semaphore, #tpu.memory_space<semaphore_mem>>) src(%dma_wait3A_83 : memref<16x128xi32, #tpu.memory_space<hbm>>) dst(%arg8 : memref<16x128xi32, #tpu.memory_space<vmem>>)
      tpu.yield
    }) : () -> ()
    tpu.wait_dma2 semaphore(%arg12 : memref<!tpu.dma_semaphore, #tpu.memory_space<semaphore_mem>>) src(%arg3 : memref<2048xf32, #tpu.memory_space<hbm>>) dst(%arg9 : memref<2048xf32, #tpu.memory_space<vmem>>)
    %scan3A_18 = arith.constant 0 : i32
    %scan3A_19 = arith.constant 0 : i32
    %scan3A_20 = arith.constant 16 : i32
    %scan3A_21 = arith.addi %scan3A_19, %scan3A_20 : i32
    %scan3A_22 = arith.constant 1 : i32
    %scan3A_23 = scf.for %scan3A_73 = %scan3A_19 to %scan3A_21 step %scan3A_22 iter_args(%scan3A_74 = %scan3A_18) -> (i32)  : i32 {
      %mul3A_75 = arith.constant 128 : i32
      %mul3A_76 = arith.muli %scan3A_73, %mul3A_75 : i32
      %dma_start3A = tpu.memref_slice %arg9[%mul3A_76] : memref<2048xf32, #tpu.memory_space<vmem>> -> memref<128xf32, #tpu.memory_space<vmem>>
      %dma_start3A_77 = arith.constant 0 : i32
      %dma_start3A_78 = tpu.memref_slice %arg8[%scan3A_73, %dma_start3A_77] : memref<16x128xi32, #tpu.memory_space<vmem>> -> memref<1x128xi32, #tpu.memory_space<vmem>>
      %dma_start3A_79 = tpu.memref_squeeze %dma_start3A_78 : memref<1x128xi32, #tpu.memory_space<vmem>> -> memref<128xi32, #tpu.memory_space<vmem>>
      %dma_start3A_80 = arith.constant 0 : i32
      %dma_start3A_81 = tpu.memref_slice %arg6[%dma_start3A_80] : memref<10240xf32, #tpu.memory_space<vmem_shared>> -> memref<10240xf32, #tpu.memory_space<vmem_shared>>
      tpu.enqueue_indirect_dma source(%dma_start3A : memref<128xf32, #tpu.memory_space<vmem>>) target(%dma_start3A_81 : memref<10240xf32, #tpu.memory_space<vmem_shared>>) offsets(%dma_start3A_79 : memref<128xi32, #tpu.memory_space<vmem>>) semaphore(%arg12 : memref<!tpu.dma_semaphore, #tpu.memory_space<semaphore_mem>>) {add = true}
      %scan3A_82 = arith.constant 0 : i32
      scf.yield %scan3A_82 : i32
    }
    %scan3A_24 = arith.constant 16 : i32
    %mul3A_25 = arith.constant 80 : i32
    %mul3A_26 = arith.muli %add3A, %mul3A_25 : i32
    %add3A_27 = arith.constant 32 : i32
    %add3A_28 = arith.addi %mul3A_26, %add3A_27 : i32
    %run_scoped3A_29 = arith.constant 1 : i32
    "tpu.region"() ({
      %run_scoped3A_73 = tpu.sem_alloc : memref<!tpu.dma_semaphore, #tpu.memory_space<semaphore_mem>>
      %dma_start3A = arith.constant 0 : i32
      %dma_start3A_74 = tpu.memref_slice %arg2[%run_scoped3A_29, %add3A_28, %dma_start3A] : memref<2x2560x128xi32, #tpu.memory_space<hbm>> -> memref<1x16x128xi32, #tpu.memory_space<hbm>>
      %dma_start3A_75 = tpu.memref_squeeze %dma_start3A_74 : memref<1x16x128xi32, #tpu.memory_space<hbm>> -> memref<16x128xi32, #tpu.memory_space<hbm>>
      %dma_start3A_76 = arith.constant 0 : i32
      %dma_start3A_77 = tpu.memref_slice %arg2[%run_scoped3A_29, %add3A_28, %dma_start3A_76] : memref<2x2560x128xi32, #tpu.memory_space<hbm>> -> memref<1x16x128xi32, #tpu.memory_space<hbm>>
      %dma_start3A_78 = tpu.memref_squeeze %dma_start3A_77 : memref<1x16x128xi32, #tpu.memory_space<hbm>> -> memref<16x128xi32, #tpu.memory_space<hbm>>
      tpu.enqueue_dma source(%dma_start3A_78 : memref<16x128xi32, #tpu.memory_space<hbm>>) target(%arg7 : memref<16x128xi32, #tpu.memory_space<vmem>>) target_semaphore(%run_scoped3A_73 : memref<!tpu.dma_semaphore, #tpu.memory_space<semaphore_mem>>)
      %dma_wait3A = arith.constant 0 : i32
      %dma_wait3A_79 = tpu.memref_slice %arg2[%run_scoped3A_29, %add3A_28, %dma_wait3A] : memref<2x2560x128xi32, #tpu.memory_space<hbm>> -> memref<1x16x128xi32, #tpu.memory_space<hbm>>
      %dma_wait3A_80 = tpu.memref_squeeze %dma_wait3A_79 : memref<1x16x128xi32, #tpu.memory_space<hbm>> -> memref<16x128xi32, #tpu.memory_space<hbm>>
      %dma_wait3A_81 = arith.constant 0 : i32
      %dma_wait3A_82 = tpu.memref_slice %arg2[%run_scoped3A_29, %add3A_28, %dma_wait3A_81] : memref<2x2560x128xi32, #tpu.memory_space<hbm>> -> memref<1x16x128xi32, #tpu.memory_space<hbm>>
      %dma_wait3A_83 = tpu.memref_squeeze %dma_wait3A_82 : memref<1x16x128xi32, #tpu.memory_space<hbm>> -> memref<16x128xi32, #tpu.memory_space<hbm>>
      tpu.wait_dma2 semaphore(%run_scoped3A_73 : memref<!tpu.dma_semaphore, #tpu.memory_space<semaphore_mem>>) src(%dma_wait3A_83 : memref<16x128xi32, #tpu.memory_space<hbm>>) dst(%arg7 : memref<16x128xi32, #tpu.memory_space<vmem>>)
      tpu.yield
    }) : () -> ()
    tpu.wait_dma2 semaphore(%arg12 : memref<!tpu.dma_semaphore, #tpu.memory_space<semaphore_mem>>) src(%arg3 : memref<2048xf32, #tpu.memory_space<hbm>>) dst(%arg9 : memref<2048xf32, #tpu.memory_space<vmem>>)
    %scan3A_30 = arith.constant 0 : i32
    %scan3A_31 = arith.constant 0 : i32
    %scan3A_32 = arith.constant 16 : i32
    %scan3A_33 = arith.addi %scan3A_31, %scan3A_32 : i32
    %scan3A_34 = arith.constant 1 : i32
    %scan3A_35 = scf.for %scan3A_73 = %scan3A_31 to %scan3A_33 step %scan3A_34 iter_args(%scan3A_74 = %scan3A_30) -> (i32)  : i32 {
      %mul3A_75 = arith.constant 128 : i32
      %mul3A_76 = arith.muli %scan3A_73, %mul3A_75 : i32
      %dma_start3A = tpu.memref_slice %arg9[%mul3A_76] : memref<2048xf32, #tpu.memory_space<vmem>> -> memref<128xf32, #tpu.memory_space<vmem>>
      %dma_start3A_77 = arith.constant 0 : i32
      %dma_start3A_78 = tpu.memref_slice %arg7[%scan3A_73, %dma_start3A_77] : memref<16x128xi32, #tpu.memory_space<vmem>> -> memref<1x128xi32, #tpu.memory_space<vmem>>
      %dma_start3A_79 = tpu.memref_squeeze %dma_start3A_78 : memref<1x128xi32, #tpu.memory_space<vmem>> -> memref<128xi32, #tpu.memory_space<vmem>>
      %dma_start3A_80 = arith.constant 0 : i32
      %dma_start3A_81 = tpu.memref_slice %arg6[%dma_start3A_80] : memref<10240xf32, #tpu.memory_space<vmem_shared>> -> memref<10240xf32, #tpu.memory_space<vmem_shared>>
      tpu.enqueue_indirect_dma source(%dma_start3A : memref<128xf32, #tpu.memory_space<vmem>>) target(%dma_start3A_81 : memref<10240xf32, #tpu.memory_space<vmem_shared>>) offsets(%dma_start3A_79 : memref<128xi32, #tpu.memory_space<vmem>>) semaphore(%arg12 : memref<!tpu.dma_semaphore, #tpu.memory_space<semaphore_mem>>) {add = true}
      %scan3A_82 = arith.constant 0 : i32
      scf.yield %scan3A_82 : i32
    }
    %scan3A_36 = arith.constant 16 : i32
    %mul3A_37 = arith.constant 80 : i32
    %mul3A_38 = arith.muli %add3A, %mul3A_37 : i32
    %add3A_39 = arith.constant 48 : i32
    %add3A_40 = arith.addi %mul3A_38, %add3A_39 : i32
    %run_scoped3A_41 = arith.constant 1 : i32
    "tpu.region"() ({
      %run_scoped3A_73 = tpu.sem_alloc : memref<!tpu.dma_semaphore, #tpu.memory_space<semaphore_mem>>
      %dma_start3A = arith.constant 0 : i32
      %dma_start3A_74 = tpu.memref_slice %arg2[%run_scoped3A_41, %add3A_40, %dma_start3A] : memref<2x2560x128xi32, #tpu.memory_space<hbm>> -> memref<1x16x128xi32, #tpu.memory_space<hbm>>
      %dma_start3A_75 = tpu.memref_squeeze %dma_start3A_74 : memref<1x16x128xi32, #tpu.memory_space<hbm>> -> memref<16x128xi32, #tpu.memory_space<hbm>>
      %dma_start3A_76 = arith.constant 0 : i32
      %dma_start3A_77 = tpu.memref_slice %arg2[%run_scoped3A_41, %add3A_40, %dma_start3A_76] : memref<2x2560x128xi32, #tpu.memory_space<hbm>> -> memref<1x16x128xi32, #tpu.memory_space<hbm>>
      %dma_start3A_78 = tpu.memref_squeeze %dma_start3A_77 : memref<1x16x128xi32, #tpu.memory_space<hbm>> -> memref<16x128xi32, #tpu.memory_space<hbm>>
      tpu.enqueue_dma source(%dma_start3A_78 : memref<16x128xi32, #tpu.memory_space<hbm>>) target(%arg8 : memref<16x128xi32, #tpu.memory_space<vmem>>) target_semaphore(%run_scoped3A_73 : memref<!tpu.dma_semaphore, #tpu.memory_space<semaphore_mem>>)
      %dma_wait3A = arith.constant 0 : i32
      %dma_wait3A_79 = tpu.memref_slice %arg2[%run_scoped3A_41, %add3A_40, %dma_wait3A] : memref<2x2560x128xi32, #tpu.memory_space<hbm>> -> memref<1x16x128xi32, #tpu.memory_space<hbm>>
      %dma_wait3A_80 = tpu.memref_squeeze %dma_wait3A_79 : memref<1x16x128xi32, #tpu.memory_space<hbm>> -> memref<16x128xi32, #tpu.memory_space<hbm>>
      %dma_wait3A_81 = arith.constant 0 : i32
      %dma_wait3A_82 = tpu.memref_slice %arg2[%run_scoped3A_41, %add3A_40, %dma_wait3A_81] : memref<2x2560x128xi32, #tpu.memory_space<hbm>> -> memref<1x16x128xi32, #tpu.memory_space<hbm>>
      %dma_wait3A_83 = tpu.memref_squeeze %dma_wait3A_82 : memref<1x16x128xi32, #tpu.memory_space<hbm>> -> memref<16x128xi32, #tpu.memory_space<hbm>>
      tpu.wait_dma2 semaphore(%run_scoped3A_73 : memref<!tpu.dma_semaphore, #tpu.memory_space<semaphore_mem>>) src(%dma_wait3A_83 : memref<16x128xi32, #tpu.memory_space<hbm>>) dst(%arg8 : memref<16x128xi32, #tpu.memory_space<vmem>>)
      tpu.yield
    }) : () -> ()
    tpu.wait_dma2 semaphore(%arg12 : memref<!tpu.dma_semaphore, #tpu.memory_space<semaphore_mem>>) src(%arg3 : memref<2048xf32, #tpu.memory_space<hbm>>) dst(%arg9 : memref<2048xf32, #tpu.memory_space<vmem>>)
    %scan3A_42 = arith.constant 0 : i32
    %scan3A_43 = arith.constant 0 : i32
    %scan3A_44 = arith.constant 16 : i32
    %scan3A_45 = arith.addi %scan3A_43, %scan3A_44 : i32
    %scan3A_46 = arith.constant 1 : i32
    %scan3A_47 = scf.for %scan3A_73 = %scan3A_43 to %scan3A_45 step %scan3A_46 iter_args(%scan3A_74 = %scan3A_42) -> (i32)  : i32 {
      %mul3A_75 = arith.constant 128 : i32
      %mul3A_76 = arith.muli %scan3A_73, %mul3A_75 : i32
      %dma_start3A = tpu.memref_slice %arg9[%mul3A_76] : memref<2048xf32, #tpu.memory_space<vmem>> -> memref<128xf32, #tpu.memory_space<vmem>>
      %dma_start3A_77 = arith.constant 0 : i32
      %dma_start3A_78 = tpu.memref_slice %arg8[%scan3A_73, %dma_start3A_77] : memref<16x128xi32, #tpu.memory_space<vmem>> -> memref<1x128xi32, #tpu.memory_space<vmem>>
      %dma_start3A_79 = tpu.memref_squeeze %dma_start3A_78 : memref<1x128xi32, #tpu.memory_space<vmem>> -> memref<128xi32, #tpu.memory_space<vmem>>
      %dma_start3A_80 = arith.constant 0 : i32
      %dma_start3A_81 = tpu.memref_slice %arg6[%dma_start3A_80] : memref<10240xf32, #tpu.memory_space<vmem_shared>> -> memref<10240xf32, #tpu.memory_space<vmem_shared>>
      tpu.enqueue_indirect_dma source(%dma_start3A : memref<128xf32, #tpu.memory_space<vmem>>) target(%dma_start3A_81 : memref<10240xf32, #tpu.memory_space<vmem_shared>>) offsets(%dma_start3A_79 : memref<128xi32, #tpu.memory_space<vmem>>) semaphore(%arg12 : memref<!tpu.dma_semaphore, #tpu.memory_space<semaphore_mem>>) {add = true}
      %scan3A_82 = arith.constant 0 : i32
      scf.yield %scan3A_82 : i32
    }
    %scan3A_48 = arith.constant 16 : i32
    %mul3A_49 = arith.constant 80 : i32
    %mul3A_50 = arith.muli %add3A, %mul3A_49 : i32
    %add3A_51 = arith.constant 64 : i32
    %add3A_52 = arith.addi %mul3A_50, %add3A_51 : i32
    %run_scoped3A_53 = arith.constant 1 : i32
    "tpu.region"() ({
      %run_scoped3A_73 = tpu.sem_alloc : memref<!tpu.dma_semaphore, #tpu.memory_space<semaphore_mem>>
      %dma_start3A = arith.constant 0 : i32
      %dma_start3A_74 = tpu.memref_slice %arg2[%run_scoped3A_53, %add3A_52, %dma_start3A] : memref<2x2560x128xi32, #tpu.memory_space<hbm>> -> memref<1x16x128xi32, #tpu.memory_space<hbm>>
      %dma_start3A_75 = tpu.memref_squeeze %dma_start3A_74 : memref<1x16x128xi32, #tpu.memory_space<hbm>> -> memref<16x128xi32, #tpu.memory_space<hbm>>
      %dma_start3A_76 = arith.constant 0 : i32
      %dma_start3A_77 = tpu.memref_slice %arg2[%run_scoped3A_53, %add3A_52, %dma_start3A_76] : memref<2x2560x128xi32, #tpu.memory_space<hbm>> -> memref<1x16x128xi32, #tpu.memory_space<hbm>>
      %dma_start3A_78 = tpu.memref_squeeze %dma_start3A_77 : memref<1x16x128xi32, #tpu.memory_space<hbm>> -> memref<16x128xi32, #tpu.memory_space<hbm>>
      tpu.enqueue_dma source(%dma_start3A_78 : memref<16x128xi32, #tpu.memory_space<hbm>>) target(%arg7 : memref<16x128xi32, #tpu.memory_space<vmem>>) target_semaphore(%run_scoped3A_73 : memref<!tpu.dma_semaphore, #tpu.memory_space<semaphore_mem>>)
      %dma_wait3A = arith.constant 0 : i32
      %dma_wait3A_79 = tpu.memref_slice %arg2[%run_scoped3A_53, %add3A_52, %dma_wait3A] : memref<2x2560x128xi32, #tpu.memory_space<hbm>> -> memref<1x16x128xi32, #tpu.memory_space<hbm>>
      %dma_wait3A_80 = tpu.memref_squeeze %dma_wait3A_79 : memref<1x16x128xi32, #tpu.memory_space<hbm>> -> memref<16x128xi32, #tpu.memory_space<hbm>>
      %dma_wait3A_81 = arith.constant 0 : i32
      %dma_wait3A_82 = tpu.memref_slice %arg2[%run_scoped3A_53, %add3A_52, %dma_wait3A_81] : memref<2x2560x128xi32, #tpu.memory_space<hbm>> -> memref<1x16x128xi32, #tpu.memory_space<hbm>>
      %dma_wait3A_83 = tpu.memref_squeeze %dma_wait3A_82 : memref<1x16x128xi32, #tpu.memory_space<hbm>> -> memref<16x128xi32, #tpu.memory_space<hbm>>
      tpu.wait_dma2 semaphore(%run_scoped3A_73 : memref<!tpu.dma_semaphore, #tpu.memory_space<semaphore_mem>>) src(%dma_wait3A_83 : memref<16x128xi32, #tpu.memory_space<hbm>>) dst(%arg7 : memref<16x128xi32, #tpu.memory_space<vmem>>)
      tpu.yield
    }) : () -> ()
    tpu.wait_dma2 semaphore(%arg12 : memref<!tpu.dma_semaphore, #tpu.memory_space<semaphore_mem>>) src(%arg3 : memref<2048xf32, #tpu.memory_space<hbm>>) dst(%arg9 : memref<2048xf32, #tpu.memory_space<vmem>>)
    %scan3A_54 = arith.constant 0 : i32
    %scan3A_55 = arith.constant 0 : i32
    %scan3A_56 = arith.constant 16 : i32
    %scan3A_57 = arith.addi %scan3A_55, %scan3A_56 : i32
    %scan3A_58 = arith.constant 1 : i32
    %scan3A_59 = scf.for %scan3A_73 = %scan3A_55 to %scan3A_57 step %scan3A_58 iter_args(%scan3A_74 = %scan3A_54) -> (i32)  : i32 {
      %mul3A_75 = arith.constant 128 : i32
      %mul3A_76 = arith.muli %scan3A_73, %mul3A_75 : i32
      %dma_start3A = tpu.memref_slice %arg9[%mul3A_76] : memref<2048xf32, #tpu.memory_space<vmem>> -> memref<128xf32, #tpu.memory_space<vmem>>
      %dma_start3A_77 = arith.constant 0 : i32
      %dma_start3A_78 = tpu.memref_slice %arg7[%scan3A_73, %dma_start3A_77] : memref<16x128xi32, #tpu.memory_space<vmem>> -> memref<1x128xi32, #tpu.memory_space<vmem>>
      %dma_start3A_79 = tpu.memref_squeeze %dma_start3A_78 : memref<1x128xi32, #tpu.memory_space<vmem>> -> memref<128xi32, #tpu.memory_space<vmem>>
      %dma_start3A_80 = arith.constant 0 : i32
      %dma_start3A_81 = tpu.memref_slice %arg6[%dma_start3A_80] : memref<10240xf32, #tpu.memory_space<vmem_shared>> -> memref<10240xf32, #tpu.memory_space<vmem_shared>>
      tpu.enqueue_indirect_dma source(%dma_start3A : memref<128xf32, #tpu.memory_space<vmem>>) target(%dma_start3A_81 : memref<10240xf32, #tpu.memory_space<vmem_shared>>) offsets(%dma_start3A_79 : memref<128xi32, #tpu.memory_space<vmem>>) semaphore(%arg12 : memref<!tpu.dma_semaphore, #tpu.memory_space<semaphore_mem>>) {add = true}
      %scan3A_82 = arith.constant 0 : i32
      scf.yield %scan3A_82 : i32
    }
    %scan3A_60 = arith.constant 16 : i32
    tpu.wait_dma2 semaphore(%arg12 : memref<!tpu.dma_semaphore, #tpu.memory_space<semaphore_mem>>) src(%arg3 : memref<2048xf32, #tpu.memory_space<hbm>>) dst(%arg9 : memref<2048xf32, #tpu.memory_space<vmem>>)
    %barrier3A_61 = arith.constant 0 : index
    tpu.barrier barrier_id(%barrier3A_61)
    %mul3A_62 = arith.constant 640 : i32
    %mul3A_63 = arith.muli %arg1, %mul3A_62 : i32
    "tpu.region"() ({
      %run_scoped3A_73 = tpu.sem_alloc : memref<!tpu.dma_semaphore, #tpu.memory_space<semaphore_mem>>
      %dma_start3A = tpu.memref_slice %arg6[%mul3A_63] : memref<10240xf32, #tpu.memory_space<vmem_shared>> -> memref<640xf32, #tpu.memory_space<vmem_shared>>
      %dma_start3A_74 = tpu.memref_slice %arg6[%mul3A_63] : memref<10240xf32, #tpu.memory_space<vmem_shared>> -> memref<640xf32, #tpu.memory_space<vmem_shared>>
      tpu.enqueue_dma source(%dma_start3A_74 : memref<640xf32, #tpu.memory_space<vmem_shared>>) target(%arg10 : memref<640xf32, #tpu.memory_space<vmem>>) target_semaphore(%run_scoped3A_73 : memref<!tpu.dma_semaphore, #tpu.memory_space<semaphore_mem>>)
      %dma_wait3A = tpu.memref_slice %arg6[%mul3A_63] : memref<10240xf32, #tpu.memory_space<vmem_shared>> -> memref<640xf32, #tpu.memory_space<vmem_shared>>
      %dma_wait3A_75 = tpu.memref_slice %arg6[%mul3A_63] : memref<10240xf32, #tpu.memory_space<vmem_shared>> -> memref<640xf32, #tpu.memory_space<vmem_shared>>
      tpu.wait_dma2 semaphore(%run_scoped3A_73 : memref<!tpu.dma_semaphore, #tpu.memory_space<semaphore_mem>>) src(%dma_wait3A_75 : memref<640xf32, #tpu.memory_space<vmem_shared>>) dst(%arg10 : memref<640xf32, #tpu.memory_space<vmem>>)
      tpu.yield
    }) : () -> ()
    %scan3A_64 = arith.constant 0 : i32
    %scan3A_65 = arith.constant 0 : i32
    %scan3A_66 = arith.constant 40 : i32
    %scan3A_67 = arith.addi %scan3A_65, %scan3A_66 : i32
    %scan3A_68 = arith.constant 1 : i32
    %scan3A_69 = scf.for %scan3A_73 = %scan3A_65 to %scan3A_67 step %scan3A_68 iter_args(%scan3A_74 = %scan3A_64) -> (i32)  : i32 {
      %mul3A_75 = arith.constant 16 : i32
      %mul3A_76 = arith.muli %scan3A_73, %mul3A_75 : i32
      %get3A = arith.index_cast %mul3A_76 : i32 to index
      %get3A_77 = tpu.vector_load %arg10[%get3A] {strides = array<i32>} : memref<640xf32, #tpu.memory_space<vmem>>, vector<16xf32>,
      %get3A_78 = vector.shape_cast %get3A_77 : vector<16xf32> to vector<16xf32>
      %slice3A = vector.extract_strided_slice %get3A_78 {offsets = [0], sizes = [1], strides = [1]} : vector<16xf32> to vector<1xf32>
      %squeeze3A = vector.extract %slice3A[0] : f32 from vector<1xf32>
      %broadcast_in_dim3A = vector.broadcast %squeeze3A : f32 to vector<16xf32>
      %mul3A_79 = arith.constant 16 : i32
      %mul3A_80 = arith.muli %scan3A_73, %mul3A_79 : i32
      %add3A_81 = arith.constant 0 : i32
      %add3A_82 = arith.addi %mul3A_80, %add3A_81 : i32
      %swap3A = arith.index_cast %add3A_82 : i32 to index
      %swap3A_83 = arith.constant 0 : index
      %swap3A_84 = tpu.vector_load %arg11[%swap3A, %swap3A_83] {strides = array<i32>} : memref<640x16xf32, #tpu.memory_space<vmem>>, vector<1x16xf32>,
      %swap3A_85 = vector.shape_cast %swap3A_84 : vector<1x16xf32> to vector<16xf32>
      %swap3A_86 = vector.shape_cast %broadcast_in_dim3A : vector<16xf32> to vector<1x16xf32>
      tpu.vector_store %arg11[%swap3A, %swap3A_83], %swap3A_86 {strides = array<i32>} : memref<640x16xf32, #tpu.memory_space<vmem>>, vector<1x16xf32>,
      %slice3A_87 = vector.extract_strided_slice %get3A_78 {offsets = [1], sizes = [1], strides = [1]} : vector<16xf32> to vector<1xf32>
      %squeeze3A_88 = vector.extract %slice3A_87[0] : f32 from vector<1xf32>
      %broadcast_in_dim3A_89 = vector.broadcast %squeeze3A_88 : f32 to vector<16xf32>
      %mul3A_90 = arith.constant 16 : i32
      %mul3A_91 = arith.muli %scan3A_73, %mul3A_90 : i32
      %add3A_92 = arith.constant 1 : i32
      %add3A_93 = arith.addi %mul3A_91, %add3A_92 : i32
      %swap3A_94 = arith.index_cast %add3A_93 : i32 to index
      %swap3A_95 = arith.constant 0 : index
      %swap3A_96 = tpu.vector_load %arg11[%swap3A_94, %swap3A_95] {strides = array<i32>} : memref<640x16xf32, #tpu.memory_space<vmem>>, vector<1x16xf32>,
      %swap3A_97 = vector.shape_cast %swap3A_96 : vector<1x16xf32> to vector<16xf32>
      %swap3A_98 = vector.shape_cast %broadcast_in_dim3A_89 : vector<16xf32> to vector<1x16xf32>
      tpu.vector_store %arg11[%swap3A_94, %swap3A_95], %swap3A_98 {strides = array<i32>} : memref<640x16xf32, #tpu.memory_space<vmem>>, vector<1x16xf32>,
      %slice3A_99 = vector.extract_strided_slice %get3A_78 {offsets = [2], sizes = [1], strides = [1]} : vector<16xf32> to vector<1xf32>
      %squeeze3A_100 = vector.extract %slice3A_99[0] : f32 from vector<1xf32>
      %broadcast_in_dim3A_101 = vector.broadcast %squeeze3A_100 : f32 to vector<16xf32>
      %mul3A_102 = arith.constant 16 : i32
      %mul3A_103 = arith.muli %scan3A_73, %mul3A_102 : i32
      %add3A_104 = arith.constant 2 : i32
      %add3A_105 = arith.addi %mul3A_103, %add3A_104 : i32
      %swap3A_106 = arith.index_cast %add3A_105 : i32 to index
      %swap3A_107 = arith.constant 0 : index
      %swap3A_108 = tpu.vector_load %arg11[%swap3A_106, %swap3A_107] {strides = array<i32>} : memref<640x16xf32, #tpu.memory_space<vmem>>, vector<1x16xf32>,
      %swap3A_109 = vector.shape_cast %swap3A_108 : vector<1x16xf32> to vector<16xf32>
      %swap3A_110 = vector.shape_cast %broadcast_in_dim3A_101 : vector<16xf32> to vector<1x16xf32>
      tpu.vector_store %arg11[%swap3A_106, %swap3A_107], %swap3A_110 {strides = array<i32>} : memref<640x16xf32, #tpu.memory_space<vmem>>, vector<1x16xf32>,
      %slice3A_111 = vector.extract_strided_slice %get3A_78 {offsets = [3], sizes = [1], strides = [1]} : vector<16xf32> to vector<1xf32>
      %squeeze3A_112 = vector.extract %slice3A_111[0] : f32 from vector<1xf32>
      %broadcast_in_dim3A_113 = vector.broadcast %squeeze3A_112 : f32 to vector<16xf32>
      %mul3A_114 = arith.constant 16 : i32
      %mul3A_115 = arith.muli %scan3A_73, %mul3A_114 : i32
      %add3A_116 = arith.constant 3 : i32
      %add3A_117 = arith.addi %mul3A_115, %add3A_116 : i32
      %swap3A_118 = arith.index_cast %add3A_117 : i32 to index
      %swap3A_119 = arith.constant 0 : index
      %swap3A_120 = tpu.vector_load %arg11[%swap3A_118, %swap3A_119] {strides = array<i32>} : memref<640x16xf32, #tpu.memory_space<vmem>>, vector<1x16xf32>,
      %swap3A_121 = vector.shape_cast %swap3A_120 : vector<1x16xf32> to vector<16xf32>
      %swap3A_122 = vector.shape_cast %broadcast_in_dim3A_113 : vector<16xf32> to vector<1x16xf32>
      tpu.vector_store %arg11[%swap3A_118, %swap3A_119], %swap3A_122 {strides = array<i32>} : memref<640x16xf32, #tpu.memory_space<vmem>>, vector<1x16xf32>,
      %slice3A_123 = vector.extract_strided_slice %get3A_78 {offsets = [4], sizes = [1], strides = [1]} : vector<16xf32> to vector<1xf32>
      %squeeze3A_124 = vector.extract %slice3A_123[0] : f32 from vector<1xf32>
      %broadcast_in_dim3A_125 = vector.broadcast %squeeze3A_124 : f32 to vector<16xf32>
      %mul3A_126 = arith.constant 16 : i32
      %mul3A_127 = arith.muli %scan3A_73, %mul3A_126 : i32
      %add3A_128 = arith.constant 4 : i32
      %add3A_129 = arith.addi %mul3A_127, %add3A_128 : i32
      %swap3A_130 = arith.index_cast %add3A_129 : i32 to index
      %swap3A_131 = arith.constant 0 : index
      %swap3A_132 = tpu.vector_load %arg11[%swap3A_130, %swap3A_131] {strides = array<i32>} : memref<640x16xf32, #tpu.memory_space<vmem>>, vector<1x16xf32>,
      %swap3A_133 = vector.shape_cast %swap3A_132 : vector<1x16xf32> to vector<16xf32>
      %swap3A_134 = vector.shape_cast %broadcast_in_dim3A_125 : vector<16xf32> to vector<1x16xf32>
      tpu.vector_store %arg11[%swap3A_130, %swap3A_131], %swap3A_134 {strides = array<i32>} : memref<640x16xf32, #tpu.memory_space<vmem>>, vector<1x16xf32>,
      %slice3A_135 = vector.extract_strided_slice %get3A_78 {offsets = [5], sizes = [1], strides = [1]} : vector<16xf32> to vector<1xf32>
      %squeeze3A_136 = vector.extract %slice3A_135[0] : f32 from vector<1xf32>
      %broadcast_in_dim3A_137 = vector.broadcast %squeeze3A_136 : f32 to vector<16xf32>
      %mul3A_138 = arith.constant 16 : i32
      %mul3A_139 = arith.muli %scan3A_73, %mul3A_138 : i32
      %add3A_140 = arith.constant 5 : i32
      %add3A_141 = arith.addi %mul3A_139, %add3A_140 : i32
      %swap3A_142 = arith.index_cast %add3A_141 : i32 to index
      %swap3A_143 = arith.constant 0 : index
      %swap3A_144 = tpu.vector_load %arg11[%swap3A_142, %swap3A_143] {strides = array<i32>} : memref<640x16xf32, #tpu.memory_space<vmem>>, vector<1x16xf32>,
      %swap3A_145 = vector.shape_cast %swap3A_144 : vector<1x16xf32> to vector<16xf32>
      %swap3A_146 = vector.shape_cast %broadcast_in_dim3A_137 : vector<16xf32> to vector<1x16xf32>
      tpu.vector_store %arg11[%swap3A_142, %swap3A_143], %swap3A_146 {strides = array<i32>} : memref<640x16xf32, #tpu.memory_space<vmem>>, vector<1x16xf32>,
      %slice3A_147 = vector.extract_strided_slice %get3A_78 {offsets = [6], sizes = [1], strides = [1]} : vector<16xf32> to vector<1xf32>
      %squeeze3A_148 = vector.extract %slice3A_147[0] : f32 from vector<1xf32>
      %broadcast_in_dim3A_149 = vector.broadcast %squeeze3A_148 : f32 to vector<16xf32>
      %mul3A_150 = arith.constant 16 : i32
      %mul3A_151 = arith.muli %scan3A_73, %mul3A_150 : i32
      %add3A_152 = arith.constant 6 : i32
      %add3A_153 = arith.addi %mul3A_151, %add3A_152 : i32
      %swap3A_154 = arith.index_cast %add3A_153 : i32 to index
      %swap3A_155 = arith.constant 0 : index
      %swap3A_156 = tpu.vector_load %arg11[%swap3A_154, %swap3A_155] {strides = array<i32>} : memref<640x16xf32, #tpu.memory_space<vmem>>, vector<1x16xf32>,
      %swap3A_157 = vector.shape_cast %swap3A_156 : vector<1x16xf32> to vector<16xf32>
      %swap3A_158 = vector.shape_cast %broadcast_in_dim3A_149 : vector<16xf32> to vector<1x16xf32>
      tpu.vector_store %arg11[%swap3A_154, %swap3A_155], %swap3A_158 {strides = array<i32>} : memref<640x16xf32, #tpu.memory_space<vmem>>, vector<1x16xf32>,
      %slice3A_159 = vector.extract_strided_slice %get3A_78 {offsets = [7], sizes = [1], strides = [1]} : vector<16xf32> to vector<1xf32>
      %squeeze3A_160 = vector.extract %slice3A_159[0] : f32 from vector<1xf32>
      %broadcast_in_dim3A_161 = vector.broadcast %squeeze3A_160 : f32 to vector<16xf32>
      %mul3A_162 = arith.constant 16 : i32
      %mul3A_163 = arith.muli %scan3A_73, %mul3A_162 : i32
      %add3A_164 = arith.constant 7 : i32
      %add3A_165 = arith.addi %mul3A_163, %add3A_164 : i32
      %swap3A_166 = arith.index_cast %add3A_165 : i32 to index
      %swap3A_167 = arith.constant 0 : index
      %swap3A_168 = tpu.vector_load %arg11[%swap3A_166, %swap3A_167] {strides = array<i32>} : memref<640x16xf32, #tpu.memory_space<vmem>>, vector<1x16xf32>,
      %swap3A_169 = vector.shape_cast %swap3A_168 : vector<1x16xf32> to vector<16xf32>
      %swap3A_170 = vector.shape_cast %broadcast_in_dim3A_161 : vector<16xf32> to vector<1x16xf32>
      tpu.vector_store %arg11[%swap3A_166, %swap3A_167], %swap3A_170 {strides = array<i32>} : memref<640x16xf32, #tpu.memory_space<vmem>>, vector<1x16xf32>,
      %slice3A_171 = vector.extract_strided_slice %get3A_78 {offsets = [8], sizes = [1], strides = [1]} : vector<16xf32> to vector<1xf32>
      %squeeze3A_172 = vector.extract %slice3A_171[0] : f32 from vector<1xf32>
      %broadcast_in_dim3A_173 = vector.broadcast %squeeze3A_172 : f32 to vector<16xf32>
      %mul3A_174 = arith.constant 16 : i32
      %mul3A_175 = arith.muli %scan3A_73, %mul3A_174 : i32
      %add3A_176 = arith.constant 8 : i32
      %add3A_177 = arith.addi %mul3A_175, %add3A_176 : i32
      %swap3A_178 = arith.index_cast %add3A_177 : i32 to index
      %swap3A_179 = arith.constant 0 : index
      %swap3A_180 = tpu.vector_load %arg11[%swap3A_178, %swap3A_179] {strides = array<i32>} : memref<640x16xf32, #tpu.memory_space<vmem>>, vector<1x16xf32>,
      %swap3A_181 = vector.shape_cast %swap3A_180 : vector<1x16xf32> to vector<16xf32>
      %swap3A_182 = vector.shape_cast %broadcast_in_dim3A_173 : vector<16xf32> to vector<1x16xf32>
      tpu.vector_store %arg11[%swap3A_178, %swap3A_179], %swap3A_182 {strides = array<i32>} : memref<640x16xf32, #tpu.memory_space<vmem>>, vector<1x16xf32>,
      %slice3A_183 = vector.extract_strided_slice %get3A_78 {offsets = [9], sizes = [1], strides = [1]} : vector<16xf32> to vector<1xf32>
      %squeeze3A_184 = vector.extract %slice3A_183[0] : f32 from vector<1xf32>
      %broadcast_in_dim3A_185 = vector.broadcast %squeeze3A_184 : f32 to vector<16xf32>
      %mul3A_186 = arith.constant 16 : i32
      %mul3A_187 = arith.muli %scan3A_73, %mul3A_186 : i32
      %add3A_188 = arith.constant 9 : i32
      %add3A_189 = arith.addi %mul3A_187, %add3A_188 : i32
      %swap3A_190 = arith.index_cast %add3A_189 : i32 to index
      %swap3A_191 = arith.constant 0 : index
      %swap3A_192 = tpu.vector_load %arg11[%swap3A_190, %swap3A_191] {strides = array<i32>} : memref<640x16xf32, #tpu.memory_space<vmem>>, vector<1x16xf32>,
      %swap3A_193 = vector.shape_cast %swap3A_192 : vector<1x16xf32> to vector<16xf32>
      %swap3A_194 = vector.shape_cast %broadcast_in_dim3A_185 : vector<16xf32> to vector<1x16xf32>
      tpu.vector_store %arg11[%swap3A_190, %swap3A_191], %swap3A_194 {strides = array<i32>} : memref<640x16xf32, #tpu.memory_space<vmem>>, vector<1x16xf32>,
      %slice3A_195 = vector.extract_strided_slice %get3A_78 {offsets = [10], sizes = [1], strides = [1]} : vector<16xf32> to vector<1xf32>
      %squeeze3A_196 = vector.extract %slice3A_195[0] : f32 from vector<1xf32>
      %broadcast_in_dim3A_197 = vector.broadcast %squeeze3A_196 : f32 to vector<16xf32>
      %mul3A_198 = arith.constant 16 : i32
      %mul3A_199 = arith.muli %scan3A_73, %mul3A_198 : i32
      %add3A_200 = arith.constant 10 : i32
      %add3A_201 = arith.addi %mul3A_199, %add3A_200 : i32
      %swap3A_202 = arith.index_cast %add3A_201 : i32 to index
      %swap3A_203 = arith.constant 0 : index
      %swap3A_204 = tpu.vector_load %arg11[%swap3A_202, %swap3A_203] {strides = array<i32>} : memref<640x16xf32, #tpu.memory_space<vmem>>, vector<1x16xf32>,
      %swap3A_205 = vector.shape_cast %swap3A_204 : vector<1x16xf32> to vector<16xf32>
      %swap3A_206 = vector.shape_cast %broadcast_in_dim3A_197 : vector<16xf32> to vector<1x16xf32>
      tpu.vector_store %arg11[%swap3A_202, %swap3A_203], %swap3A_206 {strides = array<i32>} : memref<640x16xf32, #tpu.memory_space<vmem>>, vector<1x16xf32>,
      %slice3A_207 = vector.extract_strided_slice %get3A_78 {offsets = [11], sizes = [1], strides = [1]} : vector<16xf32> to vector<1xf32>
      %squeeze3A_208 = vector.extract %slice3A_207[0] : f32 from vector<1xf32>
      %broadcast_in_dim3A_209 = vector.broadcast %squeeze3A_208 : f32 to vector<16xf32>
      %mul3A_210 = arith.constant 16 : i32
      %mul3A_211 = arith.muli %scan3A_73, %mul3A_210 : i32
      %add3A_212 = arith.constant 11 : i32
      %add3A_213 = arith.addi %mul3A_211, %add3A_212 : i32
      %swap3A_214 = arith.index_cast %add3A_213 : i32 to index
      %swap3A_215 = arith.constant 0 : index
      %swap3A_216 = tpu.vector_load %arg11[%swap3A_214, %swap3A_215] {strides = array<i32>} : memref<640x16xf32, #tpu.memory_space<vmem>>, vector<1x16xf32>,
      %swap3A_217 = vector.shape_cast %swap3A_216 : vector<1x16xf32> to vector<16xf32>
      %swap3A_218 = vector.shape_cast %broadcast_in_dim3A_209 : vector<16xf32> to vector<1x16xf32>
      tpu.vector_store %arg11[%swap3A_214, %swap3A_215], %swap3A_218 {strides = array<i32>} : memref<640x16xf32, #tpu.memory_space<vmem>>, vector<1x16xf32>,
      %slice3A_219 = vector.extract_strided_slice %get3A_78 {offsets = [12], sizes = [1], strides = [1]} : vector<16xf32> to vector<1xf32>
      %squeeze3A_220 = vector.extract %slice3A_219[0] : f32 from vector<1xf32>
      %broadcast_in_dim3A_221 = vector.broadcast %squeeze3A_220 : f32 to vector<16xf32>
      %mul3A_222 = arith.constant 16 : i32
      %mul3A_223 = arith.muli %scan3A_73, %mul3A_222 : i32
      %add3A_224 = arith.constant 12 : i32
      %add3A_225 = arith.addi %mul3A_223, %add3A_224 : i32
      %swap3A_226 = arith.index_cast %add3A_225 : i32 to index
      %swap3A_227 = arith.constant 0 : index
      %swap3A_228 = tpu.vector_load %arg11[%swap3A_226, %swap3A_227] {strides = array<i32>} : memref<640x16xf32, #tpu.memory_space<vmem>>, vector<1x16xf32>,
      %swap3A_229 = vector.shape_cast %swap3A_228 : vector<1x16xf32> to vector<16xf32>
      %swap3A_230 = vector.shape_cast %broadcast_in_dim3A_221 : vector<16xf32> to vector<1x16xf32>
      tpu.vector_store %arg11[%swap3A_226, %swap3A_227], %swap3A_230 {strides = array<i32>} : memref<640x16xf32, #tpu.memory_space<vmem>>, vector<1x16xf32>,
      %slice3A_231 = vector.extract_strided_slice %get3A_78 {offsets = [13], sizes = [1], strides = [1]} : vector<16xf32> to vector<1xf32>
      %squeeze3A_232 = vector.extract %slice3A_231[0] : f32 from vector<1xf32>
      %broadcast_in_dim3A_233 = vector.broadcast %squeeze3A_232 : f32 to vector<16xf32>
      %mul3A_234 = arith.constant 16 : i32
      %mul3A_235 = arith.muli %scan3A_73, %mul3A_234 : i32
      %add3A_236 = arith.constant 13 : i32
      %add3A_237 = arith.addi %mul3A_235, %add3A_236 : i32
      %swap3A_238 = arith.index_cast %add3A_237 : i32 to index
      %swap3A_239 = arith.constant 0 : index
      %swap3A_240 = tpu.vector_load %arg11[%swap3A_238, %swap3A_239] {strides = array<i32>} : memref<640x16xf32, #tpu.memory_space<vmem>>, vector<1x16xf32>,
      %swap3A_241 = vector.shape_cast %swap3A_240 : vector<1x16xf32> to vector<16xf32>
      %swap3A_242 = vector.shape_cast %broadcast_in_dim3A_233 : vector<16xf32> to vector<1x16xf32>
      tpu.vector_store %arg11[%swap3A_238, %swap3A_239], %swap3A_242 {strides = array<i32>} : memref<640x16xf32, #tpu.memory_space<vmem>>, vector<1x16xf32>,
      %slice3A_243 = vector.extract_strided_slice %get3A_78 {offsets = [14], sizes = [1], strides = [1]} : vector<16xf32> to vector<1xf32>
      %squeeze3A_244 = vector.extract %slice3A_243[0] : f32 from vector<1xf32>
      %broadcast_in_dim3A_245 = vector.broadcast %squeeze3A_244 : f32 to vector<16xf32>
      %mul3A_246 = arith.constant 16 : i32
      %mul3A_247 = arith.muli %scan3A_73, %mul3A_246 : i32
      %add3A_248 = arith.constant 14 : i32
      %add3A_249 = arith.addi %mul3A_247, %add3A_248 : i32
      %swap3A_250 = arith.index_cast %add3A_249 : i32 to index
      %swap3A_251 = arith.constant 0 : index
      %swap3A_252 = tpu.vector_load %arg11[%swap3A_250, %swap3A_251] {strides = array<i32>} : memref<640x16xf32, #tpu.memory_space<vmem>>, vector<1x16xf32>,
      %swap3A_253 = vector.shape_cast %swap3A_252 : vector<1x16xf32> to vector<16xf32>
      %swap3A_254 = vector.shape_cast %broadcast_in_dim3A_245 : vector<16xf32> to vector<1x16xf32>
      tpu.vector_store %arg11[%swap3A_250, %swap3A_251], %swap3A_254 {strides = array<i32>} : memref<640x16xf32, #tpu.memory_space<vmem>>, vector<1x16xf32>,
      %slice3A_255 = vector.extract_strided_slice %get3A_78 {offsets = [15], sizes = [1], strides = [1]} : vector<16xf32> to vector<1xf32>
      %squeeze3A_256 = vector.extract %slice3A_255[0] : f32 from vector<1xf32>
      %broadcast_in_dim3A_257 = vector.broadcast %squeeze3A_256 : f32 to vector<16xf32>
      %mul3A_258 = arith.constant 16 : i32
      %mul3A_259 = arith.muli %scan3A_73, %mul3A_258 : i32
      %add3A_260 = arith.constant 15 : i32
      %add3A_261 = arith.addi %mul3A_259, %add3A_260 : i32
      %swap3A_262 = arith.index_cast %add3A_261 : i32 to index
      %swap3A_263 = arith.constant 0 : index
      %swap3A_264 = tpu.vector_load %arg11[%swap3A_262, %swap3A_263] {strides = array<i32>} : memref<640x16xf32, #tpu.memory_space<vmem>>, vector<1x16xf32>,
      %swap3A_265 = vector.shape_cast %swap3A_264 : vector<1x16xf32> to vector<16xf32>
      %swap3A_266 = vector.shape_cast %broadcast_in_dim3A_257 : vector<16xf32> to vector<1x16xf32>
      tpu.vector_store %arg11[%swap3A_262, %swap3A_263], %swap3A_266 {strides = array<i32>} : memref<640x16xf32, #tpu.memory_space<vmem>>, vector<1x16xf32>,
      %scan3A_267 = arith.constant 0 : i32
      scf.yield %scan3A_267 : i32
    }
    %scan3A_70 = arith.constant 40 : i32
    %mul3A_71 = arith.constant 640 : i32
    %mul3A_72 = arith.muli %arg1, %mul3A_71 : i32
    "tpu.region"() ({
      %run_scoped3A_73 = tpu.sem_alloc : memref<!tpu.dma_semaphore, #tpu.memory_space<semaphore_mem>>
      %dma_start3A = arith.constant 0 : i32
      %dma_start3A_74 = tpu.memref_slice %arg5[%arg0, %mul3A_72, %dma_start3A] : memref<2x10240x16xf32, #tpu.memory_space<hbm>> -> memref<1x640x16xf32, #tpu.memory_space<hbm>>
      %dma_start3A_75 = tpu.memref_squeeze %dma_start3A_74 : memref<1x640x16xf32, #tpu.memory_space<hbm>> -> memref<640x16xf32, #tpu.memory_space<hbm>>
      %dma_start3A_76 = arith.constant 0 : i32
      %dma_start3A_77 = tpu.memref_slice %arg5[%arg0, %mul3A_72, %dma_start3A_76] : memref<2x10240x16xf32, #tpu.memory_space<hbm>> -> memref<1x640x16xf32, #tpu.memory_space<hbm>>
      %dma_start3A_78 = tpu.memref_squeeze %dma_start3A_77 : memref<1x640x16xf32, #tpu.memory_space<hbm>> -> memref<640x16xf32, #tpu.memory_space<hbm>>
      tpu.enqueue_dma source(%arg11 : memref<640x16xf32, #tpu.memory_space<vmem>>) target(%dma_start3A_78 : memref<640x16xf32, #tpu.memory_space<hbm>>) target_semaphore(%run_scoped3A_73 : memref<!tpu.dma_semaphore, #tpu.memory_space<semaphore_mem>>)
      %dma_wait3A = arith.constant 0 : i32
      %dma_wait3A_79 = tpu.memref_slice %arg5[%arg0, %mul3A_72, %dma_wait3A] : memref<2x10240x16xf32, #tpu.memory_space<hbm>> -> memref<1x640x16xf32, #tpu.memory_space<hbm>>
      %dma_wait3A_80 = tpu.memref_squeeze %dma_wait3A_79 : memref<1x640x16xf32, #tpu.memory_space<hbm>> -> memref<640x16xf32, #tpu.memory_space<hbm>>
      %dma_wait3A_81 = arith.constant 0 : i32
      %dma_wait3A_82 = tpu.memref_slice %arg5[%arg0, %mul3A_72, %dma_wait3A_81] : memref<2x10240x16xf32, #tpu.memory_space<hbm>> -> memref<1x640x16xf32, #tpu.memory_space<hbm>>
      %dma_wait3A_83 = tpu.memref_squeeze %dma_wait3A_82 : memref<1x640x16xf32, #tpu.memory_space<hbm>> -> memref<640x16xf32, #tpu.memory_space<hbm>>
      tpu.wait_dma2 semaphore(%run_scoped3A_73 : memref<!tpu.dma_semaphore, #tpu.memory_space<semaphore_mem>>) src(%arg11 : memref<640x16xf32, #tpu.memory_space<vmem>>) dst(%dma_wait3A_83 : memref<640x16xf32, #tpu.memory_space<hbm>>)
      tpu.yield
    }) : () -> ()
    return
  }
}

#map = affine_map<(d0, d1) -> (0, 0, 0)>
#map1 = affine_map<(d0, d1) -> (0, 0)>
module attributes {stable_mosaic.version = 14 : i64} {
  func.func @agg_kernel(%arg0: i32, %arg1: i32, %arg2: memref<2x2560x128xi32, #tpu.memory_space<hbm>>, %arg3: memref<10240x16xf32, #tpu.memory_space<hbm>>, %arg4: memref<10240x16xf32, #tpu.memory_space<hbm>>, %arg5: memref<2x10240x16xf32, #tpu.memory_space<hbm>>, %arg6: memref<10240x16xf32, #tpu.memory_space<vmem_shared>>, %arg7: memref<10240x16xf32, #tpu.memory_space<vmem_shared>>, %arg8: memref<16x128xi32, #tpu.memory_space<vmem>>, %arg9: memref<16x128xi32, #tpu.memory_space<vmem>>, %arg10: memref<16x128xi32, #tpu.memory_space<vmem>>, %arg11: memref<16x128xi32, #tpu.memory_space<vmem>>, %arg12: memref<2048x16xf32, #tpu.memory_space<vmem>>, %arg13: memref<2048x16xf32, #tpu.memory_space<vmem>>, %arg14: memref<!tpu.dma_semaphore, #tpu.memory_space<semaphore_mem>>, %arg15: memref<!tpu.dma_semaphore, #tpu.memory_space<semaphore_mem>>) attributes {dimension_semantics = [#tpu.dimension_semantics<core_parallel>, #tpu.dimension_semantics<subcore_parallel>], iteration_bounds = array<i64: 2, 16>, scalar_prefetch = 0 : i64, scratch_operands = 10 : i64, tpu.core_type = #tpu.core_type<sc_vector_subcore>, window_params = [{transform_indices = #map}, {transform_indices = #map1}, {transform_indices = #map1}, {transform_indices = #map}]} {
    %mul3A = arith.constant 16 : i32
    %mul3A_0 = arith.muli %arg0, %mul3A : i32
    %add3A = arith.addi %mul3A_0, %arg1 : i32
    %mul3A_1 = arith.constant 640 : i32
    %mul3A_2 = arith.muli %arg1, %mul3A_1 : i32
    %mul3A_3 = arith.constant 640 : i32
    %mul3A_4 = arith.muli %arg1, %mul3A_3 : i32
    "tpu.region"() ({
      %run_scoped3A_171 = tpu.sem_alloc : memref<!tpu.dma_semaphore, #tpu.memory_space<semaphore_mem>>
      %dma_start3A = arith.constant 0 : i32
      %dma_start3A_172 = tpu.memref_slice %arg6[%mul3A_4, %dma_start3A] : memref<10240x16xf32, #tpu.memory_space<vmem_shared>> -> memref<640x16xf32, #tpu.memory_space<vmem_shared>>
      %dma_start3A_173 = arith.constant 0 : i32
      %dma_start3A_174 = tpu.memref_slice %arg4[%mul3A_2, %dma_start3A_173] : memref<10240x16xf32, #tpu.memory_space<hbm>> -> memref<640x16xf32, #tpu.memory_space<hbm>>
      tpu.enqueue_dma source(%dma_start3A_174 : memref<640x16xf32, #tpu.memory_space<hbm>>) target(%dma_start3A_172 : memref<640x16xf32, #tpu.memory_space<vmem_shared>>) target_semaphore(%run_scoped3A_171 : memref<!tpu.dma_semaphore, #tpu.memory_space<semaphore_mem>>)
      %dma_wait3A_175 = arith.constant 0 : i32
      %dma_wait3A_176 = tpu.memref_slice %arg6[%mul3A_4, %dma_wait3A_175] : memref<10240x16xf32, #tpu.memory_space<vmem_shared>> -> memref<640x16xf32, #tpu.memory_space<vmem_shared>>
      %dma_wait3A_177 = arith.constant 0 : i32
      %dma_wait3A_178 = tpu.memref_slice %arg4[%mul3A_2, %dma_wait3A_177] : memref<10240x16xf32, #tpu.memory_space<hbm>> -> memref<640x16xf32, #tpu.memory_space<hbm>>
      tpu.wait_dma2 semaphore(%run_scoped3A_171 : memref<!tpu.dma_semaphore, #tpu.memory_space<semaphore_mem>>) src(%dma_wait3A_178 : memref<640x16xf32, #tpu.memory_space<hbm>>) dst(%dma_wait3A_176 : memref<640x16xf32, #tpu.memory_space<vmem_shared>>)
      tpu.yield
    }) : () -> ()
    %mul3A_5 = arith.constant 640 : i32
    %mul3A_6 = arith.muli %arg1, %mul3A_5 : i32
    %mul3A_7 = arith.constant 640 : i32
    %mul3A_8 = arith.muli %arg1, %mul3A_7 : i32
    "tpu.region"() ({
      %run_scoped3A_171 = tpu.sem_alloc : memref<!tpu.dma_semaphore, #tpu.memory_space<semaphore_mem>>
      %dma_start3A = arith.constant 0 : i32
      %dma_start3A_172 = tpu.memref_slice %arg7[%mul3A_8, %dma_start3A] : memref<10240x16xf32, #tpu.memory_space<vmem_shared>> -> memref<640x16xf32, #tpu.memory_space<vmem_shared>>
      %dma_start3A_173 = arith.constant 0 : i32
      %dma_start3A_174 = tpu.memref_slice %arg3[%mul3A_6, %dma_start3A_173] : memref<10240x16xf32, #tpu.memory_space<hbm>> -> memref<640x16xf32, #tpu.memory_space<hbm>>
      tpu.enqueue_dma source(%dma_start3A_174 : memref<640x16xf32, #tpu.memory_space<hbm>>) target(%dma_start3A_172 : memref<640x16xf32, #tpu.memory_space<vmem_shared>>) target_semaphore(%run_scoped3A_171 : memref<!tpu.dma_semaphore, #tpu.memory_space<semaphore_mem>>)
      %dma_wait3A_175 = arith.constant 0 : i32
      %dma_wait3A_176 = tpu.memref_slice %arg7[%mul3A_8, %dma_wait3A_175] : memref<10240x16xf32, #tpu.memory_space<vmem_shared>> -> memref<640x16xf32, #tpu.memory_space<vmem_shared>>
      %dma_wait3A_177 = arith.constant 0 : i32
      %dma_wait3A_178 = tpu.memref_slice %arg3[%mul3A_6, %dma_wait3A_177] : memref<10240x16xf32, #tpu.memory_space<hbm>> -> memref<640x16xf32, #tpu.memory_space<hbm>>
      tpu.wait_dma2 semaphore(%run_scoped3A_171 : memref<!tpu.dma_semaphore, #tpu.memory_space<semaphore_mem>>) src(%dma_wait3A_178 : memref<640x16xf32, #tpu.memory_space<hbm>>) dst(%dma_wait3A_176 : memref<640x16xf32, #tpu.memory_space<vmem_shared>>)
      tpu.yield
    }) : () -> ()
    %barrier3A = arith.constant 0 : index
    tpu.barrier barrier_id(%barrier3A)
    %mul3A_9 = arith.constant 80 : i32
    %mul3A_10 = arith.muli %add3A, %mul3A_9 : i32
    %add3A_11 = arith.constant 0 : i32
    %add3A_12 = arith.addi %mul3A_10, %add3A_11 : i32
    %run_scoped3A = arith.constant 0 : i32
    "tpu.region"() ({
      %run_scoped3A_171 = tpu.sem_alloc : memref<!tpu.dma_semaphore, #tpu.memory_space<semaphore_mem>>
      %dma_start3A = arith.constant 0 : i32
      %dma_start3A_172 = tpu.memref_slice %arg2[%run_scoped3A, %add3A_12, %dma_start3A] : memref<2x2560x128xi32, #tpu.memory_space<hbm>> -> memref<1x16x128xi32, #tpu.memory_space<hbm>>
      %dma_start3A_173 = tpu.memref_squeeze %dma_start3A_172 : memref<1x16x128xi32, #tpu.memory_space<hbm>> -> memref<16x128xi32, #tpu.memory_space<hbm>>
      %dma_start3A_174 = arith.constant 0 : i32
      %dma_start3A_175 = tpu.memref_slice %arg2[%run_scoped3A, %add3A_12, %dma_start3A_174] : memref<2x2560x128xi32, #tpu.memory_space<hbm>> -> memref<1x16x128xi32, #tpu.memory_space<hbm>>
      %dma_start3A_176 = tpu.memref_squeeze %dma_start3A_175 : memref<1x16x128xi32, #tpu.memory_space<hbm>> -> memref<16x128xi32, #tpu.memory_space<hbm>>
      tpu.enqueue_dma source(%dma_start3A_176 : memref<16x128xi32, #tpu.memory_space<hbm>>) target(%arg8 : memref<16x128xi32, #tpu.memory_space<vmem>>) target_semaphore(%run_scoped3A_171 : memref<!tpu.dma_semaphore, #tpu.memory_space<semaphore_mem>>)
      %dma_wait3A_177 = arith.constant 0 : i32
      %dma_wait3A_178 = tpu.memref_slice %arg2[%run_scoped3A, %add3A_12, %dma_wait3A_177] : memref<2x2560x128xi32, #tpu.memory_space<hbm>> -> memref<1x16x128xi32, #tpu.memory_space<hbm>>
      %dma_wait3A_179 = tpu.memref_squeeze %dma_wait3A_178 : memref<1x16x128xi32, #tpu.memory_space<hbm>> -> memref<16x128xi32, #tpu.memory_space<hbm>>
      %dma_wait3A_180 = arith.constant 0 : i32
      %dma_wait3A_181 = tpu.memref_slice %arg2[%run_scoped3A, %add3A_12, %dma_wait3A_180] : memref<2x2560x128xi32, #tpu.memory_space<hbm>> -> memref<1x16x128xi32, #tpu.memory_space<hbm>>
      %dma_wait3A_182 = tpu.memref_squeeze %dma_wait3A_181 : memref<1x16x128xi32, #tpu.memory_space<hbm>> -> memref<16x128xi32, #tpu.memory_space<hbm>>
      tpu.wait_dma2 semaphore(%run_scoped3A_171 : memref<!tpu.dma_semaphore, #tpu.memory_space<semaphore_mem>>) src(%dma_wait3A_182 : memref<16x128xi32, #tpu.memory_space<hbm>>) dst(%arg8 : memref<16x128xi32, #tpu.memory_space<vmem>>)
      tpu.yield
    }) : () -> ()
    %run_scoped3A_13 = arith.constant 1 : i32
    "tpu.region"() ({
      %run_scoped3A_171 = tpu.sem_alloc : memref<!tpu.dma_semaphore, #tpu.memory_space<semaphore_mem>>
      %dma_start3A = arith.constant 0 : i32
      %dma_start3A_172 = tpu.memref_slice %arg2[%run_scoped3A_13, %add3A_12, %dma_start3A] : memref<2x2560x128xi32, #tpu.memory_space<hbm>> -> memref<1x16x128xi32, #tpu.memory_space<hbm>>
      %dma_start3A_173 = tpu.memref_squeeze %dma_start3A_172 : memref<1x16x128xi32, #tpu.memory_space<hbm>> -> memref<16x128xi32, #tpu.memory_space<hbm>>
      %dma_start3A_174 = arith.constant 0 : i32
      %dma_start3A_175 = tpu.memref_slice %arg2[%run_scoped3A_13, %add3A_12, %dma_start3A_174] : memref<2x2560x128xi32, #tpu.memory_space<hbm>> -> memref<1x16x128xi32, #tpu.memory_space<hbm>>
      %dma_start3A_176 = tpu.memref_squeeze %dma_start3A_175 : memref<1x16x128xi32, #tpu.memory_space<hbm>> -> memref<16x128xi32, #tpu.memory_space<hbm>>
      tpu.enqueue_dma source(%dma_start3A_176 : memref<16x128xi32, #tpu.memory_space<hbm>>) target(%arg10 : memref<16x128xi32, #tpu.memory_space<vmem>>) target_semaphore(%run_scoped3A_171 : memref<!tpu.dma_semaphore, #tpu.memory_space<semaphore_mem>>)
      %dma_wait3A_177 = arith.constant 0 : i32
      %dma_wait3A_178 = tpu.memref_slice %arg2[%run_scoped3A_13, %add3A_12, %dma_wait3A_177] : memref<2x2560x128xi32, #tpu.memory_space<hbm>> -> memref<1x16x128xi32, #tpu.memory_space<hbm>>
      %dma_wait3A_179 = tpu.memref_squeeze %dma_wait3A_178 : memref<1x16x128xi32, #tpu.memory_space<hbm>> -> memref<16x128xi32, #tpu.memory_space<hbm>>
      %dma_wait3A_180 = arith.constant 0 : i32
      %dma_wait3A_181 = tpu.memref_slice %arg2[%run_scoped3A_13, %add3A_12, %dma_wait3A_180] : memref<2x2560x128xi32, #tpu.memory_space<hbm>> -> memref<1x16x128xi32, #tpu.memory_space<hbm>>
      %dma_wait3A_182 = tpu.memref_squeeze %dma_wait3A_181 : memref<1x16x128xi32, #tpu.memory_space<hbm>> -> memref<16x128xi32, #tpu.memory_space<hbm>>
      tpu.wait_dma2 semaphore(%run_scoped3A_171 : memref<!tpu.dma_semaphore, #tpu.memory_space<semaphore_mem>>) src(%dma_wait3A_182 : memref<16x128xi32, #tpu.memory_space<hbm>>) dst(%arg10 : memref<16x128xi32, #tpu.memory_space<vmem>>)
      tpu.yield
    }) : () -> ()
    %scan3A = arith.constant 0 : i32
    %scan3A_14 = arith.constant 0 : i32
    %scan3A_15 = arith.constant 16 : i32
    %scan3A_16 = arith.addi %scan3A_14, %scan3A_15 : i32
    %scan3A_17 = arith.constant 1 : i32
    %scan3A_18 = scf.for %scan3A_171 = %scan3A_14 to %scan3A_16 step %scan3A_17 iter_args(%scan3A_172 = %scan3A) -> (i32)  : i32 {
      %mul3A_173 = arith.constant 128 : i32
      %mul3A_174 = arith.muli %scan3A_171, %mul3A_173 : i32
      %dma_start3A = arith.constant 0 : i32
      %dma_start3A_175 = tpu.memref_slice %arg12[%mul3A_174, %dma_start3A] : memref<2048x16xf32, #tpu.memory_space<vmem>> -> memref<128x16xf32, #tpu.memory_space<vmem>>
      %dma_start3A_176 = arith.constant 0 : i32
      %dma_start3A_177 = tpu.memref_slice %arg8[%scan3A_171, %dma_start3A_176] : memref<16x128xi32, #tpu.memory_space<vmem>> -> memref<1x128xi32, #tpu.memory_space<vmem>>
      %dma_start3A_178 = tpu.memref_squeeze %dma_start3A_177 : memref<1x128xi32, #tpu.memory_space<vmem>> -> memref<128xi32, #tpu.memory_space<vmem>>
      %dma_start3A_179 = arith.constant 0 : i32
      %dma_start3A_180 = arith.constant 0 : i32
      %dma_start3A_181 = tpu.memref_slice %arg7[%dma_start3A_179, %dma_start3A_180] : memref<10240x16xf32, #tpu.memory_space<vmem_shared>> -> memref<10240x16xf32, #tpu.memory_space<vmem_shared>>
      tpu.enqueue_indirect_dma source(%dma_start3A_181 : memref<10240x16xf32, #tpu.memory_space<vmem_shared>>) target(%dma_start3A_175 : memref<128x16xf32, #tpu.memory_space<vmem>>) offsets(%dma_start3A_178 : memref<128xi32, #tpu.memory_space<vmem>>) semaphore(%arg14 : memref<!tpu.dma_semaphore, #tpu.memory_space<semaphore_mem>>)
      %scan3A_182 = arith.constant 0 : i32
      scf.yield %scan3A_182 : i32
    }
    %scan3A_19 = arith.constant 16 : i32
    %dma_wait3A = arith.constant 0 : i32
    %dma_wait3A_20 = arith.constant 0 : i32
    %dma_wait3A_21 = tpu.memref_slice %arg4[%dma_wait3A, %dma_wait3A_20] : memref<10240x16xf32, #tpu.memory_space<hbm>> -> memref<2048x16xf32, #tpu.memory_space<hbm>>
    %dma_wait3A_22 = arith.constant 0 : i32
    %dma_wait3A_23 = arith.constant 0 : i32
    %dma_wait3A_24 = tpu.memref_slice %arg4[%dma_wait3A_22, %dma_wait3A_23] : memref<10240x16xf32, #tpu.memory_space<hbm>> -> memref<2048x16xf32, #tpu.memory_space<hbm>>
    tpu.wait_dma2 semaphore(%arg14 : memref<!tpu.dma_semaphore, #tpu.memory_space<semaphore_mem>>) src(%dma_wait3A_24 : memref<2048x16xf32, #tpu.memory_space<hbm>>) dst(%arg12 : memref<2048x16xf32, #tpu.memory_space<vmem>>)
    %scan3A_25 = arith.constant 0 : i32
    %scan3A_26 = arith.constant 0 : i32
    %scan3A_27 = arith.constant 16 : i32
    %scan3A_28 = arith.addi %scan3A_26, %scan3A_27 : i32
    %scan3A_29 = arith.constant 1 : i32
    %scan3A_30 = scf.for %scan3A_171 = %scan3A_26 to %scan3A_28 step %scan3A_29 iter_args(%scan3A_172 = %scan3A_25) -> (i32)  : i32 {
      %mul3A_173 = arith.constant 128 : i32
      %mul3A_174 = arith.muli %scan3A_171, %mul3A_173 : i32
      %dma_start3A = arith.constant 0 : i32
      %dma_start3A_175 = tpu.memref_slice %arg12[%mul3A_174, %dma_start3A] : memref<2048x16xf32, #tpu.memory_space<vmem>> -> memref<128x16xf32, #tpu.memory_space<vmem>>
      %dma_start3A_176 = arith.constant 0 : i32
      %dma_start3A_177 = tpu.memref_slice %arg10[%scan3A_171, %dma_start3A_176] : memref<16x128xi32, #tpu.memory_space<vmem>> -> memref<1x128xi32, #tpu.memory_space<vmem>>
      %dma_start3A_178 = tpu.memref_squeeze %dma_start3A_177 : memref<1x128xi32, #tpu.memory_space<vmem>> -> memref<128xi32, #tpu.memory_space<vmem>>
      %dma_start3A_179 = arith.constant 0 : i32
      %dma_start3A_180 = arith.constant 0 : i32
      %dma_start3A_181 = tpu.memref_slice %arg6[%dma_start3A_179, %dma_start3A_180] : memref<10240x16xf32, #tpu.memory_space<vmem_shared>> -> memref<10240x16xf32, #tpu.memory_space<vmem_shared>>
      tpu.enqueue_indirect_dma source(%dma_start3A_175 : memref<128x16xf32, #tpu.memory_space<vmem>>) target(%dma_start3A_181 : memref<10240x16xf32, #tpu.memory_space<vmem_shared>>) offsets(%dma_start3A_178 : memref<128xi32, #tpu.memory_space<vmem>>) semaphore(%arg15 : memref<!tpu.dma_semaphore, #tpu.memory_space<semaphore_mem>>) {add = true}
      %scan3A_182 = arith.constant 0 : i32
      scf.yield %scan3A_182 : i32
    }
    %scan3A_31 = arith.constant 16 : i32
    %mul3A_32 = arith.constant 80 : i32
    %mul3A_33 = arith.muli %add3A, %mul3A_32 : i32
    %add3A_34 = arith.constant 16 : i32
    %add3A_35 = arith.addi %mul3A_33, %add3A_34 : i32
    %run_scoped3A_36 = arith.constant 0 : i32
    "tpu.region"() ({
      %run_scoped3A_171 = tpu.sem_alloc : memref<!tpu.dma_semaphore, #tpu.memory_space<semaphore_mem>>
      %dma_start3A = arith.constant 0 : i32
      %dma_start3A_172 = tpu.memref_slice %arg2[%run_scoped3A_36, %add3A_35, %dma_start3A] : memref<2x2560x128xi32, #tpu.memory_space<hbm>> -> memref<1x16x128xi32, #tpu.memory_space<hbm>>
      %dma_start3A_173 = tpu.memref_squeeze %dma_start3A_172 : memref<1x16x128xi32, #tpu.memory_space<hbm>> -> memref<16x128xi32, #tpu.memory_space<hbm>>
      %dma_start3A_174 = arith.constant 0 : i32
      %dma_start3A_175 = tpu.memref_slice %arg2[%run_scoped3A_36, %add3A_35, %dma_start3A_174] : memref<2x2560x128xi32, #tpu.memory_space<hbm>> -> memref<1x16x128xi32, #tpu.memory_space<hbm>>
      %dma_start3A_176 = tpu.memref_squeeze %dma_start3A_175 : memref<1x16x128xi32, #tpu.memory_space<hbm>> -> memref<16x128xi32, #tpu.memory_space<hbm>>
      tpu.enqueue_dma source(%dma_start3A_176 : memref<16x128xi32, #tpu.memory_space<hbm>>) target(%arg9 : memref<16x128xi32, #tpu.memory_space<vmem>>) target_semaphore(%run_scoped3A_171 : memref<!tpu.dma_semaphore, #tpu.memory_space<semaphore_mem>>)
      %dma_wait3A_177 = arith.constant 0 : i32
      %dma_wait3A_178 = tpu.memref_slice %arg2[%run_scoped3A_36, %add3A_35, %dma_wait3A_177] : memref<2x2560x128xi32, #tpu.memory_space<hbm>> -> memref<1x16x128xi32, #tpu.memory_space<hbm>>
      %dma_wait3A_179 = tpu.memref_squeeze %dma_wait3A_178 : memref<1x16x128xi32, #tpu.memory_space<hbm>> -> memref<16x128xi32, #tpu.memory_space<hbm>>
      %dma_wait3A_180 = arith.constant 0 : i32
      %dma_wait3A_181 = tpu.memref_slice %arg2[%run_scoped3A_36, %add3A_35, %dma_wait3A_180] : memref<2x2560x128xi32, #tpu.memory_space<hbm>> -> memref<1x16x128xi32, #tpu.memory_space<hbm>>
      %dma_wait3A_182 = tpu.memref_squeeze %dma_wait3A_181 : memref<1x16x128xi32, #tpu.memory_space<hbm>> -> memref<16x128xi32, #tpu.memory_space<hbm>>
      tpu.wait_dma2 semaphore(%run_scoped3A_171 : memref<!tpu.dma_semaphore, #tpu.memory_space<semaphore_mem>>) src(%dma_wait3A_182 : memref<16x128xi32, #tpu.memory_space<hbm>>) dst(%arg9 : memref<16x128xi32, #tpu.memory_space<vmem>>)
      tpu.yield
    }) : () -> ()
    %run_scoped3A_37 = arith.constant 1 : i32
    "tpu.region"() ({
      %run_scoped3A_171 = tpu.sem_alloc : memref<!tpu.dma_semaphore, #tpu.memory_space<semaphore_mem>>
      %dma_start3A = arith.constant 0 : i32
      %dma_start3A_172 = tpu.memref_slice %arg2[%run_scoped3A_37, %add3A_35, %dma_start3A] : memref<2x2560x128xi32, #tpu.memory_space<hbm>> -> memref<1x16x128xi32, #tpu.memory_space<hbm>>
      %dma_start3A_173 = tpu.memref_squeeze %dma_start3A_172 : memref<1x16x128xi32, #tpu.memory_space<hbm>> -> memref<16x128xi32, #tpu.memory_space<hbm>>
      %dma_start3A_174 = arith.constant 0 : i32
      %dma_start3A_175 = tpu.memref_slice %arg2[%run_scoped3A_37, %add3A_35, %dma_start3A_174] : memref<2x2560x128xi32, #tpu.memory_space<hbm>> -> memref<1x16x128xi32, #tpu.memory_space<hbm>>
      %dma_start3A_176 = tpu.memref_squeeze %dma_start3A_175 : memref<1x16x128xi32, #tpu.memory_space<hbm>> -> memref<16x128xi32, #tpu.memory_space<hbm>>
      tpu.enqueue_dma source(%dma_start3A_176 : memref<16x128xi32, #tpu.memory_space<hbm>>) target(%arg11 : memref<16x128xi32, #tpu.memory_space<vmem>>) target_semaphore(%run_scoped3A_171 : memref<!tpu.dma_semaphore, #tpu.memory_space<semaphore_mem>>)
      %dma_wait3A_177 = arith.constant 0 : i32
      %dma_wait3A_178 = tpu.memref_slice %arg2[%run_scoped3A_37, %add3A_35, %dma_wait3A_177] : memref<2x2560x128xi32, #tpu.memory_space<hbm>> -> memref<1x16x128xi32, #tpu.memory_space<hbm>>
      %dma_wait3A_179 = tpu.memref_squeeze %dma_wait3A_178 : memref<1x16x128xi32, #tpu.memory_space<hbm>> -> memref<16x128xi32, #tpu.memory_space<hbm>>
      %dma_wait3A_180 = arith.constant 0 : i32
      %dma_wait3A_181 = tpu.memref_slice %arg2[%run_scoped3A_37, %add3A_35, %dma_wait3A_180] : memref<2x2560x128xi32, #tpu.memory_space<hbm>> -> memref<1x16x128xi32, #tpu.memory_space<hbm>>
      %dma_wait3A_182 = tpu.memref_squeeze %dma_wait3A_181 : memref<1x16x128xi32, #tpu.memory_space<hbm>> -> memref<16x128xi32, #tpu.memory_space<hbm>>
      tpu.wait_dma2 semaphore(%run_scoped3A_171 : memref<!tpu.dma_semaphore, #tpu.memory_space<semaphore_mem>>) src(%dma_wait3A_182 : memref<16x128xi32, #tpu.memory_space<hbm>>) dst(%arg11 : memref<16x128xi32, #tpu.memory_space<vmem>>)
      tpu.yield
    }) : () -> ()
    %scan3A_38 = arith.constant 0 : i32
    %scan3A_39 = arith.constant 0 : i32
    %scan3A_40 = arith.constant 16 : i32
    %scan3A_41 = arith.addi %scan3A_39, %scan3A_40 : i32
    %scan3A_42 = arith.constant 1 : i32
    %scan3A_43 = scf.for %scan3A_171 = %scan3A_39 to %scan3A_41 step %scan3A_42 iter_args(%scan3A_172 = %scan3A_38) -> (i32)  : i32 {
      %mul3A_173 = arith.constant 128 : i32
      %mul3A_174 = arith.muli %scan3A_171, %mul3A_173 : i32
      %dma_start3A = arith.constant 0 : i32
      %dma_start3A_175 = tpu.memref_slice %arg13[%mul3A_174, %dma_start3A] : memref<2048x16xf32, #tpu.memory_space<vmem>> -> memref<128x16xf32, #tpu.memory_space<vmem>>
      %dma_start3A_176 = arith.constant 0 : i32
      %dma_start3A_177 = tpu.memref_slice %arg9[%scan3A_171, %dma_start3A_176] : memref<16x128xi32, #tpu.memory_space<vmem>> -> memref<1x128xi32, #tpu.memory_space<vmem>>
      %dma_start3A_178 = tpu.memref_squeeze %dma_start3A_177 : memref<1x128xi32, #tpu.memory_space<vmem>> -> memref<128xi32, #tpu.memory_space<vmem>>
      %dma_start3A_179 = arith.constant 0 : i32
      %dma_start3A_180 = arith.constant 0 : i32
      %dma_start3A_181 = tpu.memref_slice %arg7[%dma_start3A_179, %dma_start3A_180] : memref<10240x16xf32, #tpu.memory_space<vmem_shared>> -> memref<10240x16xf32, #tpu.memory_space<vmem_shared>>
      tpu.enqueue_indirect_dma source(%dma_start3A_181 : memref<10240x16xf32, #tpu.memory_space<vmem_shared>>) target(%dma_start3A_175 : memref<128x16xf32, #tpu.memory_space<vmem>>) offsets(%dma_start3A_178 : memref<128xi32, #tpu.memory_space<vmem>>) semaphore(%arg14 : memref<!tpu.dma_semaphore, #tpu.memory_space<semaphore_mem>>)
      %scan3A_182 = arith.constant 0 : i32
      scf.yield %scan3A_182 : i32
    }
    %scan3A_44 = arith.constant 16 : i32
    %dma_wait3A_45 = arith.constant 0 : i32
    %dma_wait3A_46 = arith.constant 0 : i32
    %dma_wait3A_47 = tpu.memref_slice %arg4[%dma_wait3A_45, %dma_wait3A_46] : memref<10240x16xf32, #tpu.memory_space<hbm>> -> memref<2048x16xf32, #tpu.memory_space<hbm>>
    %dma_wait3A_48 = arith.constant 0 : i32
    %dma_wait3A_49 = arith.constant 0 : i32
    %dma_wait3A_50 = tpu.memref_slice %arg4[%dma_wait3A_48, %dma_wait3A_49] : memref<10240x16xf32, #tpu.memory_space<hbm>> -> memref<2048x16xf32, #tpu.memory_space<hbm>>
    tpu.wait_dma2 semaphore(%arg15 : memref<!tpu.dma_semaphore, #tpu.memory_space<semaphore_mem>>) src(%dma_wait3A_50 : memref<2048x16xf32, #tpu.memory_space<hbm>>) dst(%arg12 : memref<2048x16xf32, #tpu.memory_space<vmem>>)
    %dma_wait3A_51 = arith.constant 0 : i32
    %dma_wait3A_52 = arith.constant 0 : i32
    %dma_wait3A_53 = tpu.memref_slice %arg4[%dma_wait3A_51, %dma_wait3A_52] : memref<10240x16xf32, #tpu.memory_space<hbm>> -> memref<2048x16xf32, #tpu.memory_space<hbm>>
    %dma_wait3A_54 = arith.constant 0 : i32
    %dma_wait3A_55 = arith.constant 0 : i32
    %dma_wait3A_56 = tpu.memref_slice %arg4[%dma_wait3A_54, %dma_wait3A_55] : memref<10240x16xf32, #tpu.memory_space<hbm>> -> memref<2048x16xf32, #tpu.memory_space<hbm>>
    tpu.wait_dma2 semaphore(%arg14 : memref<!tpu.dma_semaphore, #tpu.memory_space<semaphore_mem>>) src(%dma_wait3A_56 : memref<2048x16xf32, #tpu.memory_space<hbm>>) dst(%arg12 : memref<2048x16xf32, #tpu.memory_space<vmem>>)
    %scan3A_57 = arith.constant 0 : i32
    %scan3A_58 = arith.constant 0 : i32
    %scan3A_59 = arith.constant 16 : i32
    %scan3A_60 = arith.addi %scan3A_58, %scan3A_59 : i32
    %scan3A_61 = arith.constant 1 : i32
    %scan3A_62 = scf.for %scan3A_171 = %scan3A_58 to %scan3A_60 step %scan3A_61 iter_args(%scan3A_172 = %scan3A_57) -> (i32)  : i32 {
      %mul3A_173 = arith.constant 128 : i32
      %mul3A_174 = arith.muli %scan3A_171, %mul3A_173 : i32
      %dma_start3A = arith.constant 0 : i32
      %dma_start3A_175 = tpu.memref_slice %arg13[%mul3A_174, %dma_start3A] : memref<2048x16xf32, #tpu.memory_space<vmem>> -> memref<128x16xf32, #tpu.memory_space<vmem>>
      %dma_start3A_176 = arith.constant 0 : i32
      %dma_start3A_177 = tpu.memref_slice %arg11[%scan3A_171, %dma_start3A_176] : memref<16x128xi32, #tpu.memory_space<vmem>> -> memref<1x128xi32, #tpu.memory_space<vmem>>
      %dma_start3A_178 = tpu.memref_squeeze %dma_start3A_177 : memref<1x128xi32, #tpu.memory_space<vmem>> -> memref<128xi32, #tpu.memory_space<vmem>>
      %dma_start3A_179 = arith.constant 0 : i32
      %dma_start3A_180 = arith.constant 0 : i32
      %dma_start3A_181 = tpu.memref_slice %arg6[%dma_start3A_179, %dma_start3A_180] : memref<10240x16xf32, #tpu.memory_space<vmem_shared>> -> memref<10240x16xf32, #tpu.memory_space<vmem_shared>>
      tpu.enqueue_indirect_dma source(%dma_start3A_175 : memref<128x16xf32, #tpu.memory_space<vmem>>) target(%dma_start3A_181 : memref<10240x16xf32, #tpu.memory_space<vmem_shared>>) offsets(%dma_start3A_178 : memref<128xi32, #tpu.memory_space<vmem>>) semaphore(%arg15 : memref<!tpu.dma_semaphore, #tpu.memory_space<semaphore_mem>>) {add = true}
      %scan3A_182 = arith.constant 0 : i32
      scf.yield %scan3A_182 : i32
    }
    %scan3A_63 = arith.constant 16 : i32
    %mul3A_64 = arith.constant 80 : i32
    %mul3A_65 = arith.muli %add3A, %mul3A_64 : i32
    %add3A_66 = arith.constant 32 : i32
    %add3A_67 = arith.addi %mul3A_65, %add3A_66 : i32
    %run_scoped3A_68 = arith.constant 0 : i32
    "tpu.region"() ({
      %run_scoped3A_171 = tpu.sem_alloc : memref<!tpu.dma_semaphore, #tpu.memory_space<semaphore_mem>>
      %dma_start3A = arith.constant 0 : i32
      %dma_start3A_172 = tpu.memref_slice %arg2[%run_scoped3A_68, %add3A_67, %dma_start3A] : memref<2x2560x128xi32, #tpu.memory_space<hbm>> -> memref<1x16x128xi32, #tpu.memory_space<hbm>>
      %dma_start3A_173 = tpu.memref_squeeze %dma_start3A_172 : memref<1x16x128xi32, #tpu.memory_space<hbm>> -> memref<16x128xi32, #tpu.memory_space<hbm>>
      %dma_start3A_174 = arith.constant 0 : i32
      %dma_start3A_175 = tpu.memref_slice %arg2[%run_scoped3A_68, %add3A_67, %dma_start3A_174] : memref<2x2560x128xi32, #tpu.memory_space<hbm>> -> memref<1x16x128xi32, #tpu.memory_space<hbm>>
      %dma_start3A_176 = tpu.memref_squeeze %dma_start3A_175 : memref<1x16x128xi32, #tpu.memory_space<hbm>> -> memref<16x128xi32, #tpu.memory_space<hbm>>
      tpu.enqueue_dma source(%dma_start3A_176 : memref<16x128xi32, #tpu.memory_space<hbm>>) target(%arg8 : memref<16x128xi32, #tpu.memory_space<vmem>>) target_semaphore(%run_scoped3A_171 : memref<!tpu.dma_semaphore, #tpu.memory_space<semaphore_mem>>)
      %dma_wait3A_177 = arith.constant 0 : i32
      %dma_wait3A_178 = tpu.memref_slice %arg2[%run_scoped3A_68, %add3A_67, %dma_wait3A_177] : memref<2x2560x128xi32, #tpu.memory_space<hbm>> -> memref<1x16x128xi32, #tpu.memory_space<hbm>>
      %dma_wait3A_179 = tpu.memref_squeeze %dma_wait3A_178 : memref<1x16x128xi32, #tpu.memory_space<hbm>> -> memref<16x128xi32, #tpu.memory_space<hbm>>
      %dma_wait3A_180 = arith.constant 0 : i32
      %dma_wait3A_181 = tpu.memref_slice %arg2[%run_scoped3A_68, %add3A_67, %dma_wait3A_180] : memref<2x2560x128xi32, #tpu.memory_space<hbm>> -> memref<1x16x128xi32, #tpu.memory_space<hbm>>
      %dma_wait3A_182 = tpu.memref_squeeze %dma_wait3A_181 : memref<1x16x128xi32, #tpu.memory_space<hbm>> -> memref<16x128xi32, #tpu.memory_space<hbm>>
      tpu.wait_dma2 semaphore(%run_scoped3A_171 : memref<!tpu.dma_semaphore, #tpu.memory_space<semaphore_mem>>) src(%dma_wait3A_182 : memref<16x128xi32, #tpu.memory_space<hbm>>) dst(%arg8 : memref<16x128xi32, #tpu.memory_space<vmem>>)
      tpu.yield
    }) : () -> ()
    %run_scoped3A_69 = arith.constant 1 : i32
    "tpu.region"() ({
      %run_scoped3A_171 = tpu.sem_alloc : memref<!tpu.dma_semaphore, #tpu.memory_space<semaphore_mem>>
      %dma_start3A = arith.constant 0 : i32
      %dma_start3A_172 = tpu.memref_slice %arg2[%run_scoped3A_69, %add3A_67, %dma_start3A] : memref<2x2560x128xi32, #tpu.memory_space<hbm>> -> memref<1x16x128xi32, #tpu.memory_space<hbm>>
      %dma_start3A_173 = tpu.memref_squeeze %dma_start3A_172 : memref<1x16x128xi32, #tpu.memory_space<hbm>> -> memref<16x128xi32, #tpu.memory_space<hbm>>
      %dma_start3A_174 = arith.constant 0 : i32
      %dma_start3A_175 = tpu.memref_slice %arg2[%run_scoped3A_69, %add3A_67, %dma_start3A_174] : memref<2x2560x128xi32, #tpu.memory_space<hbm>> -> memref<1x16x128xi32, #tpu.memory_space<hbm>>
      %dma_start3A_176 = tpu.memref_squeeze %dma_start3A_175 : memref<1x16x128xi32, #tpu.memory_space<hbm>> -> memref<16x128xi32, #tpu.memory_space<hbm>>
      tpu.enqueue_dma source(%dma_start3A_176 : memref<16x128xi32, #tpu.memory_space<hbm>>) target(%arg10 : memref<16x128xi32, #tpu.memory_space<vmem>>) target_semaphore(%run_scoped3A_171 : memref<!tpu.dma_semaphore, #tpu.memory_space<semaphore_mem>>)
      %dma_wait3A_177 = arith.constant 0 : i32
      %dma_wait3A_178 = tpu.memref_slice %arg2[%run_scoped3A_69, %add3A_67, %dma_wait3A_177] : memref<2x2560x128xi32, #tpu.memory_space<hbm>> -> memref<1x16x128xi32, #tpu.memory_space<hbm>>
      %dma_wait3A_179 = tpu.memref_squeeze %dma_wait3A_178 : memref<1x16x128xi32, #tpu.memory_space<hbm>> -> memref<16x128xi32, #tpu.memory_space<hbm>>
      %dma_wait3A_180 = arith.constant 0 : i32
      %dma_wait3A_181 = tpu.memref_slice %arg2[%run_scoped3A_69, %add3A_67, %dma_wait3A_180] : memref<2x2560x128xi32, #tpu.memory_space<hbm>> -> memref<1x16x128xi32, #tpu.memory_space<hbm>>
      %dma_wait3A_182 = tpu.memref_squeeze %dma_wait3A_181 : memref<1x16x128xi32, #tpu.memory_space<hbm>> -> memref<16x128xi32, #tpu.memory_space<hbm>>
      tpu.wait_dma2 semaphore(%run_scoped3A_171 : memref<!tpu.dma_semaphore, #tpu.memory_space<semaphore_mem>>) src(%dma_wait3A_182 : memref<16x128xi32, #tpu.memory_space<hbm>>) dst(%arg10 : memref<16x128xi32, #tpu.memory_space<vmem>>)
      tpu.yield
    }) : () -> ()
    %scan3A_70 = arith.constant 0 : i32
    %scan3A_71 = arith.constant 0 : i32
    %scan3A_72 = arith.constant 16 : i32
    %scan3A_73 = arith.addi %scan3A_71, %scan3A_72 : i32
    %scan3A_74 = arith.constant 1 : i32
    %scan3A_75 = scf.for %scan3A_171 = %scan3A_71 to %scan3A_73 step %scan3A_74 iter_args(%scan3A_172 = %scan3A_70) -> (i32)  : i32 {
      %mul3A_173 = arith.constant 128 : i32
      %mul3A_174 = arith.muli %scan3A_171, %mul3A_173 : i32
      %dma_start3A = arith.constant 0 : i32
      %dma_start3A_175 = tpu.memref_slice %arg12[%mul3A_174, %dma_start3A] : memref<2048x16xf32, #tpu.memory_space<vmem>> -> memref<128x16xf32, #tpu.memory_space<vmem>>
      %dma_start3A_176 = arith.constant 0 : i32
      %dma_start3A_177 = tpu.memref_slice %arg8[%scan3A_171, %dma_start3A_176] : memref<16x128xi32, #tpu.memory_space<vmem>> -> memref<1x128xi32, #tpu.memory_space<vmem>>
      %dma_start3A_178 = tpu.memref_squeeze %dma_start3A_177 : memref<1x128xi32, #tpu.memory_space<vmem>> -> memref<128xi32, #tpu.memory_space<vmem>>
      %dma_start3A_179 = arith.constant 0 : i32
      %dma_start3A_180 = arith.constant 0 : i32
      %dma_start3A_181 = tpu.memref_slice %arg7[%dma_start3A_179, %dma_start3A_180] : memref<10240x16xf32, #tpu.memory_space<vmem_shared>> -> memref<10240x16xf32, #tpu.memory_space<vmem_shared>>
      tpu.enqueue_indirect_dma source(%dma_start3A_181 : memref<10240x16xf32, #tpu.memory_space<vmem_shared>>) target(%dma_start3A_175 : memref<128x16xf32, #tpu.memory_space<vmem>>) offsets(%dma_start3A_178 : memref<128xi32, #tpu.memory_space<vmem>>) semaphore(%arg14 : memref<!tpu.dma_semaphore, #tpu.memory_space<semaphore_mem>>)
      %scan3A_182 = arith.constant 0 : i32
      scf.yield %scan3A_182 : i32
    }
    %scan3A_76 = arith.constant 16 : i32
    %dma_wait3A_77 = arith.constant 0 : i32
    %dma_wait3A_78 = arith.constant 0 : i32
    %dma_wait3A_79 = tpu.memref_slice %arg4[%dma_wait3A_77, %dma_wait3A_78] : memref<10240x16xf32, #tpu.memory_space<hbm>> -> memref<2048x16xf32, #tpu.memory_space<hbm>>
    %dma_wait3A_80 = arith.constant 0 : i32
    %dma_wait3A_81 = arith.constant 0 : i32
    %dma_wait3A_82 = tpu.memref_slice %arg4[%dma_wait3A_80, %dma_wait3A_81] : memref<10240x16xf32, #tpu.memory_space<hbm>> -> memref<2048x16xf32, #tpu.memory_space<hbm>>
    tpu.wait_dma2 semaphore(%arg15 : memref<!tpu.dma_semaphore, #tpu.memory_space<semaphore_mem>>) src(%dma_wait3A_82 : memref<2048x16xf32, #tpu.memory_space<hbm>>) dst(%arg12 : memref<2048x16xf32, #tpu.memory_space<vmem>>)
    %dma_wait3A_83 = arith.constant 0 : i32
    %dma_wait3A_84 = arith.constant 0 : i32
    %dma_wait3A_85 = tpu.memref_slice %arg4[%dma_wait3A_83, %dma_wait3A_84] : memref<10240x16xf32, #tpu.memory_space<hbm>> -> memref<2048x16xf32, #tpu.memory_space<hbm>>
    %dma_wait3A_86 = arith.constant 0 : i32
    %dma_wait3A_87 = arith.constant 0 : i32
    %dma_wait3A_88 = tpu.memref_slice %arg4[%dma_wait3A_86, %dma_wait3A_87] : memref<10240x16xf32, #tpu.memory_space<hbm>> -> memref<2048x16xf32, #tpu.memory_space<hbm>>
    tpu.wait_dma2 semaphore(%arg14 : memref<!tpu.dma_semaphore, #tpu.memory_space<semaphore_mem>>) src(%dma_wait3A_88 : memref<2048x16xf32, #tpu.memory_space<hbm>>) dst(%arg12 : memref<2048x16xf32, #tpu.memory_space<vmem>>)
    %scan3A_89 = arith.constant 0 : i32
    %scan3A_90 = arith.constant 0 : i32
    %scan3A_91 = arith.constant 16 : i32
    %scan3A_92 = arith.addi %scan3A_90, %scan3A_91 : i32
    %scan3A_93 = arith.constant 1 : i32
    %scan3A_94 = scf.for %scan3A_171 = %scan3A_90 to %scan3A_92 step %scan3A_93 iter_args(%scan3A_172 = %scan3A_89) -> (i32)  : i32 {
      %mul3A_173 = arith.constant 128 : i32
      %mul3A_174 = arith.muli %scan3A_171, %mul3A_173 : i32
      %dma_start3A = arith.constant 0 : i32
      %dma_start3A_175 = tpu.memref_slice %arg12[%mul3A_174, %dma_start3A] : memref<2048x16xf32, #tpu.memory_space<vmem>> -> memref<128x16xf32, #tpu.memory_space<vmem>>
      %dma_start3A_176 = arith.constant 0 : i32
      %dma_start3A_177 = tpu.memref_slice %arg10[%scan3A_171, %dma_start3A_176] : memref<16x128xi32, #tpu.memory_space<vmem>> -> memref<1x128xi32, #tpu.memory_space<vmem>>
      %dma_start3A_178 = tpu.memref_squeeze %dma_start3A_177 : memref<1x128xi32, #tpu.memory_space<vmem>> -> memref<128xi32, #tpu.memory_space<vmem>>
      %dma_start3A_179 = arith.constant 0 : i32
      %dma_start3A_180 = arith.constant 0 : i32
      %dma_start3A_181 = tpu.memref_slice %arg6[%dma_start3A_179, %dma_start3A_180] : memref<10240x16xf32, #tpu.memory_space<vmem_shared>> -> memref<10240x16xf32, #tpu.memory_space<vmem_shared>>
      tpu.enqueue_indirect_dma source(%dma_start3A_175 : memref<128x16xf32, #tpu.memory_space<vmem>>) target(%dma_start3A_181 : memref<10240x16xf32, #tpu.memory_space<vmem_shared>>) offsets(%dma_start3A_178 : memref<128xi32, #tpu.memory_space<vmem>>) semaphore(%arg15 : memref<!tpu.dma_semaphore, #tpu.memory_space<semaphore_mem>>) {add = true}
      %scan3A_182 = arith.constant 0 : i32
      scf.yield %scan3A_182 : i32
    }
    %scan3A_95 = arith.constant 16 : i32
    %mul3A_96 = arith.constant 80 : i32
    %mul3A_97 = arith.muli %add3A, %mul3A_96 : i32
    %add3A_98 = arith.constant 48 : i32
    %add3A_99 = arith.addi %mul3A_97, %add3A_98 : i32
    %run_scoped3A_100 = arith.constant 0 : i32
    "tpu.region"() ({
      %run_scoped3A_171 = tpu.sem_alloc : memref<!tpu.dma_semaphore, #tpu.memory_space<semaphore_mem>>
      %dma_start3A = arith.constant 0 : i32
      %dma_start3A_172 = tpu.memref_slice %arg2[%run_scoped3A_100, %add3A_99, %dma_start3A] : memref<2x2560x128xi32, #tpu.memory_space<hbm>> -> memref<1x16x128xi32, #tpu.memory_space<hbm>>
      %dma_start3A_173 = tpu.memref_squeeze %dma_start3A_172 : memref<1x16x128xi32, #tpu.memory_space<hbm>> -> memref<16x128xi32, #tpu.memory_space<hbm>>
      %dma_start3A_174 = arith.constant 0 : i32
      %dma_start3A_175 = tpu.memref_slice %arg2[%run_scoped3A_100, %add3A_99, %dma_start3A_174] : memref<2x2560x128xi32, #tpu.memory_space<hbm>> -> memref<1x16x128xi32, #tpu.memory_space<hbm>>
      %dma_start3A_176 = tpu.memref_squeeze %dma_start3A_175 : memref<1x16x128xi32, #tpu.memory_space<hbm>> -> memref<16x128xi32, #tpu.memory_space<hbm>>
      tpu.enqueue_dma source(%dma_start3A_176 : memref<16x128xi32, #tpu.memory_space<hbm>>) target(%arg9 : memref<16x128xi32, #tpu.memory_space<vmem>>) target_semaphore(%run_scoped3A_171 : memref<!tpu.dma_semaphore, #tpu.memory_space<semaphore_mem>>)
      %dma_wait3A_177 = arith.constant 0 : i32
      %dma_wait3A_178 = tpu.memref_slice %arg2[%run_scoped3A_100, %add3A_99, %dma_wait3A_177] : memref<2x2560x128xi32, #tpu.memory_space<hbm>> -> memref<1x16x128xi32, #tpu.memory_space<hbm>>
      %dma_wait3A_179 = tpu.memref_squeeze %dma_wait3A_178 : memref<1x16x128xi32, #tpu.memory_space<hbm>> -> memref<16x128xi32, #tpu.memory_space<hbm>>
      %dma_wait3A_180 = arith.constant 0 : i32
      %dma_wait3A_181 = tpu.memref_slice %arg2[%run_scoped3A_100, %add3A_99, %dma_wait3A_180] : memref<2x2560x128xi32, #tpu.memory_space<hbm>> -> memref<1x16x128xi32, #tpu.memory_space<hbm>>
      %dma_wait3A_182 = tpu.memref_squeeze %dma_wait3A_181 : memref<1x16x128xi32, #tpu.memory_space<hbm>> -> memref<16x128xi32, #tpu.memory_space<hbm>>
      tpu.wait_dma2 semaphore(%run_scoped3A_171 : memref<!tpu.dma_semaphore, #tpu.memory_space<semaphore_mem>>) src(%dma_wait3A_182 : memref<16x128xi32, #tpu.memory_space<hbm>>) dst(%arg9 : memref<16x128xi32, #tpu.memory_space<vmem>>)
      tpu.yield
    }) : () -> ()
    %run_scoped3A_101 = arith.constant 1 : i32
    "tpu.region"() ({
      %run_scoped3A_171 = tpu.sem_alloc : memref<!tpu.dma_semaphore, #tpu.memory_space<semaphore_mem>>
      %dma_start3A = arith.constant 0 : i32
      %dma_start3A_172 = tpu.memref_slice %arg2[%run_scoped3A_101, %add3A_99, %dma_start3A] : memref<2x2560x128xi32, #tpu.memory_space<hbm>> -> memref<1x16x128xi32, #tpu.memory_space<hbm>>
      %dma_start3A_173 = tpu.memref_squeeze %dma_start3A_172 : memref<1x16x128xi32, #tpu.memory_space<hbm>> -> memref<16x128xi32, #tpu.memory_space<hbm>>
      %dma_start3A_174 = arith.constant 0 : i32
      %dma_start3A_175 = tpu.memref_slice %arg2[%run_scoped3A_101, %add3A_99, %dma_start3A_174] : memref<2x2560x128xi32, #tpu.memory_space<hbm>> -> memref<1x16x128xi32, #tpu.memory_space<hbm>>
      %dma_start3A_176 = tpu.memref_squeeze %dma_start3A_175 : memref<1x16x128xi32, #tpu.memory_space<hbm>> -> memref<16x128xi32, #tpu.memory_space<hbm>>
      tpu.enqueue_dma source(%dma_start3A_176 : memref<16x128xi32, #tpu.memory_space<hbm>>) target(%arg11 : memref<16x128xi32, #tpu.memory_space<vmem>>) target_semaphore(%run_scoped3A_171 : memref<!tpu.dma_semaphore, #tpu.memory_space<semaphore_mem>>)
      %dma_wait3A_177 = arith.constant 0 : i32
      %dma_wait3A_178 = tpu.memref_slice %arg2[%run_scoped3A_101, %add3A_99, %dma_wait3A_177] : memref<2x2560x128xi32, #tpu.memory_space<hbm>> -> memref<1x16x128xi32, #tpu.memory_space<hbm>>
      %dma_wait3A_179 = tpu.memref_squeeze %dma_wait3A_178 : memref<1x16x128xi32, #tpu.memory_space<hbm>> -> memref<16x128xi32, #tpu.memory_space<hbm>>
      %dma_wait3A_180 = arith.constant 0 : i32
      %dma_wait3A_181 = tpu.memref_slice %arg2[%run_scoped3A_101, %add3A_99, %dma_wait3A_180] : memref<2x2560x128xi32, #tpu.memory_space<hbm>> -> memref<1x16x128xi32, #tpu.memory_space<hbm>>
      %dma_wait3A_182 = tpu.memref_squeeze %dma_wait3A_181 : memref<1x16x128xi32, #tpu.memory_space<hbm>> -> memref<16x128xi32, #tpu.memory_space<hbm>>
      tpu.wait_dma2 semaphore(%run_scoped3A_171 : memref<!tpu.dma_semaphore, #tpu.memory_space<semaphore_mem>>) src(%dma_wait3A_182 : memref<16x128xi32, #tpu.memory_space<hbm>>) dst(%arg11 : memref<16x128xi32, #tpu.memory_space<vmem>>)
      tpu.yield
    }) : () -> ()
    %scan3A_102 = arith.constant 0 : i32
    %scan3A_103 = arith.constant 0 : i32
    %scan3A_104 = arith.constant 16 : i32
    %scan3A_105 = arith.addi %scan3A_103, %scan3A_104 : i32
    %scan3A_106 = arith.constant 1 : i32
    %scan3A_107 = scf.for %scan3A_171 = %scan3A_103 to %scan3A_105 step %scan3A_106 iter_args(%scan3A_172 = %scan3A_102) -> (i32)  : i32 {
      %mul3A_173 = arith.constant 128 : i32
      %mul3A_174 = arith.muli %scan3A_171, %mul3A_173 : i32
      %dma_start3A = arith.constant 0 : i32
      %dma_start3A_175 = tpu.memref_slice %arg13[%mul3A_174, %dma_start3A] : memref<2048x16xf32, #tpu.memory_space<vmem>> -> memref<128x16xf32, #tpu.memory_space<vmem>>
      %dma_start3A_176 = arith.constant 0 : i32
      %dma_start3A_177 = tpu.memref_slice %arg9[%scan3A_171, %dma_start3A_176] : memref<16x128xi32, #tpu.memory_space<vmem>> -> memref<1x128xi32, #tpu.memory_space<vmem>>
      %dma_start3A_178 = tpu.memref_squeeze %dma_start3A_177 : memref<1x128xi32, #tpu.memory_space<vmem>> -> memref<128xi32, #tpu.memory_space<vmem>>
      %dma_start3A_179 = arith.constant 0 : i32
      %dma_start3A_180 = arith.constant 0 : i32
      %dma_start3A_181 = tpu.memref_slice %arg7[%dma_start3A_179, %dma_start3A_180] : memref<10240x16xf32, #tpu.memory_space<vmem_shared>> -> memref<10240x16xf32, #tpu.memory_space<vmem_shared>>
      tpu.enqueue_indirect_dma source(%dma_start3A_181 : memref<10240x16xf32, #tpu.memory_space<vmem_shared>>) target(%dma_start3A_175 : memref<128x16xf32, #tpu.memory_space<vmem>>) offsets(%dma_start3A_178 : memref<128xi32, #tpu.memory_space<vmem>>) semaphore(%arg14 : memref<!tpu.dma_semaphore, #tpu.memory_space<semaphore_mem>>)
      %scan3A_182 = arith.constant 0 : i32
      scf.yield %scan3A_182 : i32
    }
    %scan3A_108 = arith.constant 16 : i32
    %dma_wait3A_109 = arith.constant 0 : i32
    %dma_wait3A_110 = arith.constant 0 : i32
    %dma_wait3A_111 = tpu.memref_slice %arg4[%dma_wait3A_109, %dma_wait3A_110] : memref<10240x16xf32, #tpu.memory_space<hbm>> -> memref<2048x16xf32, #tpu.memory_space<hbm>>
    %dma_wait3A_112 = arith.constant 0 : i32
    %dma_wait3A_113 = arith.constant 0 : i32
    %dma_wait3A_114 = tpu.memref_slice %arg4[%dma_wait3A_112, %dma_wait3A_113] : memref<10240x16xf32, #tpu.memory_space<hbm>> -> memref<2048x16xf32, #tpu.memory_space<hbm>>
    tpu.wait_dma2 semaphore(%arg15 : memref<!tpu.dma_semaphore, #tpu.memory_space<semaphore_mem>>) src(%dma_wait3A_114 : memref<2048x16xf32, #tpu.memory_space<hbm>>) dst(%arg12 : memref<2048x16xf32, #tpu.memory_space<vmem>>)
    %dma_wait3A_115 = arith.constant 0 : i32
    %dma_wait3A_116 = arith.constant 0 : i32
    %dma_wait3A_117 = tpu.memref_slice %arg4[%dma_wait3A_115, %dma_wait3A_116] : memref<10240x16xf32, #tpu.memory_space<hbm>> -> memref<2048x16xf32, #tpu.memory_space<hbm>>
    %dma_wait3A_118 = arith.constant 0 : i32
    %dma_wait3A_119 = arith.constant 0 : i32
    %dma_wait3A_120 = tpu.memref_slice %arg4[%dma_wait3A_118, %dma_wait3A_119] : memref<10240x16xf32, #tpu.memory_space<hbm>> -> memref<2048x16xf32, #tpu.memory_space<hbm>>
    tpu.wait_dma2 semaphore(%arg14 : memref<!tpu.dma_semaphore, #tpu.memory_space<semaphore_mem>>) src(%dma_wait3A_120 : memref<2048x16xf32, #tpu.memory_space<hbm>>) dst(%arg12 : memref<2048x16xf32, #tpu.memory_space<vmem>>)
    %scan3A_121 = arith.constant 0 : i32
    %scan3A_122 = arith.constant 0 : i32
    %scan3A_123 = arith.constant 16 : i32
    %scan3A_124 = arith.addi %scan3A_122, %scan3A_123 : i32
    %scan3A_125 = arith.constant 1 : i32
    %scan3A_126 = scf.for %scan3A_171 = %scan3A_122 to %scan3A_124 step %scan3A_125 iter_args(%scan3A_172 = %scan3A_121) -> (i32)  : i32 {
      %mul3A_173 = arith.constant 128 : i32
      %mul3A_174 = arith.muli %scan3A_171, %mul3A_173 : i32
      %dma_start3A = arith.constant 0 : i32
      %dma_start3A_175 = tpu.memref_slice %arg13[%mul3A_174, %dma_start3A] : memref<2048x16xf32, #tpu.memory_space<vmem>> -> memref<128x16xf32, #tpu.memory_space<vmem>>
      %dma_start3A_176 = arith.constant 0 : i32
      %dma_start3A_177 = tpu.memref_slice %arg11[%scan3A_171, %dma_start3A_176] : memref<16x128xi32, #tpu.memory_space<vmem>> -> memref<1x128xi32, #tpu.memory_space<vmem>>
      %dma_start3A_178 = tpu.memref_squeeze %dma_start3A_177 : memref<1x128xi32, #tpu.memory_space<vmem>> -> memref<128xi32, #tpu.memory_space<vmem>>
      %dma_start3A_179 = arith.constant 0 : i32
      %dma_start3A_180 = arith.constant 0 : i32
      %dma_start3A_181 = tpu.memref_slice %arg6[%dma_start3A_179, %dma_start3A_180] : memref<10240x16xf32, #tpu.memory_space<vmem_shared>> -> memref<10240x16xf32, #tpu.memory_space<vmem_shared>>
      tpu.enqueue_indirect_dma source(%dma_start3A_175 : memref<128x16xf32, #tpu.memory_space<vmem>>) target(%dma_start3A_181 : memref<10240x16xf32, #tpu.memory_space<vmem_shared>>) offsets(%dma_start3A_178 : memref<128xi32, #tpu.memory_space<vmem>>) semaphore(%arg15 : memref<!tpu.dma_semaphore, #tpu.memory_space<semaphore_mem>>) {add = true}
      %scan3A_182 = arith.constant 0 : i32
      scf.yield %scan3A_182 : i32
    }
    %scan3A_127 = arith.constant 16 : i32
    %mul3A_128 = arith.constant 80 : i32
    %mul3A_129 = arith.muli %add3A, %mul3A_128 : i32
    %add3A_130 = arith.constant 64 : i32
    %add3A_131 = arith.addi %mul3A_129, %add3A_130 : i32
    %run_scoped3A_132 = arith.constant 0 : i32
    "tpu.region"() ({
      %run_scoped3A_171 = tpu.sem_alloc : memref<!tpu.dma_semaphore, #tpu.memory_space<semaphore_mem>>
      %dma_start3A = arith.constant 0 : i32
      %dma_start3A_172 = tpu.memref_slice %arg2[%run_scoped3A_132, %add3A_131, %dma_start3A] : memref<2x2560x128xi32, #tpu.memory_space<hbm>> -> memref<1x16x128xi32, #tpu.memory_space<hbm>>
      %dma_start3A_173 = tpu.memref_squeeze %dma_start3A_172 : memref<1x16x128xi32, #tpu.memory_space<hbm>> -> memref<16x128xi32, #tpu.memory_space<hbm>>
      %dma_start3A_174 = arith.constant 0 : i32
      %dma_start3A_175 = tpu.memref_slice %arg2[%run_scoped3A_132, %add3A_131, %dma_start3A_174] : memref<2x2560x128xi32, #tpu.memory_space<hbm>> -> memref<1x16x128xi32, #tpu.memory_space<hbm>>
      %dma_start3A_176 = tpu.memref_squeeze %dma_start3A_175 : memref<1x16x128xi32, #tpu.memory_space<hbm>> -> memref<16x128xi32, #tpu.memory_space<hbm>>
      tpu.enqueue_dma source(%dma_start3A_176 : memref<16x128xi32, #tpu.memory_space<hbm>>) target(%arg8 : memref<16x128xi32, #tpu.memory_space<vmem>>) target_semaphore(%run_scoped3A_171 : memref<!tpu.dma_semaphore, #tpu.memory_space<semaphore_mem>>)
      %dma_wait3A_177 = arith.constant 0 : i32
      %dma_wait3A_178 = tpu.memref_slice %arg2[%run_scoped3A_132, %add3A_131, %dma_wait3A_177] : memref<2x2560x128xi32, #tpu.memory_space<hbm>> -> memref<1x16x128xi32, #tpu.memory_space<hbm>>
      %dma_wait3A_179 = tpu.memref_squeeze %dma_wait3A_178 : memref<1x16x128xi32, #tpu.memory_space<hbm>> -> memref<16x128xi32, #tpu.memory_space<hbm>>
      %dma_wait3A_180 = arith.constant 0 : i32
      %dma_wait3A_181 = tpu.memref_slice %arg2[%run_scoped3A_132, %add3A_131, %dma_wait3A_180] : memref<2x2560x128xi32, #tpu.memory_space<hbm>> -> memref<1x16x128xi32, #tpu.memory_space<hbm>>
      %dma_wait3A_182 = tpu.memref_squeeze %dma_wait3A_181 : memref<1x16x128xi32, #tpu.memory_space<hbm>> -> memref<16x128xi32, #tpu.memory_space<hbm>>
      tpu.wait_dma2 semaphore(%run_scoped3A_171 : memref<!tpu.dma_semaphore, #tpu.memory_space<semaphore_mem>>) src(%dma_wait3A_182 : memref<16x128xi32, #tpu.memory_space<hbm>>) dst(%arg8 : memref<16x128xi32, #tpu.memory_space<vmem>>)
      tpu.yield
    }) : () -> ()
    %run_scoped3A_133 = arith.constant 1 : i32
    "tpu.region"() ({
      %run_scoped3A_171 = tpu.sem_alloc : memref<!tpu.dma_semaphore, #tpu.memory_space<semaphore_mem>>
      %dma_start3A = arith.constant 0 : i32
      %dma_start3A_172 = tpu.memref_slice %arg2[%run_scoped3A_133, %add3A_131, %dma_start3A] : memref<2x2560x128xi32, #tpu.memory_space<hbm>> -> memref<1x16x128xi32, #tpu.memory_space<hbm>>
      %dma_start3A_173 = tpu.memref_squeeze %dma_start3A_172 : memref<1x16x128xi32, #tpu.memory_space<hbm>> -> memref<16x128xi32, #tpu.memory_space<hbm>>
      %dma_start3A_174 = arith.constant 0 : i32
      %dma_start3A_175 = tpu.memref_slice %arg2[%run_scoped3A_133, %add3A_131, %dma_start3A_174] : memref<2x2560x128xi32, #tpu.memory_space<hbm>> -> memref<1x16x128xi32, #tpu.memory_space<hbm>>
      %dma_start3A_176 = tpu.memref_squeeze %dma_start3A_175 : memref<1x16x128xi32, #tpu.memory_space<hbm>> -> memref<16x128xi32, #tpu.memory_space<hbm>>
      tpu.enqueue_dma source(%dma_start3A_176 : memref<16x128xi32, #tpu.memory_space<hbm>>) target(%arg10 : memref<16x128xi32, #tpu.memory_space<vmem>>) target_semaphore(%run_scoped3A_171 : memref<!tpu.dma_semaphore, #tpu.memory_space<semaphore_mem>>)
      %dma_wait3A_177 = arith.constant 0 : i32
      %dma_wait3A_178 = tpu.memref_slice %arg2[%run_scoped3A_133, %add3A_131, %dma_wait3A_177] : memref<2x2560x128xi32, #tpu.memory_space<hbm>> -> memref<1x16x128xi32, #tpu.memory_space<hbm>>
      %dma_wait3A_179 = tpu.memref_squeeze %dma_wait3A_178 : memref<1x16x128xi32, #tpu.memory_space<hbm>> -> memref<16x128xi32, #tpu.memory_space<hbm>>
      %dma_wait3A_180 = arith.constant 0 : i32
      %dma_wait3A_181 = tpu.memref_slice %arg2[%run_scoped3A_133, %add3A_131, %dma_wait3A_180] : memref<2x2560x128xi32, #tpu.memory_space<hbm>> -> memref<1x16x128xi32, #tpu.memory_space<hbm>>
      %dma_wait3A_182 = tpu.memref_squeeze %dma_wait3A_181 : memref<1x16x128xi32, #tpu.memory_space<hbm>> -> memref<16x128xi32, #tpu.memory_space<hbm>>
      tpu.wait_dma2 semaphore(%run_scoped3A_171 : memref<!tpu.dma_semaphore, #tpu.memory_space<semaphore_mem>>) src(%dma_wait3A_182 : memref<16x128xi32, #tpu.memory_space<hbm>>) dst(%arg10 : memref<16x128xi32, #tpu.memory_space<vmem>>)
      tpu.yield
    }) : () -> ()
    %scan3A_134 = arith.constant 0 : i32
    %scan3A_135 = arith.constant 0 : i32
    %scan3A_136 = arith.constant 16 : i32
    %scan3A_137 = arith.addi %scan3A_135, %scan3A_136 : i32
    %scan3A_138 = arith.constant 1 : i32
    %scan3A_139 = scf.for %scan3A_171 = %scan3A_135 to %scan3A_137 step %scan3A_138 iter_args(%scan3A_172 = %scan3A_134) -> (i32)  : i32 {
      %mul3A_173 = arith.constant 128 : i32
      %mul3A_174 = arith.muli %scan3A_171, %mul3A_173 : i32
      %dma_start3A = arith.constant 0 : i32
      %dma_start3A_175 = tpu.memref_slice %arg12[%mul3A_174, %dma_start3A] : memref<2048x16xf32, #tpu.memory_space<vmem>> -> memref<128x16xf32, #tpu.memory_space<vmem>>
      %dma_start3A_176 = arith.constant 0 : i32
      %dma_start3A_177 = tpu.memref_slice %arg8[%scan3A_171, %dma_start3A_176] : memref<16x128xi32, #tpu.memory_space<vmem>> -> memref<1x128xi32, #tpu.memory_space<vmem>>
      %dma_start3A_178 = tpu.memref_squeeze %dma_start3A_177 : memref<1x128xi32, #tpu.memory_space<vmem>> -> memref<128xi32, #tpu.memory_space<vmem>>
      %dma_start3A_179 = arith.constant 0 : i32
      %dma_start3A_180 = arith.constant 0 : i32
      %dma_start3A_181 = tpu.memref_slice %arg7[%dma_start3A_179, %dma_start3A_180] : memref<10240x16xf32, #tpu.memory_space<vmem_shared>> -> memref<10240x16xf32, #tpu.memory_space<vmem_shared>>
      tpu.enqueue_indirect_dma source(%dma_start3A_181 : memref<10240x16xf32, #tpu.memory_space<vmem_shared>>) target(%dma_start3A_175 : memref<128x16xf32, #tpu.memory_space<vmem>>) offsets(%dma_start3A_178 : memref<128xi32, #tpu.memory_space<vmem>>) semaphore(%arg14 : memref<!tpu.dma_semaphore, #tpu.memory_space<semaphore_mem>>)
      %scan3A_182 = arith.constant 0 : i32
      scf.yield %scan3A_182 : i32
    }
    %scan3A_140 = arith.constant 16 : i32
    %dma_wait3A_141 = arith.constant 0 : i32
    %dma_wait3A_142 = arith.constant 0 : i32
    %dma_wait3A_143 = tpu.memref_slice %arg4[%dma_wait3A_141, %dma_wait3A_142] : memref<10240x16xf32, #tpu.memory_space<hbm>> -> memref<2048x16xf32, #tpu.memory_space<hbm>>
    %dma_wait3A_144 = arith.constant 0 : i32
    %dma_wait3A_145 = arith.constant 0 : i32
    %dma_wait3A_146 = tpu.memref_slice %arg4[%dma_wait3A_144, %dma_wait3A_145] : memref<10240x16xf32, #tpu.memory_space<hbm>> -> memref<2048x16xf32, #tpu.memory_space<hbm>>
    tpu.wait_dma2 semaphore(%arg15 : memref<!tpu.dma_semaphore, #tpu.memory_space<semaphore_mem>>) src(%dma_wait3A_146 : memref<2048x16xf32, #tpu.memory_space<hbm>>) dst(%arg12 : memref<2048x16xf32, #tpu.memory_space<vmem>>)
    %dma_wait3A_147 = arith.constant 0 : i32
    %dma_wait3A_148 = arith.constant 0 : i32
    %dma_wait3A_149 = tpu.memref_slice %arg4[%dma_wait3A_147, %dma_wait3A_148] : memref<10240x16xf32, #tpu.memory_space<hbm>> -> memref<2048x16xf32, #tpu.memory_space<hbm>>
    %dma_wait3A_150 = arith.constant 0 : i32
    %dma_wait3A_151 = arith.constant 0 : i32
    %dma_wait3A_152 = tpu.memref_slice %arg4[%dma_wait3A_150, %dma_wait3A_151] : memref<10240x16xf32, #tpu.memory_space<hbm>> -> memref<2048x16xf32, #tpu.memory_space<hbm>>
    tpu.wait_dma2 semaphore(%arg14 : memref<!tpu.dma_semaphore, #tpu.memory_space<semaphore_mem>>) src(%dma_wait3A_152 : memref<2048x16xf32, #tpu.memory_space<hbm>>) dst(%arg12 : memref<2048x16xf32, #tpu.memory_space<vmem>>)
    %scan3A_153 = arith.constant 0 : i32
    %scan3A_154 = arith.constant 0 : i32
    %scan3A_155 = arith.constant 16 : i32
    %scan3A_156 = arith.addi %scan3A_154, %scan3A_155 : i32
    %scan3A_157 = arith.constant 1 : i32
    %scan3A_158 = scf.for %scan3A_171 = %scan3A_154 to %scan3A_156 step %scan3A_157 iter_args(%scan3A_172 = %scan3A_153) -> (i32)  : i32 {
      %mul3A_173 = arith.constant 128 : i32
      %mul3A_174 = arith.muli %scan3A_171, %mul3A_173 : i32
      %dma_start3A = arith.constant 0 : i32
      %dma_start3A_175 = tpu.memref_slice %arg12[%mul3A_174, %dma_start3A] : memref<2048x16xf32, #tpu.memory_space<vmem>> -> memref<128x16xf32, #tpu.memory_space<vmem>>
      %dma_start3A_176 = arith.constant 0 : i32
      %dma_start3A_177 = tpu.memref_slice %arg10[%scan3A_171, %dma_start3A_176] : memref<16x128xi32, #tpu.memory_space<vmem>> -> memref<1x128xi32, #tpu.memory_space<vmem>>
      %dma_start3A_178 = tpu.memref_squeeze %dma_start3A_177 : memref<1x128xi32, #tpu.memory_space<vmem>> -> memref<128xi32, #tpu.memory_space<vmem>>
      %dma_start3A_179 = arith.constant 0 : i32
      %dma_start3A_180 = arith.constant 0 : i32
      %dma_start3A_181 = tpu.memref_slice %arg6[%dma_start3A_179, %dma_start3A_180] : memref<10240x16xf32, #tpu.memory_space<vmem_shared>> -> memref<10240x16xf32, #tpu.memory_space<vmem_shared>>
      tpu.enqueue_indirect_dma source(%dma_start3A_175 : memref<128x16xf32, #tpu.memory_space<vmem>>) target(%dma_start3A_181 : memref<10240x16xf32, #tpu.memory_space<vmem_shared>>) offsets(%dma_start3A_178 : memref<128xi32, #tpu.memory_space<vmem>>) semaphore(%arg15 : memref<!tpu.dma_semaphore, #tpu.memory_space<semaphore_mem>>) {add = true}
      %scan3A_182 = arith.constant 0 : i32
      scf.yield %scan3A_182 : i32
    }
    %scan3A_159 = arith.constant 16 : i32
    %dma_wait3A_160 = arith.constant 0 : i32
    %dma_wait3A_161 = arith.constant 0 : i32
    %dma_wait3A_162 = tpu.memref_slice %arg4[%dma_wait3A_160, %dma_wait3A_161] : memref<10240x16xf32, #tpu.memory_space<hbm>> -> memref<2048x16xf32, #tpu.memory_space<hbm>>
    %dma_wait3A_163 = arith.constant 0 : i32
    %dma_wait3A_164 = arith.constant 0 : i32
    %dma_wait3A_165 = tpu.memref_slice %arg4[%dma_wait3A_163, %dma_wait3A_164] : memref<10240x16xf32, #tpu.memory_space<hbm>> -> memref<2048x16xf32, #tpu.memory_space<hbm>>
    tpu.wait_dma2 semaphore(%arg15 : memref<!tpu.dma_semaphore, #tpu.memory_space<semaphore_mem>>) src(%dma_wait3A_165 : memref<2048x16xf32, #tpu.memory_space<hbm>>) dst(%arg12 : memref<2048x16xf32, #tpu.memory_space<vmem>>)
    %barrier3A_166 = arith.constant 0 : index
    tpu.barrier barrier_id(%barrier3A_166)
    %mul3A_167 = arith.constant 640 : i32
    %mul3A_168 = arith.muli %arg1, %mul3A_167 : i32
    %mul3A_169 = arith.constant 640 : i32
    %mul3A_170 = arith.muli %arg1, %mul3A_169 : i32
    "tpu.region"() ({
      %run_scoped3A_171 = tpu.sem_alloc : memref<!tpu.dma_semaphore, #tpu.memory_space<semaphore_mem>>
      %dma_start3A = arith.constant 0 : i32
      %dma_start3A_172 = tpu.memref_slice %arg5[%arg0, %mul3A_170, %dma_start3A] : memref<2x10240x16xf32, #tpu.memory_space<hbm>> -> memref<1x640x16xf32, #tpu.memory_space<hbm>>
      %dma_start3A_173 = tpu.memref_squeeze %dma_start3A_172 : memref<1x640x16xf32, #tpu.memory_space<hbm>> -> memref<640x16xf32, #tpu.memory_space<hbm>>
      %dma_start3A_174 = arith.constant 0 : i32
      %dma_start3A_175 = tpu.memref_slice %arg6[%mul3A_168, %dma_start3A_174] : memref<10240x16xf32, #tpu.memory_space<vmem_shared>> -> memref<640x16xf32, #tpu.memory_space<vmem_shared>>
      tpu.enqueue_dma source(%dma_start3A_175 : memref<640x16xf32, #tpu.memory_space<vmem_shared>>) target(%dma_start3A_173 : memref<640x16xf32, #tpu.memory_space<hbm>>) target_semaphore(%run_scoped3A_171 : memref<!tpu.dma_semaphore, #tpu.memory_space<semaphore_mem>>)
      %dma_wait3A_176 = arith.constant 0 : i32
      %dma_wait3A_177 = tpu.memref_slice %arg5[%arg0, %mul3A_170, %dma_wait3A_176] : memref<2x10240x16xf32, #tpu.memory_space<hbm>> -> memref<1x640x16xf32, #tpu.memory_space<hbm>>
      %dma_wait3A_178 = tpu.memref_squeeze %dma_wait3A_177 : memref<1x640x16xf32, #tpu.memory_space<hbm>> -> memref<640x16xf32, #tpu.memory_space<hbm>>
      %dma_wait3A_179 = arith.constant 0 : i32
      %dma_wait3A_180 = tpu.memref_slice %arg6[%mul3A_168, %dma_wait3A_179] : memref<10240x16xf32, #tpu.memory_space<vmem_shared>> -> memref<640x16xf32, #tpu.memory_space<vmem_shared>>
      tpu.wait_dma2 semaphore(%run_scoped3A_171 : memref<!tpu.dma_semaphore, #tpu.memory_space<semaphore_mem>>) src(%dma_wait3A_180 : memref<640x16xf32, #tpu.memory_space<vmem_shared>>) dst(%dma_wait3A_178 : memref<640x16xf32, #tpu.memory_space<hbm>>)
      tpu.yield
    }) : () -> ()
    return
  }
}

module attributes {stable_mosaic.version = 14 : i64} {
  func.func @_tc1a(%arg0: memref<10017x128xf32, #tpu.memory_space<vmem>>, %arg1: memref<128x16xf32, #tpu.memory_space<vmem>>, %arg2: memref<10240x16xf32, #tpu.memory_space<vmem>>) attributes {dimension_semantics = [], scalar_prefetch = 0 : i64, scratch_operands = 0 : i64, tpu.core_type = #tpu.core_type<tc>} {
    %get3A = arith.constant 0 : index
    %get3A_0 = arith.constant 0 : index
    %get3A_1 = vector.load %arg0[%get3A, %get3A_0] : memref<10017x128xf32, #tpu.memory_space<vmem>>, vector<10017x128xf32>
    %get3A_2 = arith.constant 0 : index
    %get3A_3 = arith.constant 0 : index
    %get3A_4 = vector.load %arg1[%get3A_2, %get3A_3] : memref<128x16xf32, #tpu.memory_space<vmem>>, vector<128x16xf32>
    %dot_general3A = arith.constant dense<0.000000e+00> : vector<10017x16xf32>
    %dot_general3A_5 = tpu.matmul %get3A_1, %get3A_4, %dot_general3A {dimension_numbers = #tpu.dot_dimension_numbers<[1], [0], [0], [1], [0, 0, 1, 1], [], []>, transpose_lhs_hint = false} : vector<10017x128xf32>, vector<128x16xf32>, vector<10017x16xf32> -> vector<10017x16xf32>
    %broadcast_in_dim3A = arith.constant 0.000000e+00 : f32
    %broadcast_in_dim3A_6 = vector.broadcast %broadcast_in_dim3A : f32 to vector<223x16xf32>
    %concatenate3A = tpu.concatenate %dot_general3A_5, %broadcast_in_dim3A_6 in 0 : vector<10017x16xf32>, vector<223x16xf32> -> vector<10240x16xf32>
    %swap3A = arith.constant 0 : index
    %swap3A_7 = arith.constant 0 : index
    %swap3A_8 = vector.load %arg2[%swap3A, %swap3A_7] : memref<10240x16xf32, #tpu.memory_space<vmem>>, vector<10240x16xf32>
    tpu.vector_store %arg2[%swap3A, %swap3A_7], %concatenate3A {strides = array<i32>} : memref<10240x16xf32, #tpu.memory_space<vmem>>, vector<10240x16xf32>,
    return
  }
}

module attributes {stable_mosaic.version = 14 : i64} {
  func.func @_tc1(%arg0: memref<10240x16xf32, #tpu.memory_space<vmem>>, %arg1: memref<2x10240x16xf32, #tpu.memory_space<vmem>>, %arg2: memref<10240x16xf32, #tpu.memory_space<vmem>>, %arg3: memref<10240x16xf32, #tpu.memory_space<vmem>>, %arg4: memref<8x16xf32, #tpu.memory_space<vmem>>) attributes {dimension_semantics = [], scalar_prefetch = 0 : i64, scratch_operands = 0 : i64, tpu.core_type = #tpu.core_type<tc>} {
    %get3A = arith.constant 0 : index
    %get3A_0 = arith.constant 0 : index
    %get3A_1 = arith.constant 0 : index
    %get3A_2 = vector.load %arg1[%get3A, %get3A_0, %get3A_1] : memref<2x10240x16xf32, #tpu.memory_space<vmem>>, vector<1x10240x16xf32>
    %get3A_3 = vector.shape_cast %get3A_2 : vector<1x10240x16xf32> to vector<10240x16xf32>
    %get3A_4 = arith.constant 1 : index
    %get3A_5 = arith.constant 0 : index
    %get3A_6 = arith.constant 0 : index
    %get3A_7 = vector.load %arg1[%get3A_4, %get3A_5, %get3A_6] : memref<2x10240x16xf32, #tpu.memory_space<vmem>>, vector<1x10240x16xf32>
    %get3A_8 = vector.shape_cast %get3A_7 : vector<1x10240x16xf32> to vector<10240x16xf32>
    %add3A = arith.addf %get3A_3, %get3A_8 : vector<10240x16xf32>
    %add3A_9 = arith.constant 1.000000e+00 : f32
    %add3A_10 = vector.broadcast %add3A_9 : f32 to vector<10240x16xf32>
    %add3A_11 = arith.addf %add3A, %add3A_10 : vector<10240x16xf32>
    %rsqrt3A = math.rsqrt %add3A_11 : vector<10240x16xf32>
    %get3A_12 = arith.constant 0 : index
    %get3A_13 = arith.constant 0 : index
    %get3A_14 = vector.load %arg0[%get3A_12, %get3A_13] : memref<10240x16xf32, #tpu.memory_space<vmem>>, vector<10240x16xf32>
    %mul3A = arith.mulf %rsqrt3A, %get3A_14 : vector<10240x16xf32>
    %swap3A = arith.constant 0 : index
    %swap3A_15 = arith.constant 0 : index
    %swap3A_16 = vector.load %arg2[%swap3A, %swap3A_15] : memref<10240x16xf32, #tpu.memory_space<vmem>>, vector<10240x16xf32>
    tpu.vector_store %arg2[%swap3A, %swap3A_15], %mul3A {strides = array<i32>} : memref<10240x16xf32, #tpu.memory_space<vmem>>, vector<10240x16xf32>,
    %swap3A_17 = arith.constant 0 : index
    %swap3A_18 = arith.constant 0 : index
    %swap3A_19 = vector.load %arg3[%swap3A_17, %swap3A_18] : memref<10240x16xf32, #tpu.memory_space<vmem>>, vector<10240x16xf32>
    tpu.vector_store %arg3[%swap3A_17, %swap3A_18], %rsqrt3A {strides = array<i32>} : memref<10240x16xf32, #tpu.memory_space<vmem>>, vector<10240x16xf32>,
    %slice3A = vector.extract_strided_slice %rsqrt3A {offsets = [1423, 0], sizes = [1, 16], strides = [1, 1]} : vector<10240x16xf32> to vector<1x16xf32>
    %slice3A_20 = vector.extract_strided_slice %rsqrt3A {offsets = [2854, 0], sizes = [1, 16], strides = [1, 1]} : vector<10240x16xf32> to vector<1x16xf32>
    %slice3A_21 = vector.extract_strided_slice %rsqrt3A {offsets = [4285, 0], sizes = [1, 16], strides = [1, 1]} : vector<10240x16xf32> to vector<1x16xf32>
    %slice3A_22 = vector.extract_strided_slice %rsqrt3A {offsets = [5716, 0], sizes = [1, 16], strides = [1, 1]} : vector<10240x16xf32> to vector<1x16xf32>
    %slice3A_23 = vector.extract_strided_slice %rsqrt3A {offsets = [7147, 0], sizes = [1, 16], strides = [1, 1]} : vector<10240x16xf32> to vector<1x16xf32>
    %slice3A_24 = vector.extract_strided_slice %rsqrt3A {offsets = [8578, 0], sizes = [1, 16], strides = [1, 1]} : vector<10240x16xf32> to vector<1x16xf32>
    %slice3A_25 = vector.extract_strided_slice %rsqrt3A {offsets = [10009, 0], sizes = [1, 16], strides = [1, 1]} : vector<10240x16xf32> to vector<1x16xf32>
    %broadcast_in_dim3A = arith.constant 0.000000e+00 : f32
    %broadcast_in_dim3A_26 = vector.broadcast %broadcast_in_dim3A : f32 to vector<1x16xf32>
    %concatenate3A = tpu.concatenate %slice3A, %slice3A_20, %slice3A_21, %slice3A_22, %slice3A_23, %slice3A_24, %slice3A_25, %broadcast_in_dim3A_26 in 0 : vector<1x16xf32>, vector<1x16xf32>, vector<1x16xf32>, vector<1x16xf32>, vector<1x16xf32>, vector<1x16xf32>, vector<1x16xf32>, vector<1x16xf32> -> vector<8x16xf32>
    %swap3A_27 = arith.constant 0 : index
    %swap3A_28 = arith.constant 0 : index
    %swap3A_29 = vector.load %arg4[%swap3A_27, %swap3A_28] : memref<8x16xf32, #tpu.memory_space<vmem>>, vector<8x16xf32>
    tpu.vector_store %arg4[%swap3A_27, %swap3A_28], %concatenate3A {strides = array<i32>} : memref<8x16xf32, #tpu.memory_space<vmem>>, vector<8x16xf32>,
    return
  }
}

module attributes {stable_mosaic.version = 14 : i64} {
  func.func @_tc2(%arg0: memref<2x10240x16xf32, #tpu.memory_space<vmem>>, %arg1: memref<10240x16xf32, #tpu.memory_space<vmem>>, %arg2: memref<10240x16xf32, #tpu.memory_space<vmem>>, %arg3: memref<10017x16xf32, #tpu.memory_space<vmem>>, %arg4: memref<16x16xf32, #tpu.memory_space<vmem>>, %arg5: memref<1x16xf32, #tpu.memory_space<vmem>>, %arg6: memref<10240x16xf32, #tpu.memory_space<vmem>>, %arg7: memref<8x16xf32, #tpu.memory_space<vmem>>) attributes {dimension_semantics = [], scalar_prefetch = 0 : i64, scratch_operands = 0 : i64, tpu.core_type = #tpu.core_type<tc>} {
    %get3A = arith.constant 0 : index
    %get3A_0 = arith.constant 0 : index
    %get3A_1 = vector.load %arg2[%get3A, %get3A_0] : memref<10240x16xf32, #tpu.memory_space<vmem>>, vector<10240x16xf32>
    %get3A_2 = arith.constant 0 : index
    %get3A_3 = arith.constant 0 : index
    %get3A_4 = arith.constant 0 : index
    %get3A_5 = vector.load %arg0[%get3A_2, %get3A_3, %get3A_4] : memref<2x10240x16xf32, #tpu.memory_space<vmem>>, vector<1x10240x16xf32>
    %get3A_6 = vector.shape_cast %get3A_5 : vector<1x10240x16xf32> to vector<10240x16xf32>
    %get3A_7 = arith.constant 1 : index
    %get3A_8 = arith.constant 0 : index
    %get3A_9 = arith.constant 0 : index
    %get3A_10 = vector.load %arg0[%get3A_7, %get3A_8, %get3A_9] : memref<2x10240x16xf32, #tpu.memory_space<vmem>>, vector<1x10240x16xf32>
    %get3A_11 = vector.shape_cast %get3A_10 : vector<1x10240x16xf32> to vector<10240x16xf32>
    %add3A = arith.addf %get3A_6, %get3A_11 : vector<10240x16xf32>
    %get3A_12 = arith.constant 0 : index
    %get3A_13 = arith.constant 0 : index
    %get3A_14 = vector.load %arg1[%get3A_12, %get3A_13] : memref<10240x16xf32, #tpu.memory_space<vmem>>, vector<10240x16xf32>
    %add3A_15 = arith.addf %add3A, %get3A_14 : vector<10240x16xf32>
    %mul3A = arith.mulf %get3A_1, %add3A_15 : vector<10240x16xf32>
    %get3A_16 = arith.constant 0 : index
    %get3A_17 = arith.constant 0 : index
    %get3A_18 = vector.load %arg5[%get3A_16, %get3A_17] : memref<1x16xf32, #tpu.memory_space<vmem>>, vector<1x16xf32>
    %add3A_19 = vector.broadcast %get3A_18 : vector<1x16xf32> to vector<10240x16xf32>
    %add3A_20 = arith.addf %mul3A, %add3A_19 : vector<10240x16xf32>
    %get3A_21 = arith.constant 0 : index
    %get3A_22 = arith.constant 0 : index
    %get3A_23 = vector.load %arg3[%get3A_21, %get3A_22] : memref<10017x16xf32, #tpu.memory_space<vmem>>, vector<10017x16xf32>
    %broadcast_in_dim3A = arith.constant 0.000000e+00 : f32
    %broadcast_in_dim3A_24 = vector.broadcast %broadcast_in_dim3A : f32 to vector<223x16xf32>
    %concatenate3A = tpu.concatenate %get3A_23, %broadcast_in_dim3A_24 in 0 : vector<10017x16xf32>, vector<223x16xf32> -> vector<10240x16xf32>
    %max3A = arith.constant 0.000000e+00 : f32
    %max3A_25 = vector.broadcast %max3A : f32 to vector<10240x16xf32>
    %max3A_26 = arith.maximumf %add3A_20, %max3A_25 : vector<10240x16xf32>
    %mul3A_27 = arith.mulf %concatenate3A, %max3A_26 : vector<10240x16xf32>
    %get3A_28 = arith.constant 0 : index
    %get3A_29 = arith.constant 0 : index
    %get3A_30 = vector.load %arg2[%get3A_28, %get3A_29] : memref<10240x16xf32, #tpu.memory_space<vmem>>, vector<10240x16xf32>
    %get3A_31 = arith.constant 0 : index
    %get3A_32 = arith.constant 0 : index
    %get3A_33 = vector.load %arg4[%get3A_31, %get3A_32] : memref<16x16xf32, #tpu.memory_space<vmem>>, vector<16x16xf32>
    %dot_general3A = arith.constant dense<0.000000e+00> : vector<10240x16xf32>
    %dot_general3A_34 = tpu.matmul %mul3A_27, %get3A_33, %dot_general3A {dimension_numbers = #tpu.dot_dimension_numbers<[1], [0], [0], [1], [0, 0, 1, 1], [], []>, transpose_lhs_hint = false} : vector<10240x16xf32>, vector<16x16xf32>, vector<10240x16xf32> -> vector<10240x16xf32>
    %mul3A_35 = arith.mulf %get3A_30, %dot_general3A_34 : vector<10240x16xf32>
    %swap3A = arith.constant 0 : index
    %swap3A_36 = arith.constant 0 : index
    %swap3A_37 = vector.load %arg6[%swap3A, %swap3A_36] : memref<10240x16xf32, #tpu.memory_space<vmem>>, vector<10240x16xf32>
    tpu.vector_store %arg6[%swap3A, %swap3A_36], %mul3A_35 {strides = array<i32>} : memref<10240x16xf32, #tpu.memory_space<vmem>>, vector<10240x16xf32>,
    %slice3A = vector.extract_strided_slice %mul3A_35 {offsets = [1423, 0], sizes = [1, 16], strides = [1, 1]} : vector<10240x16xf32> to vector<1x16xf32>
    %slice3A_38 = vector.extract_strided_slice %mul3A_35 {offsets = [2854, 0], sizes = [1, 16], strides = [1, 1]} : vector<10240x16xf32> to vector<1x16xf32>
    %slice3A_39 = vector.extract_strided_slice %mul3A_35 {offsets = [4285, 0], sizes = [1, 16], strides = [1, 1]} : vector<10240x16xf32> to vector<1x16xf32>
    %slice3A_40 = vector.extract_strided_slice %mul3A_35 {offsets = [5716, 0], sizes = [1, 16], strides = [1, 1]} : vector<10240x16xf32> to vector<1x16xf32>
    %slice3A_41 = vector.extract_strided_slice %mul3A_35 {offsets = [7147, 0], sizes = [1, 16], strides = [1, 1]} : vector<10240x16xf32> to vector<1x16xf32>
    %slice3A_42 = vector.extract_strided_slice %mul3A_35 {offsets = [8578, 0], sizes = [1, 16], strides = [1, 1]} : vector<10240x16xf32> to vector<1x16xf32>
    %slice3A_43 = vector.extract_strided_slice %mul3A_35 {offsets = [10009, 0], sizes = [1, 16], strides = [1, 1]} : vector<10240x16xf32> to vector<1x16xf32>
    %broadcast_in_dim3A_44 = arith.constant 0.000000e+00 : f32
    %broadcast_in_dim3A_45 = vector.broadcast %broadcast_in_dim3A_44 : f32 to vector<1x16xf32>
    %concatenate3A_46 = tpu.concatenate %slice3A, %slice3A_38, %slice3A_39, %slice3A_40, %slice3A_41, %slice3A_42, %slice3A_43, %broadcast_in_dim3A_45 in 0 : vector<1x16xf32>, vector<1x16xf32>, vector<1x16xf32>, vector<1x16xf32>, vector<1x16xf32>, vector<1x16xf32>, vector<1x16xf32>, vector<1x16xf32> -> vector<8x16xf32>
    %swap3A_47 = arith.constant 0 : index
    %swap3A_48 = arith.constant 0 : index
    %swap3A_49 = vector.load %arg7[%swap3A_47, %swap3A_48] : memref<8x16xf32, #tpu.memory_space<vmem>>, vector<8x16xf32>
    tpu.vector_store %arg7[%swap3A_47, %swap3A_48], %concatenate3A_46 {strides = array<i32>} : memref<8x16xf32, #tpu.memory_space<vmem>>, vector<8x16xf32>,
    return
  }
}

module attributes {stable_mosaic.version = 14 : i64} {
  func.func @_tc3(%arg0: memref<2x8x16xf32, #tpu.memory_space<vmem>>, %arg1: memref<8x16xf32, #tpu.memory_space<vmem>>, %arg2: memref<8x16xf32, #tpu.memory_space<vmem>>, %arg3: memref<1x16xf32, #tpu.memory_space<vmem>>, %arg4: memref<16x8xf32, #tpu.memory_space<vmem>>, %arg5: memref<1x8xf32, #tpu.memory_space<vmem>>, %arg6: memref<8x1xf32, #tpu.memory_space<vmem>>, %arg7: memref<1x1xf32, #tpu.memory_space<vmem>>, %arg8: memref<8x1xf32, #tpu.memory_space<vmem>>) attributes {dimension_semantics = [], scalar_prefetch = 0 : i64, scratch_operands = 0 : i64, tpu.core_type = #tpu.core_type<tc>} {
    %get3A = arith.constant 0 : index
    %get3A_0 = arith.constant 0 : index
    %get3A_1 = vector.load %arg2[%get3A, %get3A_0] : memref<8x16xf32, #tpu.memory_space<vmem>>, vector<8x16xf32>
    %get3A_2 = arith.constant 0 : index
    %get3A_3 = arith.constant 0 : index
    %get3A_4 = arith.constant 0 : index
    %get3A_5 = vector.load %arg0[%get3A_2, %get3A_3, %get3A_4] : memref<2x8x16xf32, #tpu.memory_space<vmem>>, vector<1x8x16xf32>
    %get3A_6 = vector.shape_cast %get3A_5 : vector<1x8x16xf32> to vector<8x16xf32>
    %get3A_7 = arith.constant 1 : index
    %get3A_8 = arith.constant 0 : index
    %get3A_9 = arith.constant 0 : index
    %get3A_10 = vector.load %arg0[%get3A_7, %get3A_8, %get3A_9] : memref<2x8x16xf32, #tpu.memory_space<vmem>>, vector<1x8x16xf32>
    %get3A_11 = vector.shape_cast %get3A_10 : vector<1x8x16xf32> to vector<8x16xf32>
    %add3A = arith.addf %get3A_6, %get3A_11 : vector<8x16xf32>
    %get3A_12 = arith.constant 0 : index
    %get3A_13 = arith.constant 0 : index
    %get3A_14 = vector.load %arg1[%get3A_12, %get3A_13] : memref<8x16xf32, #tpu.memory_space<vmem>>, vector<8x16xf32>
    %add3A_15 = arith.addf %add3A, %get3A_14 : vector<8x16xf32>
    %mul3A = arith.mulf %get3A_1, %add3A_15 : vector<8x16xf32>
    %get3A_16 = arith.constant 0 : index
    %get3A_17 = arith.constant 0 : index
    %get3A_18 = vector.load %arg3[%get3A_16, %get3A_17] : memref<1x16xf32, #tpu.memory_space<vmem>>, vector<1x16xf32>
    %add3A_19 = vector.broadcast %get3A_18 : vector<1x16xf32> to vector<8x16xf32>
    %add3A_20 = arith.addf %mul3A, %add3A_19 : vector<8x16xf32>
    %max3A = arith.constant 0.000000e+00 : f32
    %max3A_21 = vector.broadcast %max3A : f32 to vector<8x16xf32>
    %max3A_22 = arith.maximumf %add3A_20, %max3A_21 : vector<8x16xf32>
    %get3A_23 = arith.constant 0 : index
    %get3A_24 = arith.constant 0 : index
    %get3A_25 = vector.load %arg4[%get3A_23, %get3A_24] : memref<16x8xf32, #tpu.memory_space<vmem>>, vector<16x8xf32>
    %dot_general3A = arith.constant dense<0.000000e+00> : vector<8x8xf32>
    %dot_general3A_26 = tpu.matmul %max3A_22, %get3A_25, %dot_general3A {dimension_numbers = #tpu.dot_dimension_numbers<[1], [0], [0], [1], [0, 0, 1, 1], [], []>, transpose_lhs_hint = false} : vector<8x16xf32>, vector<16x8xf32>, vector<8x8xf32> -> vector<8x8xf32>
    %get3A_27 = arith.constant 0 : index
    %get3A_28 = arith.constant 0 : index
    %get3A_29 = vector.load %arg5[%get3A_27, %get3A_28] : memref<1x8xf32, #tpu.memory_space<vmem>>, vector<1x8xf32>
    %add3A_30 = vector.broadcast %get3A_29 : vector<1x8xf32> to vector<8x8xf32>
    %add3A_31 = arith.addf %dot_general3A_26, %add3A_30 : vector<8x8xf32>
    %max3A_32 = arith.constant 0.000000e+00 : f32
    %max3A_33 = vector.broadcast %max3A_32 : f32 to vector<8x8xf32>
    %max3A_34 = arith.maximumf %add3A_31, %max3A_33 : vector<8x8xf32>
    %get3A_35 = arith.constant 0 : index
    %get3A_36 = arith.constant 0 : index
    %get3A_37 = vector.load %arg6[%get3A_35, %get3A_36] : memref<8x1xf32, #tpu.memory_space<vmem>>, vector<8x1xf32>
    %dot_general3A_38 = arith.constant dense<0.000000e+00> : vector<8x1xf32>
    %dot_general3A_39 = tpu.matmul %max3A_34, %get3A_37, %dot_general3A_38 {dimension_numbers = #tpu.dot_dimension_numbers<[1], [0], [0], [1], [0, 0, 1, 1], [], []>, transpose_lhs_hint = false} : vector<8x8xf32>, vector<8x1xf32>, vector<8x1xf32> -> vector<8x1xf32>
    %get3A_40 = arith.constant 0 : index
    %get3A_41 = arith.constant 0 : index
    %get3A_42 = vector.load %arg7[%get3A_40, %get3A_41] : memref<1x1xf32, #tpu.memory_space<vmem>>, vector<1x1xf32>
    %add3A_43 = vector.broadcast %get3A_42 : vector<1x1xf32> to vector<8x1xf32>
    %add3A_44 = arith.addf %dot_general3A_39, %add3A_43 : vector<8x1xf32>
    %swap3A = arith.constant 0 : index
    %swap3A_45 = arith.constant 0 : index
    %swap3A_46 = vector.load %arg8[%swap3A, %swap3A_45] : memref<8x1xf32, #tpu.memory_space<vmem>>, vector<8x1xf32>
    tpu.vector_store %arg8[%swap3A, %swap3A_45], %add3A_44 {strides = array<i32>} : memref<8x1xf32, #tpu.memory_space<vmem>>, vector<8x1xf32>,
    return
  }
}

</mosaic_0001>

<sc_bundles>
// kernel: kernel.12.cloned.1.call-start
scs
__scs_entry_jumppad:
0x0: {  	(pc) =	sbr.rel $0x88, $3  }
0x1: {  	(tag) =	ssettag $0x0;
	lr =	simm.s32 $0x1  }
0x2: {  	[smem:$0x3F97] =	sst lr;
	_ =	strace $0xD0000000  }
0x3: {  	_ = 	snop  }
0x4: {  	_ = 	snop  }
0x5: {  	_ = 	snop  }
0x6: {  	_ = 	snop  }
0x7: {  	_ = 	snop  }
__scs_overlays_trampoline_lowered:
0x8: {  	[smem:$0x3FA6] =	sst s0  }
0x9: {  	[smem:$0x3FA7] =	sst s1  }
0xa: {  	[smem:$0x3FA8] =	sst s2  }
0xb: {  	[smem:$0x3FA9] =	sst s3  }
0xc: {  	[smem:$0x3FAA] =	sst s4  }
0xd: {  	[smem:$0x3FAB] =	sst s5  }
0xe: {  	[smem:$0x3FAC] =	sst s6  }
0xf: {  	[smem:$0x3FAD] =	sst s7  }
0x10: {  	[smem:$0x3FAE] =	sst s8  }
0x11: {  	[smem:$0x3FAF] =	sst s9;
	s0 =	simm.s32 @!p0 $0x0  }
0x12: {  	s1 =	sld [smem:$0x3F95];
	s0 =	simm.s32 @p0 $0x1  }
0x13: {  	[smem:$0x3FB0] =	sst s0;
	s0 =	simm.s32 @!p1 $0x0  }
0x14: {  	s2 =	sld [smem:$0x3F94];
	s0 =	simm.s32 @p1 $0x1  }
0x15: {  	[smem:$0x3FB1] =	sst s0;
	s0 =	simm.s32 @!p2 $0x0  }
0x16: {  	s3 =	sld [smem:$0x3FDB];
	s0 =	simm.s32 @p2 $0x1  }
0x17: {  	s4 =	simm.s32 $0x1BF5;
	[smem:$0x3FB3] =	sst s0  }
0x18: {  	s0 =	sld [smem:$0x3F96];
	_ =	swait.ge [sflag:s4], $0x0  }
0x19: {  	s7 =	sld [smem:$0x3F97]  }
0x1a: {  	s8 =	sadd.s32 $0xFFFFE003, lr  }
0x1b: {  	s9 =	sadd.s32 $0xFFFFFEF7, lr;
	s5 =	simm.s32 $0xFFFFFFFF;
	p2 =	slt.u32 s8, $0xFFFFF086  }
0x1c: {  	p1 =	slt.u32 s9, $0xF7A;
	s5 =	simm.s32 @!p2 $0x0  }
0x1d: {  	s5 =	simm.s32 @p1 $0x1;
	p0 =	seq.s32 s7, s2  }
0x1e: {  	s7 =	smul.u32 @!p0 $0xF7A, s2;
	p2 =	seq.s32 @!p0 s5, $0x0  }
0x1f: {  	s9 =	smul.u32 $0xF7A, s1;
	s8 =	simm.s32 @!p0 $0x1BF5;
	p2 =	por !p2, p0  }
0x20: {  	[sflag:s8] =	ssyncset.s32 @!p0 $0xFFFFF086;
	s6 =	sadd.s32 @!p0 s3, s7;
	s7 =	simm.s32 @!p0 $0x108  }
0x21: {  	s3 =	sadd.s32 s3, s9;
	s6 =	sadd.s32 @!p0 $0x88, s6;
	s7 =	simm.s32 @p2 $0x1082  }
0x22: {  	[simem:s7], [sflag:s8] =	dma.local @!p0 [hbm:s6], $0xF7A  }
0x23: {  	s9 =	sor.u32 $0xD0000000, s2;
	s6 =	simm.s32 $0x108;
	_ =	swait.ge @!p0 [sflag:s8], $0x0  }
0x24: {  	s3 =	sadd.s32 $0x88, s3;
	s6 =	simm.s32 @!p1 $0x1082;
	[sflag:s4] =	ssyncset.s32 $0xFFFFF086  }
0x25: {  	[simem:s6], [sflag:s4] =	dma.local [hbm:s3], $0xF7A  }
0x26: {  	[smem:$0x3F97] =	sst s1;
	(tag) =	ssettag s2;
	_ =	strace s9  }
0x27: {  	s1 =	sld [smem:$0x3FA7]  }
0x28: {  	s2 =	sld [smem:$0x3FA8]  }
0x29: {  	s4 =	sld [smem:$0x3FAA]  }
0x2a: {  	p0 =	seq.s32 s5, $0x0;
	s5 =	sld [smem:$0x3FAB]  }
0x2b: {  	s6 =	sld [smem:$0x3FAC]  }
0x2c: {  	s7 =	sld [smem:$0x3FAD]  }
0x2d: {  	s3 =	simm.s32 $0x108;
	s8 =	sld [smem:$0x3FAE]  }
0x2e: {  	s3 =	simm.s32 @!p0 $0x1082;
	s9 =	sld [smem:$0x3FAF]  }
0x2f: {  	lr =	sadd.s32 s0, s3;
	s0 =	sld [smem:$0x3FA6]  }
0x30: {  	s3 =	sld [smem:$0x3FA9]  }
0x31: {  	[smem:$0x3FB2] =	sst s10  }
0x32: {  	s10 =	sld [smem:$0x3FB0];
	_ =	sdelay $0x3  }
0x33: {  	p0 =	seq.s32 s10, $0x1;
	s10 =	sld [smem:$0x3FB2];
	_ =	sdelay $0x3  }
0x34: {  	[smem:$0x3FB2] =	sst s10  }
0x35: {  	s10 =	sld [smem:$0x3FB1];
	_ =	sdelay $0x3  }
0x36: {  	p1 =	seq.s32 s10, $0x1;
	s10 =	sld [smem:$0x3FB2];
	_ =	sdelay $0x3  }
0x37: {  	[smem:$0x3FB2] =	sst s10  }
0x38: {  	s10 =	sld [smem:$0x3FB3]  }
0x39: {  	_ = 	snop;
	(pc) =	sbr.ind lr, $3  }
0x3a: {  	_ = 	snop  }
0x3b: {  	_ = 	snop  }
0x3c: {  	p2 =	seq.s32 s10, $0x1;
	s10 =	sld [smem:$0x3FB2]  }
0x3d: {  	_ =	shalt  }
0x3e: {  	_ =	shalt  }
0x3f: {  	_ =	shalt  }
0x40: {  	_ =	shalt  }
0x41: {  	_ =	shalt  }
0x42: {  	_ =	shalt  }
0x43: {  	_ =	shalt  }
0x44: {  	_ =	shalt  }
0x45: {  	_ =	shalt  }
0x46: {  	_ =	shalt  }
0x47: {  	_ =	shalt  }
0x48: {  	_ =	shalt  }
0x49: {  	_ =	shalt  }
0x4a: {  	_ =	shalt  }
0x4b: {  	_ =	shalt  }
0x4c: {  	_ =	shalt  }
0x4d: {  	_ =	shalt  }
0x4e: {  	_ =	shalt  }
0x4f: {  	_ =	shalt  }
0x50: {  	_ =	shalt  }
0x51: {  	_ =	shalt  }
0x52: {  	_ =	shalt  }
0x53: {  	_ =	shalt  }
0x54: {  	_ =	shalt  }
0x55: {  	_ =	shalt  }
0x56: {  	_ =	shalt  }
0x57: {  	_ =	shalt  }
0x58: {  	_ =	shalt  }
0x59: {  	_ =	shalt  }
0x5a: {  	_ =	shalt  }
0x5b: {  	_ =	shalt  }
0x5c: {  	_ =	shalt  }
0x5d: {  	_ =	shalt  }
0x5e: {  	_ =	shalt  }
0x5f: {  	_ =	shalt  }
0x60: {  	_ =	shalt  }
0x61: {  	_ =	shalt  }
0x62: {  	_ =	shalt  }
0x63: {  	_ =	shalt  }
0x64: {  	_ =	shalt  }
0x65: {  	_ =	shalt  }
0x66: {  	_ =	shalt  }
0x67: {  	_ =	shalt  }
0x68: {  	_ =	shalt  }
0x69: {  	_ =	shalt  }
0x6a: {  	_ =	shalt  }
0x6b: {  	_ =	shalt  }
0x6c: {  	_ =	shalt  }
0x6d: {  	_ =	shalt  }
0x6e: {  	_ =	shalt  }
0x6f: {  	_ =	shalt  }
0x70: {  	_ =	shalt  }
0x71: {  	_ =	shalt  }
0x72: {  	_ =	shalt  }
0x73: {  	_ =	shalt  }
0x74: {  	_ =	shalt  }
0x75: {  	_ =	shalt  }
0x76: {  	_ =	shalt  }
0x77: {  	_ =	shalt  }
0x78: {  	_ =	shalt  }
0x79: {  	_ =	shalt  }
0x7a: {  	_ =	shalt  }
0x7b: {  	_ =	shalt  }
0x7c: {  	_ =	shalt  }
0x7d: {  	_ =	shalt  }
0x7e: {  	_ =	shalt  }
0x7f: {  	_ =	shalt  }
0x80: {  	_ =	shalt  }
0x81: {  	_ =	shalt  }
0x82: {  	_ =	shalt  }
0x83: {  	_ =	shalt  }
0x84: {  	_ =	shalt  }
0x85: {  	_ =	shalt  }
0x86: {  	_ =	shalt  }
0x87: {  	_ =	shalt  }
.Lfunc_end0:
.L_simem_size_0:
called_computation.1_lowered:
.L_overlay_start_0:
0x88: {  	s2 =	sld [smem:$0x3FD9]  }
0x89: {  	s3 =	sld [smem:$0x3FFE];
	_ =	sdelay $0x1  }
0x8a: {  	s1 =	srdreg.scid  }
0x8b: {  	s0 =	sand.u32 $0x1, s1  }
0x8c: {  	s16 =	sshll.u32 s0, $0xA;
	s2 =	sadd.s32 s3, s2  }
0x8d: {  	s2 =	sadd.s32 s2, s16  }
0x8e: {  	[smem:$0x3FBE] =	sst s2  }
0x8f: {  	_ = 	snop  }
0x90: {  	(tm) =	ssettm $0x1  }
0x91: {  	s17 =	sld [smem:$0x3FFB];
	_ =	sdelay $0x3  }
0x92: {  	_ =	strace s17  }
0x93: {  	s2 =	sld [smem:$0x3FFC];
	_ =	sdelay $0x3  }
0x94: {  	_ =	strace s2  }
0x95: {  	s2 =	sld [smem:$0x3FFD];
	_ =	sdelay $0x3  }
0x96: {  	_ =	strace s2  }
0x97: {  	_ =	strace $0x8FFFFFFF  }
0x98: {  	s18 =	sld [smem:$0x3FDB];
	_ =	sdelay $0x1  }
0x99: {  	s19 =	simm.s32 $_scs_section_size  }
0x9a: {  	s4 =	simm.s32 $_size__tile_overlayer_lowered;
	s5 =	simm.s32 $_tile_overlayer_lowered  }
0x9b: {  	s22 =	simm.s32 $0x1BFF;
	s21 =	sshll.u32 s5, $0x1;
	s2 =	sadd.s32 s19, s18  }
0x9c: {  	s6 =	simm.s32 $0x0;
	s20 =	sshll.u32 s4, $0x1;
	s4 =	sadd.s32 s21, s2  }
0x9d: {  	[timem:s6], [sflag:s22] =	dma.local [hbm:s4], s20  }
0x9e: {  	_ =	swait.ge [sflag:s22], s20  }
0x9f: {  	s3 =	ssub.s32 $0x0, s20;
	[sflag:s22] =	ssyncset.done $0x0  }
0xa0: {  	[sflag:s22] =	ssyncadd.s32 s3;
	_ =	sdelay $0x1  }
0xa1: {  	s23 =	simm.s32 $0x1B8B  }
0xa2: {  	_ =	swait.ge [sflag:s23], $0x1  }
0xa3: {  	[sflag:s23] =	ssyncset.done $0x0  }
0xa4: {  	s25 =	simm.s32 $0x1B8E;
	s24 =	sld [smem:$0x3FFE];
	[sflag:s23] =	ssyncadd.s32 $0xFFFFFFFF  }
0xa5: {  	s26 =	simm.s32 $execute0_lowered;
	[smem:$0x3FD2] =	sst s25  }
0xa6: {  	s4 =	sshll.u32 s26, $0x1;
	_ =	strace $0x80000049;
	[dreg:$0x1] =	wrdreg $0xFFFFFFFF  }
0xa7: {  	s28 =	simm.s32 $_size_execute0_lowered;
	s2 =	sadd.s32 s2, s4;
	[dreg:$0x0] =	wrdreg $0x0  }
0xa8: {  	s4 =	sshll.u32 s28, $0x1;
	[dreg:$0x2] =	wrdreg s2  }
0xa9: {  	[dreg:$0x3] =	wrdreg s4  }
0xaa: {  	[dreg:$0x4] =	wrdreg $0xC0  }
0xab: {  	_ =	task [dreg:s6], $0x5FFFF  }
0xac: {  	[dreg:$0x1] =	wrdreg $0xFFFFFFFF  }
0xad: {  	[dreg:$0x0] =	wrdreg $0x60  }
0xae: {  	[dreg:$0x2] =	wrdreg s24  }
0xaf: {  	[dreg:$0x3] =	wrdreg $0x0  }
0xb0: {  	[dreg:$0x4] =	wrdreg $0x28000  }
0xb1: {  	[dreg:$0x5] =	wrdreg $0x9  }
0xb2: {  	_ =	task.clear_ibuf [dreg:s6], $0x6FFFF;
	_ =	strace $0x90000049  }
0xb3: {  	s29 =	simm.s32 $0x9;
	_ =	strace $0x8000004B  }
0xb4: {  	_ =	swait.ge [sflag:s29], $0x1  }
0xb5: {  	[sflag:s29] =	ssyncadd.s32 $0xFFFFFFFF  }
0xb6: {  	_ =	strace $0x9000004B  }
0xb7: {  	_ =	sfence  }
0xb8: {  	s30 =	sld [smem:$0x0];
	_ =	sdelay $0x2  }
0xb9: {  	s31 =	sshll.u32 s1, $0xD;
	s1 =	sshrl.u32 s1, $0x2  }
0xba: {  	s3 =	sand.u32 $0x4000, s31;
	s1 =	sadd.s32 s1, s30  }
0xbb: {  	s0 =	sor.u32 s3, s0;
	s1 =	sshll.u32 s1, $0x11  }
0xbc: {  	s0 =	sor.u32 s1, s0  }
0xbd: {  	s0 =	sadd.s32 $0x8F2B, s0  }
0xbe: {  	[sflag:s0] =	ssyncadd.remote.s32 $0x1  }
0xbf: {  	_ =	sfence.sel $0xFFFF  }
0xc0: {  	[dreg:$0x0] =	wrdreg $0xFFFFFFFF;
	(pc) =	sbr.abs _section_cstart, $3  }
0xc1: {  	[dreg:$0x1] =	wrdreg $0xFFFFFFFF  }
0xc2: {  	_ =	task.clear_ibuf [dreg:s6], $0x2FFFF;
	_ =	strace $0x9FFFFFFF  }
0xc3: {  	(tm) =	ssettm $0x7FFFFFFF  }
tec
execute0_lowered:
.L_overlay_start_1:
0x0: {  	(tag) =	ssettag $0x1  }
0x1: {  	s0 =	srdreg.scid  }
0x2: {  	s1 =	rddreg [dreg:$0x0];
	s10 =	stileid.u32  }
0x3: {  	s2 =	rddreg [dreg:$0x1];
	s7 =	simm.s32 $0x0;
	s11 =	simm.s32 $0x7800  }
0x4: {  	s12 =	simm.s32 $0x8000;
	s29 =	simm.s32 $0x5300;
	p0 =	por $0x0, $0x0  }
0x5: {  	s0 =	sand.u32 $0x1, s0;
	s5 =	smul.u32 $0x2800, s10;
	[smem:$0x7FF] =	sst s7  }
0x6: {  	s26 =	sshll.u32 s10, $0x6;
	s3 =	sshll.u32 s0, $0x4;
	s9 =	smul.u32 $0x28000, s0  }
0x7: {  	s0 =	ssub.s32 $0x2, s0;
	s4 =	sor.u32 s10, s3;
	s3 =	rddreg [dreg:$0x2]  }
0x8: {  	s6 =	sshrl.u32 s5, $0x3;
	_ =	strace $0x8000004A;
	s21 =	sshrl.u32 s0, $0x1  }
0x9: {  	s24 =	sadd.s32 s5, s2;
	s4 =	smul.u32 $0x2800, s4;
	s6 =	sadd.s32 s6, s1  }
0xa: {  	s16 =	sadd.s32 s5, s9;
	s0 =	ssub.s32 s0, s21;
	s30 =	sshrl.u32 s24, $0x3  }
0xb: {  	s5 =	sadd.s32 s5, s3;
	s13 =	sadd.s32 $0x1B800, s6;
	[dreg:$0x12] =	wrdreg s30  }
0xc: {  	s21 =	simm.s32 $0x5580;
	s14 =	sadd.s32 $0x16800, s6;
	[dreg:$0x4] =	wrdreg s13  }
0xd: {  	s31 =	sshrl.u32 s5, $0x3;
	s4 =	sshrl.u32 s4, $0x3;
	[dreg:$0x5] =	wrdreg s14  }
0xe: {  	[dreg:$0x11] =	wrdreg s31;
	s8 =	sadd.s32 s4, s1;
	s4 =	sor.u32 $0x1C03, s26  }
0xf: {  	s9 =	simm.s32 $0x5800;
	s15 =	sadd.s32 $0x2800, s8;
	[dreg:$0x13] =	wrdreg s4  }
0x10: {  	s6 =	sshrl.u32 s16, $0x3;
	s17 =	sadd.s32 $0xC800, s8;
	[dreg:$0x6] =	wrdreg s15  }
0x11: {  	s0 =	smax.u32 s0, $0x1;
	s18 =	sadd.s32 $0x2900, s8;
	[dreg:$0x7] =	wrdreg s17  }
0x12: {  	s5 =	simm.s32 $0x5180;
	s19 =	sadd.s32 $0xC900, s8;
	[dreg:$0x8] =	wrdreg s18  }
0x13: {  	s16 =	simm.s32 $0x5280;
	s20 =	sadd.s32 $0x2A00, s8;
	[dreg:$0x9] =	wrdreg s19  }
0x14: {  	s13 =	simm.s32 $0x8800;
	s22 =	sadd.s32 $0xCA00, s8;
	[dreg:$0xa] =	wrdreg s20  }
0x15: {  	p1 =	sne.s32 s0, $0x1;
	s23 =	sadd.s32 $0x2B00, s8;
	[dreg:$0xb] =	wrdreg s22  }
0x16: {  	s1 =	sadd.s32 s6, s1;
	s25 =	sadd.s32 $0xCB00, s8;
	[dreg:$0xc] =	wrdreg s23  }
0x17: {  	s6 =	sadd.s32 $0xFFFFFFFF, s0;
	s28 =	sadd.s32 $0x2C00, s8;
	[dreg:$0xd] =	wrdreg s25  }
0x18: {  	s0 =	simm.s32 $0x5400;
	s8 =	sadd.s32 $0xCC00, s8;
	[dreg:$0xe] =	wrdreg s28  }
.Ltmp0:
0x19: {  	s1 =	sadd.s32 $0x20800, s1;
	[dreg:$0xf] =	wrdreg s8;
	(pc) =	sbr.rel @!p1 .LBB2_5-.Ltmp0, $4  }
0x1a: {  	s26 =	simm.s32 $0x5900;
	[dreg:$0x10] =	wrdreg s1;
	s23 =	simm.s32 $0x3  }
0x1b: {  	s8 =	simm.s32 $0x80;
	s17 =	simm.s32 $0x5380;
	s25 =	simm.s32 $0x5480  }
0x1c: {  	s20 =	simm.s32 $0x5500;
	s22 =	simm.s32 $0x5600;
	s18 =	simm.s32 $0x5680  }
0x1d: {  	s19 =	simm.s32 $0x5700;
	s1 =	simm.s32 $0x1;
	s15 =	simm.s32 $0x5880  }
0x1e: {  	s31 =	rddreg [dreg:$0x4]  }
0x1f: {  	[spmem:s30], [sflag:s4] =	dma.local [hbm:s31], $0x500  }
0x20: {  	_ =	swait.ge [sflag:s23], $0x500  }
0x21: {  	s10 =	rddreg [dreg:$0x5];
	[sflag:s23] =	ssyncset.done $0x0  }
0x22: {  	s14 =	rddreg [dreg:$0x11];
	[sflag:s23] =	ssyncadd.s32 $0xFFFFFB00  }
0x23: {  	[spmem:s14], [sflag:s4] =	dma.local [hbm:s10], $0x500  }
0x24: {  	_ =	swait.ge [sflag:s23], $0x500  }
0x25: {  	[sflag:s23] =	ssyncset.done $0x0  }
0x26: {  	[sflag:s23] =	ssyncadd.s32 $0xFFFFFB00  }
0x27: {  	[bflag:$0x0] =	sbarrier.arrive $0xFFFF  }
0x28: {  	s7 =	simm.s32 $0x0;
	s14 =	simm.s32 $0x5000;
	s15 =	rddreg [dreg:$0x6]  }
0x29: {  	[tilespmem:s14], [sflag:$0x3] =	stream.linear.gather [hbm4b:s15+s7], $0x800, $0x38;
	[tilespmem:$0x17000] =	vst v63  }
0x2a: {  	_ =	swait.ge [sflag:s23], $0x800  }
0x2b: {  	[sflag:s23] =	ssyncset.done $0x0  }
0x2c: {  	s15 =	simm.s32 $0x6000;
	s24 =	rddreg [dreg:$0x7];
	[sflag:s23] =	ssyncadd.s32 $0xFFFFF800  }
0x2d: {  	[tilespmem:s15], [sflag:$0x3] =	stream.linear.gather [hbm4b:s24+s7], $0x800, $0x38;
	[tilespmem:$0x17000] =	vst v63  }
0x2e: {  	_ =	swait.ge [sflag:s23], $0x800  }
0x2f: {  	[sflag:s23] =	ssyncset.done $0x0  }
0x30: {  	s28 =	simm.s32 $0x7000;
	[sflag:s23] =	ssyncadd.s32 $0xFFFFF800  }
0x31: {  	[tilespmem:s28], [sflag:$0x1] =	stream.indirect.gather [spmem:s3], $0x10, s14, s8, $0xb8;
	[tilespmem:$0x17000] =	vst v63  }
0x32: {  	s31 =	simm.s32 $0x5080  }
0x33: {  	[tilespmem:s11], [sflag:$0x1] =	stream.indirect.gather [spmem:s3], $0x10, s31, s8, $0xb8;
	[tilespmem:$0x17000] =	vst v63  }
0x34: {  	s11 =	simm.s32 $0x5100  }
0x35: {  	[tilespmem:s12], [sflag:$0x1] =	stream.indirect.gather [spmem:s3], $0x10, s11, s8, $0xb8;
	[tilespmem:$0x17000] =	vst v63  }
0x36: {  	_ = 	snop  }
0x37: {  	[tilespmem:s13], [sflag:$0x1] =	stream.indirect.gather [spmem:s3], $0x10, s5, s8, $0xb8;
	[tilespmem:$0x17000] =	vst v63  }
0x38: {  	s14 =	simm.s32 $0x9000;
	s13 =	simm.s32 $0x5200  }
0x39: {  	[tilespmem:s14], [sflag:$0x1] =	stream.indirect.gather [spmem:s3], $0x10, s13, s8, $0xb8;
	[tilespmem:$0x17000] =	vst v63  }
0x3a: {  	s28 =	simm.s32 $0x9800  }
0x3b: {  	[tilespmem:s28], [sflag:$0x1] =	stream.indirect.gather [spmem:s3], $0x10, s16, s8, $0xb8;
	[tilespmem:$0x17000] =	vst v63  }
0x3c: {  	s31 =	simm.s32 $0xA000  }
0x3d: {  	[tilespmem:s31], [sflag:$0x1] =	stream.indirect.gather [spmem:s3], $0x10, s29, s8, $0xb8;
	[tilespmem:$0x17000] =	vst v63  }
0x3e: {  	s7 =	simm.s32 $0xA800  }
0x3f: {  	[tilespmem:s7], [sflag:$0x1] =	stream.indirect.gather [spmem:s3], $0x10, s17, s8, $0xb8;
	[tilespmem:$0x17000] =	vst v63  }
0x40: {  	s13 =	simm.s32 $0xB000  }
0x41: {  	[tilespmem:s13], [sflag:$0x1] =	stream.indirect.gather [spmem:s3], $0x10, s0, s8, $0xb8;
	[tilespmem:$0x17000] =	vst v63  }
0x42: {  	s16 =	simm.s32 $0xB800  }
0x43: {  	[tilespmem:s16], [sflag:$0x1] =	stream.indirect.gather [spmem:s3], $0x10, s25, s8, $0xb8;
	[tilespmem:$0x17000] =	vst v63  }
0x44: {  	s17 =	simm.s32 $0xC000  }
0x45: {  	[tilespmem:s17], [sflag:$0x1] =	stream.indirect.gather [spmem:s3], $0x10, s20, s8, $0xb8;
	[tilespmem:$0x17000] =	vst v63  }
0x46: {  	s20 =	simm.s32 $0xC800  }
0x47: {  	[tilespmem:s20], [sflag:$0x1] =	stream.indirect.gather [spmem:s3], $0x10, s21, s8, $0xb8;
	[tilespmem:$0x17000] =	vst v63  }
0x48: {  	s25 =	simm.s32 $0xD000  }
0x49: {  	[tilespmem:s25], [sflag:$0x1] =	stream.indirect.gather [spmem:s3], $0x10, s22, s8, $0xb8;
	[tilespmem:$0x17000] =	vst v63  }
0x4a: {  	s31 =	simm.s32 $0xD800  }
0x4b: {  	[tilespmem:s31], [sflag:$0x1] =	stream.indirect.gather [spmem:s3], $0x10, s18, s8, $0xb8;
	[tilespmem:$0x17000] =	vst v63  }
0x4c: {  	s20 =	simm.s32 $0xE000  }
0x4d: {  	[tilespmem:s20], [sflag:$0x1] =	stream.indirect.gather [spmem:s3], $0x10, s19, s8, $0xb8;
	[tilespmem:$0x17000] =	vst v63  }
0x4e: {  	[dreg:$0x14] =	wrdreg s6;
	s21 =	simm.s32 $0xE800;
	s22 =	simm.s32 $0x5780  }
0x4f: {  	[tilespmem:s21], [sflag:$0x1] =	stream.indirect.gather [spmem:s3], $0x10, s22, s8, $0xb8;
	[tilespmem:$0x17000] =	vst v63  }
0x50: {  	_ =	swait.ge [sflag:s1], $0x8000  }
0x51: {  	[sflag:s1] =	ssyncset.done $0x0  }
0x52: {  	s15 =	simm.s32 $0x6000;
	s24 =	simm.s32 $0x7000;
	[sflag:s1] =	ssyncadd.s32 $0xFFFF8000  }
0x53: {  	[spmem:s2] =	stream.indirect.scatter.add.f32 [tilespmem:s24], [sflag:$0x2], $0x10, s15, s8, $0xb8;
	[tilespmem:$0x17000] =	vst v63  }
0x54: {  	s25 =	simm.s32 $0x6080;
	s31 =	simm.s32 $0x7800  }
0x55: {  	[spmem:s2] =	stream.indirect.scatter.add.f32 [tilespmem:s31], [sflag:$0x2], $0x10, s25, s8, $0xb8;
	[tilespmem:$0x17000] =	vst v63  }
0x56: {  	s0 =	simm.s32 $0x6100;
	s15 =	simm.s32 $0x8000  }
0x57: {  	[spmem:s2] =	stream.indirect.scatter.add.f32 [tilespmem:s15], [sflag:$0x2], $0x10, s0, s8, $0xb8;
	[tilespmem:$0x17000] =	vst v63  }
0x58: {  	s21 =	simm.s32 $0x6180;
	s22 =	simm.s32 $0x8800  }
0x59: {  	[spmem:s2] =	stream.indirect.scatter.add.f32 [tilespmem:s22], [sflag:$0x2], $0x10, s21, s8, $0xb8;
	[tilespmem:$0x17000] =	vst v63  }
0x5a: {  	s12 =	simm.s32 $0x9000;
	s24 =	simm.s32 $0x6200  }
0x5b: {  	[spmem:s2] =	stream.indirect.scatter.add.f32 [tilespmem:s12], [sflag:$0x2], $0x10, s24, s8, $0xb8;
	[tilespmem:$0x17000] =	vst v63  }
0x5c: {  	s14 =	simm.s32 $0x9800;
	s25 =	simm.s32 $0x6280  }
0x5d: {  	[spmem:s2] =	stream.indirect.scatter.add.f32 [tilespmem:s14], [sflag:$0x2], $0x10, s25, s8, $0xb8;
	[tilespmem:$0x17000] =	vst v63  }
0x5e: {  	s28 =	simm.s32 $0xA000;
	s31 =	simm.s32 $0x6300  }
0x5f: {  	[spmem:s2] =	stream.indirect.scatter.add.f32 [tilespmem:s28], [sflag:$0x2], $0x10, s31, s8, $0xb8;
	[tilespmem:$0x17000] =	vst v63  }
0x60: {  	s29 =	simm.s32 $0xA800;
	s1 =	simm.s32 $0x6380  }
0x61: {  	[spmem:s2] =	stream.indirect.scatter.add.f32 [tilespmem:s29], [sflag:$0x2], $0x10, s1, s8, $0xb8;
	[tilespmem:$0x17000] =	vst v63  }
0x62: {  	s13 =	simm.s32 $0xB000;
	s12 =	simm.s32 $0x6400  }
0x63: {  	[spmem:s2] =	stream.indirect.scatter.add.f32 [tilespmem:s13], [sflag:$0x2], $0x10, s12, s8, $0xb8;
	[tilespmem:$0x17000] =	vst v63  }
0x64: {  	s7 =	simm.s32 $0xB800;
	s14 =	simm.s32 $0x6480  }
0x65: {  	[spmem:s2] =	stream.indirect.scatter.add.f32 [tilespmem:s7], [sflag:$0x2], $0x10, s14, s8, $0xb8;
	[tilespmem:$0x17000] =	vst v63  }
0x66: {  	s11 =	simm.s32 $0xC000;
	s15 =	simm.s32 $0x6500  }
0x67: {  	[spmem:s2] =	stream.indirect.scatter.add.f32 [tilespmem:s11], [sflag:$0x2], $0x10, s15, s8, $0xb8;
	[tilespmem:$0x17000] =	vst v63  }
0x68: {  	s16 =	simm.s32 $0xC800;
	s21 =	simm.s32 $0x6580  }
0x69: {  	[spmem:s2] =	stream.indirect.scatter.add.f32 [tilespmem:s16], [sflag:$0x2], $0x10, s21, s8, $0xb8;
	[tilespmem:$0x17000] =	vst v63  }
0x6a: {  	s17 =	simm.s32 $0xD000;
	s22 =	simm.s32 $0x6600  }
0x6b: {  	[spmem:s2] =	stream.indirect.scatter.add.f32 [tilespmem:s17], [sflag:$0x2], $0x10, s22, s8, $0xb8;
	[tilespmem:$0x17000] =	vst v63  }
0x6c: {  	s18 =	simm.s32 $0xD800;
	s24 =	simm.s32 $0x6680  }
0x6d: {  	[spmem:s2] =	stream.indirect.scatter.add.f32 [tilespmem:s18], [sflag:$0x2], $0x10, s24, s8, $0xb8;
	[tilespmem:$0x17000] =	vst v63  }
0x6e: {  	s19 =	simm.s32 $0xE000;
	s25 =	simm.s32 $0x6700  }
0x6f: {  	[spmem:s2] =	stream.indirect.scatter.add.f32 [tilespmem:s19], [sflag:$0x2], $0x10, s25, s8, $0xb8;
	[tilespmem:$0x17000] =	vst v63  }
0x70: {  	s20 =	simm.s32 $0xE800;
	s29 =	simm.s32 $0x6780  }
0x71: {  	[spmem:s2] =	stream.indirect.scatter.add.f32 [tilespmem:s20], [sflag:$0x2], $0x10, s29, s8, $0xb8;
	[tilespmem:$0x17000] =	vst v63  }
0x72: {  	s6 =	simm.s32 $0x0;
	s28 =	rddreg [dreg:$0x8]  }
0x73: {  	[tilespmem:s9], [sflag:$0x3] =	stream.linear.gather [hbm4b:s28+s6], $0x800, $0x38;
	[tilespmem:$0x17000] =	vst v63  }
0x74: {  	_ =	swait.ge [sflag:s23], $0x800  }
0x75: {  	[sflag:s23] =	ssyncset.done $0x0  }
0x76: {  	s1 =	simm.s32 $0x6800;
	s0 =	rddreg [dreg:$0x9];
	[sflag:s23] =	ssyncadd.s32 $0xFFFFF800  }
0x77: {  	[tilespmem:s1], [sflag:$0x3] =	stream.linear.gather [hbm4b:s0+s6], $0x800, $0x38;
	[tilespmem:$0x17000] =	vst v63  }
0x78: {  	_ =	swait.ge [sflag:s23], $0x800  }
0x79: {  	[sflag:s23] =	ssyncset.done $0x0  }
0x7a: {  	s7 =	simm.s32 $0xF000;
	[sflag:s23] =	ssyncadd.s32 $0xFFFFF800  }
0x7b: {  	[tilespmem:s7], [sflag:$0x1] =	stream.indirect.gather [spmem:s3], $0x10, s9, s8, $0xb8;
	[tilespmem:$0x17000] =	vst v63  }
0x7c: {  	s10 =	simm.s32 $0x5880;
	s9 =	simm.s32 $0xF800  }
0x7d: {  	[tilespmem:s9], [sflag:$0x1] =	stream.indirect.gather [spmem:s3], $0x10, s10, s8, $0xb8;
	[tilespmem:$0x17000] =	vst v63  }
0x7e: {  	s11 =	simm.s32 $0x10000  }
0x7f: {  	[tilespmem:s11], [sflag:$0x1] =	stream.indirect.gather [spmem:s3], $0x10, s26, s8, $0xb8;
	[tilespmem:$0x17000] =	vst v63  }
0x80: {  	s12 =	simm.s32 $0x5980;
	s26 =	simm.s32 $0x10800  }
0x81: {  	[tilespmem:s26], [sflag:$0x1] =	stream.indirect.gather [spmem:s3], $0x10, s12, s8, $0xb8;
	[tilespmem:$0x17000] =	vst v63  }
0x82: {  	s13 =	simm.s32 $0x11000;
	s15 =	simm.s32 $0x5A00  }
0x83: {  	[tilespmem:s13], [sflag:$0x1] =	stream.indirect.gather [spmem:s3], $0x10, s15, s8, $0xb8;
	[tilespmem:$0x17000] =	vst v63  }
0x84: {  	s16 =	simm.s32 $0x5A80;
	s29 =	simm.s32 $0x11800  }
0x85: {  	[tilespmem:s29], [sflag:$0x1] =	stream.indirect.gather [spmem:s3], $0x10, s16, s8, $0xb8;
	[tilespmem:$0x17000] =	vst v63  }
0x86: {  	s17 =	simm.s32 $0x12000;
	s18 =	simm.s32 $0x5B00  }
0x87: {  	[tilespmem:s17], [sflag:$0x1] =	stream.indirect.gather [spmem:s3], $0x10, s18, s8, $0xb8;
	[tilespmem:$0x17000] =	vst v63  }
0x88: {  	s19 =	simm.s32 $0x12800;
	s20 =	simm.s32 $0x5B80  }
0x89: {  	[tilespmem:s19], [sflag:$0x1] =	stream.indirect.gather [spmem:s3], $0x10, s20, s8, $0xb8;
	[tilespmem:$0x17000] =	vst v63  }
0x8a: {  	s21 =	simm.s32 $0x13000;
	s22 =	simm.s32 $0x5C00  }
0x8b: {  	[tilespmem:s21], [sflag:$0x1] =	stream.indirect.gather [spmem:s3], $0x10, s22, s8, $0xb8;
	[tilespmem:$0x17000] =	vst v63  }
0x8c: {  	s24 =	simm.s32 $0x13800;
	s25 =	simm.s32 $0x5C80  }
0x8d: {  	[tilespmem:s24], [sflag:$0x1] =	stream.indirect.gather [spmem:s3], $0x10, s25, s8, $0xb8;
	[tilespmem:$0x17000] =	vst v63  }
0x8e: {  	s28 =	simm.s32 $0x5D00;
	s21 =	simm.s32 $0x14000  }
0x8f: {  	[tilespmem:s21], [sflag:$0x1] =	stream.indirect.gather [spmem:s3], $0x10, s28, s8, $0xb8;
	[tilespmem:$0x17000] =	vst v63  }
0x90: {  	s31 =	simm.s32 $0x5D80;
	s22 =	simm.s32 $0x14800  }
0x91: {  	[tilespmem:s22], [sflag:$0x1] =	stream.indirect.gather [spmem:s3], $0x10, s31, s8, $0xb8;
	[tilespmem:$0x17000] =	vst v63  }
0x92: {  	s11 =	simm.s32 $0x15000;
	s15 =	simm.s32 $0x5E00  }
0x93: {  	[tilespmem:s11], [sflag:$0x1] =	stream.indirect.gather [spmem:s3], $0x10, s15, s8, $0xb8;
	[tilespmem:$0x17000] =	vst v63  }
0x94: {  	s19 =	simm.s32 $0x5E80;
	s28 =	simm.s32 $0x15800  }
0x95: {  	[tilespmem:s28], [sflag:$0x1] =	stream.indirect.gather [spmem:s3], $0x10, s19, s8, $0xb8;
	[tilespmem:$0x17000] =	vst v63  }
0x96: {  	s20 =	simm.s32 $0x5F00;
	s25 =	simm.s32 $0x16000  }
0x97: {  	[tilespmem:s25], [sflag:$0x1] =	stream.indirect.gather [spmem:s3], $0x10, s20, s8, $0xb8;
	[tilespmem:$0x17000] =	vst v63  }
0x98: {  	s24 =	simm.s32 $0x16800;
	s31 =	simm.s32 $0x5F80;
	s15 =	simm.s32 $0x2  }
0x99: {  	[tilespmem:s24], [sflag:$0x1] =	stream.indirect.gather [spmem:s3], $0x10, s31, s8, $0xb8;
	[tilespmem:$0x17000] =	vst v63  }
0x9a: {  	_ =	swait.ge [sflag:s15], $0x8000  }
0x9b: {  	[sflag:s15] =	ssyncset.done $0x0  }
0x9c: {  	s0 =	simm.s32 $0x1;
	[sflag:s15] =	ssyncadd.s32 $0xFFFF8000  }
0x9d: {  	_ =	swait.ge [sflag:s0], $0x8000  }
0x9e: {  	[sflag:s0] =	ssyncset.done $0x0  }
0x9f: {  	s14 =	simm.s32 $0x6800;
	s7 =	simm.s32 $0xF000;
	[sflag:s0] =	ssyncadd.s32 $0xFFFF8000  }
0xa0: {  	[spmem:s2] =	stream.indirect.scatter.add.f32 [tilespmem:s7], [sflag:$0x2], $0x10, s14, s8, $0xb8;
	[tilespmem:$0x17000] =	vst v63  }
0xa1: {  	s10 =	simm.s32 $0xF800;
	s14 =	simm.s32 $0x6880  }
0xa2: {  	[spmem:s2] =	stream.indirect.scatter.add.f32 [tilespmem:s10], [sflag:$0x2], $0x10, s14, s8, $0xb8;
	[tilespmem:$0x17000] =	vst v63  }
0xa3: {  	s9 =	simm.s32 $0x10000;
	s19 =	simm.s32 $0x6900  }
0xa4: {  	[spmem:s2] =	stream.indirect.scatter.add.f32 [tilespmem:s9], [sflag:$0x2], $0x10, s19, s8, $0xb8;
	[tilespmem:$0x17000] =	vst v63  }
0xa5: {  	s20 =	simm.s32 $0x6980  }
0xa6: {  	[spmem:s2] =	stream.indirect.scatter.add.f32 [tilespmem:s26], [sflag:$0x2], $0x10, s20, s8, $0xb8;
	[tilespmem:$0x17000] =	vst v63  }
0xa7: {  	s12 =	simm.s32 $0x11000;
	s24 =	simm.s32 $0x6A00  }
0xa8: {  	[spmem:s2] =	stream.indirect.scatter.add.f32 [tilespmem:s12], [sflag:$0x2], $0x10, s24, s8, $0xb8;
	[tilespmem:$0x17000] =	vst v63  }
0xa9: {  	s31 =	simm.s32 $0x6A80  }
0xaa: {  	[spmem:s2] =	stream.indirect.scatter.add.f32 [tilespmem:s29], [sflag:$0x2], $0x10, s31, s8, $0xb8;
	[tilespmem:$0x17000] =	vst v63  }
0xab: {  	s13 =	simm.s32 $0x12000;
	s9 =	simm.s32 $0x6B00  }
0xac: {  	[spmem:s2] =	stream.indirect.scatter.add.f32 [tilespmem:s13], [sflag:$0x2], $0x10, s9, s8, $0xb8;
	[tilespmem:$0x17000] =	vst v63  }
0xad: {  	s16 =	simm.s32 $0x12800;
	s10 =	simm.s32 $0x6B80  }
0xae: {  	[spmem:s2] =	stream.indirect.scatter.add.f32 [tilespmem:s16], [sflag:$0x2], $0x10, s10, s8, $0xb8;
	[tilespmem:$0x17000] =	vst v63  }
0xaf: {  	s17 =	simm.s32 $0x13000;
	s12 =	simm.s32 $0x6C00  }
0xb0: {  	[spmem:s2] =	stream.indirect.scatter.add.f32 [tilespmem:s17], [sflag:$0x2], $0x10, s12, s8, $0xb8;
	[tilespmem:$0x17000] =	vst v63  }
0xb1: {  	s18 =	simm.s32 $0x13800;
	s13 =	simm.s32 $0x6C80  }
0xb2: {  	[spmem:s2] =	stream.indirect.scatter.add.f32 [tilespmem:s18], [sflag:$0x2], $0x10, s13, s8, $0xb8;
	[tilespmem:$0x17000] =	vst v63  }
0xb3: {  	s14 =	simm.s32 $0x6D00  }
0xb4: {  	[spmem:s2] =	stream.indirect.scatter.add.f32 [tilespmem:s21], [sflag:$0x2], $0x10, s14, s8, $0xb8;
	[tilespmem:$0x17000] =	vst v63  }
0xb5: {  	s16 =	simm.s32 $0x6D80  }
0xb6: {  	[spmem:s2] =	stream.indirect.scatter.add.f32 [tilespmem:s22], [sflag:$0x2], $0x10, s16, s8, $0xb8;
	[tilespmem:$0x17000] =	vst v63  }
0xb7: {  	s11 =	simm.s32 $0x15000;
	s17 =	simm.s32 $0x6E00  }
0xb8: {  	[spmem:s2] =	stream.indirect.scatter.add.f32 [tilespmem:s11], [sflag:$0x2], $0x10, s17, s8, $0xb8;
	[tilespmem:$0x17000] =	vst v63  }
0xb9: {  	s18 =	simm.s32 $0x6E80  }
0xba: {  	[spmem:s2] =	stream.indirect.scatter.add.f32 [tilespmem:s28], [sflag:$0x2], $0x10, s18, s8, $0xb8;
	[tilespmem:$0x17000] =	vst v63  }
0xbb: {  	s19 =	simm.s32 $0x6F00  }
0xbc: {  	[spmem:s2] =	stream.indirect.scatter.add.f32 [tilespmem:s25], [sflag:$0x2], $0x10, s19, s8, $0xb8;
	[tilespmem:$0x17000] =	vst v63  }
0xbd: {  	s1 =	simm.s32 $0x16800;
	s24 =	simm.s32 $0x6F80  }
0xbe: {  	[spmem:s2] =	stream.indirect.scatter.add.f32 [tilespmem:s1], [sflag:$0x2], $0x10, s24, s8, $0xb8;
	[tilespmem:$0x17000] =	vst v63  }
0xbf: {  	s20 =	rddreg [dreg:$0xa];
	s9 =	simm.s32 $0x5000  }
0xc0: {  	[tilespmem:s9], [sflag:$0x3] =	stream.linear.gather [hbm4b:s20+s6], $0x800, $0x38;
	[tilespmem:$0x17000] =	vst v63  }
0xc1: {  	_ =	swait.ge [sflag:s23], $0x800  }
0xc2: {  	[sflag:s23] =	ssyncset.done $0x0  }
0xc3: {  	s14 =	simm.s32 $0x6000;
	s10 =	rddreg [dreg:$0xb];
	[sflag:s23] =	ssyncadd.s32 $0xFFFFF800  }
0xc4: {  	[tilespmem:s14], [sflag:$0x3] =	stream.linear.gather [hbm4b:s10+s6], $0x800, $0x38;
	[tilespmem:$0x17000] =	vst v63  }
0xc5: {  	_ =	swait.ge [sflag:s23], $0x800  }
0xc6: {  	[sflag:s23] =	ssyncset.done $0x0  }
0xc7: {  	s11 =	simm.s32 $0x5000;
	s24 =	simm.s32 $0x7000;
	[sflag:s23] =	ssyncadd.s32 $0xFFFFF800  }
0xc8: {  	[tilespmem:s24], [sflag:$0x1] =	stream.indirect.gather [spmem:s3], $0x10, s11, s8, $0xb8;
	[tilespmem:$0x17000] =	vst v63  }
0xc9: {  	s12 =	simm.s32 $0x7800;
	s13 =	simm.s32 $0x5080  }
0xca: {  	[tilespmem:s12], [sflag:$0x1] =	stream.indirect.gather [spmem:s3], $0x10, s13, s8, $0xb8;
	[tilespmem:$0x17000] =	vst v63  }
0xcb: {  	s16 =	simm.s32 $0x8000;
	s17 =	simm.s32 $0x5100  }
0xcc: {  	[tilespmem:s16], [sflag:$0x1] =	stream.indirect.gather [spmem:s3], $0x10, s17, s8, $0xb8;
	[tilespmem:$0x17000] =	vst v63  }
0xcd: {  	s18 =	simm.s32 $0x8800  }
0xce: {  	[tilespmem:s18], [sflag:$0x1] =	stream.indirect.gather [spmem:s3], $0x10, s5, s8, $0xb8;
	[tilespmem:$0x17000] =	vst v63  }
0xcf: {  	s31 =	simm.s32 $0x9000;
	s19 =	simm.s32 $0x5200  }
0xd0: {  	[tilespmem:s31], [sflag:$0x1] =	stream.indirect.gather [spmem:s3], $0x10, s19, s8, $0xb8;
	[tilespmem:$0x17000] =	vst v63  }
0xd1: {  	s1 =	simm.s32 $0x5280;
	s19 =	simm.s32 $0x9800  }
0xd2: {  	[tilespmem:s19], [sflag:$0x1] =	stream.indirect.gather [spmem:s3], $0x10, s1, s8, $0xb8;
	[tilespmem:$0x17000] =	vst v63  }
0xd3: {  	s7 =	simm.s32 $0x5300;
	s18 =	simm.s32 $0xA000  }
0xd4: {  	[tilespmem:s18], [sflag:$0x1] =	stream.indirect.gather [spmem:s3], $0x10, s7, s8, $0xb8;
	[tilespmem:$0x17000] =	vst v63  }
0xd5: {  	s9 =	simm.s32 $0x5380;
	s17 =	simm.s32 $0xA800  }
0xd6: {  	[tilespmem:s17], [sflag:$0x1] =	stream.indirect.gather [spmem:s3], $0x10, s9, s8, $0xb8;
	[tilespmem:$0x17000] =	vst v63  }
0xd7: {  	s10 =	simm.s32 $0x5400;
	s13 =	simm.s32 $0xB000  }
0xd8: {  	[tilespmem:s13], [sflag:$0x1] =	stream.indirect.gather [spmem:s3], $0x10, s10, s8, $0xb8;
	[tilespmem:$0x17000] =	vst v63  }
0xd9: {  	s11 =	simm.s32 $0x5480;
	s12 =	simm.s32 $0xB800  }
0xda: {  	[tilespmem:s12], [sflag:$0x1] =	stream.indirect.gather [spmem:s3], $0x10, s11, s8, $0xb8;
	[tilespmem:$0x17000] =	vst v63  }
0xdb: {  	s16 =	simm.s32 $0x5500;
	s11 =	simm.s32 $0xC000  }
0xdc: {  	[tilespmem:s11], [sflag:$0x1] =	stream.indirect.gather [spmem:s3], $0x10, s16, s8, $0xb8;
	[tilespmem:$0x17000] =	vst v63  }
0xdd: {  	s1 =	simm.s32 $0x5580;
	s10 =	simm.s32 $0xC800  }
0xde: {  	[tilespmem:s10], [sflag:$0x1] =	stream.indirect.gather [spmem:s3], $0x10, s1, s8, $0xb8;
	[tilespmem:$0x17000] =	vst v63  }
0xdf: {  	s7 =	simm.s32 $0x5600;
	s1 =	simm.s32 $0xD000  }
0xe0: {  	[tilespmem:s1], [sflag:$0x1] =	stream.indirect.gather [spmem:s3], $0x10, s7, s8, $0xb8;
	[tilespmem:$0x17000] =	vst v63  }
0xe1: {  	s9 =	simm.s32 $0x5680;
	s7 =	simm.s32 $0xD800  }
0xe2: {  	[tilespmem:s7], [sflag:$0x1] =	stream.indirect.gather [spmem:s3], $0x10, s9, s8, $0xb8;
	[tilespmem:$0x17000] =	vst v63  }
0xe3: {  	s16 =	simm.s32 $0x5700;
	s9 =	simm.s32 $0xE000  }
0xe4: {  	[tilespmem:s9], [sflag:$0x1] =	stream.indirect.gather [spmem:s3], $0x10, s16, s8, $0xb8;
	[tilespmem:$0x17000] =	vst v63  }
0xe5: {  	s6 =	simm.s32 $0x5780;
	s16 =	simm.s32 $0xE800  }
0xe6: {  	[tilespmem:s16], [sflag:$0x1] =	stream.indirect.gather [spmem:s3], $0x10, s6, s8, $0xb8;
	[tilespmem:$0x17000] =	vst v63  }
0xe7: {  	_ =	swait.ge [sflag:s15], $0x8000  }
0xe8: {  	[sflag:s15] =	ssyncset.done $0x0  }
0xe9: {  	[sflag:s15] =	ssyncadd.s32 $0xFFFF8000  }
0xea: {  	_ =	swait.ge [sflag:s0], $0x8000  }
0xeb: {  	[sflag:s0] =	ssyncset.done $0x0  }
0xec: {  	[sflag:s0] =	ssyncadd.s32 $0xFFFF8000  }
0xed: {  	[spmem:s2] =	stream.indirect.scatter.add.f32 [tilespmem:s24], [sflag:$0x2], $0x10, s14, s8, $0xb8;
	[tilespmem:$0x17000] =	vst v63  }
0xee: {  	s14 =	simm.s32 $0x7800;
	s24 =	simm.s32 $0x6080  }
0xef: {  	[spmem:s2] =	stream.indirect.scatter.add.f32 [tilespmem:s14], [sflag:$0x2], $0x10, s24, s8, $0xb8;
	[tilespmem:$0x17000] =	vst v63  }
0xf0: {  	s14 =	simm.s32 $0x8000;
	s24 =	simm.s32 $0x6100  }
0xf1: {  	[spmem:s2] =	stream.indirect.scatter.add.f32 [tilespmem:s14], [sflag:$0x2], $0x10, s24, s8, $0xb8;
	[tilespmem:$0x17000] =	vst v63  }
0xf2: {  	s6 =	simm.s32 $0x8800;
	s24 =	simm.s32 $0x6180  }
0xf3: {  	[spmem:s2] =	stream.indirect.scatter.add.f32 [tilespmem:s6], [sflag:$0x2], $0x10, s24, s8, $0xb8;
	[tilespmem:$0x17000] =	vst v63  }
0xf4: {  	s24 =	simm.s32 $0x6200  }
0xf5: {  	[spmem:s2] =	stream.indirect.scatter.add.f32 [tilespmem:s31], [sflag:$0x2], $0x10, s24, s8, $0xb8;
	[tilespmem:$0x17000] =	vst v63  }
0xf6: {  	s31 =	simm.s32 $0x6280  }
0xf7: {  	[spmem:s2] =	stream.indirect.scatter.add.f32 [tilespmem:s19], [sflag:$0x2], $0x10, s31, s8, $0xb8;
	[tilespmem:$0x17000] =	vst v63  }
0xf8: {  	s19 =	simm.s32 $0x6300  }
0xf9: {  	[spmem:s2] =	stream.indirect.scatter.add.f32 [tilespmem:s18], [sflag:$0x2], $0x10, s19, s8, $0xb8;
	[tilespmem:$0x17000] =	vst v63  }
0xfa: {  	s24 =	simm.s32 $0x6380  }
0xfb: {  	[spmem:s2] =	stream.indirect.scatter.add.f32 [tilespmem:s17], [sflag:$0x2], $0x10, s24, s8, $0xb8;
	[tilespmem:$0x17000] =	vst v63  }
0xfc: {  	s31 =	simm.s32 $0x6400  }
0xfd: {  	[spmem:s2] =	stream.indirect.scatter.add.f32 [tilespmem:s13], [sflag:$0x2], $0x10, s31, s8, $0xb8;
	[tilespmem:$0x17000] =	vst v63  }
0xfe: {  	s14 =	simm.s32 $0x6480  }
0xff: {  	[spmem:s2] =	stream.indirect.scatter.add.f32 [tilespmem:s12], [sflag:$0x2], $0x10, s14, s8, $0xb8;
	[tilespmem:$0x17000] =	vst v63  }
0x100: {  	s17 =	simm.s32 $0x6500  }
0x101: {  	[spmem:s2] =	stream.indirect.scatter.add.f32 [tilespmem:s11], [sflag:$0x2], $0x10, s17, s8, $0xb8;
	[tilespmem:$0x17000] =	vst v63  }
0x102: {  	s18 =	simm.s32 $0x6580  }
0x103: {  	[spmem:s2] =	stream.indirect.scatter.add.f32 [tilespmem:s10], [sflag:$0x2], $0x10, s18, s8, $0xb8;
	[tilespmem:$0x17000] =	vst v63  }
0x104: {  	s19 =	simm.s32 $0x6600  }
0x105: {  	[spmem:s2] =	stream.indirect.scatter.add.f32 [tilespmem:s1], [sflag:$0x2], $0x10, s19, s8, $0xb8;
	[tilespmem:$0x17000] =	vst v63  }
0x106: {  	s24 =	simm.s32 $0x6680  }
0x107: {  	[spmem:s2] =	stream.indirect.scatter.add.f32 [tilespmem:s7], [sflag:$0x2], $0x10, s24, s8, $0xb8;
	[tilespmem:$0x17000] =	vst v63  }
0x108: {  	s31 =	simm.s32 $0x6700  }
0x109: {  	[spmem:s2] =	stream.indirect.scatter.add.f32 [tilespmem:s9], [sflag:$0x2], $0x10, s31, s8, $0xb8;
	[tilespmem:$0x17000] =	vst v63  }
0x10a: {  	s9 =	simm.s32 $0x6780  }
0x10b: {  	[spmem:s2] =	stream.indirect.scatter.add.f32 [tilespmem:s16], [sflag:$0x2], $0x10, s9, s8, $0xb8;
	[tilespmem:$0x17000] =	vst v63  }
0x10c: {  	s20 =	simm.s32 $0x0;
	s10 =	simm.s32 $0x5800;
	s7 =	rddreg [dreg:$0xc]  }
0x10d: {  	[tilespmem:s10], [sflag:$0x3] =	stream.linear.gather [hbm4b:s7+s20], $0x800, $0x38;
	[tilespmem:$0x17000] =	vst v63  }
0x10e: {  	_ =	swait.ge [sflag:s23], $0x800  }
0x10f: {  	[sflag:s23] =	ssyncset.done $0x0  }
0x110: {  	s14 =	simm.s32 $0x6800;
	s11 =	rddreg [dreg:$0xd];
	[sflag:s23] =	ssyncadd.s32 $0xFFFFF800  }
0x111: {  	[tilespmem:s14], [sflag:$0x3] =	stream.linear.gather [hbm4b:s11+s20], $0x800, $0x38;
	[tilespmem:$0x17000] =	vst v63  }
0x112: {  	_ =	swait.ge [sflag:s23], $0x800  }
0x113: {  	[sflag:s23] =	ssyncset.done $0x0  }
0x114: {  	s1 =	simm.s32 $0xF000;
	[sflag:s23] =	ssyncadd.s32 $0xFFFFF800  }
0x115: {  	[tilespmem:s1], [sflag:$0x1] =	stream.indirect.gather [spmem:s3], $0x10, s10, s8, $0xb8;
	[tilespmem:$0x17000] =	vst v63  }
0x116: {  	s12 =	simm.s32 $0x5880;
	s9 =	simm.s32 $0xF800  }
0x117: {  	[tilespmem:s9], [sflag:$0x1] =	stream.indirect.gather [spmem:s3], $0x10, s12, s8, $0xb8;
	[tilespmem:$0x17000] =	vst v63  }
0x118: {  	s13 =	simm.s32 $0x5900;
	s7 =	simm.s32 $0x10000  }
0x119: {  	[tilespmem:s7], [sflag:$0x1] =	stream.indirect.gather [spmem:s3], $0x10, s13, s8, $0xb8;
	[tilespmem:$0x17000] =	vst v63  }
0x11a: {  	s16 =	simm.s32 $0x5980  }
0x11b: {  	[tilespmem:s26], [sflag:$0x1] =	stream.indirect.gather [spmem:s3], $0x10, s16, s8, $0xb8;
	[tilespmem:$0x17000] =	vst v63  }
0x11c: {  	s17 =	simm.s32 $0x5A00;
	s10 =	simm.s32 $0x11000  }
0x11d: {  	[tilespmem:s10], [sflag:$0x1] =	stream.indirect.gather [spmem:s3], $0x10, s17, s8, $0xb8;
	[tilespmem:$0x17000] =	vst v63  }
0x11e: {  	s18 =	simm.s32 $0x5A80  }
0x11f: {  	[tilespmem:s29], [sflag:$0x1] =	stream.indirect.gather [spmem:s3], $0x10, s18, s8, $0xb8;
	[tilespmem:$0x17000] =	vst v63  }
0x120: {  	s19 =	simm.s32 $0x5B00;
	s11 =	simm.s32 $0x12000  }
0x121: {  	[tilespmem:s11], [sflag:$0x1] =	stream.indirect.gather [spmem:s3], $0x10, s19, s8, $0xb8;
	[tilespmem:$0x17000] =	vst v63  }
0x122: {  	s24 =	simm.s32 $0x5B80;
	s16 =	simm.s32 $0x12800  }
0x123: {  	[tilespmem:s16], [sflag:$0x1] =	stream.indirect.gather [spmem:s3], $0x10, s24, s8, $0xb8;
	[tilespmem:$0x17000] =	vst v63  }
0x124: {  	s31 =	simm.s32 $0x5C00;
	s17 =	simm.s32 $0x13000  }
0x125: {  	[tilespmem:s17], [sflag:$0x1] =	stream.indirect.gather [spmem:s3], $0x10, s31, s8, $0xb8;
	[tilespmem:$0x17000] =	vst v63  }
0x126: {  	s13 =	simm.s32 $0x5C80;
	s18 =	simm.s32 $0x13800  }
0x127: {  	[tilespmem:s18], [sflag:$0x1] =	stream.indirect.gather [spmem:s3], $0x10, s13, s8, $0xb8;
	[tilespmem:$0x17000] =	vst v63  }
0x128: {  	s19 =	simm.s32 $0x5D00  }
0x129: {  	[tilespmem:s21], [sflag:$0x1] =	stream.indirect.gather [spmem:s3], $0x10, s19, s8, $0xb8;
	[tilespmem:$0x17000] =	vst v63  }
0x12a: {  	s24 =	simm.s32 $0x5D80  }
0x12b: {  	[tilespmem:s22], [sflag:$0x1] =	stream.indirect.gather [spmem:s3], $0x10, s24, s8, $0xb8;
	[tilespmem:$0x17000] =	vst v63  }
0x12c: {  	s31 =	simm.s32 $0x5E00;
	s13 =	simm.s32 $0x15000  }
0x12d: {  	[tilespmem:s13], [sflag:$0x1] =	stream.indirect.gather [spmem:s3], $0x10, s31, s8, $0xb8;
	[tilespmem:$0x17000] =	vst v63  }
0x12e: {  	s19 =	simm.s32 $0x5E80  }
0x12f: {  	[tilespmem:s28], [sflag:$0x1] =	stream.indirect.gather [spmem:s3], $0x10, s19, s8, $0xb8;
	[tilespmem:$0x17000] =	vst v63  }
0x130: {  	s24 =	simm.s32 $0x5F00  }
0x131: {  	[tilespmem:s25], [sflag:$0x1] =	stream.indirect.gather [spmem:s3], $0x10, s24, s8, $0xb8;
	[tilespmem:$0x17000] =	vst v63  }
0x132: {  	s12 =	simm.s32 $0x16800;
	s31 =	simm.s32 $0x5F80  }
0x133: {  	[tilespmem:s12], [sflag:$0x1] =	stream.indirect.gather [spmem:s3], $0x10, s31, s8, $0xb8;
	[tilespmem:$0x17000] =	vst v63  }
0x134: {  	_ =	swait.ge [sflag:s15], $0x8000  }
0x135: {  	[sflag:s15] =	ssyncset.done $0x0  }
0x136: {  	[sflag:s15] =	ssyncadd.s32 $0xFFFF8000  }
0x137: {  	_ =	swait.ge [sflag:s0], $0x8000  }
0x138: {  	[sflag:s0] =	ssyncset.done $0x0  }
0x139: {  	[sflag:s0] =	ssyncadd.s32 $0xFFFF8000  }
0x13a: {  	[spmem:s2] =	stream.indirect.scatter.add.f32 [tilespmem:s1], [sflag:$0x2], $0x10, s14, s8, $0xb8;
	[tilespmem:$0x17000] =	vst v63  }
0x13b: {  	s1 =	simm.s32 $0x6880  }
0x13c: {  	[spmem:s2] =	stream.indirect.scatter.add.f32 [tilespmem:s9], [sflag:$0x2], $0x10, s1, s8, $0xb8;
	[tilespmem:$0x17000] =	vst v63  }
0x13d: {  	s9 =	simm.s32 $0x6900  }
0x13e: {  	[spmem:s2] =	stream.indirect.scatter.add.f32 [tilespmem:s7], [sflag:$0x2], $0x10, s9, s8, $0xb8;
	[tilespmem:$0x17000] =	vst v63  }
0x13f: {  	s14 =	simm.s32 $0x6980  }
0x140: {  	[spmem:s2] =	stream.indirect.scatter.add.f32 [tilespmem:s26], [sflag:$0x2], $0x10, s14, s8, $0xb8;
	[tilespmem:$0x17000] =	vst v63  }
0x141: {  	s19 =	simm.s32 $0x6A00  }
0x142: {  	[spmem:s2] =	stream.indirect.scatter.add.f32 [tilespmem:s10], [sflag:$0x2], $0x10, s19, s8, $0xb8;
	[tilespmem:$0x17000] =	vst v63  }
0x143: {  	s24 =	simm.s32 $0x6A80  }
0x144: {  	[spmem:s2] =	stream.indirect.scatter.add.f32 [tilespmem:s29], [sflag:$0x2], $0x10, s24, s8, $0xb8;
	[tilespmem:$0x17000] =	vst v63  }
0x145: {  	s26 =	simm.s32 $0x6B00  }
0x146: {  	[spmem:s2] =	stream.indirect.scatter.add.f32 [tilespmem:s11], [sflag:$0x2], $0x10, s26, s8, $0xb8;
	[tilespmem:$0x17000] =	vst v63  }
0x147: {  	s29 =	simm.s32 $0x6B80  }
0x148: {  	[spmem:s2] =	stream.indirect.scatter.add.f32 [tilespmem:s16], [sflag:$0x2], $0x10, s29, s8, $0xb8;
	[tilespmem:$0x17000] =	vst v63  }
0x149: {  	s31 =	simm.s32 $0x6C00  }
0x14a: {  	[spmem:s2] =	stream.indirect.scatter.add.f32 [tilespmem:s17], [sflag:$0x2], $0x10, s31, s8, $0xb8;
	[tilespmem:$0x17000] =	vst v63  }
0x14b: {  	s7 =	simm.s32 $0x6C80  }
0x14c: {  	[spmem:s2] =	stream.indirect.scatter.add.f32 [tilespmem:s18], [sflag:$0x2], $0x10, s7, s8, $0xb8;
	[tilespmem:$0x17000] =	vst v63  }
0x14d: {  	s9 =	simm.s32 $0x6D00  }
0x14e: {  	[spmem:s2] =	stream.indirect.scatter.add.f32 [tilespmem:s21], [sflag:$0x2], $0x10, s9, s8, $0xb8;
	[tilespmem:$0x17000] =	vst v63  }
0x14f: {  	s10 =	simm.s32 $0x6D80  }
0x150: {  	[spmem:s2] =	stream.indirect.scatter.add.f32 [tilespmem:s22], [sflag:$0x2], $0x10, s10, s8, $0xb8;
	[tilespmem:$0x17000] =	vst v63  }
0x151: {  	s11 =	simm.s32 $0x6E00  }
0x152: {  	[spmem:s2] =	stream.indirect.scatter.add.f32 [tilespmem:s13], [sflag:$0x2], $0x10, s11, s8, $0xb8;
	[tilespmem:$0x17000] =	vst v63  }
0x153: {  	s14 =	simm.s32 $0x6E80  }
0x154: {  	[spmem:s2] =	stream.indirect.scatter.add.f32 [tilespmem:s28], [sflag:$0x2], $0x10, s14, s8, $0xb8;
	[tilespmem:$0x17000] =	vst v63  }
0x155: {  	s16 =	simm.s32 $0x6F00  }
0x156: {  	[spmem:s2] =	stream.indirect.scatter.add.f32 [tilespmem:s25], [sflag:$0x2], $0x10, s16, s8, $0xb8;
	[tilespmem:$0x17000] =	vst v63  }
0x157: {  	s18 =	simm.s32 $0x6F80  }
0x158: {  	[spmem:s2] =	stream.indirect.scatter.add.f32 [tilespmem:s12], [sflag:$0x2], $0x10, s18, s8, $0xb8;
	[tilespmem:$0x17000] =	vst v63  }
0x159: {  	s19 =	simm.s32 $0x5000;
	s17 =	rddreg [dreg:$0xe]  }
0x15a: {  	[tilespmem:s19], [sflag:$0x3] =	stream.linear.gather [hbm4b:s17+s20], $0x800, $0x38;
	[tilespmem:$0x17000] =	vst v63  }
0x15b: {  	_ =	swait.ge [sflag:s23], $0x800  }
0x15c: {  	[sflag:s23] =	ssyncset.done $0x0  }
0x15d: {  	s22 =	simm.s32 $0x6000;
	s21 =	rddreg [dreg:$0xf];
	[sflag:s23] =	ssyncadd.s32 $0xFFFFF800  }
0x15e: {  	[tilespmem:s22], [sflag:$0x3] =	stream.linear.gather [hbm4b:s21+s20], $0x800, $0x38;
	[tilespmem:$0x17000] =	vst v63  }
0x15f: {  	_ =	swait.ge [sflag:s23], $0x800  }
0x160: {  	[sflag:s23] =	ssyncset.done $0x0  }
0x161: {  	s31 =	simm.s32 $0x7000;
	[sflag:s23] =	ssyncadd.s32 $0xFFFFF800  }
0x162: {  	[tilespmem:s31], [sflag:$0x1] =	stream.indirect.gather [spmem:s3], $0x10, s19, s8, $0xb8;
	[tilespmem:$0x17000] =	vst v63  }
0x163: {  	s7 =	simm.s32 $0x7800;
	s9 =	simm.s32 $0x5080  }
0x164: {  	[tilespmem:s7], [sflag:$0x1] =	stream.indirect.gather [spmem:s3], $0x10, s9, s8, $0xb8;
	[tilespmem:$0x17000] =	vst v63  }
0x165: {  	s10 =	simm.s32 $0x5100;
	s12 =	simm.s32 $0x8000  }
0x166: {  	[tilespmem:s12], [sflag:$0x1] =	stream.indirect.gather [spmem:s3], $0x10, s10, s8, $0xb8;
	[tilespmem:$0x17000] =	vst v63  }
0x167: {  	_ = 	snop  }
0x168: {  	[tilespmem:s6], [sflag:$0x1] =	stream.indirect.gather [spmem:s3], $0x10, s5, s8, $0xb8;
	[tilespmem:$0x17000] =	vst v63  }
0x169: {  	s26 =	simm.s32 $0x9000;
	s11 =	simm.s32 $0x5200  }
0x16a: {  	[tilespmem:s26], [sflag:$0x1] =	stream.indirect.gather [spmem:s3], $0x10, s11, s8, $0xb8;
	[tilespmem:$0x17000] =	vst v63  }
0x16b: {  	s14 =	simm.s32 $0x5280;
	s7 =	simm.s32 $0x9800  }
0x16c: {  	[tilespmem:s7], [sflag:$0x1] =	stream.indirect.gather [spmem:s3], $0x10, s14, s8, $0xb8;
	[tilespmem:$0x17000] =	vst v63  }
0x16d: {  	s16 =	simm.s32 $0x5300;
	s9 =	simm.s32 $0xA000  }
0x16e: {  	[tilespmem:s9], [sflag:$0x1] =	stream.indirect.gather [spmem:s3], $0x10, s16, s8, $0xb8;
	[tilespmem:$0x17000] =	vst v63  }
0x16f: {  	s17 =	simm.s32 $0x5380;
	s10 =	simm.s32 $0xA800  }
0x170: {  	[tilespmem:s10], [sflag:$0x1] =	stream.indirect.gather [spmem:s3], $0x10, s17, s8, $0xb8;
	[tilespmem:$0x17000] =	vst v63  }
0x171: {  	s18 =	simm.s32 $0x5400;
	s14 =	simm.s32 $0xB000  }
0x172: {  	[tilespmem:s14], [sflag:$0x1] =	stream.indirect.gather [spmem:s3], $0x10, s18, s8, $0xb8;
	[tilespmem:$0x17000] =	vst v63  }
0x173: {  	s19 =	simm.s32 $0x5480;
	s16 =	simm.s32 $0xB800  }
0x174: {  	[tilespmem:s16], [sflag:$0x1] =	stream.indirect.gather [spmem:s3], $0x10, s19, s8, $0xb8;
	[tilespmem:$0x17000] =	vst v63  }
0x175: {  	s20 =	simm.s32 $0x5500;
	s17 =	simm.s32 $0xC000  }
0x176: {  	[tilespmem:s17], [sflag:$0x1] =	stream.indirect.gather [spmem:s3], $0x10, s20, s8, $0xb8;
	[tilespmem:$0x17000] =	vst v63  }
0x177: {  	s21 =	simm.s32 $0x5580;
	s18 =	simm.s32 $0xC800  }
0x178: {  	[tilespmem:s18], [sflag:$0x1] =	stream.indirect.gather [spmem:s3], $0x10, s21, s8, $0xb8;
	[tilespmem:$0x17000] =	vst v63  }
0x179: {  	s24 =	simm.s32 $0x5600;
	s19 =	simm.s32 $0xD000  }
0x17a: {  	[tilespmem:s19], [sflag:$0x1] =	stream.indirect.gather [spmem:s3], $0x10, s24, s8, $0xb8;
	[tilespmem:$0x17000] =	vst v63  }
0x17b: {  	s25 =	simm.s32 $0x5680;
	s20 =	simm.s32 $0xD800  }
0x17c: {  	[tilespmem:s20], [sflag:$0x1] =	stream.indirect.gather [spmem:s3], $0x10, s25, s8, $0xb8;
	[tilespmem:$0x17000] =	vst v63  }
0x17d: {  	s28 =	simm.s32 $0x5700;
	s21 =	simm.s32 $0xE000  }
0x17e: {  	[tilespmem:s21], [sflag:$0x1] =	stream.indirect.gather [spmem:s3], $0x10, s28, s8, $0xb8;
	[tilespmem:$0x17000] =	vst v63  }
0x17f: {  	s29 =	simm.s32 $0x5780;
	s25 =	simm.s32 $0xE800  }
0x180: {  	[tilespmem:s25], [sflag:$0x1] =	stream.indirect.gather [spmem:s3], $0x10, s29, s8, $0xb8;
	[tilespmem:$0x17000] =	vst v63  }
0x181: {  	_ =	swait.ge [sflag:s15], $0x8000  }
0x182: {  	[sflag:s15] =	ssyncset.done $0x0  }
0x183: {  	s1 =	simm.s32 $0x1;
	[sflag:s15] =	ssyncadd.s32 $0xFFFF8000  }
0x184: {  	_ =	swait.ge [sflag:s1], $0x8000  }
0x185: {  	[sflag:s1] =	ssyncset.done $0x0  }
0x186: {  	[sflag:s1] =	ssyncadd.s32 $0xFFFF8000  }
0x187: {  	[spmem:s2] =	stream.indirect.scatter.add.f32 [tilespmem:s31], [sflag:$0x2], $0x10, s22, s8, $0xb8;
	[tilespmem:$0x17000] =	vst v63  }
0x188: {  	s11 =	simm.s32 $0x7800;
	s31 =	simm.s32 $0x6080  }
0x189: {  	[spmem:s2] =	stream.indirect.scatter.add.f32 [tilespmem:s11], [sflag:$0x2], $0x10, s31, s8, $0xb8;
	[tilespmem:$0x17000] =	vst v63  }
0x18a: {  	s22 =	simm.s32 $0x6100  }
0x18b: {  	[spmem:s2] =	stream.indirect.scatter.add.f32 [tilespmem:s12], [sflag:$0x2], $0x10, s22, s8, $0xb8;
	[tilespmem:$0x17000] =	vst v63  }
0x18c: {  	s28 =	simm.s32 $0x6180  }
0x18d: {  	[spmem:s2] =	stream.indirect.scatter.add.f32 [tilespmem:s6], [sflag:$0x2], $0x10, s28, s8, $0xb8;
	[tilespmem:$0x17000] =	vst v63  }
0x18e: {  	s29 =	simm.s32 $0x6200  }
0x18f: {  	[spmem:s2] =	stream.indirect.scatter.add.f32 [tilespmem:s26], [sflag:$0x2], $0x10, s29, s8, $0xb8;
	[tilespmem:$0x17000] =	vst v63  }
0x190: {  	s31 =	simm.s32 $0x6280  }
0x191: {  	[spmem:s2] =	stream.indirect.scatter.add.f32 [tilespmem:s7], [sflag:$0x2], $0x10, s31, s8, $0xb8;
	[tilespmem:$0x17000] =	vst v63  }
0x192: {  	s7 =	simm.s32 $0x6300  }
0x193: {  	[spmem:s2] =	stream.indirect.scatter.add.f32 [tilespmem:s9], [sflag:$0x2], $0x10, s7, s8, $0xb8;
	[tilespmem:$0x17000] =	vst v63  }
0x194: {  	s9 =	simm.s32 $0x6380  }
0x195: {  	[spmem:s2] =	stream.indirect.scatter.add.f32 [tilespmem:s10], [sflag:$0x2], $0x10, s9, s8, $0xb8;
	[tilespmem:$0x17000] =	vst v63  }
0x196: {  	s10 =	simm.s32 $0x6400  }
0x197: {  	[spmem:s2] =	stream.indirect.scatter.add.f32 [tilespmem:s14], [sflag:$0x2], $0x10, s10, s8, $0xb8;
	[tilespmem:$0x17000] =	vst v63  }
0x198: {  	s14 =	simm.s32 $0x6480  }
0x199: {  	[spmem:s2] =	stream.indirect.scatter.add.f32 [tilespmem:s16], [sflag:$0x2], $0x10, s14, s8, $0xb8;
	[tilespmem:$0x17000] =	vst v63  }
0x19a: {  	s16 =	simm.s32 $0x6500  }
0x19b: {  	[spmem:s2] =	stream.indirect.scatter.add.f32 [tilespmem:s17], [sflag:$0x2], $0x10, s16, s8, $0xb8;
	[tilespmem:$0x17000] =	vst v63  }
0x19c: {  	s17 =	simm.s32 $0x6580  }
0x19d: {  	[spmem:s2] =	stream.indirect.scatter.add.f32 [tilespmem:s18], [sflag:$0x2], $0x10, s17, s8, $0xb8;
	[tilespmem:$0x17000] =	vst v63  }
0x19e: {  	s18 =	simm.s32 $0x6600  }
0x19f: {  	[spmem:s2] =	stream.indirect.scatter.add.f32 [tilespmem:s19], [sflag:$0x2], $0x10, s18, s8, $0xb8;
	[tilespmem:$0x17000] =	vst v63  }
0x1a0: {  	s19 =	simm.s32 $0x6680  }
0x1a1: {  	[spmem:s2] =	stream.indirect.scatter.add.f32 [tilespmem:s20], [sflag:$0x2], $0x10, s19, s8, $0xb8;
	[tilespmem:$0x17000] =	vst v63  }
0x1a2: {  	s20 =	simm.s32 $0x6700  }
0x1a3: {  	[spmem:s2] =	stream.indirect.scatter.add.f32 [tilespmem:s21], [sflag:$0x2], $0x10, s20, s8, $0xb8;
	[tilespmem:$0x17000] =	vst v63  }
0x1a4: {  	s22 =	simm.s32 $0x6780  }
0x1a5: {  	[spmem:s2] =	stream.indirect.scatter.add.f32 [tilespmem:s25], [sflag:$0x2], $0x10, s22, s8, $0xb8;
	[tilespmem:$0x17000] =	vst v63  }
0x1a6: {  	_ =	swait.ge [sflag:s15], $0x8000  }
0x1a7: {  	[sflag:s15] =	ssyncset.done $0x0  }
0x1a8: {  	[sflag:s15] =	ssyncadd.s32 $0xFFFF8000  }
0x1a9: {  	[bflag:$0x0] =	sbarrier.arrive $0xFFFF  }
0x1aa: {  	s26 =	rddreg [dreg:$0x10]  }
0x1ab: {  	s28 =	rddreg [dreg:$0x12]  }
0x1ac: {  	s29 =	rddreg [dreg:$0x13]  }
0x1ad: {  	[hbm:s26], [sflag:s29] =	dma.local [spmem:s28], $0x500  }
0x1ae: {  	s6 =	rddreg [dreg:$0x14]  }
0x1af: {  	p1 =	sne.s32 s6, $0x1  }
.Ltmp1:
0x1b0: {  	_ = 	snop;
	(pc) =	sbr.rel @!p1 .LBB2_2-.Ltmp1, $3  }
0x1b1: {  	_ =	sdelay $0x1  }
0x1b2: {  	p0 =	por $0x1, $0x1;
	s0 =	simm.s32 $0x6000;
	s13 =	simm.s32 $0x8800  }
0x1b3: {  	s24 =	simm.s32 $0x7000;
	_ =	swait.ge [sflag:s23], $0x500;
	s9 =	sadd.s32 $0xFFFFFFFF, s6  }
.LBB2_3:
0x1b4: {  	[sflag:s23] =	ssyncset.done $0x0  }
0x1b5: {  	s6 =	rddreg [dreg:$0x4];
	[sflag:s23] =	ssyncadd.s32 $0xFFFFFB00  }
0x1b6: {  	[spmem:s30], [sflag:s4] =	dma.local [hbm:s6], $0x500  }
0x1b7: {  	_ =	swait.ge [sflag:s23], $0x500  }
0x1b8: {  	[sflag:s23] =	ssyncset.done $0x0;
	s19 =	rddreg [dreg:$0x5]  }
0x1b9: {  	s28 =	rddreg [dreg:$0x11];
	[sflag:s23] =	ssyncadd.s32 $0xFFFFFB00  }
0x1ba: {  	[spmem:s28], [sflag:s4] =	dma.local [hbm:s19], $0x500  }
0x1bb: {  	_ =	swait.ge [sflag:s23], $0x500  }
0x1bc: {  	[sflag:s23] =	ssyncset.done $0x0  }
0x1bd: {  	[sflag:s23] =	ssyncadd.s32 $0xFFFFFB00  }
0x1be: {  	[bflag:$0x0] =	sbarrier.arrive $0xFFFF  }
0x1bf: {  	s10 =	simm.s32 $0x5000;
	s7 =	simm.s32 $0x0;
	s21 =	rddreg [dreg:$0x6]  }
0x1c0: {  	[tilespmem:s10], [sflag:$0x3] =	stream.linear.gather [hbm4b:s21+s7], $0x800, $0x38;
	[tilespmem:$0x17000] =	vst v63  }
0x1c1: {  	_ =	swait.ge [sflag:s23], $0x800  }
0x1c2: {  	[sflag:s23] =	ssyncset.done $0x0  }
0x1c3: {  	s22 =	rddreg [dreg:$0x7];
	[sflag:s23] =	ssyncadd.s32 $0xFFFFF800  }
0x1c4: {  	[tilespmem:s0], [sflag:$0x3] =	stream.linear.gather [hbm4b:s22+s7], $0x800, $0x38;
	[tilespmem:$0x17000] =	vst v63  }
0x1c5: {  	_ =	swait.ge [sflag:s23], $0x800  }
0x1c6: {  	[sflag:s23] =	ssyncset.done $0x0  }
0x1c7: {  	[sflag:s23] =	ssyncadd.s32 $0xFFFFF800  }
0x1c8: {  	[tilespmem:s24], [sflag:$0x1] =	stream.indirect.gather [spmem:s3], $0x10, s10, s8, $0xb8;
	[tilespmem:$0x17000] =	vst v63  }
0x1c9: {  	s20 =	simm.s32 $0x5080  }
0x1ca: {  	[tilespmem:s11], [sflag:$0x1] =	stream.indirect.gather [spmem:s3], $0x10, s20, s8, $0xb8;
	[tilespmem:$0x17000] =	vst v63  }
0x1cb: {  	s25 =	simm.s32 $0x5100  }
0x1cc: {  	[tilespmem:s12], [sflag:$0x1] =	stream.indirect.gather [spmem:s3], $0x10, s25, s8, $0xb8;
	[tilespmem:$0x17000] =	vst v63  }
0x1cd: {  	s26 =	simm.s32 $0x5180  }
0x1ce: {  	[tilespmem:s13], [sflag:$0x1] =	stream.indirect.gather [spmem:s3], $0x10, s26, s8, $0xb8;
	[tilespmem:$0x17000] =	vst v63  }
0x1cf: {  	s31 =	simm.s32 $0x9000;
	s28 =	simm.s32 $0x5200  }
0x1d0: {  	[tilespmem:s31], [sflag:$0x1] =	stream.indirect.gather [spmem:s3], $0x10, s28, s8, $0xb8;
	[tilespmem:$0x17000] =	vst v63  }
0x1d1: {  	s5 =	simm.s32 $0x9800;
	s10 =	simm.s32 $0x5280  }
0x1d2: {  	[tilespmem:s5], [sflag:$0x1] =	stream.indirect.gather [spmem:s3], $0x10, s10, s8, $0xb8;
	[tilespmem:$0x17000] =	vst v63  }
0x1d3: {  	s11 =	simm.s32 $0xA000;
	s12 =	simm.s32 $0x5300  }
0x1d4: {  	[tilespmem:s11], [sflag:$0x1] =	stream.indirect.gather [spmem:s3], $0x10, s12, s8, $0xb8;
	[tilespmem:$0x17000] =	vst v63  }
0x1d5: {  	s16 =	simm.s32 $0x5380;
	s13 =	simm.s32 $0xA800  }
0x1d6: {  	[tilespmem:s13], [sflag:$0x1] =	stream.indirect.gather [spmem:s3], $0x10, s16, s8, $0xb8;
	[tilespmem:$0x17000] =	vst v63  }
0x1d7: {  	s17 =	simm.s32 $0xB000;
	s18 =	simm.s32 $0x5400  }
0x1d8: {  	[tilespmem:s17], [sflag:$0x1] =	stream.indirect.gather [spmem:s3], $0x10, s18, s8, $0xb8;
	[tilespmem:$0x17000] =	vst v63  }
0x1d9: {  	s19 =	simm.s32 $0xB800;
	s20 =	simm.s32 $0x5480  }
0x1da: {  	[tilespmem:s19], [sflag:$0x1] =	stream.indirect.gather [spmem:s3], $0x10, s20, s8, $0xb8;
	[tilespmem:$0x17000] =	vst v63  }
0x1db: {  	s21 =	simm.s32 $0xC000;
	s25 =	simm.s32 $0x5500  }
0x1dc: {  	[tilespmem:s21], [sflag:$0x1] =	stream.indirect.gather [spmem:s3], $0x10, s25, s8, $0xb8;
	[tilespmem:$0x17000] =	vst v63  }
0x1dd: {  	s26 =	simm.s32 $0xC800;
	s28 =	simm.s32 $0x5580  }
0x1de: {  	[tilespmem:s26], [sflag:$0x1] =	stream.indirect.gather [spmem:s3], $0x10, s28, s8, $0xb8;
	[tilespmem:$0x17000] =	vst v63  }
0x1df: {  	s31 =	simm.s32 $0xD000;
	s10 =	simm.s32 $0x5600  }
0x1e0: {  	[tilespmem:s31], [sflag:$0x1] =	stream.indirect.gather [spmem:s3], $0x10, s10, s8, $0xb8;
	[tilespmem:$0x17000] =	vst v63  }
0x1e1: {  	s13 =	simm.s32 $0xD800;
	s19 =	simm.s32 $0x5680  }
0x1e2: {  	[tilespmem:s13], [sflag:$0x1] =	stream.indirect.gather [spmem:s3], $0x10, s19, s8, $0xb8;
	[tilespmem:$0x17000] =	vst v63  }
0x1e3: {  	s20 =	simm.s32 $0xE000;
	s21 =	simm.s32 $0x5700  }
0x1e4: {  	[tilespmem:s20], [sflag:$0x1] =	stream.indirect.gather [spmem:s3], $0x10, s21, s8, $0xb8;
	[tilespmem:$0x17000] =	vst v63  }
0x1e5: {  	s25 =	simm.s32 $0xE800;
	s26 =	simm.s32 $0x5780  }
0x1e6: {  	[tilespmem:s25], [sflag:$0x1] =	stream.indirect.gather [spmem:s3], $0x10, s26, s8, $0xb8;
	[tilespmem:$0x17000] =	vst v63  }
0x1e7: {  	_ =	swait.ge [sflag:s1], $0x8000  }
0x1e8: {  	[sflag:s1] =	ssyncset.done $0x0  }
0x1e9: {  	s15 =	simm.s32 $0x6000;
	s6 =	simm.s32 $0x7000;
	[sflag:s1] =	ssyncadd.s32 $0xFFFF8000  }
0x1ea: {  	[spmem:s2] =	stream.indirect.scatter.add.f32 [tilespmem:s6], [sflag:$0x2], $0x10, s15, s8, $0xb8;
	[tilespmem:$0x17000] =	vst v63  }
0x1eb: {  	s28 =	simm.s32 $0x6080;
	s31 =	simm.s32 $0x7800  }
0x1ec: {  	[spmem:s2] =	stream.indirect.scatter.add.f32 [tilespmem:s31], [sflag:$0x2], $0x10, s28, s8, $0xb8;
	[tilespmem:$0x17000] =	vst v63  }
0x1ed: {  	s1 =	simm.s32 $0x6100;
	s6 =	simm.s32 $0x8000  }
0x1ee: {  	[spmem:s2] =	stream.indirect.scatter.add.f32 [tilespmem:s6], [sflag:$0x2], $0x10, s1, s8, $0xb8;
	[tilespmem:$0x17000] =	vst v63  }
0x1ef: {  	s14 =	simm.s32 $0x8800;
	s10 =	simm.s32 $0x6180  }
0x1f0: {  	[spmem:s2] =	stream.indirect.scatter.add.f32 [tilespmem:s14], [sflag:$0x2], $0x10, s10, s8, $0xb8;
	[tilespmem:$0x17000] =	vst v63  }
0x1f1: {  	s24 =	simm.s32 $0x9000;
	s25 =	simm.s32 $0x6200  }
0x1f2: {  	[spmem:s2] =	stream.indirect.scatter.add.f32 [tilespmem:s24], [sflag:$0x2], $0x10, s25, s8, $0xb8;
	[tilespmem:$0x17000] =	vst v63  }
0x1f3: {  	s5 =	simm.s32 $0x9800;
	s26 =	simm.s32 $0x6280  }
0x1f4: {  	[spmem:s2] =	stream.indirect.scatter.add.f32 [tilespmem:s5], [sflag:$0x2], $0x10, s26, s8, $0xb8;
	[tilespmem:$0x17000] =	vst v63  }
0x1f5: {  	s22 =	simm.s32 $0xA000;
	s28 =	simm.s32 $0x6300  }
0x1f6: {  	[spmem:s2] =	stream.indirect.scatter.add.f32 [tilespmem:s22], [sflag:$0x2], $0x10, s28, s8, $0xb8;
	[tilespmem:$0x17000] =	vst v63  }
0x1f7: {  	s4 =	simm.s32 $0xA800;
	s31 =	simm.s32 $0x6380  }
0x1f8: {  	[spmem:s2] =	stream.indirect.scatter.add.f32 [tilespmem:s4], [sflag:$0x2], $0x10, s31, s8, $0xb8;
	[tilespmem:$0x17000] =	vst v63  }
0x1f9: {  	s11 =	simm.s32 $0xB000;
	s1 =	simm.s32 $0x6400  }
0x1fa: {  	[spmem:s2] =	stream.indirect.scatter.add.f32 [tilespmem:s11], [sflag:$0x2], $0x10, s1, s8, $0xb8;
	[tilespmem:$0x17000] =	vst v63  }
0x1fb: {  	s12 =	simm.s32 $0xB800;
	s4 =	simm.s32 $0x6480  }
0x1fc: {  	[spmem:s2] =	stream.indirect.scatter.add.f32 [tilespmem:s12], [sflag:$0x2], $0x10, s4, s8, $0xb8;
	[tilespmem:$0x17000] =	vst v63  }
0x1fd: {  	s16 =	simm.s32 $0xC000;
	s5 =	simm.s32 $0x6500  }
0x1fe: {  	[spmem:s2] =	stream.indirect.scatter.add.f32 [tilespmem:s16], [sflag:$0x2], $0x10, s5, s8, $0xb8;
	[tilespmem:$0x17000] =	vst v63  }
0x1ff: {  	s17 =	simm.s32 $0xC800;
	s6 =	simm.s32 $0x6580  }
0x200: {  	[spmem:s2] =	stream.indirect.scatter.add.f32 [tilespmem:s17], [sflag:$0x2], $0x10, s6, s8, $0xb8;
	[tilespmem:$0x17000] =	vst v63  }
0x201: {  	s18 =	simm.s32 $0xD000;
	s10 =	simm.s32 $0x6600  }
0x202: {  	[spmem:s2] =	stream.indirect.scatter.add.f32 [tilespmem:s18], [sflag:$0x2], $0x10, s10, s8, $0xb8;
	[tilespmem:$0x17000] =	vst v63  }
0x203: {  	s19 =	simm.s32 $0xD800;
	s11 =	simm.s32 $0x6680  }
0x204: {  	[spmem:s2] =	stream.indirect.scatter.add.f32 [tilespmem:s19], [sflag:$0x2], $0x10, s11, s8, $0xb8;
	[tilespmem:$0x17000] =	vst v63  }
0x205: {  	s20 =	simm.s32 $0xE000;
	s16 =	simm.s32 $0x6700  }
0x206: {  	[spmem:s2] =	stream.indirect.scatter.add.f32 [tilespmem:s20], [sflag:$0x2], $0x10, s16, s8, $0xb8;
	[tilespmem:$0x17000] =	vst v63  }
0x207: {  	s21 =	simm.s32 $0xE800;
	s17 =	simm.s32 $0x6780  }
0x208: {  	[spmem:s2] =	stream.indirect.scatter.add.f32 [tilespmem:s21], [sflag:$0x2], $0x10, s17, s8, $0xb8;
	[tilespmem:$0x17000] =	vst v63  }
0x209: {  	s29 =	simm.s32 $0x0;
	s12 =	rddreg [dreg:$0x8];
	s11 =	simm.s32 $0x5800  }
0x20a: {  	[tilespmem:s11], [sflag:$0x3] =	stream.linear.gather [hbm4b:s12+s29], $0x800, $0x38;
	[tilespmem:$0x17000] =	vst v63  }
0x20b: {  	_ =	swait.ge [sflag:s23], $0x800  }
0x20c: {  	[sflag:s23] =	ssyncset.done $0x0  }
0x20d: {  	s19 =	simm.s32 $0x6800;
	s18 =	rddreg [dreg:$0x9];
	[sflag:s23] =	ssyncadd.s32 $0xFFFFF800  }
0x20e: {  	[tilespmem:s19], [sflag:$0x3] =	stream.linear.gather [hbm4b:s18+s29], $0x800, $0x38;
	[tilespmem:$0x17000] =	vst v63  }
0x20f: {  	_ =	swait.ge [sflag:s23], $0x800  }
0x210: {  	[sflag:s23] =	ssyncset.done $0x0  }
0x211: {  	s30 =	simm.s32 $0xF000;
	[sflag:s23] =	ssyncadd.s32 $0xFFFFF800  }
0x212: {  	[tilespmem:s30], [sflag:$0x1] =	stream.indirect.gather [spmem:s3], $0x10, s11, s8, $0xb8;
	[tilespmem:$0x17000] =	vst v63  }
0x213: {  	s20 =	simm.s32 $0xF800;
	s21 =	simm.s32 $0x5880  }
0x214: {  	[tilespmem:s20], [sflag:$0x1] =	stream.indirect.gather [spmem:s3], $0x10, s21, s8, $0xb8;
	[tilespmem:$0x17000] =	vst v63  }
0x215: {  	s22 =	simm.s32 $0x5900;
	s16 =	simm.s32 $0x10000  }
0x216: {  	[tilespmem:s16], [sflag:$0x1] =	stream.indirect.gather [spmem:s3], $0x10, s22, s8, $0xb8;
	[tilespmem:$0x17000] =	vst v63  }
0x217: {  	s24 =	simm.s32 $0x5980;
	s12 =	simm.s32 $0x10800  }
0x218: {  	[tilespmem:s12], [sflag:$0x1] =	stream.indirect.gather [spmem:s3], $0x10, s24, s8, $0xb8;
	[tilespmem:$0x17000] =	vst v63  }
0x219: {  	s25 =	simm.s32 $0x5A00;
	s28 =	simm.s32 $0x11000  }
0x21a: {  	[tilespmem:s28], [sflag:$0x1] =	stream.indirect.gather [spmem:s3], $0x10, s25, s8, $0xb8;
	[tilespmem:$0x17000] =	vst v63  }
0x21b: {  	s26 =	simm.s32 $0x11800;
	s31 =	simm.s32 $0x5A80  }
0x21c: {  	[tilespmem:s26], [sflag:$0x1] =	stream.indirect.gather [spmem:s3], $0x10, s31, s8, $0xb8;
	[tilespmem:$0x17000] =	vst v63  }
0x21d: {  	s1 =	simm.s32 $0x12000;
	s5 =	simm.s32 $0x5B00  }
0x21e: {  	[tilespmem:s1], [sflag:$0x1] =	stream.indirect.gather [spmem:s3], $0x10, s5, s8, $0xb8;
	[tilespmem:$0x17000] =	vst v63  }
0x21f: {  	s18 =	simm.s32 $0x12800;
	s21 =	simm.s32 $0x5B80  }
0x220: {  	[tilespmem:s18], [sflag:$0x1] =	stream.indirect.gather [spmem:s3], $0x10, s21, s8, $0xb8;
	[tilespmem:$0x17000] =	vst v63  }
0x221: {  	s22 =	simm.s32 $0x13000;
	s24 =	simm.s32 $0x5C00  }
0x222: {  	[tilespmem:s22], [sflag:$0x1] =	stream.indirect.gather [spmem:s3], $0x10, s24, s8, $0xb8;
	[tilespmem:$0x17000] =	vst v63  }
0x223: {  	s25 =	simm.s32 $0x13800;
	s26 =	simm.s32 $0x5C80  }
0x224: {  	[tilespmem:s25], [sflag:$0x1] =	stream.indirect.gather [spmem:s3], $0x10, s26, s8, $0xb8;
	[tilespmem:$0x17000] =	vst v63  }
0x225: {  	s31 =	simm.s32 $0x14000;
	s1 =	simm.s32 $0x5D00  }
0x226: {  	[tilespmem:s31], [sflag:$0x1] =	stream.indirect.gather [spmem:s3], $0x10, s1, s8, $0xb8;
	[tilespmem:$0x17000] =	vst v63  }
0x227: {  	s17 =	simm.s32 $0x5D80;
	s25 =	simm.s32 $0x14800  }
0x228: {  	[tilespmem:s25], [sflag:$0x1] =	stream.indirect.gather [spmem:s3], $0x10, s17, s8, $0xb8;
	[tilespmem:$0x17000] =	vst v63  }
0x229: {  	s18 =	simm.s32 $0x5E00;
	s26 =	simm.s32 $0x15000  }
0x22a: {  	[tilespmem:s26], [sflag:$0x1] =	stream.indirect.gather [spmem:s3], $0x10, s18, s8, $0xb8;
	[tilespmem:$0x17000] =	vst v63  }
0x22b: {  	s4 =	simm.s32 $0x5E80;
	s31 =	simm.s32 $0x15800  }
0x22c: {  	[tilespmem:s31], [sflag:$0x1] =	stream.indirect.gather [spmem:s3], $0x10, s4, s8, $0xb8;
	[tilespmem:$0x17000] =	vst v63  }
0x22d: {  	s18 =	simm.s32 $0x16000;
	s31 =	simm.s32 $0x5F00  }
0x22e: {  	[tilespmem:s18], [sflag:$0x1] =	stream.indirect.gather [spmem:s3], $0x10, s31, s8, $0xb8;
	[tilespmem:$0x17000] =	vst v63  }
0x22f: {  	s4 =	simm.s32 $0x16800;
	s31 =	simm.s32 $0x5F80  }
0x230: {  	[tilespmem:s4], [sflag:$0x1] =	stream.indirect.gather [spmem:s3], $0x10, s31, s8, $0xb8;
	[tilespmem:$0x17000] =	vst v63  }
0x231: {  	s31 =	simm.s32 $0x2  }
0x232: {  	_ =	swait.ge [sflag:s31], $0x8000  }
0x233: {  	[sflag:s31] =	ssyncset.done $0x0  }
0x234: {  	s0 =	simm.s32 $0x1;
	[sflag:s31] =	ssyncadd.s32 $0xFFFF8000  }
0x235: {  	_ =	swait.ge [sflag:s0], $0x8000  }
0x236: {  	[sflag:s0] =	ssyncset.done $0x0  }
0x237: {  	s6 =	simm.s32 $0x6800;
	[sflag:s0] =	ssyncadd.s32 $0xFFFF8000  }
0x238: {  	[spmem:s2] =	stream.indirect.scatter.add.f32 [tilespmem:s30], [sflag:$0x2], $0x10, s6, s8, $0xb8;
	[tilespmem:$0x17000] =	vst v63  }
0x239: {  	s10 =	simm.s32 $0xF800;
	s4 =	simm.s32 $0x6880  }
0x23a: {  	[spmem:s2] =	stream.indirect.scatter.add.f32 [tilespmem:s10], [sflag:$0x2], $0x10, s4, s8, $0xb8;
	[tilespmem:$0x17000] =	vst v63  }
0x23b: {  	s10 =	simm.s32 $0x6900  }
0x23c: {  	[spmem:s2] =	stream.indirect.scatter.add.f32 [tilespmem:s16], [sflag:$0x2], $0x10, s10, s8, $0xb8;
	[tilespmem:$0x17000] =	vst v63  }
0x23d: {  	s4 =	simm.s32 $0x6980  }
0x23e: {  	[spmem:s2] =	stream.indirect.scatter.add.f32 [tilespmem:s12], [sflag:$0x2], $0x10, s4, s8, $0xb8;
	[tilespmem:$0x17000] =	vst v63  }
0x23f: {  	s10 =	simm.s32 $0x6A00  }
0x240: {  	[spmem:s2] =	stream.indirect.scatter.add.f32 [tilespmem:s28], [sflag:$0x2], $0x10, s10, s8, $0xb8;
	[tilespmem:$0x17000] =	vst v63  }
0x241: {  	s19 =	simm.s32 $0x11800;
	s4 =	simm.s32 $0x6A80  }
0x242: {  	[spmem:s2] =	stream.indirect.scatter.add.f32 [tilespmem:s19], [sflag:$0x2], $0x10, s4, s8, $0xb8;
	[tilespmem:$0x17000] =	vst v63  }
0x243: {  	s20 =	simm.s32 $0x12000;
	s10 =	simm.s32 $0x6B00  }
0x244: {  	[spmem:s2] =	stream.indirect.scatter.add.f32 [tilespmem:s20], [sflag:$0x2], $0x10, s10, s8, $0xb8;
	[tilespmem:$0x17000] =	vst v63  }
0x245: {  	s21 =	simm.s32 $0x12800;
	s19 =	simm.s32 $0x6B80  }
0x246: {  	[spmem:s2] =	stream.indirect.scatter.add.f32 [tilespmem:s21], [sflag:$0x2], $0x10, s19, s8, $0xb8;
	[tilespmem:$0x17000] =	vst v63  }
0x247: {  	s22 =	simm.s32 $0x13000;
	s20 =	simm.s32 $0x6C00  }
0x248: {  	[spmem:s2] =	stream.indirect.scatter.add.f32 [tilespmem:s22], [sflag:$0x2], $0x10, s20, s8, $0xb8;
	[tilespmem:$0x17000] =	vst v63  }
0x249: {  	s5 =	simm.s32 $0x13800;
	s21 =	simm.s32 $0x6C80  }
0x24a: {  	[spmem:s2] =	stream.indirect.scatter.add.f32 [tilespmem:s5], [sflag:$0x2], $0x10, s21, s8, $0xb8;
	[tilespmem:$0x17000] =	vst v63  }
0x24b: {  	s24 =	simm.s32 $0x14000;
	s22 =	simm.s32 $0x6D00  }
0x24c: {  	[spmem:s2] =	stream.indirect.scatter.add.f32 [tilespmem:s24], [sflag:$0x2], $0x10, s22, s8, $0xb8;
	[tilespmem:$0x17000] =	vst v63  }
0x24d: {  	s24 =	simm.s32 $0x6D80  }
0x24e: {  	[spmem:s2] =	stream.indirect.scatter.add.f32 [tilespmem:s25], [sflag:$0x2], $0x10, s24, s8, $0xb8;
	[tilespmem:$0x17000] =	vst v63  }
0x24f: {  	s4 =	simm.s32 $0x6E00  }
0x250: {  	[spmem:s2] =	stream.indirect.scatter.add.f32 [tilespmem:s26], [sflag:$0x2], $0x10, s4, s8, $0xb8;
	[tilespmem:$0x17000] =	vst v63  }
0x251: {  	s1 =	simm.s32 $0x15800;
	s5 =	simm.s32 $0x6E80  }
0x252: {  	[spmem:s2] =	stream.indirect.scatter.add.f32 [tilespmem:s1], [sflag:$0x2], $0x10, s5, s8, $0xb8;
	[tilespmem:$0x17000] =	vst v63  }
0x253: {  	s18 =	simm.s32 $0x16000;
	s20 =	simm.s32 $0x6F00  }
0x254: {  	[spmem:s2] =	stream.indirect.scatter.add.f32 [tilespmem:s18], [sflag:$0x2], $0x10, s20, s8, $0xb8;
	[tilespmem:$0x17000] =	vst v63  }
0x255: {  	s17 =	simm.s32 $0x16800;
	s21 =	simm.s32 $0x6F80  }
0x256: {  	[spmem:s2] =	stream.indirect.scatter.add.f32 [tilespmem:s17], [sflag:$0x2], $0x10, s21, s8, $0xb8;
	[tilespmem:$0x17000] =	vst v63  }
0x257: {  	s7 =	simm.s32 $0x5000;
	s10 =	rddreg [dreg:$0xa]  }
0x258: {  	[tilespmem:s7], [sflag:$0x3] =	stream.linear.gather [hbm4b:s10+s29], $0x800, $0x38;
	[tilespmem:$0x17000] =	vst v63  }
0x259: {  	_ =	swait.ge [sflag:s23], $0x800  }
0x25a: {  	[sflag:s23] =	ssyncset.done $0x0  }
0x25b: {  	s22 =	rddreg [dreg:$0xb];
	[sflag:s23] =	ssyncadd.s32 $0xFFFFF800  }
0x25c: {  	[tilespmem:s15], [sflag:$0x3] =	stream.linear.gather [hbm4b:s22+s29], $0x800, $0x38;
	[tilespmem:$0x17000] =	vst v63  }
0x25d: {  	_ =	swait.ge [sflag:s23], $0x800  }
0x25e: {  	[sflag:s23] =	ssyncset.done $0x0  }
0x25f: {  	s24 =	simm.s32 $0x7000;
	[sflag:s23] =	ssyncadd.s32 $0xFFFFF800  }
0x260: {  	[tilespmem:s24], [sflag:$0x1] =	stream.indirect.gather [spmem:s3], $0x10, s7, s8, $0xb8;
	[tilespmem:$0x17000] =	vst v63  }
0x261: {  	s1 =	simm.s32 $0x5080;
	s29 =	simm.s32 $0x7800  }
0x262: {  	[tilespmem:s29], [sflag:$0x1] =	stream.indirect.gather [spmem:s3], $0x10, s1, s8, $0xb8;
	[tilespmem:$0x17000] =	vst v63  }
0x263: {  	s5 =	simm.s32 $0x8000;
	s7 =	simm.s32 $0x5100  }
0x264: {  	[tilespmem:s5], [sflag:$0x1] =	stream.indirect.gather [spmem:s3], $0x10, s7, s8, $0xb8;
	[tilespmem:$0x17000] =	vst v63  }
0x265: {  	s15 =	simm.s32 $0x5180  }
0x266: {  	[tilespmem:s14], [sflag:$0x1] =	stream.indirect.gather [spmem:s3], $0x10, s15, s8, $0xb8;
	[tilespmem:$0x17000] =	vst v63  }
0x267: {  	s20 =	simm.s32 $0x9000;
	s17 =	simm.s32 $0x5200  }
0x268: {  	[tilespmem:s20], [sflag:$0x1] =	stream.indirect.gather [spmem:s3], $0x10, s17, s8, $0xb8;
	[tilespmem:$0x17000] =	vst v63  }
0x269: {  	s18 =	simm.s32 $0x5280;
	s5 =	simm.s32 $0x9800  }
0x26a: {  	[tilespmem:s5], [sflag:$0x1] =	stream.indirect.gather [spmem:s3], $0x10, s18, s8, $0xb8;
	[tilespmem:$0x17000] =	vst v63  }
0x26b: {  	s19 =	simm.s32 $0x5300;
	s7 =	simm.s32 $0xA000  }
0x26c: {  	[tilespmem:s7], [sflag:$0x1] =	stream.indirect.gather [spmem:s3], $0x10, s19, s8, $0xb8;
	[tilespmem:$0x17000] =	vst v63  }
0x26d: {  	s21 =	simm.s32 $0x5380;
	s24 =	simm.s32 $0xA800  }
0x26e: {  	[tilespmem:s24], [sflag:$0x1] =	stream.indirect.gather [spmem:s3], $0x10, s21, s8, $0xb8;
	[tilespmem:$0x17000] =	vst v63  }
0x26f: {  	s22 =	simm.s32 $0x5400;
	s14 =	simm.s32 $0xB000  }
0x270: {  	[tilespmem:s14], [sflag:$0x1] =	stream.indirect.gather [spmem:s3], $0x10, s22, s8, $0xb8;
	[tilespmem:$0x17000] =	vst v63  }
0x271: {  	s29 =	simm.s32 $0x5480;
	s15 =	simm.s32 $0xB800  }
0x272: {  	[tilespmem:s15], [sflag:$0x1] =	stream.indirect.gather [spmem:s3], $0x10, s29, s8, $0xb8;
	[tilespmem:$0x17000] =	vst v63  }
0x273: {  	s17 =	simm.s32 $0x5500;
	s29 =	simm.s32 $0xC000  }
0x274: {  	[tilespmem:s29], [sflag:$0x1] =	stream.indirect.gather [spmem:s3], $0x10, s17, s8, $0xb8;
	[tilespmem:$0x17000] =	vst v63  }
0x275: {  	s18 =	simm.s32 $0x5580;
	s17 =	simm.s32 $0xC800  }
0x276: {  	[tilespmem:s17], [sflag:$0x1] =	stream.indirect.gather [spmem:s3], $0x10, s18, s8, $0xb8;
	[tilespmem:$0x17000] =	vst v63  }
0x277: {  	s19 =	simm.s32 $0x5600;
	s18 =	simm.s32 $0xD000  }
0x278: {  	[tilespmem:s18], [sflag:$0x1] =	stream.indirect.gather [spmem:s3], $0x10, s19, s8, $0xb8;
	[tilespmem:$0x17000] =	vst v63  }
0x279: {  	s21 =	simm.s32 $0x5680;
	s19 =	simm.s32 $0xD800  }
0x27a: {  	[tilespmem:s19], [sflag:$0x1] =	stream.indirect.gather [spmem:s3], $0x10, s21, s8, $0xb8;
	[tilespmem:$0x17000] =	vst v63  }
0x27b: {  	s22 =	simm.s32 $0x5700;
	s21 =	simm.s32 $0xE000  }
0x27c: {  	[tilespmem:s21], [sflag:$0x1] =	stream.indirect.gather [spmem:s3], $0x10, s22, s8, $0xb8;
	[tilespmem:$0x17000] =	vst v63  }
0x27d: {  	s13 =	simm.s32 $0x5780;
	s22 =	simm.s32 $0xE800  }
0x27e: {  	[tilespmem:s22], [sflag:$0x1] =	stream.indirect.gather [spmem:s3], $0x10, s13, s8, $0xb8;
	[tilespmem:$0x17000] =	vst v63  }
0x27f: {  	_ =	swait.ge [sflag:s31], $0x8000  }
0x280: {  	[sflag:s31] =	ssyncset.done $0x0  }
0x281: {  	[sflag:s31] =	ssyncadd.s32 $0xFFFF8000  }
0x282: {  	_ =	swait.ge [sflag:s0], $0x8000  }
0x283: {  	[sflag:s0] =	ssyncset.done $0x0  }
0x284: {  	s4 =	simm.s32 $0x7000;
	s1 =	simm.s32 $0x6000;
	[sflag:s0] =	ssyncadd.s32 $0xFFFF8000  }
0x285: {  	[spmem:s2] =	stream.indirect.scatter.add.f32 [tilespmem:s4], [sflag:$0x2], $0x10, s1, s8, $0xb8;
	[tilespmem:$0x17000] =	vst v63  }
0x286: {  	s1 =	simm.s32 $0x7800;
	s4 =	simm.s32 $0x6080  }
0x287: {  	[spmem:s2] =	stream.indirect.scatter.add.f32 [tilespmem:s1], [sflag:$0x2], $0x10, s4, s8, $0xb8;
	[tilespmem:$0x17000] =	vst v63  }
0x288: {  	s1 =	simm.s32 $0x8000;
	s4 =	simm.s32 $0x6100  }
0x289: {  	[spmem:s2] =	stream.indirect.scatter.add.f32 [tilespmem:s1], [sflag:$0x2], $0x10, s4, s8, $0xb8;
	[tilespmem:$0x17000] =	vst v63  }
0x28a: {  	s6 =	simm.s32 $0x8800;
	s13 =	simm.s32 $0x6180  }
0x28b: {  	[spmem:s2] =	stream.indirect.scatter.add.f32 [tilespmem:s6], [sflag:$0x2], $0x10, s13, s8, $0xb8;
	[tilespmem:$0x17000] =	vst v63  }
0x28c: {  	s1 =	simm.s32 $0x6200  }
0x28d: {  	[spmem:s2] =	stream.indirect.scatter.add.f32 [tilespmem:s20], [sflag:$0x2], $0x10, s1, s8, $0xb8;
	[tilespmem:$0x17000] =	vst v63  }
0x28e: {  	s4 =	simm.s32 $0x6280  }
0x28f: {  	[spmem:s2] =	stream.indirect.scatter.add.f32 [tilespmem:s5], [sflag:$0x2], $0x10, s4, s8, $0xb8;
	[tilespmem:$0x17000] =	vst v63  }
0x290: {  	s13 =	simm.s32 $0x6300  }
0x291: {  	[spmem:s2] =	stream.indirect.scatter.add.f32 [tilespmem:s7], [sflag:$0x2], $0x10, s13, s8, $0xb8;
	[tilespmem:$0x17000] =	vst v63  }
0x292: {  	s20 =	simm.s32 $0x6380  }
0x293: {  	[spmem:s2] =	stream.indirect.scatter.add.f32 [tilespmem:s24], [sflag:$0x2], $0x10, s20, s8, $0xb8;
	[tilespmem:$0x17000] =	vst v63  }
0x294: {  	s24 =	simm.s32 $0x6400  }
0x295: {  	[spmem:s2] =	stream.indirect.scatter.add.f32 [tilespmem:s14], [sflag:$0x2], $0x10, s24, s8, $0xb8;
	[tilespmem:$0x17000] =	vst v63  }
0x296: {  	s1 =	simm.s32 $0x6480  }
0x297: {  	[spmem:s2] =	stream.indirect.scatter.add.f32 [tilespmem:s15], [sflag:$0x2], $0x10, s1, s8, $0xb8;
	[tilespmem:$0x17000] =	vst v63  }
0x298: {  	s4 =	simm.s32 $0x6500  }
0x299: {  	[spmem:s2] =	stream.indirect.scatter.add.f32 [tilespmem:s29], [sflag:$0x2], $0x10, s4, s8, $0xb8;
	[tilespmem:$0x17000] =	vst v63  }
0x29a: {  	s5 =	simm.s32 $0x6580  }
0x29b: {  	[spmem:s2] =	stream.indirect.scatter.add.f32 [tilespmem:s17], [sflag:$0x2], $0x10, s5, s8, $0xb8;
	[tilespmem:$0x17000] =	vst v63  }
0x29c: {  	s7 =	simm.s32 $0x6600  }
0x29d: {  	[spmem:s2] =	stream.indirect.scatter.add.f32 [tilespmem:s18], [sflag:$0x2], $0x10, s7, s8, $0xb8;
	[tilespmem:$0x17000] =	vst v63  }
0x29e: {  	s13 =	simm.s32 $0x6680  }
0x29f: {  	[spmem:s2] =	stream.indirect.scatter.add.f32 [tilespmem:s19], [sflag:$0x2], $0x10, s13, s8, $0xb8;
	[tilespmem:$0x17000] =	vst v63  }
0x2a0: {  	s20 =	simm.s32 $0x6700  }
0x2a1: {  	[spmem:s2] =	stream.indirect.scatter.add.f32 [tilespmem:s21], [sflag:$0x2], $0x10, s20, s8, $0xb8;
	[tilespmem:$0x17000] =	vst v63  }
0x2a2: {  	s17 =	simm.s32 $0x6780  }
0x2a3: {  	[spmem:s2] =	stream.indirect.scatter.add.f32 [tilespmem:s22], [sflag:$0x2], $0x10, s17, s8, $0xb8;
	[tilespmem:$0x17000] =	vst v63  }
0x2a4: {  	s10 =	simm.s32 $0x0;
	s14 =	rddreg [dreg:$0xc]  }
0x2a5: {  	[tilespmem:s11], [sflag:$0x3] =	stream.linear.gather [hbm4b:s14+s10], $0x800, $0x38;
	[tilespmem:$0x17000] =	vst v63  }
0x2a6: {  	_ =	swait.ge [sflag:s23], $0x800  }
0x2a7: {  	[sflag:s23] =	ssyncset.done $0x0  }
0x2a8: {  	s5 =	simm.s32 $0x6800;
	s19 =	rddreg [dreg:$0xd];
	[sflag:s23] =	ssyncadd.s32 $0xFFFFF800  }
0x2a9: {  	[tilespmem:s5], [sflag:$0x3] =	stream.linear.gather [hbm4b:s19+s10], $0x800, $0x38;
	[tilespmem:$0x17000] =	vst v63  }
0x2aa: {  	_ =	swait.ge [sflag:s23], $0x800  }
0x2ab: {  	[sflag:s23] =	ssyncset.done $0x0  }
0x2ac: {  	[sflag:s23] =	ssyncadd.s32 $0xFFFFF800  }
0x2ad: {  	[tilespmem:s30], [sflag:$0x1] =	stream.indirect.gather [spmem:s3], $0x10, s11, s8, $0xb8;
	[tilespmem:$0x17000] =	vst v63  }
0x2ae: {  	s4 =	simm.s32 $0xF800;
	s22 =	simm.s32 $0x5880  }
0x2af: {  	[tilespmem:s4], [sflag:$0x1] =	stream.indirect.gather [spmem:s3], $0x10, s22, s8, $0xb8;
	[tilespmem:$0x17000] =	vst v63  }
0x2b0: {  	s23 =	simm.s32 $0x5900  }
0x2b1: {  	[tilespmem:s16], [sflag:$0x1] =	stream.indirect.gather [spmem:s3], $0x10, s23, s8, $0xb8;
	[tilespmem:$0x17000] =	vst v63  }
0x2b2: {  	s24 =	simm.s32 $0x5980  }
0x2b3: {  	[tilespmem:s12], [sflag:$0x1] =	stream.indirect.gather [spmem:s3], $0x10, s24, s8, $0xb8;
	[tilespmem:$0x17000] =	vst v63  }
0x2b4: {  	s6 =	simm.s32 $0x5A00  }
0x2b5: {  	[tilespmem:s28], [sflag:$0x1] =	stream.indirect.gather [spmem:s3], $0x10, s6, s8, $0xb8;
	[tilespmem:$0x17000] =	vst v63  }
0x2b6: {  	s7 =	simm.s32 $0x5A80;
	s14 =	simm.s32 $0x11800  }
0x2b7: {  	[tilespmem:s14], [sflag:$0x1] =	stream.indirect.gather [spmem:s3], $0x10, s7, s8, $0xb8;
	[tilespmem:$0x17000] =	vst v63  }
0x2b8: {  	s19 =	simm.s32 $0x12000;
	s11 =	simm.s32 $0x5B00  }
0x2b9: {  	[tilespmem:s19], [sflag:$0x1] =	stream.indirect.gather [spmem:s3], $0x10, s11, s8, $0xb8;
	[tilespmem:$0x17000] =	vst v63  }
0x2ba: {  	s13 =	simm.s32 $0x5B80;
	s22 =	simm.s32 $0x12800  }
0x2bb: {  	[tilespmem:s22], [sflag:$0x1] =	stream.indirect.gather [spmem:s3], $0x10, s13, s8, $0xb8;
	[tilespmem:$0x17000] =	vst v63  }
0x2bc: {  	s23 =	simm.s32 $0x5C00;
	s24 =	simm.s32 $0x13000  }
0x2bd: {  	[tilespmem:s24], [sflag:$0x1] =	stream.indirect.gather [spmem:s3], $0x10, s23, s8, $0xb8;
	[tilespmem:$0x17000] =	vst v63  }
0x2be: {  	s6 =	simm.s32 $0x5C80;
	s13 =	simm.s32 $0x13800  }
0x2bf: {  	[tilespmem:s13], [sflag:$0x1] =	stream.indirect.gather [spmem:s3], $0x10, s6, s8, $0xb8;
	[tilespmem:$0x17000] =	vst v63  }
0x2c0: {  	s7 =	simm.s32 $0x5D00;
	s23 =	simm.s32 $0x14000  }
0x2c1: {  	[tilespmem:s23], [sflag:$0x1] =	stream.indirect.gather [spmem:s3], $0x10, s7, s8, $0xb8;
	[tilespmem:$0x17000] =	vst v63  }
0x2c2: {  	s11 =	simm.s32 $0x5D80  }
0x2c3: {  	[tilespmem:s25], [sflag:$0x1] =	stream.indirect.gather [spmem:s3], $0x10, s11, s8, $0xb8;
	[tilespmem:$0x17000] =	vst v63  }
0x2c4: {  	s6 =	simm.s32 $0x5E00  }
0x2c5: {  	[tilespmem:s26], [sflag:$0x1] =	stream.indirect.gather [spmem:s3], $0x10, s6, s8, $0xb8;
	[tilespmem:$0x17000] =	vst v63  }
0x2c6: {  	s7 =	simm.s32 $0x5E80;
	s6 =	simm.s32 $0x15800  }
0x2c7: {  	[tilespmem:s6], [sflag:$0x1] =	stream.indirect.gather [spmem:s3], $0x10, s7, s8, $0xb8;
	[tilespmem:$0x17000] =	vst v63  }
0x2c8: {  	s11 =	simm.s32 $0x5F00;
	s7 =	simm.s32 $0x16000  }
0x2c9: {  	[tilespmem:s7], [sflag:$0x1] =	stream.indirect.gather [spmem:s3], $0x10, s11, s8, $0xb8;
	[tilespmem:$0x17000] =	vst v63  }
0x2ca: {  	s1 =	simm.s32 $0x5F80;
	s11 =	simm.s32 $0x16800  }
0x2cb: {  	[tilespmem:s11], [sflag:$0x1] =	stream.indirect.gather [spmem:s3], $0x10, s1, s8, $0xb8;
	[tilespmem:$0x17000] =	vst v63  }
0x2cc: {  	_ =	swait.ge [sflag:s31], $0x8000  }
0x2cd: {  	[sflag:s31] =	ssyncset.done $0x0  }
0x2ce: {  	[sflag:s31] =	ssyncadd.s32 $0xFFFF8000  }
0x2cf: {  	_ =	swait.ge [sflag:s0], $0x8000  }
0x2d0: {  	[sflag:s0] =	ssyncset.done $0x0  }
0x2d1: {  	[sflag:s0] =	ssyncadd.s32 $0xFFFF8000  }
0x2d2: {  	[spmem:s2] =	stream.indirect.scatter.add.f32 [tilespmem:s30], [sflag:$0x2], $0x10, s5, s8, $0xb8;
	[tilespmem:$0x17000] =	vst v63  }
0x2d3: {  	s1 =	simm.s32 $0x6880  }
0x2d4: {  	[spmem:s2] =	stream.indirect.scatter.add.f32 [tilespmem:s4], [sflag:$0x2], $0x10, s1, s8, $0xb8;
	[tilespmem:$0x17000] =	vst v63  }
0x2d5: {  	s5 =	simm.s32 $0x6900  }
0x2d6: {  	[spmem:s2] =	stream.indirect.scatter.add.f32 [tilespmem:s16], [sflag:$0x2], $0x10, s5, s8, $0xb8;
	[tilespmem:$0x17000] =	vst v63  }
0x2d7: {  	s16 =	simm.s32 $0x6980  }
0x2d8: {  	[spmem:s2] =	stream.indirect.scatter.add.f32 [tilespmem:s12], [sflag:$0x2], $0x10, s16, s8, $0xb8;
	[tilespmem:$0x17000] =	vst v63  }
0x2d9: {  	s4 =	simm.s32 $0x6A00  }
0x2da: {  	[spmem:s2] =	stream.indirect.scatter.add.f32 [tilespmem:s28], [sflag:$0x2], $0x10, s4, s8, $0xb8;
	[tilespmem:$0x17000] =	vst v63  }
0x2db: {  	s5 =	simm.s32 $0x6A80  }
0x2dc: {  	[spmem:s2] =	stream.indirect.scatter.add.f32 [tilespmem:s14], [sflag:$0x2], $0x10, s5, s8, $0xb8;
	[tilespmem:$0x17000] =	vst v63  }
0x2dd: {  	s12 =	simm.s32 $0x6B00  }
0x2de: {  	[spmem:s2] =	stream.indirect.scatter.add.f32 [tilespmem:s19], [sflag:$0x2], $0x10, s12, s8, $0xb8;
	[tilespmem:$0x17000] =	vst v63  }
0x2df: {  	s14 =	simm.s32 $0x6B80  }
0x2e0: {  	[spmem:s2] =	stream.indirect.scatter.add.f32 [tilespmem:s22], [sflag:$0x2], $0x10, s14, s8, $0xb8;
	[tilespmem:$0x17000] =	vst v63  }
0x2e1: {  	s16 =	simm.s32 $0x6C00  }
0x2e2: {  	[spmem:s2] =	stream.indirect.scatter.add.f32 [tilespmem:s24], [sflag:$0x2], $0x10, s16, s8, $0xb8;
	[tilespmem:$0x17000] =	vst v63  }
0x2e3: {  	s19 =	simm.s32 $0x6C80  }
0x2e4: {  	[spmem:s2] =	stream.indirect.scatter.add.f32 [tilespmem:s13], [sflag:$0x2], $0x10, s19, s8, $0xb8;
	[tilespmem:$0x17000] =	vst v63  }
0x2e5: {  	s22 =	simm.s32 $0x6D00  }
0x2e6: {  	[spmem:s2] =	stream.indirect.scatter.add.f32 [tilespmem:s23], [sflag:$0x2], $0x10, s22, s8, $0xb8;
	[tilespmem:$0x17000] =	vst v63  }
0x2e7: {  	s24 =	simm.s32 $0x6D80  }
0x2e8: {  	[spmem:s2] =	stream.indirect.scatter.add.f32 [tilespmem:s25], [sflag:$0x2], $0x10, s24, s8, $0xb8;
	[tilespmem:$0x17000] =	vst v63  }
0x2e9: {  	s25 =	simm.s32 $0x6E00  }
0x2ea: {  	[spmem:s2] =	stream.indirect.scatter.add.f32 [tilespmem:s26], [sflag:$0x2], $0x10, s25, s8, $0xb8;
	[tilespmem:$0x17000] =	vst v63  }
0x2eb: {  	s28 =	simm.s32 $0x6E80  }
0x2ec: {  	[spmem:s2] =	stream.indirect.scatter.add.f32 [tilespmem:s6], [sflag:$0x2], $0x10, s28, s8, $0xb8;
	[tilespmem:$0x17000] =	vst v63  }
0x2ed: {  	s5 =	simm.s32 $0x6F00  }
0x2ee: {  	[spmem:s2] =	stream.indirect.scatter.add.f32 [tilespmem:s7], [sflag:$0x2], $0x10, s5, s8, $0xb8;
	[tilespmem:$0x17000] =	vst v63  }
0x2ef: {  	s7 =	simm.s32 $0x6F80  }
0x2f0: {  	[spmem:s2] =	stream.indirect.scatter.add.f32 [tilespmem:s11], [sflag:$0x2], $0x10, s7, s8, $0xb8;
	[tilespmem:$0x17000] =	vst v63  }
0x2f1: {  	s4 =	rddreg [dreg:$0xe];
	s23 =	simm.s32 $0x3;
	s11 =	simm.s32 $0x5000  }
0x2f2: {  	[tilespmem:s11], [sflag:$0x3] =	stream.linear.gather [hbm4b:s4+s10], $0x800, $0x38;
	[tilespmem:$0x17000] =	vst v63  }
0x2f3: {  	_ =	swait.ge [sflag:s23], $0x800  }
0x2f4: {  	[sflag:s23] =	ssyncset.done $0x0  }
0x2f5: {  	s7 =	simm.s32 $0x6000;
	s12 =	rddreg [dreg:$0xf];
	[sflag:s23] =	ssyncadd.s32 $0xFFFFF800  }
0x2f6: {  	[tilespmem:s7], [sflag:$0x3] =	stream.linear.gather [hbm4b:s12+s10], $0x800, $0x38;
	[tilespmem:$0x17000] =	vst v63  }
0x2f7: {  	_ =	swait.ge [sflag:s23], $0x800  }
0x2f8: {  	[sflag:s23] =	ssyncset.done $0x0  }
0x2f9: {  	s10 =	simm.s32 $0x7000;
	[sflag:s23] =	ssyncadd.s32 $0xFFFFF800  }
0x2fa: {  	[tilespmem:s10], [sflag:$0x1] =	stream.indirect.gather [spmem:s3], $0x10, s11, s8, $0xb8;
	[tilespmem:$0x17000] =	vst v63  }
0x2fb: {  	s14 =	simm.s32 $0x5080;
	s13 =	simm.s32 $0x7800  }
0x2fc: {  	[tilespmem:s13], [sflag:$0x1] =	stream.indirect.gather [spmem:s3], $0x10, s14, s8, $0xb8;
	[tilespmem:$0x17000] =	vst v63  }
0x2fd: {  	s16 =	simm.s32 $0x5100;
	s12 =	simm.s32 $0x8000  }
0x2fe: {  	[tilespmem:s12], [sflag:$0x1] =	stream.indirect.gather [spmem:s3], $0x10, s16, s8, $0xb8;
	[tilespmem:$0x17000] =	vst v63  }
0x2ff: {  	s5 =	simm.s32 $0x5180;
	s14 =	simm.s32 $0x8800  }
0x300: {  	[tilespmem:s14], [sflag:$0x1] =	stream.indirect.gather [spmem:s3], $0x10, s5, s8, $0xb8;
	[tilespmem:$0x17000] =	vst v63  }
0x301: {  	s19 =	simm.s32 $0x5200;
	s28 =	simm.s32 $0x9000  }
0x302: {  	[tilespmem:s28], [sflag:$0x1] =	stream.indirect.gather [spmem:s3], $0x10, s19, s8, $0xb8;
	[tilespmem:$0x17000] =	vst v63  }
0x303: {  	s22 =	simm.s32 $0x5280;
	s19 =	simm.s32 $0x9800  }
0x304: {  	[tilespmem:s19], [sflag:$0x1] =	stream.indirect.gather [spmem:s3], $0x10, s22, s8, $0xb8;
	[tilespmem:$0x17000] =	vst v63  }
0x305: {  	s24 =	simm.s32 $0x5300;
	s16 =	simm.s32 $0xA000  }
0x306: {  	[tilespmem:s16], [sflag:$0x1] =	stream.indirect.gather [spmem:s3], $0x10, s24, s8, $0xb8;
	[tilespmem:$0x17000] =	vst v63  }
0x307: {  	s25 =	simm.s32 $0x5380;
	s4 =	simm.s32 $0xA800  }
0x308: {  	[tilespmem:s4], [sflag:$0x1] =	stream.indirect.gather [spmem:s3], $0x10, s25, s8, $0xb8;
	[tilespmem:$0x17000] =	vst v63  }
0x309: {  	s26 =	simm.s32 $0x5400;
	s6 =	simm.s32 $0xB000  }
0x30a: {  	[tilespmem:s6], [sflag:$0x1] =	stream.indirect.gather [spmem:s3], $0x10, s26, s8, $0xb8;
	[tilespmem:$0x17000] =	vst v63  }
0x30b: {  	s13 =	simm.s32 $0x5480;
	s22 =	simm.s32 $0xB800  }
0x30c: {  	[tilespmem:s22], [sflag:$0x1] =	stream.indirect.gather [spmem:s3], $0x10, s13, s8, $0xb8;
	[tilespmem:$0x17000] =	vst v63  }
0x30d: {  	s24 =	simm.s32 $0x5500;
	s25 =	simm.s32 $0xC000  }
0x30e: {  	[tilespmem:s25], [sflag:$0x1] =	stream.indirect.gather [spmem:s3], $0x10, s24, s8, $0xb8;
	[tilespmem:$0x17000] =	vst v63  }
0x30f: {  	s29 =	simm.s32 $0xC800;
	s26 =	simm.s32 $0x5580  }
0x310: {  	[tilespmem:s29], [sflag:$0x1] =	stream.indirect.gather [spmem:s3], $0x10, s26, s8, $0xb8;
	[tilespmem:$0x17000] =	vst v63  }
0x311: {  	s13 =	simm.s32 $0x5600;
	s26 =	simm.s32 $0xD000  }
0x312: {  	[tilespmem:s26], [sflag:$0x1] =	stream.indirect.gather [spmem:s3], $0x10, s13, s8, $0xb8;
	[tilespmem:$0x17000] =	vst v63  }
0x313: {  	s18 =	simm.s32 $0xD800;
	s24 =	simm.s32 $0x5680  }
0x314: {  	[tilespmem:s18], [sflag:$0x1] =	stream.indirect.gather [spmem:s3], $0x10, s24, s8, $0xb8;
	[tilespmem:$0x17000] =	vst v63  }
0x315: {  	s15 =	simm.s32 $0xE000;
	s13 =	simm.s32 $0x5700  }
0x316: {  	[tilespmem:s15], [sflag:$0x1] =	stream.indirect.gather [spmem:s3], $0x10, s13, s8, $0xb8;
	[tilespmem:$0x17000] =	vst v63  }
0x317: {  	s21 =	simm.s32 $0xE800;
	s24 =	simm.s32 $0x5780  }
0x318: {  	[tilespmem:s21], [sflag:$0x1] =	stream.indirect.gather [spmem:s3], $0x10, s24, s8, $0xb8;
	[tilespmem:$0x17000] =	vst v63  }
0x319: {  	_ =	swait.ge [sflag:s31], $0x8000  }
0x31a: {  	[sflag:s31] =	ssyncset.done $0x0  }
0x31b: {  	s1 =	simm.s32 $0x1;
	[sflag:s31] =	ssyncadd.s32 $0xFFFF8000  }
0x31c: {  	_ =	swait.ge [sflag:s1], $0x8000  }
0x31d: {  	[sflag:s1] =	ssyncset.done $0x0  }
0x31e: {  	[sflag:s1] =	ssyncadd.s32 $0xFFFF8000  }
0x31f: {  	[spmem:s2] =	stream.indirect.scatter.add.f32 [tilespmem:s10], [sflag:$0x2], $0x10, s7, s8, $0xb8;
	[tilespmem:$0x17000] =	vst v63  }
0x320: {  	s11 =	simm.s32 $0x7800;
	s13 =	simm.s32 $0x6080  }
0x321: {  	[spmem:s2] =	stream.indirect.scatter.add.f32 [tilespmem:s11], [sflag:$0x2], $0x10, s13, s8, $0xb8;
	[tilespmem:$0x17000] =	vst v63  }
0x322: {  	s30 =	simm.s32 $0x6100  }
0x323: {  	[spmem:s2] =	stream.indirect.scatter.add.f32 [tilespmem:s12], [sflag:$0x2], $0x10, s30, s8, $0xb8;
	[tilespmem:$0x17000] =	vst v63  }
0x324: {  	s10 =	simm.s32 $0x6180  }
0x325: {  	[spmem:s2] =	stream.indirect.scatter.add.f32 [tilespmem:s14], [sflag:$0x2], $0x10, s10, s8, $0xb8;
	[tilespmem:$0x17000] =	vst v63  }
0x326: {  	s30 =	simm.s32 $0x6200  }
0x327: {  	[spmem:s2] =	stream.indirect.scatter.add.f32 [tilespmem:s28], [sflag:$0x2], $0x10, s30, s8, $0xb8;
	[tilespmem:$0x17000] =	vst v63  }
0x328: {  	s14 =	simm.s32 $0x6280  }
0x329: {  	[spmem:s2] =	stream.indirect.scatter.add.f32 [tilespmem:s19], [sflag:$0x2], $0x10, s14, s8, $0xb8;
	[tilespmem:$0x17000] =	vst v63  }
0x32a: {  	s7 =	simm.s32 $0x6300  }
0x32b: {  	[spmem:s2] =	stream.indirect.scatter.add.f32 [tilespmem:s16], [sflag:$0x2], $0x10, s7, s8, $0xb8;
	[tilespmem:$0x17000] =	vst v63  }
0x32c: {  	s10 =	simm.s32 $0x6380  }
0x32d: {  	[spmem:s2] =	stream.indirect.scatter.add.f32 [tilespmem:s4], [sflag:$0x2], $0x10, s10, s8, $0xb8;
	[tilespmem:$0x17000] =	vst v63  }
0x32e: {  	s14 =	simm.s32 $0x6400  }
0x32f: {  	[spmem:s2] =	stream.indirect.scatter.add.f32 [tilespmem:s6], [sflag:$0x2], $0x10, s14, s8, $0xb8;
	[tilespmem:$0x17000] =	vst v63  }
0x330: {  	s16 =	simm.s32 $0x6480  }
0x331: {  	[spmem:s2] =	stream.indirect.scatter.add.f32 [tilespmem:s22], [sflag:$0x2], $0x10, s16, s8, $0xb8;
	[tilespmem:$0x17000] =	vst v63  }
0x332: {  	s19 =	simm.s32 $0x6500  }
0x333: {  	[spmem:s2] =	stream.indirect.scatter.add.f32 [tilespmem:s25], [sflag:$0x2], $0x10, s19, s8, $0xb8;
	[tilespmem:$0x17000] =	vst v63  }
0x334: {  	s22 =	simm.s32 $0x6580  }
0x335: {  	[spmem:s2] =	stream.indirect.scatter.add.f32 [tilespmem:s29], [sflag:$0x2], $0x10, s22, s8, $0xb8;
	[tilespmem:$0x17000] =	vst v63  }
0x336: {  	s25 =	simm.s32 $0x6600  }
0x337: {  	[spmem:s2] =	stream.indirect.scatter.add.f32 [tilespmem:s26], [sflag:$0x2], $0x10, s25, s8, $0xb8;
	[tilespmem:$0x17000] =	vst v63  }
0x338: {  	s26 =	simm.s32 $0x6680  }
0x339: {  	[spmem:s2] =	stream.indirect.scatter.add.f32 [tilespmem:s18], [sflag:$0x2], $0x10, s26, s8, $0xb8;
	[tilespmem:$0x17000] =	vst v63  }
0x33a: {  	_ = 	snop  }
0x33b: {  	[spmem:s2] =	stream.indirect.scatter.add.f32 [tilespmem:s15], [sflag:$0x2], $0x10, s20, s8, $0xb8;
	[tilespmem:$0x17000] =	vst v63  }
0x33c: {  	_ = 	snop  }
0x33d: {  	[spmem:s2] =	stream.indirect.scatter.add.f32 [tilespmem:s21], [sflag:$0x2], $0x10, s17, s8, $0xb8;
	[tilespmem:$0x17000] =	vst v63  }
0x33e: {  	_ =	swait.ge [sflag:s31], $0x8000  }
0x33f: {  	[sflag:s31] =	ssyncset.done $0x0  }
0x340: {  	[sflag:s31] =	ssyncadd.s32 $0xFFFF8000  }
0x341: {  	p1 =	sne.s32 s9, $0x1;
	[bflag:$0x0] =	sbarrier.arrive $0xFFFF  }
.Ltmp2:
0x342: {  	s28 =	rddreg [dreg:$0x10];
	(pc) =	sbr.rel @p1 .LBB2_3-.Ltmp2, $4  }
0x343: {  	s9 =	sadd.s32 $0xFFFFFFFF, s9;
	s0 =	simm.s32 $0x6000;
	s29 =	rddreg [dreg:$0x12]  }
0x344: {  	s24 =	simm.s32 $0x7000;
	s13 =	simm.s32 $0x8800;
	s31 =	rddreg [dreg:$0x13]  }
0x345: {  	[hbm:s28], [sflag:s31] =	dma.local [spmem:s29], $0x500  }
0x346: {  	s30 =	smov.u32 s29;
	s4 =	smov.u32 s31;
	_ =	swait.ge [sflag:s23], $0x500  }
0x347: {  	s16 =	simm.s32 $0x5280  }
0x348: {  	s29 =	simm.s32 $0x5300;
	s17 =	simm.s32 $0x5380;
	s0 =	simm.s32 $0x5400  }
0x349: {  	s25 =	simm.s32 $0x5480;
	s20 =	simm.s32 $0x5500;
	s21 =	simm.s32 $0x5580  }
0x34a: {  	s22 =	simm.s32 $0x5600;
	s18 =	simm.s32 $0x5680;
	s19 =	simm.s32 $0x5700  }
0x34b: {  	s9 =	simm.s32 $0x5800;
	s15 =	simm.s32 $0x5880;
	s26 =	simm.s32 $0x5900  }
.LBB2_5:
0x34c: {  	[sflag:s23] =	ssyncset.done @p0 $0x0  }
0x34d: {  	s6 =	rddreg [dreg:$0x4];
	[sflag:s23] =	ssyncadd.s32 @p0 $0xFFFFFB00  }
0x34e: {  	[spmem:s30], [sflag:s4] =	dma.local [hbm:s6], $0x500  }
0x34f: {  	_ =	swait.ge [sflag:s23], $0x500  }
0x350: {  	s24 =	rddreg [dreg:$0x5];
	[sflag:s23] =	ssyncset.done $0x0  }
0x351: {  	s28 =	rddreg [dreg:$0x11];
	[sflag:s23] =	ssyncadd.s32 $0xFFFFFB00  }
0x352: {  	[spmem:s28], [sflag:s4] =	dma.local [hbm:s24], $0x500  }
0x353: {  	_ =	swait.ge [sflag:s23], $0x500  }
0x354: {  	[sflag:s23] =	ssyncset.done $0x0  }
0x355: {  	[sflag:s23] =	ssyncadd.s32 $0xFFFFFB00  }
0x356: {  	[bflag:$0x0] =	sbarrier.arrive $0xFFFF  }
0x357: {  	s31 =	simm.s32 $0x5000;
	s7 =	simm.s32 $0x0;
	s30 =	rddreg [dreg:$0x6]  }
0x358: {  	[tilespmem:s31], [sflag:$0x3] =	stream.linear.gather [hbm4b:s30+s7], $0x800, $0x38;
	[tilespmem:$0x17000] =	vst v63  }
0x359: {  	_ =	swait.ge [sflag:s23], $0x800  }
0x35a: {  	[sflag:s23] =	ssyncset.done $0x0  }
0x35b: {  	s14 =	simm.s32 $0x6000;
	s10 =	rddreg [dreg:$0x7];
	[sflag:s23] =	ssyncadd.s32 $0xFFFFF800  }
0x35c: {  	[tilespmem:s14], [sflag:$0x3] =	stream.linear.gather [hbm4b:s10+s7], $0x800, $0x38;
	[tilespmem:$0x17000] =	vst v63  }
0x35d: {  	_ =	swait.ge [sflag:s23], $0x800  }
0x35e: {  	[sflag:s23] =	ssyncset.done $0x0  }
0x35f: {  	s14 =	simm.s32 $0x7000;
	[sflag:s23] =	ssyncadd.s32 $0xFFFFF800  }
0x360: {  	[tilespmem:s14], [sflag:$0x1] =	stream.indirect.gather [spmem:s3], $0x10, s31, s8, $0xb8;
	[tilespmem:$0x17000] =	vst v63  }
0x361: {  	s24 =	simm.s32 $0x5080  }
0x362: {  	[tilespmem:s11], [sflag:$0x1] =	stream.indirect.gather [spmem:s3], $0x10, s24, s8, $0xb8;
	[tilespmem:$0x17000] =	vst v63  }
0x363: {  	s28 =	simm.s32 $0x5100  }
0x364: {  	[tilespmem:s12], [sflag:$0x1] =	stream.indirect.gather [spmem:s3], $0x10, s28, s8, $0xb8;
	[tilespmem:$0x17000] =	vst v63  }
0x365: {  	_ = 	snop  }
0x366: {  	[tilespmem:s13], [sflag:$0x1] =	stream.indirect.gather [spmem:s3], $0x10, s5, s8, $0xb8;
	[tilespmem:$0x17000] =	vst v63  }
0x367: {  	s30 =	simm.s32 $0x5200;
	s31 =	simm.s32 $0x9000  }
0x368: {  	[tilespmem:s31], [sflag:$0x1] =	stream.indirect.gather [spmem:s3], $0x10, s30, s8, $0xb8;
	[tilespmem:$0x17000] =	vst v63  }
0x369: {  	s12 =	simm.s32 $0x9800  }
0x36a: {  	[tilespmem:s12], [sflag:$0x1] =	stream.indirect.gather [spmem:s3], $0x10, s16, s8, $0xb8;
	[tilespmem:$0x17000] =	vst v63  }
0x36b: {  	s16 =	simm.s32 $0xA000  }
0x36c: {  	[tilespmem:s16], [sflag:$0x1] =	stream.indirect.gather [spmem:s3], $0x10, s29, s8, $0xb8;
	[tilespmem:$0x17000] =	vst v63  }
0x36d: {  	s29 =	simm.s32 $0xA800  }
0x36e: {  	[tilespmem:s29], [sflag:$0x1] =	stream.indirect.gather [spmem:s3], $0x10, s17, s8, $0xb8;
	[tilespmem:$0x17000] =	vst v63  }
0x36f: {  	s31 =	simm.s32 $0xB000  }
0x370: {  	[tilespmem:s31], [sflag:$0x1] =	stream.indirect.gather [spmem:s3], $0x10, s0, s8, $0xb8;
	[tilespmem:$0x17000] =	vst v63  }
0x371: {  	s16 =	simm.s32 $0xB800  }
0x372: {  	[tilespmem:s16], [sflag:$0x1] =	stream.indirect.gather [spmem:s3], $0x10, s25, s8, $0xb8;
	[tilespmem:$0x17000] =	vst v63  }
0x373: {  	s17 =	simm.s32 $0xC000  }
0x374: {  	[tilespmem:s17], [sflag:$0x1] =	stream.indirect.gather [spmem:s3], $0x10, s20, s8, $0xb8;
	[tilespmem:$0x17000] =	vst v63  }
0x375: {  	s25 =	simm.s32 $0xC800  }
0x376: {  	[tilespmem:s25], [sflag:$0x1] =	stream.indirect.gather [spmem:s3], $0x10, s21, s8, $0xb8;
	[tilespmem:$0x17000] =	vst v63  }
0x377: {  	s29 =	simm.s32 $0xD000  }
0x378: {  	[tilespmem:s29], [sflag:$0x1] =	stream.indirect.gather [spmem:s3], $0x10, s22, s8, $0xb8;
	[tilespmem:$0x17000] =	vst v63  }
0x379: {  	s31 =	simm.s32 $0xD800  }
0x37a: {  	[tilespmem:s31], [sflag:$0x1] =	stream.indirect.gather [spmem:s3], $0x10, s18, s8, $0xb8;
	[tilespmem:$0x17000] =	vst v63  }
0x37b: {  	s22 =	simm.s32 $0xE000  }
0x37c: {  	[tilespmem:s22], [sflag:$0x1] =	stream.indirect.gather [spmem:s3], $0x10, s19, s8, $0xb8;
	[tilespmem:$0x17000] =	vst v63  }
0x37d: {  	s25 =	simm.s32 $0xE800;
	s29 =	simm.s32 $0x5780  }
0x37e: {  	[tilespmem:s25], [sflag:$0x1] =	stream.indirect.gather [spmem:s3], $0x10, s29, s8, $0xb8;
	[tilespmem:$0x17000] =	vst v63  }
0x37f: {  	_ =	swait.ge [sflag:s1], $0x8000  }
0x380: {  	[sflag:s1] =	ssyncset.done $0x0  }
0x381: {  	s6 =	simm.s32 $0x6000;
	s14 =	simm.s32 $0x7000;
	[sflag:s1] =	ssyncadd.s32 $0xFFFF8000  }
0x382: {  	[spmem:s2] =	stream.indirect.scatter.add.f32 [tilespmem:s14], [sflag:$0x2], $0x10, s6, s8, $0xb8;
	[tilespmem:$0x17000] =	vst v63  }
0x383: {  	s13 =	simm.s32 $0x7800;
	s31 =	simm.s32 $0x6080  }
0x384: {  	[spmem:s2] =	stream.indirect.scatter.add.f32 [tilespmem:s13], [sflag:$0x2], $0x10, s31, s8, $0xb8;
	[tilespmem:$0x17000] =	vst v63  }
0x385: {  	s10 =	simm.s32 $0x8000;
	s6 =	simm.s32 $0x6100  }
0x386: {  	[spmem:s2] =	stream.indirect.scatter.add.f32 [tilespmem:s10], [sflag:$0x2], $0x10, s6, s8, $0xb8;
	[tilespmem:$0x17000] =	vst v63  }
0x387: {  	s4 =	simm.s32 $0x8800;
	s13 =	simm.s32 $0x6180  }
0x388: {  	[spmem:s2] =	stream.indirect.scatter.add.f32 [tilespmem:s4], [sflag:$0x2], $0x10, s13, s8, $0xb8;
	[tilespmem:$0x17000] =	vst v63  }
0x389: {  	s28 =	simm.s32 $0x9000;
	s14 =	simm.s32 $0x6200  }
0x38a: {  	[spmem:s2] =	stream.indirect.scatter.add.f32 [tilespmem:s28], [sflag:$0x2], $0x10, s14, s8, $0xb8;
	[tilespmem:$0x17000] =	vst v63  }
0x38b: {  	s30 =	simm.s32 $0x9800;
	s22 =	simm.s32 $0x6280  }
0x38c: {  	[spmem:s2] =	stream.indirect.scatter.add.f32 [tilespmem:s30], [sflag:$0x2], $0x10, s22, s8, $0xb8;
	[tilespmem:$0x17000] =	vst v63  }
0x38d: {  	s7 =	simm.s32 $0xA000;
	s25 =	simm.s32 $0x6300  }
0x38e: {  	[spmem:s2] =	stream.indirect.scatter.add.f32 [tilespmem:s7], [sflag:$0x2], $0x10, s25, s8, $0xb8;
	[tilespmem:$0x17000] =	vst v63  }
0x38f: {  	s12 =	simm.s32 $0xA800;
	s28 =	simm.s32 $0x6380  }
0x390: {  	[spmem:s2] =	stream.indirect.scatter.add.f32 [tilespmem:s12], [sflag:$0x2], $0x10, s28, s8, $0xb8;
	[tilespmem:$0x17000] =	vst v63  }
0x391: {  	s11 =	simm.s32 $0xB000;
	s29 =	simm.s32 $0x6400  }
0x392: {  	[spmem:s2] =	stream.indirect.scatter.add.f32 [tilespmem:s11], [sflag:$0x2], $0x10, s29, s8, $0xb8;
	[tilespmem:$0x17000] =	vst v63  }
0x393: {  	s16 =	simm.s32 $0xB800;
	s30 =	simm.s32 $0x6480  }
0x394: {  	[spmem:s2] =	stream.indirect.scatter.add.f32 [tilespmem:s16], [sflag:$0x2], $0x10, s30, s8, $0xb8;
	[tilespmem:$0x17000] =	vst v63  }
0x395: {  	s17 =	simm.s32 $0xC000;
	s31 =	simm.s32 $0x6500  }
0x396: {  	[spmem:s2] =	stream.indirect.scatter.add.f32 [tilespmem:s17], [sflag:$0x2], $0x10, s31, s8, $0xb8;
	[tilespmem:$0x17000] =	vst v63  }
0x397: {  	s20 =	simm.s32 $0xC800;
	s4 =	simm.s32 $0x6580  }
0x398: {  	[spmem:s2] =	stream.indirect.scatter.add.f32 [tilespmem:s20], [sflag:$0x2], $0x10, s4, s8, $0xb8;
	[tilespmem:$0x17000] =	vst v63  }
0x399: {  	s21 =	simm.s32 $0xD000;
	s6 =	simm.s32 $0x6600  }
0x39a: {  	[spmem:s2] =	stream.indirect.scatter.add.f32 [tilespmem:s21], [sflag:$0x2], $0x10, s6, s8, $0xb8;
	[tilespmem:$0x17000] =	vst v63  }
0x39b: {  	s18 =	simm.s32 $0xD800;
	s7 =	simm.s32 $0x6680  }
0x39c: {  	[spmem:s2] =	stream.indirect.scatter.add.f32 [tilespmem:s18], [sflag:$0x2], $0x10, s7, s8, $0xb8;
	[tilespmem:$0x17000] =	vst v63  }
0x39d: {  	s0 =	simm.s32 $0xE000;
	s10 =	simm.s32 $0x6700  }
0x39e: {  	[spmem:s2] =	stream.indirect.scatter.add.f32 [tilespmem:s0], [sflag:$0x2], $0x10, s10, s8, $0xb8;
	[tilespmem:$0x17000] =	vst v63  }
0x39f: {  	s19 =	simm.s32 $0xE800;
	s12 =	simm.s32 $0x6780  }
0x3a0: {  	[spmem:s2] =	stream.indirect.scatter.add.f32 [tilespmem:s19], [sflag:$0x2], $0x10, s12, s8, $0xb8;
	[tilespmem:$0x17000] =	vst v63  }
0x3a1: {  	s24 =	simm.s32 $0x0;
	s11 =	rddreg [dreg:$0x8]  }
0x3a2: {  	[tilespmem:s9], [sflag:$0x3] =	stream.linear.gather [hbm4b:s11+s24], $0x800, $0x38;
	[tilespmem:$0x17000] =	vst v63  }
0x3a3: {  	_ =	swait.ge [sflag:s23], $0x800  }
0x3a4: {  	[sflag:s23] =	ssyncset.done $0x0  }
0x3a5: {  	s14 =	simm.s32 $0x6800;
	s13 =	rddreg [dreg:$0x9];
	[sflag:s23] =	ssyncadd.s32 $0xFFFFF800  }
0x3a6: {  	[tilespmem:s14], [sflag:$0x3] =	stream.linear.gather [hbm4b:s13+s24], $0x800, $0x38;
	[tilespmem:$0x17000] =	vst v63  }
0x3a7: {  	_ =	swait.ge [sflag:s23], $0x800  }
0x3a8: {  	[sflag:s23] =	ssyncset.done $0x0  }
0x3a9: {  	s31 =	simm.s32 $0xF000;
	[sflag:s23] =	ssyncadd.s32 $0xFFFFF800  }
0x3aa: {  	[tilespmem:s31], [sflag:$0x1] =	stream.indirect.gather [spmem:s3], $0x10, s9, s8, $0xb8;
	[tilespmem:$0x17000] =	vst v63  }
0x3ab: {  	s16 =	simm.s32 $0xF800  }
0x3ac: {  	[tilespmem:s16], [sflag:$0x1] =	stream.indirect.gather [spmem:s3], $0x10, s15, s8, $0xb8;
	[tilespmem:$0x17000] =	vst v63  }
0x3ad: {  	s25 =	simm.s32 $0x10000  }
0x3ae: {  	[tilespmem:s25], [sflag:$0x1] =	stream.indirect.gather [spmem:s3], $0x10, s26, s8, $0xb8;
	[tilespmem:$0x17000] =	vst v63  }
0x3af: {  	s17 =	simm.s32 $0x10800;
	s18 =	simm.s32 $0x5980  }
0x3b0: {  	[tilespmem:s17], [sflag:$0x1] =	stream.indirect.gather [spmem:s3], $0x10, s18, s8, $0xb8;
	[tilespmem:$0x17000] =	vst v63  }
0x3b1: {  	s28 =	simm.s32 $0x11000;
	s19 =	simm.s32 $0x5A00  }
0x3b2: {  	[tilespmem:s28], [sflag:$0x1] =	stream.indirect.gather [spmem:s3], $0x10, s19, s8, $0xb8;
	[tilespmem:$0x17000] =	vst v63  }
0x3b3: {  	s20 =	simm.s32 $0x11800;
	s21 =	simm.s32 $0x5A80  }
0x3b4: {  	[tilespmem:s20], [sflag:$0x1] =	stream.indirect.gather [spmem:s3], $0x10, s21, s8, $0xb8;
	[tilespmem:$0x17000] =	vst v63  }
0x3b5: {  	s22 =	simm.s32 $0x5B00;
	s26 =	simm.s32 $0x12000  }
0x3b6: {  	[tilespmem:s26], [sflag:$0x1] =	stream.indirect.gather [spmem:s3], $0x10, s22, s8, $0xb8;
	[tilespmem:$0x17000] =	vst v63  }
0x3b7: {  	s29 =	simm.s32 $0x12800;
	s30 =	simm.s32 $0x5B80  }
0x3b8: {  	[tilespmem:s29], [sflag:$0x1] =	stream.indirect.gather [spmem:s3], $0x10, s30, s8, $0xb8;
	[tilespmem:$0x17000] =	vst v63  }
0x3b9: {  	s11 =	simm.s32 $0x5C00;
	s29 =	simm.s32 $0x13000  }
0x3ba: {  	[tilespmem:s29], [sflag:$0x1] =	stream.indirect.gather [spmem:s3], $0x10, s11, s8, $0xb8;
	[tilespmem:$0x17000] =	vst v63  }
0x3bb: {  	s12 =	simm.s32 $0x13800;
	s13 =	simm.s32 $0x5C80  }
0x3bc: {  	[tilespmem:s12], [sflag:$0x1] =	stream.indirect.gather [spmem:s3], $0x10, s13, s8, $0xb8;
	[tilespmem:$0x17000] =	vst v63  }
0x3bd: {  	s14 =	simm.s32 $0x14000;
	s15 =	simm.s32 $0x5D00  }
0x3be: {  	[tilespmem:s14], [sflag:$0x1] =	stream.indirect.gather [spmem:s3], $0x10, s15, s8, $0xb8;
	[tilespmem:$0x17000] =	vst v63  }
0x3bf: {  	s16 =	simm.s32 $0x14800;
	s17 =	simm.s32 $0x5D80  }
0x3c0: {  	[tilespmem:s16], [sflag:$0x1] =	stream.indirect.gather [spmem:s3], $0x10, s17, s8, $0xb8;
	[tilespmem:$0x17000] =	vst v63  }
0x3c1: {  	s18 =	simm.s32 $0x15000;
	s19 =	simm.s32 $0x5E00  }
0x3c2: {  	[tilespmem:s18], [sflag:$0x1] =	stream.indirect.gather [spmem:s3], $0x10, s19, s8, $0xb8;
	[tilespmem:$0x17000] =	vst v63  }
0x3c3: {  	s20 =	simm.s32 $0x15800;
	s21 =	simm.s32 $0x5E80  }
0x3c4: {  	[tilespmem:s20], [sflag:$0x1] =	stream.indirect.gather [spmem:s3], $0x10, s21, s8, $0xb8;
	[tilespmem:$0x17000] =	vst v63  }
0x3c5: {  	s22 =	simm.s32 $0x16000;
	s30 =	simm.s32 $0x5F00  }
0x3c6: {  	[tilespmem:s22], [sflag:$0x1] =	stream.indirect.gather [spmem:s3], $0x10, s30, s8, $0xb8;
	[tilespmem:$0x17000] =	vst v63  }
0x3c7: {  	s0 =	simm.s32 $0x2;
	s17 =	simm.s32 $0x16800;
	s18 =	simm.s32 $0x5F80  }
0x3c8: {  	[tilespmem:s17], [sflag:$0x1] =	stream.indirect.gather [spmem:s3], $0x10, s18, s8, $0xb8;
	[tilespmem:$0x17000] =	vst v63  }
0x3c9: {  	_ =	swait.ge [sflag:s0], $0x8000  }
0x3ca: {  	[sflag:s0] =	ssyncset.done $0x0  }
0x3cb: {  	s9 =	simm.s32 $0x1;
	[sflag:s0] =	ssyncadd.s32 $0xFFFF8000  }
0x3cc: {  	_ =	swait.ge [sflag:s9], $0x8000  }
0x3cd: {  	[sflag:s9] =	ssyncset.done $0x0  }
0x3ce: {  	s1 =	simm.s32 $0x6800;
	[sflag:s9] =	ssyncadd.s32 $0xFFFF8000  }
0x3cf: {  	[spmem:s2] =	stream.indirect.scatter.add.f32 [tilespmem:s31], [sflag:$0x2], $0x10, s1, s8, $0xb8;
	[tilespmem:$0x17000] =	vst v63  }
0x3d0: {  	s10 =	simm.s32 $0xF800;
	s19 =	simm.s32 $0x6880  }
0x3d1: {  	[spmem:s2] =	stream.indirect.scatter.add.f32 [tilespmem:s10], [sflag:$0x2], $0x10, s19, s8, $0xb8;
	[tilespmem:$0x17000] =	vst v63  }
0x3d2: {  	s20 =	simm.s32 $0x6900  }
0x3d3: {  	[spmem:s2] =	stream.indirect.scatter.add.f32 [tilespmem:s25], [sflag:$0x2], $0x10, s20, s8, $0xb8;
	[tilespmem:$0x17000] =	vst v63  }
0x3d4: {  	s4 =	simm.s32 $0x10800;
	s21 =	simm.s32 $0x6980  }
0x3d5: {  	[spmem:s2] =	stream.indirect.scatter.add.f32 [tilespmem:s4], [sflag:$0x2], $0x10, s21, s8, $0xb8;
	[tilespmem:$0x17000] =	vst v63  }
0x3d6: {  	s22 =	simm.s32 $0x6A00  }
0x3d7: {  	[spmem:s2] =	stream.indirect.scatter.add.f32 [tilespmem:s28], [sflag:$0x2], $0x10, s22, s8, $0xb8;
	[tilespmem:$0x17000] =	vst v63  }
0x3d8: {  	s6 =	simm.s32 $0x11800;
	s30 =	simm.s32 $0x6A80  }
0x3d9: {  	[spmem:s2] =	stream.indirect.scatter.add.f32 [tilespmem:s6], [sflag:$0x2], $0x10, s30, s8, $0xb8;
	[tilespmem:$0x17000] =	vst v63  }
0x3da: {  	s4 =	simm.s32 $0x6B00  }
0x3db: {  	[spmem:s2] =	stream.indirect.scatter.add.f32 [tilespmem:s26], [sflag:$0x2], $0x10, s4, s8, $0xb8;
	[tilespmem:$0x17000] =	vst v63  }
0x3dc: {  	s7 =	simm.s32 $0x12800;
	s6 =	simm.s32 $0x6B80  }
0x3dd: {  	[spmem:s2] =	stream.indirect.scatter.add.f32 [tilespmem:s7], [sflag:$0x2], $0x10, s6, s8, $0xb8;
	[tilespmem:$0x17000] =	vst v63  }
0x3de: {  	s7 =	simm.s32 $0x6C00  }
0x3df: {  	[spmem:s2] =	stream.indirect.scatter.add.f32 [tilespmem:s29], [sflag:$0x2], $0x10, s7, s8, $0xb8;
	[tilespmem:$0x17000] =	vst v63  }
0x3e0: {  	s11 =	simm.s32 $0x13800;
	s10 =	simm.s32 $0x6C80  }
0x3e1: {  	[spmem:s2] =	stream.indirect.scatter.add.f32 [tilespmem:s11], [sflag:$0x2], $0x10, s10, s8, $0xb8;
	[tilespmem:$0x17000] =	vst v63  }
0x3e2: {  	s12 =	simm.s32 $0x14000;
	s11 =	simm.s32 $0x6D00  }
0x3e3: {  	[spmem:s2] =	stream.indirect.scatter.add.f32 [tilespmem:s12], [sflag:$0x2], $0x10, s11, s8, $0xb8;
	[tilespmem:$0x17000] =	vst v63  }
0x3e4: {  	s13 =	simm.s32 $0x14800;
	s12 =	simm.s32 $0x6D80  }
0x3e5: {  	[spmem:s2] =	stream.indirect.scatter.add.f32 [tilespmem:s13], [sflag:$0x2], $0x10, s12, s8, $0xb8;
	[tilespmem:$0x17000] =	vst v63  }
0x3e6: {  	s14 =	simm.s32 $0x15000;
	s18 =	simm.s32 $0x6E00  }
0x3e7: {  	[spmem:s2] =	stream.indirect.scatter.add.f32 [tilespmem:s14], [sflag:$0x2], $0x10, s18, s8, $0xb8;
	[tilespmem:$0x17000] =	vst v63  }
0x3e8: {  	s15 =	simm.s32 $0x15800;
	s19 =	simm.s32 $0x6E80  }
0x3e9: {  	[spmem:s2] =	stream.indirect.scatter.add.f32 [tilespmem:s15], [sflag:$0x2], $0x10, s19, s8, $0xb8;
	[tilespmem:$0x17000] =	vst v63  }
0x3ea: {  	s16 =	simm.s32 $0x16000;
	s20 =	simm.s32 $0x6F00  }
0x3eb: {  	[spmem:s2] =	stream.indirect.scatter.add.f32 [tilespmem:s16], [sflag:$0x2], $0x10, s20, s8, $0xb8;
	[tilespmem:$0x17000] =	vst v63  }
0x3ec: {  	s17 =	simm.s32 $0x16800;
	s22 =	simm.s32 $0x6F80  }
0x3ed: {  	[spmem:s2] =	stream.indirect.scatter.add.f32 [tilespmem:s17], [sflag:$0x2], $0x10, s22, s8, $0xb8;
	[tilespmem:$0x17000] =	vst v63  }
0x3ee: {  	s21 =	rddreg [dreg:$0xa];
	s30 =	simm.s32 $0x5000  }
0x3ef: {  	[tilespmem:s30], [sflag:$0x3] =	stream.linear.gather [hbm4b:s21+s24], $0x800, $0x38;
	[tilespmem:$0x17000] =	vst v63  }
0x3f0: {  	_ =	swait.ge [sflag:s23], $0x800  }
0x3f1: {  	[sflag:s23] =	ssyncset.done $0x0  }
0x3f2: {  	s7 =	simm.s32 $0x6000;
	s1 =	rddreg [dreg:$0xb];
	[sflag:s23] =	ssyncadd.s32 $0xFFFFF800  }
0x3f3: {  	[tilespmem:s7], [sflag:$0x3] =	stream.linear.gather [hbm4b:s1+s24], $0x800, $0x38;
	[tilespmem:$0x17000] =	vst v63  }
0x3f4: {  	_ =	swait.ge [sflag:s23], $0x800  }
0x3f5: {  	[sflag:s23] =	ssyncset.done $0x0  }
0x3f6: {  	s1 =	simm.s32 $0x7000;
	[sflag:s23] =	ssyncadd.s32 $0xFFFFF800  }
0x3f7: {  	[tilespmem:s1], [sflag:$0x1] =	stream.indirect.gather [spmem:s3], $0x10, s30, s8, $0xb8;
	[tilespmem:$0x17000] =	vst v63  }
0x3f8: {  	s6 =	simm.s32 $0x5080;
	s21 =	simm.s32 $0x7800  }
0x3f9: {  	[tilespmem:s21], [sflag:$0x1] =	stream.indirect.gather [spmem:s3], $0x10, s6, s8, $0xb8;
	[tilespmem:$0x17000] =	vst v63  }
0x3fa: {  	s10 =	simm.s32 $0x5100;
	s19 =	simm.s32 $0x8000  }
0x3fb: {  	[tilespmem:s19], [sflag:$0x1] =	stream.indirect.gather [spmem:s3], $0x10, s10, s8, $0xb8;
	[tilespmem:$0x17000] =	vst v63  }
0x3fc: {  	s15 =	simm.s32 $0x8800  }
0x3fd: {  	[tilespmem:s15], [sflag:$0x1] =	stream.indirect.gather [spmem:s3], $0x10, s5, s8, $0xb8;
	[tilespmem:$0x17000] =	vst v63  }
0x3fe: {  	s11 =	simm.s32 $0x5200;
	s20 =	simm.s32 $0x9000  }
0x3ff: {  	[tilespmem:s20], [sflag:$0x1] =	stream.indirect.gather [spmem:s3], $0x10, s11, s8, $0xb8;
	[tilespmem:$0x17000] =	vst v63  }
0x400: {  	s12 =	simm.s32 $0x5280;
	s22 =	simm.s32 $0x9800  }
0x401: {  	[tilespmem:s22], [sflag:$0x1] =	stream.indirect.gather [spmem:s3], $0x10, s12, s8, $0xb8;
	[tilespmem:$0x17000] =	vst v63  }
0x402: {  	s4 =	simm.s32 $0xA000;
	s13 =	simm.s32 $0x5300  }
0x403: {  	[tilespmem:s4], [sflag:$0x1] =	stream.indirect.gather [spmem:s3], $0x10, s13, s8, $0xb8;
	[tilespmem:$0x17000] =	vst v63  }
0x404: {  	s14 =	simm.s32 $0x5380;
	s18 =	simm.s32 $0xA800  }
0x405: {  	[tilespmem:s18], [sflag:$0x1] =	stream.indirect.gather [spmem:s3], $0x10, s14, s8, $0xb8;
	[tilespmem:$0x17000] =	vst v63  }
0x406: {  	s16 =	simm.s32 $0x5400;
	s17 =	simm.s32 $0xB000  }
0x407: {  	[tilespmem:s17], [sflag:$0x1] =	stream.indirect.gather [spmem:s3], $0x10, s16, s8, $0xb8;
	[tilespmem:$0x17000] =	vst v63  }
0x408: {  	s6 =	simm.s32 $0x5480;
	s14 =	simm.s32 $0xB800  }
0x409: {  	[tilespmem:s14], [sflag:$0x1] =	stream.indirect.gather [spmem:s3], $0x10, s6, s8, $0xb8;
	[tilespmem:$0x17000] =	vst v63  }
0x40a: {  	s10 =	simm.s32 $0x5500;
	s13 =	simm.s32 $0xC000  }
0x40b: {  	[tilespmem:s13], [sflag:$0x1] =	stream.indirect.gather [spmem:s3], $0x10, s10, s8, $0xb8;
	[tilespmem:$0x17000] =	vst v63  }
0x40c: {  	s11 =	simm.s32 $0x5580;
	s12 =	simm.s32 $0xC800  }
0x40d: {  	[tilespmem:s12], [sflag:$0x1] =	stream.indirect.gather [spmem:s3], $0x10, s11, s8, $0xb8;
	[tilespmem:$0x17000] =	vst v63  }
0x40e: {  	s16 =	simm.s32 $0x5600;
	s11 =	simm.s32 $0xD000  }
0x40f: {  	[tilespmem:s11], [sflag:$0x1] =	stream.indirect.gather [spmem:s3], $0x10, s16, s8, $0xb8;
	[tilespmem:$0x17000] =	vst v63  }
0x410: {  	s6 =	simm.s32 $0x5680;
	s10 =	simm.s32 $0xD800  }
0x411: {  	[tilespmem:s10], [sflag:$0x1] =	stream.indirect.gather [spmem:s3], $0x10, s6, s8, $0xb8;
	[tilespmem:$0x17000] =	vst v63  }
0x412: {  	s16 =	simm.s32 $0x5700;
	s6 =	simm.s32 $0xE000  }
0x413: {  	[tilespmem:s6], [sflag:$0x1] =	stream.indirect.gather [spmem:s3], $0x10, s16, s8, $0xb8;
	[tilespmem:$0x17000] =	vst v63  }
0x414: {  	s30 =	simm.s32 $0x5780;
	s16 =	simm.s32 $0xE800  }
0x415: {  	[tilespmem:s16], [sflag:$0x1] =	stream.indirect.gather [spmem:s3], $0x10, s30, s8, $0xb8;
	[tilespmem:$0x17000] =	vst v63  }
0x416: {  	_ =	swait.ge [sflag:s0], $0x8000  }
0x417: {  	[sflag:s0] =	ssyncset.done $0x0  }
0x418: {  	[sflag:s0] =	ssyncadd.s32 $0xFFFF8000  }
0x419: {  	_ =	swait.ge [sflag:s9], $0x8000  }
0x41a: {  	[sflag:s9] =	ssyncset.done $0x0  }
0x41b: {  	[sflag:s9] =	ssyncadd.s32 $0xFFFF8000  }
0x41c: {  	[spmem:s2] =	stream.indirect.scatter.add.f32 [tilespmem:s1], [sflag:$0x2], $0x10, s7, s8, $0xb8;
	[tilespmem:$0x17000] =	vst v63  }
0x41d: {  	s1 =	simm.s32 $0x6080  }
0x41e: {  	[spmem:s2] =	stream.indirect.scatter.add.f32 [tilespmem:s21], [sflag:$0x2], $0x10, s1, s8, $0xb8;
	[tilespmem:$0x17000] =	vst v63  }
0x41f: {  	s7 =	simm.s32 $0x6100  }
0x420: {  	[spmem:s2] =	stream.indirect.scatter.add.f32 [tilespmem:s19], [sflag:$0x2], $0x10, s7, s8, $0xb8;
	[tilespmem:$0x17000] =	vst v63  }
0x421: {  	s19 =	simm.s32 $0x6180  }
0x422: {  	[spmem:s2] =	stream.indirect.scatter.add.f32 [tilespmem:s15], [sflag:$0x2], $0x10, s19, s8, $0xb8;
	[tilespmem:$0x17000] =	vst v63  }
0x423: {  	s21 =	simm.s32 $0x6200  }
0x424: {  	[spmem:s2] =	stream.indirect.scatter.add.f32 [tilespmem:s20], [sflag:$0x2], $0x10, s21, s8, $0xb8;
	[tilespmem:$0x17000] =	vst v63  }
0x425: {  	s30 =	simm.s32 $0x6280  }
0x426: {  	[spmem:s2] =	stream.indirect.scatter.add.f32 [tilespmem:s22], [sflag:$0x2], $0x10, s30, s8, $0xb8;
	[tilespmem:$0x17000] =	vst v63  }
0x427: {  	s1 =	simm.s32 $0x6300  }
0x428: {  	[spmem:s2] =	stream.indirect.scatter.add.f32 [tilespmem:s4], [sflag:$0x2], $0x10, s1, s8, $0xb8;
	[tilespmem:$0x17000] =	vst v63  }
0x429: {  	s7 =	simm.s32 $0x6380  }
0x42a: {  	[spmem:s2] =	stream.indirect.scatter.add.f32 [tilespmem:s18], [sflag:$0x2], $0x10, s7, s8, $0xb8;
	[tilespmem:$0x17000] =	vst v63  }
0x42b: {  	s21 =	simm.s32 $0x6400  }
0x42c: {  	[spmem:s2] =	stream.indirect.scatter.add.f32 [tilespmem:s17], [sflag:$0x2], $0x10, s21, s8, $0xb8;
	[tilespmem:$0x17000] =	vst v63  }
0x42d: {  	s20 =	simm.s32 $0x6480  }
0x42e: {  	[spmem:s2] =	stream.indirect.scatter.add.f32 [tilespmem:s14], [sflag:$0x2], $0x10, s20, s8, $0xb8;
	[tilespmem:$0x17000] =	vst v63  }
0x42f: {  	s17 =	simm.s32 $0x6500  }
0x430: {  	[spmem:s2] =	stream.indirect.scatter.add.f32 [tilespmem:s13], [sflag:$0x2], $0x10, s17, s8, $0xb8;
	[tilespmem:$0x17000] =	vst v63  }
0x431: {  	s18 =	simm.s32 $0x6580  }
0x432: {  	[spmem:s2] =	stream.indirect.scatter.add.f32 [tilespmem:s12], [sflag:$0x2], $0x10, s18, s8, $0xb8;
	[tilespmem:$0x17000] =	vst v63  }
0x433: {  	s19 =	simm.s32 $0x6600  }
0x434: {  	[spmem:s2] =	stream.indirect.scatter.add.f32 [tilespmem:s11], [sflag:$0x2], $0x10, s19, s8, $0xb8;
	[tilespmem:$0x17000] =	vst v63  }
0x435: {  	s30 =	simm.s32 $0x6680  }
0x436: {  	[spmem:s2] =	stream.indirect.scatter.add.f32 [tilespmem:s10], [sflag:$0x2], $0x10, s30, s8, $0xb8;
	[tilespmem:$0x17000] =	vst v63  }
0x437: {  	s22 =	simm.s32 $0x6700  }
0x438: {  	[spmem:s2] =	stream.indirect.scatter.add.f32 [tilespmem:s6], [sflag:$0x2], $0x10, s22, s8, $0xb8;
	[tilespmem:$0x17000] =	vst v63  }
0x439: {  	s18 =	simm.s32 $0x6780  }
0x43a: {  	[spmem:s2] =	stream.indirect.scatter.add.f32 [tilespmem:s16], [sflag:$0x2], $0x10, s18, s8, $0xb8;
	[tilespmem:$0x17000] =	vst v63  }
0x43b: {  	s1 =	rddreg [dreg:$0xc];
	s4 =	simm.s32 $0x5800  }
0x43c: {  	[tilespmem:s4], [sflag:$0x3] =	stream.linear.gather [hbm4b:s1+s24], $0x800, $0x38;
	[tilespmem:$0x17000] =	vst v63  }
0x43d: {  	_ =	swait.ge [sflag:s23], $0x800  }
0x43e: {  	[sflag:s23] =	ssyncset.done $0x0  }
0x43f: {  	s14 =	simm.s32 $0x6800;
	s7 =	rddreg [dreg:$0xd];
	[sflag:s23] =	ssyncadd.s32 $0xFFFFF800  }
0x440: {  	[tilespmem:s14], [sflag:$0x3] =	stream.linear.gather [hbm4b:s7+s24], $0x800, $0x38;
	[tilespmem:$0x17000] =	vst v63  }
0x441: {  	_ =	swait.ge [sflag:s23], $0x800  }
0x442: {  	[sflag:s23] =	ssyncset.done $0x0  }
0x443: {  	[sflag:s23] =	ssyncadd.s32 $0xFFFFF800  }
0x444: {  	[tilespmem:s31], [sflag:$0x1] =	stream.indirect.gather [spmem:s3], $0x10, s4, s8, $0xb8;
	[tilespmem:$0x17000] =	vst v63  }
0x445: {  	s10 =	simm.s32 $0x5880;
	s16 =	simm.s32 $0xF800  }
0x446: {  	[tilespmem:s16], [sflag:$0x1] =	stream.indirect.gather [spmem:s3], $0x10, s10, s8, $0xb8;
	[tilespmem:$0x17000] =	vst v63  }
0x447: {  	s11 =	simm.s32 $0x5900  }
0x448: {  	[tilespmem:s25], [sflag:$0x1] =	stream.indirect.gather [spmem:s3], $0x10, s11, s8, $0xb8;
	[tilespmem:$0x17000] =	vst v63  }
0x449: {  	s12 =	simm.s32 $0x5980;
	s6 =	simm.s32 $0x10800  }
0x44a: {  	[tilespmem:s6], [sflag:$0x1] =	stream.indirect.gather [spmem:s3], $0x10, s12, s8, $0xb8;
	[tilespmem:$0x17000] =	vst v63  }
0x44b: {  	s13 =	simm.s32 $0x5A00  }
0x44c: {  	[tilespmem:s28], [sflag:$0x1] =	stream.indirect.gather [spmem:s3], $0x10, s13, s8, $0xb8;
	[tilespmem:$0x17000] =	vst v63  }
0x44d: {  	s17 =	simm.s32 $0x5A80;
	s12 =	simm.s32 $0x11800  }
0x44e: {  	[tilespmem:s12], [sflag:$0x1] =	stream.indirect.gather [spmem:s3], $0x10, s17, s8, $0xb8;
	[tilespmem:$0x17000] =	vst v63  }
0x44f: {  	s19 =	simm.s32 $0x5B00  }
0x450: {  	[tilespmem:s26], [sflag:$0x1] =	stream.indirect.gather [spmem:s3], $0x10, s19, s8, $0xb8;
	[tilespmem:$0x17000] =	vst v63  }
0x451: {  	s22 =	simm.s32 $0x5B80;
	s13 =	simm.s32 $0x12800  }
0x452: {  	[tilespmem:s13], [sflag:$0x1] =	stream.indirect.gather [spmem:s3], $0x10, s22, s8, $0xb8;
	[tilespmem:$0x17000] =	vst v63  }
0x453: {  	s4 =	simm.s32 $0x5C00  }
0x454: {  	[tilespmem:s29], [sflag:$0x1] =	stream.indirect.gather [spmem:s3], $0x10, s4, s8, $0xb8;
	[tilespmem:$0x17000] =	vst v63  }
0x455: {  	s7 =	simm.s32 $0x5C80;
	s17 =	simm.s32 $0x13800  }
0x456: {  	[tilespmem:s17], [sflag:$0x1] =	stream.indirect.gather [spmem:s3], $0x10, s7, s8, $0xb8;
	[tilespmem:$0x17000] =	vst v63  }
0x457: {  	s10 =	simm.s32 $0x5D00;
	s22 =	simm.s32 $0x14000  }
0x458: {  	[tilespmem:s22], [sflag:$0x1] =	stream.indirect.gather [spmem:s3], $0x10, s10, s8, $0xb8;
	[tilespmem:$0x17000] =	vst v63  }
0x459: {  	s11 =	simm.s32 $0x5D80;
	s7 =	simm.s32 $0x14800  }
0x45a: {  	[tilespmem:s7], [sflag:$0x1] =	stream.indirect.gather [spmem:s3], $0x10, s11, s8, $0xb8;
	[tilespmem:$0x17000] =	vst v63  }
0x45b: {  	s19 =	simm.s32 $0x5E00;
	s10 =	simm.s32 $0x15000  }
0x45c: {  	[tilespmem:s10], [sflag:$0x1] =	stream.indirect.gather [spmem:s3], $0x10, s19, s8, $0xb8;
	[tilespmem:$0x17000] =	vst v63  }
0x45d: {  	s4 =	simm.s32 $0x5E80;
	s11 =	simm.s32 $0x15800  }
0x45e: {  	[tilespmem:s11], [sflag:$0x1] =	stream.indirect.gather [spmem:s3], $0x10, s4, s8, $0xb8;
	[tilespmem:$0x17000] =	vst v63  }
0x45f: {  	s1 =	simm.s32 $0x16000;
	s19 =	simm.s32 $0x5F00  }
0x460: {  	[tilespmem:s1], [sflag:$0x1] =	stream.indirect.gather [spmem:s3], $0x10, s19, s8, $0xb8;
	[tilespmem:$0x17000] =	vst v63  }
0x461: {  	s4 =	simm.s32 $0x16800;
	s19 =	simm.s32 $0x5F80  }
0x462: {  	[tilespmem:s4], [sflag:$0x1] =	stream.indirect.gather [spmem:s3], $0x10, s19, s8, $0xb8;
	[tilespmem:$0x17000] =	vst v63  }
0x463: {  	_ =	swait.ge [sflag:s0], $0x8000  }
0x464: {  	[sflag:s0] =	ssyncset.done $0x0  }
0x465: {  	[sflag:s0] =	ssyncadd.s32 $0xFFFF8000  }
0x466: {  	_ =	swait.ge [sflag:s9], $0x8000  }
0x467: {  	[sflag:s9] =	ssyncset.done $0x0  }
0x468: {  	[sflag:s9] =	ssyncadd.s32 $0xFFFF8000  }
0x469: {  	[spmem:s2] =	stream.indirect.scatter.add.f32 [tilespmem:s31], [sflag:$0x2], $0x10, s14, s8, $0xb8;
	[tilespmem:$0x17000] =	vst v63  }
0x46a: {  	s31 =	simm.s32 $0x6880  }
0x46b: {  	[spmem:s2] =	stream.indirect.scatter.add.f32 [tilespmem:s16], [sflag:$0x2], $0x10, s31, s8, $0xb8;
	[tilespmem:$0x17000] =	vst v63  }
0x46c: {  	s16 =	simm.s32 $0x6900  }
0x46d: {  	[spmem:s2] =	stream.indirect.scatter.add.f32 [tilespmem:s25], [sflag:$0x2], $0x10, s16, s8, $0xb8;
	[tilespmem:$0x17000] =	vst v63  }
0x46e: {  	s19 =	simm.s32 $0x6980  }
0x46f: {  	[spmem:s2] =	stream.indirect.scatter.add.f32 [tilespmem:s6], [sflag:$0x2], $0x10, s19, s8, $0xb8;
	[tilespmem:$0x17000] =	vst v63  }
0x470: {  	s25 =	simm.s32 $0x6A00  }
0x471: {  	[spmem:s2] =	stream.indirect.scatter.add.f32 [tilespmem:s28], [sflag:$0x2], $0x10, s25, s8, $0xb8;
	[tilespmem:$0x17000] =	vst v63  }
0x472: {  	s28 =	simm.s32 $0x6A80  }
0x473: {  	[spmem:s2] =	stream.indirect.scatter.add.f32 [tilespmem:s12], [sflag:$0x2], $0x10, s28, s8, $0xb8;
	[tilespmem:$0x17000] =	vst v63  }
0x474: {  	s31 =	simm.s32 $0x6B00  }
0x475: {  	[spmem:s2] =	stream.indirect.scatter.add.f32 [tilespmem:s26], [sflag:$0x2], $0x10, s31, s8, $0xb8;
	[tilespmem:$0x17000] =	vst v63  }
0x476: {  	s12 =	simm.s32 $0x6B80  }
0x477: {  	[spmem:s2] =	stream.indirect.scatter.add.f32 [tilespmem:s13], [sflag:$0x2], $0x10, s12, s8, $0xb8;
	[tilespmem:$0x17000] =	vst v63  }
0x478: {  	s14 =	simm.s32 $0x6C00  }
0x479: {  	[spmem:s2] =	stream.indirect.scatter.add.f32 [tilespmem:s29], [sflag:$0x2], $0x10, s14, s8, $0xb8;
	[tilespmem:$0x17000] =	vst v63  }
0x47a: {  	s16 =	simm.s32 $0x6C80  }
0x47b: {  	[spmem:s2] =	stream.indirect.scatter.add.f32 [tilespmem:s17], [sflag:$0x2], $0x10, s16, s8, $0xb8;
	[tilespmem:$0x17000] =	vst v63  }
0x47c: {  	s19 =	simm.s32 $0x6D00  }
0x47d: {  	[spmem:s2] =	stream.indirect.scatter.add.f32 [tilespmem:s22], [sflag:$0x2], $0x10, s19, s8, $0xb8;
	[tilespmem:$0x17000] =	vst v63  }
0x47e: {  	s22 =	simm.s32 $0x6D80  }
0x47f: {  	[spmem:s2] =	stream.indirect.scatter.add.f32 [tilespmem:s7], [sflag:$0x2], $0x10, s22, s8, $0xb8;
	[tilespmem:$0x17000] =	vst v63  }
0x480: {  	s25 =	simm.s32 $0x6E00  }
0x481: {  	[spmem:s2] =	stream.indirect.scatter.add.f32 [tilespmem:s10], [sflag:$0x2], $0x10, s25, s8, $0xb8;
	[tilespmem:$0x17000] =	vst v63  }
0x482: {  	s26 =	simm.s32 $0x6E80  }
0x483: {  	[spmem:s2] =	stream.indirect.scatter.add.f32 [tilespmem:s11], [sflag:$0x2], $0x10, s26, s8, $0xb8;
	[tilespmem:$0x17000] =	vst v63  }
0x484: {  	s28 =	simm.s32 $0x6F00  }
0x485: {  	[spmem:s2] =	stream.indirect.scatter.add.f32 [tilespmem:s1], [sflag:$0x2], $0x10, s28, s8, $0xb8;
	[tilespmem:$0x17000] =	vst v63  }
0x486: {  	s31 =	simm.s32 $0x6F80  }
0x487: {  	[spmem:s2] =	stream.indirect.scatter.add.f32 [tilespmem:s4], [sflag:$0x2], $0x10, s31, s8, $0xb8;
	[tilespmem:$0x17000] =	vst v63  }
0x488: {  	s29 =	rddreg [dreg:$0xe];
	s7 =	simm.s32 $0x5000  }
0x489: {  	[tilespmem:s7], [sflag:$0x3] =	stream.linear.gather [hbm4b:s29+s24], $0x800, $0x38;
	[tilespmem:$0x17000] =	vst v63  }
0x48a: {  	_ =	swait.ge [sflag:s23], $0x800  }
0x48b: {  	[sflag:s23] =	ssyncset.done $0x0  }
0x48c: {  	s16 =	simm.s32 $0x6000;
	s11 =	rddreg [dreg:$0xf];
	[sflag:s23] =	ssyncadd.s32 $0xFFFFF800  }
0x48d: {  	[tilespmem:s16], [sflag:$0x3] =	stream.linear.gather [hbm4b:s11+s24], $0x800, $0x38;
	[tilespmem:$0x17000] =	vst v63  }
0x48e: {  	_ =	swait.ge [sflag:s23], $0x800  }
0x48f: {  	[sflag:s23] =	ssyncset.done $0x0  }
0x490: {  	s10 =	simm.s32 $0x7000;
	[sflag:s23] =	ssyncadd.s32 $0xFFFFF800  }
0x491: {  	[tilespmem:s10], [sflag:$0x1] =	stream.indirect.gather [spmem:s3], $0x10, s7, s8, $0xb8;
	[tilespmem:$0x17000] =	vst v63  }
0x492: {  	s12 =	simm.s32 $0x5080;
	s14 =	simm.s32 $0x7800  }
0x493: {  	[tilespmem:s14], [sflag:$0x1] =	stream.indirect.gather [spmem:s3], $0x10, s12, s8, $0xb8;
	[tilespmem:$0x17000] =	vst v63  }
0x494: {  	s13 =	simm.s32 $0x5100;
	s4 =	simm.s32 $0x8000  }
0x495: {  	[tilespmem:s4], [sflag:$0x1] =	stream.indirect.gather [spmem:s3], $0x10, s13, s8, $0xb8;
	[tilespmem:$0x17000] =	vst v63  }
0x496: {  	s7 =	simm.s32 $0x8800  }
0x497: {  	[tilespmem:s7], [sflag:$0x1] =	stream.indirect.gather [spmem:s3], $0x10, s5, s8, $0xb8;
	[tilespmem:$0x17000] =	vst v63  }
0x498: {  	s17 =	simm.s32 $0x5200;
	s12 =	simm.s32 $0x9000  }
0x499: {  	[tilespmem:s12], [sflag:$0x1] =	stream.indirect.gather [spmem:s3], $0x10, s17, s8, $0xb8;
	[tilespmem:$0x17000] =	vst v63  }
0x49a: {  	s19 =	simm.s32 $0x5280;
	s11 =	simm.s32 $0x9800  }
0x49b: {  	[tilespmem:s11], [sflag:$0x1] =	stream.indirect.gather [spmem:s3], $0x10, s19, s8, $0xb8;
	[tilespmem:$0x17000] =	vst v63  }
0x49c: {  	s15 =	simm.s32 $0xA000;
	s22 =	simm.s32 $0x5300  }
0x49d: {  	[tilespmem:s15], [sflag:$0x1] =	stream.indirect.gather [spmem:s3], $0x10, s22, s8, $0xb8;
	[tilespmem:$0x17000] =	vst v63  }
0x49e: {  	s24 =	simm.s32 $0x5380;
	s13 =	simm.s32 $0xA800  }
0x49f: {  	[tilespmem:s13], [sflag:$0x1] =	stream.indirect.gather [spmem:s3], $0x10, s24, s8, $0xb8;
	[tilespmem:$0x17000] =	vst v63  }
0x4a0: {  	s25 =	simm.s32 $0x5400;
	s17 =	simm.s32 $0xB000  }
0x4a1: {  	[tilespmem:s17], [sflag:$0x1] =	stream.indirect.gather [spmem:s3], $0x10, s25, s8, $0xb8;
	[tilespmem:$0x17000] =	vst v63  }
0x4a2: {  	s26 =	simm.s32 $0x5480;
	s19 =	simm.s32 $0xB800  }
0x4a3: {  	[tilespmem:s19], [sflag:$0x1] =	stream.indirect.gather [spmem:s3], $0x10, s26, s8, $0xb8;
	[tilespmem:$0x17000] =	vst v63  }
0x4a4: {  	s28 =	simm.s32 $0x5500;
	s22 =	simm.s32 $0xC000  }
0x4a5: {  	[tilespmem:s22], [sflag:$0x1] =	stream.indirect.gather [spmem:s3], $0x10, s28, s8, $0xb8;
	[tilespmem:$0x17000] =	vst v63  }
0x4a6: {  	s29 =	simm.s32 $0x5580;
	s24 =	simm.s32 $0xC800  }
0x4a7: {  	[tilespmem:s24], [sflag:$0x1] =	stream.indirect.gather [spmem:s3], $0x10, s29, s8, $0xb8;
	[tilespmem:$0x17000] =	vst v63  }
0x4a8: {  	s31 =	simm.s32 $0x5600;
	s25 =	simm.s32 $0xD000  }
0x4a9: {  	[tilespmem:s25], [sflag:$0x1] =	stream.indirect.gather [spmem:s3], $0x10, s31, s8, $0xb8;
	[tilespmem:$0x17000] =	vst v63  }
0x4aa: {  	s1 =	simm.s32 $0x5680;
	s26 =	simm.s32 $0xD800  }
0x4ab: {  	[tilespmem:s26], [sflag:$0x1] =	stream.indirect.gather [spmem:s3], $0x10, s1, s8, $0xb8;
	[tilespmem:$0x17000] =	vst v63  }
0x4ac: {  	s6 =	simm.s32 $0x5700;
	s29 =	simm.s32 $0xE000  }
0x4ad: {  	[tilespmem:s29], [sflag:$0x1] =	stream.indirect.gather [spmem:s3], $0x10, s6, s8, $0xb8;
	[tilespmem:$0x17000] =	vst v63  }
0x4ae: {  	s31 =	simm.s32 $0xE800;
	s1 =	simm.s32 $0x5780  }
0x4af: {  	[tilespmem:s31], [sflag:$0x1] =	stream.indirect.gather [spmem:s3], $0x10, s1, s8, $0xb8;
	[tilespmem:$0x17000] =	vst v63  }
0x4b0: {  	_ =	swait.ge [sflag:s0], $0x8000  }
0x4b1: {  	[sflag:s0] =	ssyncset.done $0x0  }
0x4b2: {  	[sflag:s0] =	ssyncadd.s32 $0xFFFF8000  }
0x4b3: {  	_ =	swait.ge [sflag:s9], $0x8000  }
0x4b4: {  	[sflag:s9] =	ssyncset.done $0x0  }
0x4b5: {  	[sflag:s9] =	ssyncadd.s32 $0xFFFF8000  }
0x4b6: {  	[spmem:s2] =	stream.indirect.scatter.add.f32 [tilespmem:s10], [sflag:$0x2], $0x10, s16, s8, $0xb8;
	[tilespmem:$0x17000] =	vst v63  }
0x4b7: {  	s3 =	simm.s32 $0x6080  }
0x4b8: {  	[spmem:s2] =	stream.indirect.scatter.add.f32 [tilespmem:s14], [sflag:$0x2], $0x10, s3, s8, $0xb8;
	[tilespmem:$0x17000] =	vst v63  }
0x4b9: {  	s6 =	simm.s32 $0x6100  }
0x4ba: {  	[spmem:s2] =	stream.indirect.scatter.add.f32 [tilespmem:s4], [sflag:$0x2], $0x10, s6, s8, $0xb8;
	[tilespmem:$0x17000] =	vst v63  }
0x4bb: {  	s9 =	simm.s32 $0x6180  }
0x4bc: {  	[spmem:s2] =	stream.indirect.scatter.add.f32 [tilespmem:s7], [sflag:$0x2], $0x10, s9, s8, $0xb8;
	[tilespmem:$0x17000] =	vst v63  }
0x4bd: {  	s10 =	simm.s32 $0x6200  }
0x4be: {  	[spmem:s2] =	stream.indirect.scatter.add.f32 [tilespmem:s12], [sflag:$0x2], $0x10, s10, s8, $0xb8;
	[tilespmem:$0x17000] =	vst v63  }
0x4bf: {  	s12 =	simm.s32 $0x6280  }
0x4c0: {  	[spmem:s2] =	stream.indirect.scatter.add.f32 [tilespmem:s11], [sflag:$0x2], $0x10, s12, s8, $0xb8;
	[tilespmem:$0x17000] =	vst v63  }
0x4c1: {  	s14 =	simm.s32 $0x6300  }
0x4c2: {  	[spmem:s2] =	stream.indirect.scatter.add.f32 [tilespmem:s15], [sflag:$0x2], $0x10, s14, s8, $0xb8;
	[tilespmem:$0x17000] =	vst v63  }
0x4c3: {  	s16 =	simm.s32 $0x6380  }
0x4c4: {  	[spmem:s2] =	stream.indirect.scatter.add.f32 [tilespmem:s13], [sflag:$0x2], $0x10, s16, s8, $0xb8;
	[tilespmem:$0x17000] =	vst v63  }
0x4c5: {  	_ = 	snop  }
0x4c6: {  	[spmem:s2] =	stream.indirect.scatter.add.f32 [tilespmem:s17], [sflag:$0x2], $0x10, s21, s8, $0xb8;
	[tilespmem:$0x17000] =	vst v63  }
0x4c7: {  	_ = 	snop  }
0x4c8: {  	[spmem:s2] =	stream.indirect.scatter.add.f32 [tilespmem:s19], [sflag:$0x2], $0x10, s20, s8, $0xb8;
	[tilespmem:$0x17000] =	vst v63  }
0x4c9: {  	s21 =	simm.s32 $0x6500  }
0x4ca: {  	[spmem:s2] =	stream.indirect.scatter.add.f32 [tilespmem:s22], [sflag:$0x2], $0x10, s21, s8, $0xb8;
	[tilespmem:$0x17000] =	vst v63  }
0x4cb: {  	s22 =	simm.s32 $0x6580  }
0x4cc: {  	[spmem:s2] =	stream.indirect.scatter.add.f32 [tilespmem:s24], [sflag:$0x2], $0x10, s22, s8, $0xb8;
	[tilespmem:$0x17000] =	vst v63  }
0x4cd: {  	s24 =	simm.s32 $0x6600  }
0x4ce: {  	[spmem:s2] =	stream.indirect.scatter.add.f32 [tilespmem:s25], [sflag:$0x2], $0x10, s24, s8, $0xb8;
	[tilespmem:$0x17000] =	vst v63  }
0x4cf: {  	_ = 	snop  }
0x4d0: {  	[spmem:s2] =	stream.indirect.scatter.add.f32 [tilespmem:s26], [sflag:$0x2], $0x10, s30, s8, $0xb8;
	[tilespmem:$0x17000] =	vst v63  }
0x4d1: {  	s26 =	simm.s32 $0x6700  }
0x4d2: {  	[spmem:s2] =	stream.indirect.scatter.add.f32 [tilespmem:s29], [sflag:$0x2], $0x10, s26, s8, $0xb8;
	[tilespmem:$0x17000] =	vst v63  }
0x4d3: {  	_ = 	snop  }
0x4d4: {  	[spmem:s2] =	stream.indirect.scatter.add.f32 [tilespmem:s31], [sflag:$0x2], $0x10, s18, s8, $0xb8;
	[tilespmem:$0x17000] =	vst v63  }
0x4d5: {  	_ =	swait.ge [sflag:s0], $0x8000  }
0x4d6: {  	[sflag:s0] =	ssyncset.done $0x0  }
0x4d7: {  	[sflag:s0] =	ssyncadd.s32 $0xFFFF8000  }
0x4d8: {  	[bflag:$0x0] =	sbarrier.arrive $0xFFFF  }
0x4d9: {  	s28 =	rddreg [dreg:$0x10]  }
0x4da: {  	s29 =	rddreg [dreg:$0x12]  }
0x4db: {  	s30 =	rddreg [dreg:$0x13]  }
0x4dc: {  	[hbm:s28], [sflag:s30] =	dma.local [spmem:s29], $0x500  }
0x4dd: {  	_ =	swait.ge [sflag:s23], $0x500  }
0x4de: {  	[sflag:s23] =	ssyncset.done $0x0  }
0x4df: {  	[sflag:s23] =	ssyncadd.s32 $0xFFFFFB00  }
0x4e0: {  	_ =	sfence.sel $0x180000  }
0x4e1: {  	[bflag:$0x0] =	sbarrier.arrive $0xFFFF  }
0x4e2: {  	_ =	strace $0x9000004A  }
0x4e3: {  	s31 =	stileid.u32;
	[bflag:$0x2] =	sbarrier.arrive $0xFFFF  }
0x4e4: {  	p0 =	sne.s32 s31, $0x0;
	s0 =	rddreg [dreg:$0x3]  }
0x4e5: {  	s0 =	sadd.s32 @!p0 $0x100000, s0  }
0x4e6: {  	[sflag:s0] =	ssyncadd.tile.s32 @!p0 $0x1;
	_ =	shalt  }
.LBB2_2:
.Ltmp3:
0x4e7: {  	s16 =	simm.s32 $0x5280;
	(pc) =	sbr.rel .LBB2_5-.Ltmp3, $4  }
0x4e8: {  	s29 =	simm.s32 $0x5300;
	s17 =	simm.s32 $0x5380;
	s0 =	simm.s32 $0x5400  }
0x4e9: {  	s25 =	simm.s32 $0x5480;
	s20 =	simm.s32 $0x5500;
	s21 =	simm.s32 $0x5580  }
0x4ea: {  	s22 =	simm.s32 $0x5600;
	s18 =	simm.s32 $0x5680;
	s19 =	simm.s32 $0x5700  }
0x4eb: {  	s9 =	simm.s32 $0x5800;
	s15 =	simm.s32 $0x5880;
	s26 =	simm.s32 $0x5900  }
.Lfunc_end2:
_tile_overlayer_lowered:
.L_overlay_start_2:
0x4ec: {  	(tag) =	ssettag $0x2  }
0x4ed: {  	s0 =	rddreg [dreg:$0x0];
	s2 =	stileid.u32  }
0x4ee: {  	s1 =	rddreg [dreg:$0x1];
	p0 =	sne.s32 s2, $0x0  }
0x4ef: {  	s3 =	rddreg [dreg:$0x2];
	[bflag:$0x3] =	sbarrier.arrive $0xFFFF;
	s2 =	simm.s32 @!p0 $0x1C03  }
0x4f0: {  	[timem:s3], [sflag:s2] =	dma.local @!p0 [hbm:s0], s1  }
0x4f1: {  	s0 =	simm.s32 @!p0 $0x3  }
0x4f2: {  	_ =	swait.ge @!p0 [sflag:s0], s1  }
0x4f3: {  	s1 =	ssub.s32 @!p0 $0x0, s1;
	[sflag:s0] =	ssyncset.done @!p0 $0x0  }
0x4f4: {  	[sflag:s0] =	ssyncadd.s32 @!p0 s1  }
0x4f5: {  	[bflag:$0x3] =	sbarrier.arrive $0xFFFF  }
0x4f6: {  	_ =	shalt  }

// kernel: kernel.15.cloned.1.call-start
scs
__scs_entry_jumppad:
0x0: {  	(pc) =	sbr.rel $0x88, $3  }
0x1: {  	(tag) =	ssettag $0x0;
	lr =	simm.s32 $0x1  }
0x2: {  	[smem:$0x3F97] =	sst lr;
	_ =	strace $0xD0000000  }
0x3: {  	_ = 	snop  }
0x4: {  	_ = 	snop  }
0x5: {  	_ = 	snop  }
0x6: {  	_ = 	snop  }
0x7: {  	_ = 	snop  }
__scs_overlays_trampoline_lowered:
0x8: {  	[smem:$0x3FA6] =	sst s0  }
0x9: {  	[smem:$0x3FA7] =	sst s1  }
0xa: {  	[smem:$0x3FA8] =	sst s2  }
0xb: {  	[smem:$0x3FA9] =	sst s3  }
0xc: {  	[smem:$0x3FAA] =	sst s4  }
0xd: {  	[smem:$0x3FAB] =	sst s5  }
0xe: {  	[smem:$0x3FAC] =	sst s6  }
0xf: {  	[smem:$0x3FAD] =	sst s7  }
0x10: {  	[smem:$0x3FAE] =	sst s8  }
0x11: {  	[smem:$0x3FAF] =	sst s9;
	s0 =	simm.s32 @!p0 $0x0  }
0x12: {  	s1 =	sld [smem:$0x3F95];
	s0 =	simm.s32 @p0 $0x1  }
0x13: {  	[smem:$0x3FB0] =	sst s0;
	s0 =	simm.s32 @!p1 $0x0  }
0x14: {  	s2 =	sld [smem:$0x3F94];
	s0 =	simm.s32 @p1 $0x1  }
0x15: {  	[smem:$0x3FB1] =	sst s0;
	s0 =	simm.s32 @!p2 $0x0  }
0x16: {  	s3 =	sld [smem:$0x3FDB];
	s0 =	simm.s32 @p2 $0x1  }
0x17: {  	s4 =	simm.s32 $0x1BF5;
	[smem:$0x3FB3] =	sst s0  }
0x18: {  	s0 =	sld [smem:$0x3F96];
	_ =	swait.ge [sflag:s4], $0x0  }
0x19: {  	s7 =	sld [smem:$0x3F97]  }
0x1a: {  	s8 =	sadd.s32 $0xFFFFE003, lr  }
0x1b: {  	s9 =	sadd.s32 $0xFFFFFEF7, lr;
	s5 =	simm.s32 $0xFFFFFFFF;
	p2 =	slt.u32 s8, $0xFFFFF086  }
0x1c: {  	p1 =	slt.u32 s9, $0xF7A;
	s5 =	simm.s32 @!p2 $0x0  }
0x1d: {  	s5 =	simm.s32 @p1 $0x1;
	p0 =	seq.s32 s7, s2  }
0x1e: {  	s7 =	smul.u32 @!p0 $0xF7A, s2;
	p2 =	seq.s32 @!p0 s5, $0x0  }
0x1f: {  	s9 =	smul.u32 $0xF7A, s1;
	s8 =	simm.s32 @!p0 $0x1BF5;
	p2 =	por !p2, p0  }
0x20: {  	[sflag:s8] =	ssyncset.s32 @!p0 $0xFFFFF086;
	s6 =	sadd.s32 @!p0 s3, s7;
	s7 =	simm.s32 @!p0 $0x108  }
0x21: {  	s3 =	sadd.s32 s3, s9;
	s6 =	sadd.s32 @!p0 $0x88, s6;
	s7 =	simm.s32 @p2 $0x1082  }
0x22: {  	[simem:s7], [sflag:s8] =	dma.local @!p0 [hbm:s6], $0xF7A  }
0x23: {  	s9 =	sor.u32 $0xD0000000, s2;
	s6 =	simm.s32 $0x108;
	_ =	swait.ge @!p0 [sflag:s8], $0x0  }
0x24: {  	s3 =	sadd.s32 $0x88, s3;
	s6 =	simm.s32 @!p1 $0x1082;
	[sflag:s4] =	ssyncset.s32 $0xFFFFF086  }
0x25: {  	[simem:s6], [sflag:s4] =	dma.local [hbm:s3], $0xF7A  }
0x26: {  	[smem:$0x3F97] =	sst s1;
	(tag) =	ssettag s2;
	_ =	strace s9  }
0x27: {  	s1 =	sld [smem:$0x3FA7]  }
0x28: {  	s2 =	sld [smem:$0x3FA8]  }
0x29: {  	s4 =	sld [smem:$0x3FAA]  }
0x2a: {  	p0 =	seq.s32 s5, $0x0;
	s5 =	sld [smem:$0x3FAB]  }
0x2b: {  	s6 =	sld [smem:$0x3FAC]  }
0x2c: {  	s7 =	sld [smem:$0x3FAD]  }
0x2d: {  	s3 =	simm.s32 $0x108;
	s8 =	sld [smem:$0x3FAE]  }
0x2e: {  	s3 =	simm.s32 @!p0 $0x1082;
	s9 =	sld [smem:$0x3FAF]  }
0x2f: {  	lr =	sadd.s32 s0, s3;
	s0 =	sld [smem:$0x3FA6]  }
0x30: {  	s3 =	sld [smem:$0x3FA9]  }
0x31: {  	[smem:$0x3FB2] =	sst s10  }
0x32: {  	s10 =	sld [smem:$0x3FB0];
	_ =	sdelay $0x3  }
0x33: {  	p0 =	seq.s32 s10, $0x1;
	s10 =	sld [smem:$0x3FB2];
	_ =	sdelay $0x3  }
0x34: {  	[smem:$0x3FB2] =	sst s10  }
0x35: {  	s10 =	sld [smem:$0x3FB1];
	_ =	sdelay $0x3  }
0x36: {  	p1 =	seq.s32 s10, $0x1;
	s10 =	sld [smem:$0x3FB2];
	_ =	sdelay $0x3  }
0x37: {  	[smem:$0x3FB2] =	sst s10  }
0x38: {  	s10 =	sld [smem:$0x3FB3]  }
0x39: {  	_ = 	snop;
	(pc) =	sbr.ind lr, $3  }
0x3a: {  	_ = 	snop  }
0x3b: {  	_ = 	snop  }
0x3c: {  	p2 =	seq.s32 s10, $0x1;
	s10 =	sld [smem:$0x3FB2]  }
0x3d: {  	_ =	shalt  }
0x3e: {  	_ =	shalt  }
0x3f: {  	_ =	shalt  }
0x40: {  	_ =	shalt  }
0x41: {  	_ =	shalt  }
0x42: {  	_ =	shalt  }
0x43: {  	_ =	shalt  }
0x44: {  	_ =	shalt  }
0x45: {  	_ =	shalt  }
0x46: {  	_ =	shalt  }
0x47: {  	_ =	shalt  }
0x48: {  	_ =	shalt  }
0x49: {  	_ =	shalt  }
0x4a: {  	_ =	shalt  }
0x4b: {  	_ =	shalt  }
0x4c: {  	_ =	shalt  }
0x4d: {  	_ =	shalt  }
0x4e: {  	_ =	shalt  }
0x4f: {  	_ =	shalt  }
0x50: {  	_ =	shalt  }
0x51: {  	_ =	shalt  }
0x52: {  	_ =	shalt  }
0x53: {  	_ =	shalt  }
0x54: {  	_ =	shalt  }
0x55: {  	_ =	shalt  }
0x56: {  	_ =	shalt  }
0x57: {  	_ =	shalt  }
0x58: {  	_ =	shalt  }
0x59: {  	_ =	shalt  }
0x5a: {  	_ =	shalt  }
0x5b: {  	_ =	shalt  }
0x5c: {  	_ =	shalt  }
0x5d: {  	_ =	shalt  }
0x5e: {  	_ =	shalt  }
0x5f: {  	_ =	shalt  }
0x60: {  	_ =	shalt  }
0x61: {  	_ =	shalt  }
0x62: {  	_ =	shalt  }
0x63: {  	_ =	shalt  }
0x64: {  	_ =	shalt  }
0x65: {  	_ =	shalt  }
0x66: {  	_ =	shalt  }
0x67: {  	_ =	shalt  }
0x68: {  	_ =	shalt  }
0x69: {  	_ =	shalt  }
0x6a: {  	_ =	shalt  }
0x6b: {  	_ =	shalt  }
0x6c: {  	_ =	shalt  }
0x6d: {  	_ =	shalt  }
0x6e: {  	_ =	shalt  }
0x6f: {  	_ =	shalt  }
0x70: {  	_ =	shalt  }
0x71: {  	_ =	shalt  }
0x72: {  	_ =	shalt  }
0x73: {  	_ =	shalt  }
0x74: {  	_ =	shalt  }
0x75: {  	_ =	shalt  }
0x76: {  	_ =	shalt  }
0x77: {  	_ =	shalt  }
0x78: {  	_ =	shalt  }
0x79: {  	_ =	shalt  }
0x7a: {  	_ =	shalt  }
0x7b: {  	_ =	shalt  }
0x7c: {  	_ =	shalt  }
0x7d: {  	_ =	shalt  }
0x7e: {  	_ =	shalt  }
0x7f: {  	_ =	shalt  }
0x80: {  	_ =	shalt  }
0x81: {  	_ =	shalt  }
0x82: {  	_ =	shalt  }
0x83: {  	_ =	shalt  }
0x84: {  	_ =	shalt  }
0x85: {  	_ =	shalt  }
0x86: {  	_ =	shalt  }
0x87: {  	_ =	shalt  }
.Lfunc_end0:
.L_simem_size_0:
called_computation.2_lowered:
.L_overlay_start_0:
0x88: {  	s2 =	sld [smem:$0x3FD9]  }
0x89: {  	s3 =	sld [smem:$0x3FFE];
	_ =	sdelay $0x1  }
0x8a: {  	s1 =	srdreg.scid  }
0x8b: {  	s0 =	sand.u32 $0x1, s1  }
0x8c: {  	s16 =	sshll.u32 s0, $0xA;
	s2 =	sadd.s32 s3, s2  }
0x8d: {  	s2 =	sadd.s32 s2, s16  }
0x8e: {  	[smem:$0x3FBE] =	sst s2  }
0x8f: {  	_ = 	snop  }
0x90: {  	(tm) =	ssettm $0x1  }
0x91: {  	s17 =	sld [smem:$0x3FFB];
	_ =	sdelay $0x3  }
0x92: {  	_ =	strace s17  }
0x93: {  	s2 =	sld [smem:$0x3FFC];
	_ =	sdelay $0x3  }
0x94: {  	_ =	strace s2  }
0x95: {  	s2 =	sld [smem:$0x3FFD];
	_ =	sdelay $0x3  }
0x96: {  	_ =	strace s2  }
0x97: {  	_ =	strace $0x8FFFFFFF  }
0x98: {  	s18 =	sld [smem:$0x3FDB];
	_ =	sdelay $0x1  }
0x99: {  	s19 =	simm.s32 $_scs_section_size  }
0x9a: {  	s4 =	simm.s32 $_size__tile_overlayer_lowered;
	s5 =	simm.s32 $_tile_overlayer_lowered  }
0x9b: {  	s22 =	simm.s32 $0x1BFF;
	s21 =	sshll.u32 s5, $0x1;
	s2 =	sadd.s32 s19, s18  }
0x9c: {  	s6 =	simm.s32 $0x0;
	s20 =	sshll.u32 s4, $0x1;
	s4 =	sadd.s32 s21, s2  }
0x9d: {  	[timem:s6], [sflag:s22] =	dma.local [hbm:s4], s20  }
0x9e: {  	_ =	swait.ge [sflag:s22], s20  }
0x9f: {  	s3 =	ssub.s32 $0x0, s20;
	[sflag:s22] =	ssyncset.done $0x0  }
0xa0: {  	[sflag:s22] =	ssyncadd.s32 s3;
	_ =	sdelay $0x1  }
0xa1: {  	s23 =	simm.s32 $0x1B8B  }
0xa2: {  	_ =	swait.ge [sflag:s23], $0x1  }
0xa3: {  	[sflag:s23] =	ssyncset.done $0x0  }
0xa4: {  	s25 =	simm.s32 $0x1B8E;
	s24 =	sld [smem:$0x3FFE];
	[sflag:s23] =	ssyncadd.s32 $0xFFFFFFFF  }
0xa5: {  	s26 =	simm.s32 $execute0_lowered;
	[smem:$0x3FD2] =	sst s25  }
0xa6: {  	s4 =	sshll.u32 s26, $0x1;
	_ =	strace $0x8000004C;
	[dreg:$0x1] =	wrdreg $0xFFFFFFFF  }
0xa7: {  	s28 =	simm.s32 $_size_execute0_lowered;
	s2 =	sadd.s32 s2, s4;
	[dreg:$0x0] =	wrdreg $0x0  }
0xa8: {  	s4 =	sshll.u32 s28, $0x1;
	[dreg:$0x2] =	wrdreg s2  }
0xa9: {  	[dreg:$0x3] =	wrdreg s4  }
0xaa: {  	[dreg:$0x4] =	wrdreg $0xC0  }
0xab: {  	_ =	task [dreg:s6], $0x5FFFF  }
0xac: {  	[dreg:$0x1] =	wrdreg $0xFFFFFFFF  }
0xad: {  	[dreg:$0x0] =	wrdreg $0x60  }
0xae: {  	[dreg:$0x2] =	wrdreg s24  }
0xaf: {  	[dreg:$0x3] =	wrdreg $0x0  }
0xb0: {  	[dreg:$0x4] =	wrdreg $0x28000  }
0xb1: {  	[dreg:$0x5] =	wrdreg $0x9  }
0xb2: {  	_ =	task.clear_ibuf [dreg:s6], $0x6FFFF;
	_ =	strace $0x9000004C  }
0xb3: {  	s29 =	simm.s32 $0x9;
	_ =	strace $0x8000004E  }
0xb4: {  	_ =	swait.ge [sflag:s29], $0x1  }
0xb5: {  	[sflag:s29] =	ssyncadd.s32 $0xFFFFFFFF  }
0xb6: {  	_ =	strace $0x9000004E  }
0xb7: {  	_ =	sfence  }
0xb8: {  	s30 =	sld [smem:$0x0];
	_ =	sdelay $0x2  }
0xb9: {  	s31 =	sshll.u32 s1, $0xD;
	s1 =	sshrl.u32 s1, $0x2  }
0xba: {  	s3 =	sand.u32 $0x4000, s31;
	s1 =	sadd.s32 s1, s30  }
0xbb: {  	s0 =	sor.u32 s3, s0;
	s1 =	sshll.u32 s1, $0x11  }
0xbc: {  	s0 =	sor.u32 s1, s0  }
0xbd: {  	s0 =	sadd.s32 $0x8F2B, s0  }
0xbe: {  	[sflag:s0] =	ssyncadd.remote.s32 $0x1  }
0xbf: {  	_ =	sfence.sel $0xFFFF  }
0xc0: {  	[dreg:$0x0] =	wrdreg $0xFFFFFFFF;
	(pc) =	sbr.abs _section_cstart, $3  }
0xc1: {  	[dreg:$0x1] =	wrdreg $0xFFFFFFFF  }
0xc2: {  	_ =	task.clear_ibuf [dreg:s6], $0x2FFFF;
	_ =	strace $0x9FFFFFFF  }
0xc3: {  	(tm) =	ssettm $0x7FFFFFFF  }
tec
execute0_lowered:
.L_overlay_start_1:
0x0: {  	(tag) =	ssettag $0x1  }
0x1: {  	s4 =	rddreg [dreg:$0x0];
	s2 =	srdreg.scid  }
0x2: {  	s30 =	rddreg [dreg:$0x1];
	s0 =	stileid.u32  }
0x3: {  	s17 =	simm.s32 $0x0;
	s3 =	sand.u32 $0x1, s2;
	s2 =	rddreg [dreg:$0x2]  }
0x4: {  	s31 =	smul.u32 $0x2800, s0;
	[smem:$0x7FF] =	sst s17  }
0x5: {  	[smem:$0x7FD] =	sst s3;
	s5 =	sshll.u32 s3, $0x4  }
0x6: {  	s7 =	sor.u32 s0, s5;
	s8 =	sshrl.u32 s31, $0x3;
	s23 =	sadd.s32 s31, s30  }
0x7: {  	_ =	strace $0x8000004D;
	s3 =	sadd.s32 s31, s2;
	s25 =	sshrl.u32 s23, $0x3  }
0x8: {  	s8 =	sadd.s32 s8, s4;
	s26 =	sshrl.u32 s3, $0x3;
	[dreg:$0x17] =	wrdreg s25  }
0x9: {  	s7 =	smul.u32 $0x2800, s7;
	s9 =	sadd.s32 $0x1B800, s8;
	[dreg:$0x18] =	wrdreg s26  }
0xa: {  	s8 =	sadd.s32 $0x16800, s8;
	[dreg:$0x4] =	wrdreg s9  }
0xb: {  	s7 =	sshrl.u32 s7, $0x3;
	[dreg:$0x5] =	wrdreg s8  }
0xc: {  	s31 =	rddreg [dreg:$0x17];
	s7 =	sadd.s32 s7, s4  }
0xd: {  	s29 =	rddreg [dreg:$0x4];
	s1 =	sadd.s32 $0x2800, s7  }
0xe: {  	s6 =	sadd.s32 $0xC800, s7;
	[dreg:$0x6] =	wrdreg s1  }
0xf: {  	s9 =	sadd.s32 $0x2900, s7;
	[dreg:$0x7] =	wrdreg s6  }
0x10: {  	s10 =	sadd.s32 $0xC900, s7;
	[dreg:$0x8] =	wrdreg s9  }
0x11: {  	s11 =	sadd.s32 $0x2A00, s7;
	[dreg:$0x9] =	wrdreg s10  }
0x12: {  	s12 =	sadd.s32 $0xCA00, s7;
	[dreg:$0xa] =	wrdreg s11  }
0x13: {  	s13 =	sadd.s32 $0x2B00, s7;
	[dreg:$0xb] =	wrdreg s12  }
0x14: {  	s14 =	sadd.s32 $0xCB00, s7;
	[dreg:$0xc] =	wrdreg s13  }
0x15: {  	s15 =	sadd.s32 $0x2C00, s7;
	[dreg:$0xd] =	wrdreg s14  }
0x16: {  	s4 =	sadd.s32 s5, s4;
	s16 =	sadd.s32 $0xCC00, s7;
	[dreg:$0xe] =	wrdreg s15  }
0x17: {  	s18 =	sadd.s32 $0x20800, s4;
	[dreg:$0xf] =	wrdreg s16  }
0x18: {  	s19 =	sadd.s32 $0x20802, s4;
	[dreg:$0x10] =	wrdreg s18  }
0x19: {  	s20 =	sadd.s32 $0x20804, s4;
	[dreg:$0x11] =	wrdreg s19  }
0x1a: {  	s21 =	sadd.s32 $0x20806, s4;
	[dreg:$0x12] =	wrdreg s20  }
0x1b: {  	s22 =	sadd.s32 $0x20808, s4;
	[dreg:$0x13] =	wrdreg s21  }
0x1c: {  	p0 =	sne.s32 s0, $0x0;
	s24 =	sadd.s32 $0x2080A, s4;
	[dreg:$0x14] =	wrdreg s22  }
0x1d: {  	s5 =	sadd.s32 $0x58F0, s30;
	s4 =	sadd.s32 $0x2080C, s4;
	[dreg:$0x15] =	wrdreg s24  }
0x1e: {  	s3 =	sadd.s32 $0xB260, s30;
	[dreg:$0x16] =	wrdreg s4;
	s4 =	sshrl.u32 @!p0 s5, $0x3  }
0x1f: {  	s5 =	sadd.s32 $0x10BD0, s30;
	[dreg:$0x19] =	wrdreg s4;
	s4 =	sshrl.u32 @!p0 s3, $0x3  }
0x20: {  	s3 =	sadd.s32 $0x16540, s30;
	[dreg:$0x1a] =	wrdreg s4;
	s4 =	sshrl.u32 @!p0 s5, $0x3  }
0x21: {  	s5 =	sadd.s32 $0x1BEB0, s30;
	[dreg:$0x1b] =	wrdreg s4;
	s4 =	sshrl.u32 @!p0 s3, $0x3  }
0x22: {  	[dreg:$0x1c] =	wrdreg s4;
	s4 =	sshrl.u32 @!p0 s5, $0x3;
	s5 =	sadd.s32 $0x27190, s30  }
0x23: {  	[dreg:$0x1d] =	wrdreg s4;
	s4 =	sadd.s32 $0x21820, s30;
	s8 =	sshrl.u32 @!p0 s5, $0x3  }
0x24: {  	s0 =	sshll.u32 s0, $0x6;
	s4 =	sshrl.u32 @!p0 s4, $0x3;
	[dreg:$0x1f] =	wrdreg s8  }
0x25: {  	s28 =	sor.u32 $0x1C03, s0;
	s1 =	simm.s32 $0x3;
	[dreg:$0x1e] =	wrdreg s4  }
0x26: {  	[spmem:s31], [sflag:s28] =	dma.local [hbm:s29], $0x500  }
0x27: {  	_ =	swait.ge [sflag:s1], $0x500  }
0x28: {  	s3 =	rddreg [dreg:$0x5];
	[sflag:s1] =	ssyncset.done $0x0  }
0x29: {  	s4 =	rddreg [dreg:$0x18];
	[sflag:s1] =	ssyncadd.s32 $0xFFFFFB00  }
0x2a: {  	[spmem:s4], [sflag:s28] =	dma.local [hbm:s3], $0x500  }
0x2b: {  	_ =	swait.ge [sflag:s1], $0x500  }
0x2c: {  	[sflag:s1] =	ssyncset.done $0x0  }
0x2d: {  	[sflag:s1] =	ssyncadd.s32 $0xFFFFFB00  }
0x2e: {  	[bflag:$0x0] =	sbarrier.arrive $0xFFFF  }
0x2f: {  	s6 =	simm.s32 $0x5000;
	s5 =	rddreg [dreg:$0x6]  }
0x30: {  	[tilespmem:s6], [sflag:$0x3] =	stream.linear.gather [hbm4b:s5+s17], $0x800, $0x38;
	[tilespmem:$0x17000] =	vst v63  }
0x31: {  	_ =	swait.ge [sflag:s1], $0x800  }
0x32: {  	[sflag:s1] =	ssyncset.done $0x0  }
0x33: {  	s10 =	simm.s32 $0x6000;
	s9 =	rddreg [dreg:$0x7];
	[sflag:s1] =	ssyncadd.s32 $0xFFFFF800  }
0x34: {  	[tilespmem:s10], [sflag:$0x3] =	stream.linear.gather [hbm4b:s9+s17], $0x800, $0x38;
	[tilespmem:$0x17000] =	vst v63  }
0x35: {  	_ =	swait.ge [sflag:s1], $0x800  }
0x36: {  	s7 =	simm.s32 $0x5000;
	[sflag:s1] =	ssyncset.done $0x0  }
0x37: {  	s11 =	simm.s32 $0x7000;
	s8 =	simm.s32 $0x80;
	[sflag:s1] =	ssyncadd.s32 $0xFFFFF800  }
0x38: {  	[tilespmem:s11], [sflag:$0x1] =	stream.indirect.gather [spmem:s2], $0x10, s7, s8, $0xb8;
	[tilespmem:$0x17000] =	vst v63  }
0x39: {  	s12 =	simm.s32 $0x5080;
	s13 =	simm.s32 $0x7800  }
0x3a: {  	[tilespmem:s13], [sflag:$0x1] =	stream.indirect.gather [spmem:s2], $0x10, s12, s8, $0xb8;
	[tilespmem:$0x17000] =	vst v63  }
0x3b: {  	s14 =	simm.s32 $0x5100;
	s15 =	simm.s32 $0x8000  }
0x3c: {  	[tilespmem:s15], [sflag:$0x1] =	stream.indirect.gather [spmem:s2], $0x10, s14, s8, $0xb8;
	[tilespmem:$0x17000] =	vst v63  }
0x3d: {  	s16 =	simm.s32 $0x5180;
	s20 =	simm.s32 $0x8800  }
0x3e: {  	[tilespmem:s20], [sflag:$0x1] =	stream.indirect.gather [spmem:s2], $0x10, s16, s8, $0xb8;
	[tilespmem:$0x17000] =	vst v63  }
0x3f: {  	s21 =	simm.s32 $0x5200;
	s22 =	simm.s32 $0x9000  }
0x40: {  	[tilespmem:s22], [sflag:$0x1] =	stream.indirect.gather [spmem:s2], $0x10, s21, s8, $0xb8;
	[tilespmem:$0x17000] =	vst v63  }
0x41: {  	s23 =	simm.s32 $0x5280;
	s24 =	simm.s32 $0x9800  }
0x42: {  	[tilespmem:s24], [sflag:$0x1] =	stream.indirect.gather [spmem:s2], $0x10, s23, s8, $0xb8;
	[tilespmem:$0x17000] =	vst v63  }
0x43: {  	s25 =	simm.s32 $0xA000;
	s6 =	simm.s32 $0x5300  }
0x44: {  	[tilespmem:s25], [sflag:$0x1] =	stream.indirect.gather [spmem:s2], $0x10, s6, s8, $0xb8;
	[tilespmem:$0x17000] =	vst v63  }
0x45: {  	s26 =	simm.s32 $0x5380;
	s31 =	simm.s32 $0xA800  }
0x46: {  	[tilespmem:s31], [sflag:$0x1] =	stream.indirect.gather [spmem:s2], $0x10, s26, s8, $0xb8;
	[tilespmem:$0x17000] =	vst v63  }
0x47: {  	s10 =	simm.s32 $0xB000;
	s7 =	simm.s32 $0x5400  }
0x48: {  	[tilespmem:s10], [sflag:$0x1] =	stream.indirect.gather [spmem:s2], $0x10, s7, s8, $0xb8;
	[tilespmem:$0x17000] =	vst v63  }
0x49: {  	s11 =	simm.s32 $0xB800;
	s10 =	simm.s32 $0x5480  }
0x4a: {  	[tilespmem:s11], [sflag:$0x1] =	stream.indirect.gather [spmem:s2], $0x10, s10, s8, $0xb8;
	[tilespmem:$0x17000] =	vst v63  }
0x4b: {  	s12 =	simm.s32 $0xC000;
	s11 =	simm.s32 $0x5500  }
0x4c: {  	[tilespmem:s12], [sflag:$0x1] =	stream.indirect.gather [spmem:s2], $0x10, s11, s8, $0xb8;
	[tilespmem:$0x17000] =	vst v63  }
0x4d: {  	s13 =	simm.s32 $0xC800;
	s12 =	simm.s32 $0x5580  }
0x4e: {  	[tilespmem:s13], [sflag:$0x1] =	stream.indirect.gather [spmem:s2], $0x10, s12, s8, $0xb8;
	[tilespmem:$0x17000] =	vst v63  }
0x4f: {  	s14 =	simm.s32 $0xD000;
	s13 =	simm.s32 $0x5600  }
0x50: {  	[tilespmem:s14], [sflag:$0x1] =	stream.indirect.gather [spmem:s2], $0x10, s13, s8, $0xb8;
	[tilespmem:$0x17000] =	vst v63  }
0x51: {  	s15 =	simm.s32 $0xD800;
	s14 =	simm.s32 $0x5680  }
0x52: {  	[tilespmem:s15], [sflag:$0x1] =	stream.indirect.gather [spmem:s2], $0x10, s14, s8, $0xb8;
	[tilespmem:$0x17000] =	vst v63  }
0x53: {  	s16 =	simm.s32 $0xE000;
	s15 =	simm.s32 $0x5700  }
0x54: {  	[tilespmem:s16], [sflag:$0x1] =	stream.indirect.gather [spmem:s2], $0x10, s15, s8, $0xb8;
	[tilespmem:$0x17000] =	vst v63  }
0x55: {  	s22 =	simm.s32 $0xE800;
	s25 =	simm.s32 $0x1;
	s16 =	simm.s32 $0x5780  }
0x56: {  	[tilespmem:s22], [sflag:$0x1] =	stream.indirect.gather [spmem:s2], $0x10, s16, s8, $0xb8;
	[tilespmem:$0x17000] =	vst v63  }
0x57: {  	_ =	swait.ge [sflag:s25], $0x8000  }
0x58: {  	[sflag:s25] =	ssyncset.done $0x0  }
0x59: {  	s0 =	simm.s32 $0x6000;
	s3 =	simm.s32 $0x7000;
	[sflag:s25] =	ssyncadd.s32 $0xFFFF8000  }
0x5a: {  	[spmem:s30] =	stream.indirect.scatter.add.f32 [tilespmem:s3], [sflag:$0x2], $0x10, s0, s8, $0xb8;
	[tilespmem:$0x17000] =	vst v63  }
0x5b: {  	s18 =	simm.s32 $0x7800;
	s23 =	simm.s32 $0x6080  }
0x5c: {  	[spmem:s30] =	stream.indirect.scatter.add.f32 [tilespmem:s18], [sflag:$0x2], $0x10, s23, s8, $0xb8;
	[tilespmem:$0x17000] =	vst v63  }
0x5d: {  	s19 =	simm.s32 $0x8000;
	s24 =	simm.s32 $0x6100  }
0x5e: {  	[spmem:s30] =	stream.indirect.scatter.add.f32 [tilespmem:s19], [sflag:$0x2], $0x10, s24, s8, $0xb8;
	[tilespmem:$0x17000] =	vst v63  }
0x5f: {  	s20 =	simm.s32 $0x8800;
	s26 =	simm.s32 $0x6180  }
0x60: {  	[spmem:s30] =	stream.indirect.scatter.add.f32 [tilespmem:s20], [sflag:$0x2], $0x10, s26, s8, $0xb8;
	[tilespmem:$0x17000] =	vst v63  }
0x61: {  	s21 =	simm.s32 $0x9000;
	s31 =	simm.s32 $0x6200  }
0x62: {  	[spmem:s30] =	stream.indirect.scatter.add.f32 [tilespmem:s21], [sflag:$0x2], $0x10, s31, s8, $0xb8;
	[tilespmem:$0x17000] =	vst v63  }
0x63: {  	s4 =	simm.s32 $0x9800;
	s3 =	simm.s32 $0x6280  }
0x64: {  	[spmem:s30] =	stream.indirect.scatter.add.f32 [tilespmem:s4], [sflag:$0x2], $0x10, s3, s8, $0xb8;
	[tilespmem:$0x17000] =	vst v63  }
0x65: {  	s5 =	simm.s32 $0xA000;
	s4 =	simm.s32 $0x6300  }
0x66: {  	[spmem:s30] =	stream.indirect.scatter.add.f32 [tilespmem:s5], [sflag:$0x2], $0x10, s4, s8, $0xb8;
	[tilespmem:$0x17000] =	vst v63  }
0x67: {  	s6 =	simm.s32 $0xA800;
	s5 =	simm.s32 $0x6380  }
0x68: {  	[spmem:s30] =	stream.indirect.scatter.add.f32 [tilespmem:s6], [sflag:$0x2], $0x10, s5, s8, $0xb8;
	[tilespmem:$0x17000] =	vst v63  }
0x69: {  	s7 =	simm.s32 $0xB000;
	s6 =	simm.s32 $0x6400  }
0x6a: {  	[spmem:s30] =	stream.indirect.scatter.add.f32 [tilespmem:s7], [sflag:$0x2], $0x10, s6, s8, $0xb8;
	[tilespmem:$0x17000] =	vst v63  }
0x6b: {  	s9 =	simm.s32 $0xB800;
	s16 =	simm.s32 $0x6480  }
0x6c: {  	[spmem:s30] =	stream.indirect.scatter.add.f32 [tilespmem:s9], [sflag:$0x2], $0x10, s16, s8, $0xb8;
	[tilespmem:$0x17000] =	vst v63  }
0x6d: {  	s10 =	simm.s32 $0xC000;
	s18 =	simm.s32 $0x6500  }
0x6e: {  	[spmem:s30] =	stream.indirect.scatter.add.f32 [tilespmem:s10], [sflag:$0x2], $0x10, s18, s8, $0xb8;
	[tilespmem:$0x17000] =	vst v63  }
0x6f: {  	s11 =	simm.s32 $0xC800;
	s19 =	simm.s32 $0x6580  }
0x70: {  	[spmem:s30] =	stream.indirect.scatter.add.f32 [tilespmem:s11], [sflag:$0x2], $0x10, s19, s8, $0xb8;
	[tilespmem:$0x17000] =	vst v63  }
0x71: {  	s12 =	simm.s32 $0xD000;
	s20 =	simm.s32 $0x6600  }
0x72: {  	[spmem:s30] =	stream.indirect.scatter.add.f32 [tilespmem:s12], [sflag:$0x2], $0x10, s20, s8, $0xb8;
	[tilespmem:$0x17000] =	vst v63  }
0x73: {  	s13 =	simm.s32 $0xD800;
	s21 =	simm.s32 $0x6680  }
0x74: {  	[spmem:s30] =	stream.indirect.scatter.add.f32 [tilespmem:s13], [sflag:$0x2], $0x10, s21, s8, $0xb8;
	[tilespmem:$0x17000] =	vst v63  }
0x75: {  	s14 =	simm.s32 $0xE000;
	s22 =	simm.s32 $0x6700  }
0x76: {  	[spmem:s30] =	stream.indirect.scatter.add.f32 [tilespmem:s14], [sflag:$0x2], $0x10, s22, s8, $0xb8;
	[tilespmem:$0x17000] =	vst v63  }
0x77: {  	s15 =	simm.s32 $0xE800;
	s23 =	simm.s32 $0x6780  }
0x78: {  	[spmem:s30] =	stream.indirect.scatter.add.f32 [tilespmem:s15], [sflag:$0x2], $0x10, s23, s8, $0xb8;
	[tilespmem:$0x17000] =	vst v63  }
0x79: {  	s24 =	rddreg [dreg:$0x8];
	s26 =	simm.s32 $0x5800  }
0x7a: {  	[tilespmem:s26], [sflag:$0x3] =	stream.linear.gather [hbm4b:s24+s17], $0x800, $0x38;
	[tilespmem:$0x17000] =	vst v63  }
0x7b: {  	_ =	swait.ge [sflag:s1], $0x800  }
0x7c: {  	[sflag:s1] =	ssyncset.done $0x0  }
0x7d: {  	s5 =	simm.s32 $0x6800;
	s3 =	rddreg [dreg:$0x9];
	[sflag:s1] =	ssyncadd.s32 $0xFFFFF800  }
0x7e: {  	[tilespmem:s5], [sflag:$0x3] =	stream.linear.gather [hbm4b:s3+s17], $0x800, $0x38;
	[tilespmem:$0x17000] =	vst v63  }
0x7f: {  	_ =	swait.ge [sflag:s1], $0x800  }
0x80: {  	[sflag:s1] =	ssyncset.done $0x0  }
0x81: {  	s31 =	simm.s32 $0x5800;
	s6 =	simm.s32 $0xF000;
	[sflag:s1] =	ssyncadd.s32 $0xFFFFF800  }
0x82: {  	[tilespmem:s6], [sflag:$0x1] =	stream.indirect.gather [spmem:s2], $0x10, s31, s8, $0xb8;
	[tilespmem:$0x17000] =	vst v63  }
0x83: {  	s7 =	simm.s32 $0x5880;
	s9 =	simm.s32 $0xF800  }
0x84: {  	[tilespmem:s9], [sflag:$0x1] =	stream.indirect.gather [spmem:s2], $0x10, s7, s8, $0xb8;
	[tilespmem:$0x17000] =	vst v63  }
0x85: {  	s10 =	simm.s32 $0x5900;
	s11 =	simm.s32 $0x10000  }
0x86: {  	[tilespmem:s11], [sflag:$0x1] =	stream.indirect.gather [spmem:s2], $0x10, s10, s8, $0xb8;
	[tilespmem:$0x17000] =	vst v63  }
0x87: {  	s12 =	simm.s32 $0x5980;
	s13 =	simm.s32 $0x10800  }
0x88: {  	[tilespmem:s13], [sflag:$0x1] =	stream.indirect.gather [spmem:s2], $0x10, s12, s8, $0xb8;
	[tilespmem:$0x17000] =	vst v63  }
0x89: {  	s14 =	simm.s32 $0x5A00;
	s15 =	simm.s32 $0x11000  }
0x8a: {  	[tilespmem:s15], [sflag:$0x1] =	stream.indirect.gather [spmem:s2], $0x10, s14, s8, $0xb8;
	[tilespmem:$0x17000] =	vst v63  }
0x8b: {  	s16 =	simm.s32 $0x5A80;
	s18 =	simm.s32 $0x11800  }
0x8c: {  	[tilespmem:s18], [sflag:$0x1] =	stream.indirect.gather [spmem:s2], $0x10, s16, s8, $0xb8;
	[tilespmem:$0x17000] =	vst v63  }
0x8d: {  	s19 =	simm.s32 $0x5B00;
	s20 =	simm.s32 $0x12000  }
0x8e: {  	[tilespmem:s20], [sflag:$0x1] =	stream.indirect.gather [spmem:s2], $0x10, s19, s8, $0xb8;
	[tilespmem:$0x17000] =	vst v63  }
0x8f: {  	s21 =	simm.s32 $0x5B80;
	s22 =	simm.s32 $0x12800  }
0x90: {  	[tilespmem:s22], [sflag:$0x1] =	stream.indirect.gather [spmem:s2], $0x10, s21, s8, $0xb8;
	[tilespmem:$0x17000] =	vst v63  }
0x91: {  	s23 =	simm.s32 $0x5C00;
	s24 =	simm.s32 $0x13000  }
0x92: {  	[tilespmem:s24], [sflag:$0x1] =	stream.indirect.gather [spmem:s2], $0x10, s23, s8, $0xb8;
	[tilespmem:$0x17000] =	vst v63  }
0x93: {  	s26 =	simm.s32 $0x5C80;
	s31 =	simm.s32 $0x13800  }
0x94: {  	[tilespmem:s31], [sflag:$0x1] =	stream.indirect.gather [spmem:s2], $0x10, s26, s8, $0xb8;
	[tilespmem:$0x17000] =	vst v63  }
0x95: {  	s15 =	simm.s32 $0x5D00;
	s31 =	simm.s32 $0x14000  }
0x96: {  	[tilespmem:s31], [sflag:$0x1] =	stream.indirect.gather [spmem:s2], $0x10, s15, s8, $0xb8;
	[tilespmem:$0x17000] =	vst v63  }
0x97: {  	s16 =	simm.s32 $0x5D80;
	s26 =	simm.s32 $0x14800  }
0x98: {  	[tilespmem:s26], [sflag:$0x1] =	stream.indirect.gather [spmem:s2], $0x10, s16, s8, $0xb8;
	[tilespmem:$0x17000] =	vst v63  }
0x99: {  	s18 =	simm.s32 $0x5E00;
	s23 =	simm.s32 $0x15000  }
0x9a: {  	[tilespmem:s23], [sflag:$0x1] =	stream.indirect.gather [spmem:s2], $0x10, s18, s8, $0xb8;
	[tilespmem:$0x17000] =	vst v63  }
0x9b: {  	s19 =	simm.s32 $0x5E80;
	s22 =	simm.s32 $0x15800  }
0x9c: {  	[tilespmem:s22], [sflag:$0x1] =	stream.indirect.gather [spmem:s2], $0x10, s19, s8, $0xb8;
	[tilespmem:$0x17000] =	vst v63  }
0x9d: {  	s20 =	simm.s32 $0x5F00;
	s21 =	simm.s32 $0x16000  }
0x9e: {  	[tilespmem:s21], [sflag:$0x1] =	stream.indirect.gather [spmem:s2], $0x10, s20, s8, $0xb8;
	[tilespmem:$0x17000] =	vst v63  }
0x9f: {  	s4 =	simm.s32 $0x2;
	s24 =	simm.s32 $0x5F80;
	s20 =	simm.s32 $0x16800  }
0xa0: {  	[tilespmem:s20], [sflag:$0x1] =	stream.indirect.gather [spmem:s2], $0x10, s24, s8, $0xb8;
	[tilespmem:$0x17000] =	vst v63  }
0xa1: {  	_ =	swait.ge [sflag:s4], $0x8000  }
0xa2: {  	[sflag:s4] =	ssyncset.done $0x0  }
0xa3: {  	[sflag:s4] =	ssyncadd.s32 $0xFFFF8000  }
0xa4: {  	_ =	swait.ge [sflag:s25], $0x8000  }
0xa5: {  	[sflag:s25] =	ssyncset.done $0x0  }
0xa6: {  	s0 =	simm.s32 $0x6800;
	s3 =	simm.s32 $0xF000;
	[sflag:s25] =	ssyncadd.s32 $0xFFFF8000  }
0xa7: {  	[spmem:s30] =	stream.indirect.scatter.add.f32 [tilespmem:s3], [sflag:$0x2], $0x10, s0, s8, $0xb8;
	[tilespmem:$0x17000] =	vst v63  }
0xa8: {  	s5 =	simm.s32 $0xF800;
	s3 =	simm.s32 $0x6880  }
0xa9: {  	[spmem:s30] =	stream.indirect.scatter.add.f32 [tilespmem:s5], [sflag:$0x2], $0x10, s3, s8, $0xb8;
	[tilespmem:$0x17000] =	vst v63  }
0xaa: {  	s6 =	simm.s32 $0x10000;
	s5 =	simm.s32 $0x6900  }
0xab: {  	[spmem:s30] =	stream.indirect.scatter.add.f32 [tilespmem:s6], [sflag:$0x2], $0x10, s5, s8, $0xb8;
	[tilespmem:$0x17000] =	vst v63  }
0xac: {  	s10 =	simm.s32 $0x10800;
	s6 =	simm.s32 $0x6980  }
0xad: {  	[spmem:s30] =	stream.indirect.scatter.add.f32 [tilespmem:s10], [sflag:$0x2], $0x10, s6, s8, $0xb8;
	[tilespmem:$0x17000] =	vst v63  }
0xae: {  	s12 =	simm.s32 $0x11000;
	s10 =	simm.s32 $0x6A00  }
0xaf: {  	[spmem:s30] =	stream.indirect.scatter.add.f32 [tilespmem:s12], [sflag:$0x2], $0x10, s10, s8, $0xb8;
	[tilespmem:$0x17000] =	vst v63  }
0xb0: {  	s13 =	simm.s32 $0x11800;
	s12 =	simm.s32 $0x6A80  }
0xb1: {  	[spmem:s30] =	stream.indirect.scatter.add.f32 [tilespmem:s13], [sflag:$0x2], $0x10, s12, s8, $0xb8;
	[tilespmem:$0x17000] =	vst v63  }
0xb2: {  	s14 =	simm.s32 $0x12000;
	s13 =	simm.s32 $0x6B00  }
0xb3: {  	[spmem:s30] =	stream.indirect.scatter.add.f32 [tilespmem:s14], [sflag:$0x2], $0x10, s13, s8, $0xb8;
	[tilespmem:$0x17000] =	vst v63  }
0xb4: {  	s7 =	simm.s32 $0x12800;
	s15 =	simm.s32 $0x6B80  }
0xb5: {  	[spmem:s30] =	stream.indirect.scatter.add.f32 [tilespmem:s7], [sflag:$0x2], $0x10, s15, s8, $0xb8;
	[tilespmem:$0x17000] =	vst v63  }
0xb6: {  	s9 =	simm.s32 $0x13000;
	s16 =	simm.s32 $0x6C00  }
0xb7: {  	[spmem:s30] =	stream.indirect.scatter.add.f32 [tilespmem:s9], [sflag:$0x2], $0x10, s16, s8, $0xb8;
	[tilespmem:$0x17000] =	vst v63  }
0xb8: {  	s11 =	simm.s32 $0x13800;
	s18 =	simm.s32 $0x6C80  }
0xb9: {  	[spmem:s30] =	stream.indirect.scatter.add.f32 [tilespmem:s11], [sflag:$0x2], $0x10, s18, s8, $0xb8;
	[tilespmem:$0x17000] =	vst v63  }
0xba: {  	s19 =	simm.s32 $0x6D00  }
0xbb: {  	[spmem:s30] =	stream.indirect.scatter.add.f32 [tilespmem:s31], [sflag:$0x2], $0x10, s19, s8, $0xb8;
	[tilespmem:$0x17000] =	vst v63  }
0xbc: {  	s24 =	simm.s32 $0x6D80  }
0xbd: {  	[spmem:s30] =	stream.indirect.scatter.add.f32 [tilespmem:s26], [sflag:$0x2], $0x10, s24, s8, $0xb8;
	[tilespmem:$0x17000] =	vst v63  }
0xbe: {  	s3 =	simm.s32 $0x6E00  }
0xbf: {  	[spmem:s30] =	stream.indirect.scatter.add.f32 [tilespmem:s23], [sflag:$0x2], $0x10, s3, s8, $0xb8;
	[tilespmem:$0x17000] =	vst v63  }
0xc0: {  	s5 =	simm.s32 $0x6E80  }
0xc1: {  	[spmem:s30] =	stream.indirect.scatter.add.f32 [tilespmem:s22], [sflag:$0x2], $0x10, s5, s8, $0xb8;
	[tilespmem:$0x17000] =	vst v63  }
0xc2: {  	s6 =	simm.s32 $0x6F00  }
0xc3: {  	[spmem:s30] =	stream.indirect.scatter.add.f32 [tilespmem:s21], [sflag:$0x2], $0x10, s6, s8, $0xb8;
	[tilespmem:$0x17000] =	vst v63  }
0xc4: {  	s7 =	simm.s32 $0x6F80  }
0xc5: {  	[spmem:s30] =	stream.indirect.scatter.add.f32 [tilespmem:s20], [sflag:$0x2], $0x10, s7, s8, $0xb8;
	[tilespmem:$0x17000] =	vst v63  }
0xc6: {  	s9 =	rddreg [dreg:$0xa];
	s24 =	simm.s32 $0x5000  }
0xc7: {  	[tilespmem:s24], [sflag:$0x3] =	stream.linear.gather [hbm4b:s9+s17], $0x800, $0x38;
	[tilespmem:$0x17000] =	vst v63  }
0xc8: {  	_ =	swait.ge [sflag:s1], $0x800  }
0xc9: {  	[sflag:s1] =	ssyncset.done $0x0  }
0xca: {  	s14 =	simm.s32 $0x6000;
	s10 =	rddreg [dreg:$0xb];
	[sflag:s1] =	ssyncadd.s32 $0xFFFFF800  }
0xcb: {  	[tilespmem:s14], [sflag:$0x3] =	stream.linear.gather [hbm4b:s10+s17], $0x800, $0x38;
	[tilespmem:$0x17000] =	vst v63  }
0xcc: {  	_ =	swait.ge [sflag:s1], $0x800  }
0xcd: {  	[sflag:s1] =	ssyncset.done $0x0  }
0xce: {  	s18 =	simm.s32 $0x7000;
	[sflag:s1] =	ssyncadd.s32 $0xFFFFF800  }
0xcf: {  	[tilespmem:s18], [sflag:$0x1] =	stream.indirect.gather [spmem:s2], $0x10, s24, s8, $0xb8;
	[tilespmem:$0x17000] =	vst v63  }
0xd0: {  	s15 =	simm.s32 $0x7800;
	s11 =	simm.s32 $0x5080  }
0xd1: {  	[tilespmem:s15], [sflag:$0x1] =	stream.indirect.gather [spmem:s2], $0x10, s11, s8, $0xb8;
	[tilespmem:$0x17000] =	vst v63  }
0xd2: {  	s29 =	simm.s32 $0x5100;
	s16 =	simm.s32 $0x8000  }
0xd3: {  	[tilespmem:s16], [sflag:$0x1] =	stream.indirect.gather [spmem:s2], $0x10, s29, s8, $0xb8;
	[tilespmem:$0x17000] =	vst v63  }
0xd4: {  	s12 =	simm.s32 $0x5180;
	s13 =	simm.s32 $0x8800  }
0xd5: {  	[tilespmem:s13], [sflag:$0x1] =	stream.indirect.gather [spmem:s2], $0x10, s12, s8, $0xb8;
	[tilespmem:$0x17000] =	vst v63  }
0xd6: {  	s19 =	simm.s32 $0x9000;
	s17 =	simm.s32 $0x5200  }
0xd7: {  	[tilespmem:s19], [sflag:$0x1] =	stream.indirect.gather [spmem:s2], $0x10, s17, s8, $0xb8;
	[tilespmem:$0x17000] =	vst v63  }
0xd8: {  	s24 =	simm.s32 $0x5280;
	s29 =	simm.s32 $0x9800  }
0xd9: {  	[tilespmem:s29], [sflag:$0x1] =	stream.indirect.gather [spmem:s2], $0x10, s24, s8, $0xb8;
	[tilespmem:$0x17000] =	vst v63  }
0xda: {  	s3 =	simm.s32 $0x5300;
	s17 =	simm.s32 $0xA000  }
0xdb: {  	[tilespmem:s17], [sflag:$0x1] =	stream.indirect.gather [spmem:s2], $0x10, s3, s8, $0xb8;
	[tilespmem:$0x17000] =	vst v63  }
0xdc: {  	s0 =	simm.s32 $0xA800;
	s5 =	simm.s32 $0x5380  }
0xdd: {  	[tilespmem:s0], [sflag:$0x1] =	stream.indirect.gather [spmem:s2], $0x10, s5, s8, $0xb8;
	[tilespmem:$0x17000] =	vst v63  }
0xde: {  	s6 =	simm.s32 $0x5400;
	s3 =	simm.s32 $0xB000  }
0xdf: {  	[tilespmem:s3], [sflag:$0x1] =	stream.indirect.gather [spmem:s2], $0x10, s6, s8, $0xb8;
	[tilespmem:$0x17000] =	vst v63  }
0xe0: {  	s7 =	simm.s32 $0x5480;
	s5 =	simm.s32 $0xB800  }
0xe1: {  	[tilespmem:s5], [sflag:$0x1] =	stream.indirect.gather [spmem:s2], $0x10, s7, s8, $0xb8;
	[tilespmem:$0x17000] =	vst v63  }
0xe2: {  	s9 =	simm.s32 $0x5500;
	s6 =	simm.s32 $0xC000  }
0xe3: {  	[tilespmem:s6], [sflag:$0x1] =	stream.indirect.gather [spmem:s2], $0x10, s9, s8, $0xb8;
	[tilespmem:$0x17000] =	vst v63  }
0xe4: {  	s10 =	simm.s32 $0x5580;
	s7 =	simm.s32 $0xC800  }
0xe5: {  	[tilespmem:s7], [sflag:$0x1] =	stream.indirect.gather [spmem:s2], $0x10, s10, s8, $0xb8;
	[tilespmem:$0x17000] =	vst v63  }
0xe6: {  	s11 =	simm.s32 $0x5600;
	s9 =	simm.s32 $0xD000  }
0xe7: {  	[tilespmem:s9], [sflag:$0x1] =	stream.indirect.gather [spmem:s2], $0x10, s11, s8, $0xb8;
	[tilespmem:$0x17000] =	vst v63  }
0xe8: {  	s12 =	simm.s32 $0x5680;
	s10 =	simm.s32 $0xD800  }
0xe9: {  	[tilespmem:s10], [sflag:$0x1] =	stream.indirect.gather [spmem:s2], $0x10, s12, s8, $0xb8;
	[tilespmem:$0x17000] =	vst v63  }
0xea: {  	s24 =	simm.s32 $0x5700;
	s11 =	simm.s32 $0xE000  }
0xeb: {  	[tilespmem:s11], [sflag:$0x1] =	stream.indirect.gather [spmem:s2], $0x10, s24, s8, $0xb8;
	[tilespmem:$0x17000] =	vst v63  }
0xec: {  	s12 =	simm.s32 $0xE800;
	s24 =	simm.s32 $0x5780  }
0xed: {  	[tilespmem:s12], [sflag:$0x1] =	stream.indirect.gather [spmem:s2], $0x10, s24, s8, $0xb8;
	[tilespmem:$0x17000] =	vst v63  }
0xee: {  	_ =	swait.ge [sflag:s4], $0x8000  }
0xef: {  	[sflag:s4] =	ssyncset.done $0x0  }
0xf0: {  	[sflag:s4] =	ssyncadd.s32 $0xFFFF8000  }
0xf1: {  	_ =	swait.ge [sflag:s25], $0x8000  }
0xf2: {  	[sflag:s25] =	ssyncset.done $0x0  }
0xf3: {  	[sflag:s25] =	ssyncadd.s32 $0xFFFF8000  }
0xf4: {  	[spmem:s30] =	stream.indirect.scatter.add.f32 [tilespmem:s18], [sflag:$0x2], $0x10, s14, s8, $0xb8;
	[tilespmem:$0x17000] =	vst v63  }
0xf5: {  	s14 =	simm.s32 $0x6080  }
0xf6: {  	[spmem:s30] =	stream.indirect.scatter.add.f32 [tilespmem:s15], [sflag:$0x2], $0x10, s14, s8, $0xb8;
	[tilespmem:$0x17000] =	vst v63  }
0xf7: {  	s15 =	simm.s32 $0x6100  }
0xf8: {  	[spmem:s30] =	stream.indirect.scatter.add.f32 [tilespmem:s16], [sflag:$0x2], $0x10, s15, s8, $0xb8;
	[tilespmem:$0x17000] =	vst v63  }
0xf9: {  	s16 =	simm.s32 $0x6180  }
0xfa: {  	[spmem:s30] =	stream.indirect.scatter.add.f32 [tilespmem:s13], [sflag:$0x2], $0x10, s16, s8, $0xb8;
	[tilespmem:$0x17000] =	vst v63  }
0xfb: {  	s15 =	simm.s32 $0x6200  }
0xfc: {  	[spmem:s30] =	stream.indirect.scatter.add.f32 [tilespmem:s19], [sflag:$0x2], $0x10, s15, s8, $0xb8;
	[tilespmem:$0x17000] =	vst v63  }
0xfd: {  	s16 =	simm.s32 $0x6280  }
0xfe: {  	[spmem:s30] =	stream.indirect.scatter.add.f32 [tilespmem:s29], [sflag:$0x2], $0x10, s16, s8, $0xb8;
	[tilespmem:$0x17000] =	vst v63  }
0xff: {  	s29 =	simm.s32 $0x6300  }
0x100: {  	[spmem:s30] =	stream.indirect.scatter.add.f32 [tilespmem:s17], [sflag:$0x2], $0x10, s29, s8, $0xb8;
	[tilespmem:$0x17000] =	vst v63  }
0x101: {  	s17 =	simm.s32 $0x6380  }
0x102: {  	[spmem:s30] =	stream.indirect.scatter.add.f32 [tilespmem:s0], [sflag:$0x2], $0x10, s17, s8, $0xb8;
	[tilespmem:$0x17000] =	vst v63  }
0x103: {  	s18 =	simm.s32 $0x6400  }
0x104: {  	[spmem:s30] =	stream.indirect.scatter.add.f32 [tilespmem:s3], [sflag:$0x2], $0x10, s18, s8, $0xb8;
	[tilespmem:$0x17000] =	vst v63  }
0x105: {  	s19 =	simm.s32 $0x6480  }
0x106: {  	[spmem:s30] =	stream.indirect.scatter.add.f32 [tilespmem:s5], [sflag:$0x2], $0x10, s19, s8, $0xb8;
	[tilespmem:$0x17000] =	vst v63  }
0x107: {  	s3 =	simm.s32 $0x6500  }
0x108: {  	[spmem:s30] =	stream.indirect.scatter.add.f32 [tilespmem:s6], [sflag:$0x2], $0x10, s3, s8, $0xb8;
	[tilespmem:$0x17000] =	vst v63  }
0x109: {  	s5 =	simm.s32 $0x6580  }
0x10a: {  	[spmem:s30] =	stream.indirect.scatter.add.f32 [tilespmem:s7], [sflag:$0x2], $0x10, s5, s8, $0xb8;
	[tilespmem:$0x17000] =	vst v63  }
0x10b: {  	s6 =	simm.s32 $0x6600  }
0x10c: {  	[spmem:s30] =	stream.indirect.scatter.add.f32 [tilespmem:s9], [sflag:$0x2], $0x10, s6, s8, $0xb8;
	[tilespmem:$0x17000] =	vst v63  }
0x10d: {  	s7 =	simm.s32 $0x6680  }
0x10e: {  	[spmem:s30] =	stream.indirect.scatter.add.f32 [tilespmem:s10], [sflag:$0x2], $0x10, s7, s8, $0xb8;
	[tilespmem:$0x17000] =	vst v63  }
0x10f: {  	s9 =	simm.s32 $0x6700  }
0x110: {  	[spmem:s30] =	stream.indirect.scatter.add.f32 [tilespmem:s11], [sflag:$0x2], $0x10, s9, s8, $0xb8;
	[tilespmem:$0x17000] =	vst v63  }
0x111: {  	s11 =	simm.s32 $0x6780  }
0x112: {  	[spmem:s30] =	stream.indirect.scatter.add.f32 [tilespmem:s12], [sflag:$0x2], $0x10, s11, s8, $0xb8;
	[tilespmem:$0x17000] =	vst v63  }
0x113: {  	s13 =	simm.s32 $0x5800;
	s10 =	rddreg [dreg:$0xc];
	s12 =	simm.s32 $0x0  }
0x114: {  	[tilespmem:s13], [sflag:$0x3] =	stream.linear.gather [hbm4b:s10+s12], $0x800, $0x38;
	[tilespmem:$0x17000] =	vst v63  }
0x115: {  	_ =	swait.ge [sflag:s1], $0x800  }
0x116: {  	[sflag:s1] =	ssyncset.done $0x0  }
0x117: {  	s0 =	simm.s32 $0x6800;
	s15 =	rddreg [dreg:$0xd];
	[sflag:s1] =	ssyncadd.s32 $0xFFFFF800  }
0x118: {  	[tilespmem:s0], [sflag:$0x3] =	stream.linear.gather [hbm4b:s15+s12], $0x800, $0x38;
	[tilespmem:$0x17000] =	vst v63  }
0x119: {  	_ =	swait.ge [sflag:s1], $0x800  }
0x11a: {  	[sflag:s1] =	ssyncset.done $0x0  }
0x11b: {  	s3 =	simm.s32 $0xF000;
	[sflag:s1] =	ssyncadd.s32 $0xFFFFF800  }
0x11c: {  	[tilespmem:s3], [sflag:$0x1] =	stream.indirect.gather [spmem:s2], $0x10, s13, s8, $0xb8;
	[tilespmem:$0x17000] =	vst v63  }
0x11d: {  	s16 =	simm.s32 $0x5880;
	s5 =	simm.s32 $0xF800  }
0x11e: {  	[tilespmem:s5], [sflag:$0x1] =	stream.indirect.gather [spmem:s2], $0x10, s16, s8, $0xb8;
	[tilespmem:$0x17000] =	vst v63  }
0x11f: {  	s18 =	simm.s32 $0x5900;
	s11 =	simm.s32 $0x10000  }
0x120: {  	[tilespmem:s11], [sflag:$0x1] =	stream.indirect.gather [spmem:s2], $0x10, s18, s8, $0xb8;
	[tilespmem:$0x17000] =	vst v63  }
0x121: {  	s19 =	simm.s32 $0x5980;
	s15 =	simm.s32 $0x10800  }
0x122: {  	[tilespmem:s15], [sflag:$0x1] =	stream.indirect.gather [spmem:s2], $0x10, s19, s8, $0xb8;
	[tilespmem:$0x17000] =	vst v63  }
0x123: {  	s10 =	simm.s32 $0x5A00;
	s18 =	simm.s32 $0x11000  }
0x124: {  	[tilespmem:s18], [sflag:$0x1] =	stream.indirect.gather [spmem:s2], $0x10, s10, s8, $0xb8;
	[tilespmem:$0x17000] =	vst v63  }
0x125: {  	s12 =	simm.s32 $0x5A80;
	s19 =	simm.s32 $0x11800  }
0x126: {  	[tilespmem:s19], [sflag:$0x1] =	stream.indirect.gather [spmem:s2], $0x10, s12, s8, $0xb8;
	[tilespmem:$0x17000] =	vst v63  }
0x127: {  	s6 =	simm.s32 $0x12000;
	s13 =	simm.s32 $0x5B00  }
0x128: {  	[tilespmem:s6], [sflag:$0x1] =	stream.indirect.gather [spmem:s2], $0x10, s13, s8, $0xb8;
	[tilespmem:$0x17000] =	vst v63  }
0x129: {  	s16 =	simm.s32 $0x5B80;
	s12 =	simm.s32 $0x12800  }
0x12a: {  	[tilespmem:s12], [sflag:$0x1] =	stream.indirect.gather [spmem:s2], $0x10, s16, s8, $0xb8;
	[tilespmem:$0x17000] =	vst v63  }
0x12b: {  	s10 =	simm.s32 $0x5C00;
	s13 =	simm.s32 $0x13000  }
0x12c: {  	[tilespmem:s13], [sflag:$0x1] =	stream.indirect.gather [spmem:s2], $0x10, s10, s8, $0xb8;
	[tilespmem:$0x17000] =	vst v63  }
0x12d: {  	s16 =	simm.s32 $0x13800;
	s10 =	simm.s32 $0x5C80  }
0x12e: {  	[tilespmem:s16], [sflag:$0x1] =	stream.indirect.gather [spmem:s2], $0x10, s10, s8, $0xb8;
	[tilespmem:$0x17000] =	vst v63  }
0x12f: {  	s10 =	simm.s32 $0x5D00  }
0x130: {  	[tilespmem:s31], [sflag:$0x1] =	stream.indirect.gather [spmem:s2], $0x10, s10, s8, $0xb8;
	[tilespmem:$0x17000] =	vst v63  }
0x131: {  	s10 =	simm.s32 $0x5D80  }
0x132: {  	[tilespmem:s26], [sflag:$0x1] =	stream.indirect.gather [spmem:s2], $0x10, s10, s8, $0xb8;
	[tilespmem:$0x17000] =	vst v63  }
0x133: {  	s10 =	simm.s32 $0x5E00  }
0x134: {  	[tilespmem:s23], [sflag:$0x1] =	stream.indirect.gather [spmem:s2], $0x10, s10, s8, $0xb8;
	[tilespmem:$0x17000] =	vst v63  }
0x135: {  	s10 =	simm.s32 $0x5E80  }
0x136: {  	[tilespmem:s22], [sflag:$0x1] =	stream.indirect.gather [spmem:s2], $0x10, s10, s8, $0xb8;
	[tilespmem:$0x17000] =	vst v63  }
0x137: {  	s10 =	simm.s32 $0x5F00  }
0x138: {  	[tilespmem:s21], [sflag:$0x1] =	stream.indirect.gather [spmem:s2], $0x10, s10, s8, $0xb8;
	[tilespmem:$0x17000] =	vst v63  }
0x139: {  	s10 =	simm.s32 $0x5F80  }
0x13a: {  	[tilespmem:s20], [sflag:$0x1] =	stream.indirect.gather [spmem:s2], $0x10, s10, s8, $0xb8;
	[tilespmem:$0x17000] =	vst v63  }
0x13b: {  	_ =	swait.ge [sflag:s4], $0x8000  }
0x13c: {  	[sflag:s4] =	ssyncset.done $0x0  }
0x13d: {  	[sflag:s4] =	ssyncadd.s32 $0xFFFF8000  }
0x13e: {  	_ =	swait.ge [sflag:s25], $0x8000  }
0x13f: {  	[sflag:s25] =	ssyncset.done $0x0  }
0x140: {  	[sflag:s25] =	ssyncadd.s32 $0xFFFF8000  }
0x141: {  	[spmem:s30] =	stream.indirect.scatter.add.f32 [tilespmem:s3], [sflag:$0x2], $0x10, s0, s8, $0xb8;
	[tilespmem:$0x17000] =	vst v63  }
0x142: {  	s3 =	simm.s32 $0x6880  }
0x143: {  	[spmem:s30] =	stream.indirect.scatter.add.f32 [tilespmem:s5], [sflag:$0x2], $0x10, s3, s8, $0xb8;
	[tilespmem:$0x17000] =	vst v63  }
0x144: {  	s10 =	simm.s32 $0x6900  }
0x145: {  	[spmem:s30] =	stream.indirect.scatter.add.f32 [tilespmem:s11], [sflag:$0x2], $0x10, s10, s8, $0xb8;
	[tilespmem:$0x17000] =	vst v63  }
0x146: {  	s11 =	simm.s32 $0x6980  }
0x147: {  	[spmem:s30] =	stream.indirect.scatter.add.f32 [tilespmem:s15], [sflag:$0x2], $0x10, s11, s8, $0xb8;
	[tilespmem:$0x17000] =	vst v63  }
0x148: {  	s3 =	simm.s32 $0x6A00  }
0x149: {  	[spmem:s30] =	stream.indirect.scatter.add.f32 [tilespmem:s18], [sflag:$0x2], $0x10, s3, s8, $0xb8;
	[tilespmem:$0x17000] =	vst v63  }
0x14a: {  	s5 =	simm.s32 $0x6A80  }
0x14b: {  	[spmem:s30] =	stream.indirect.scatter.add.f32 [tilespmem:s19], [sflag:$0x2], $0x10, s5, s8, $0xb8;
	[tilespmem:$0x17000] =	vst v63  }
0x14c: {  	s10 =	simm.s32 $0x6B00  }
0x14d: {  	[spmem:s30] =	stream.indirect.scatter.add.f32 [tilespmem:s6], [sflag:$0x2], $0x10, s10, s8, $0xb8;
	[tilespmem:$0x17000] =	vst v63  }
0x14e: {  	s11 =	simm.s32 $0x6B80  }
0x14f: {  	[spmem:s30] =	stream.indirect.scatter.add.f32 [tilespmem:s12], [sflag:$0x2], $0x10, s11, s8, $0xb8;
	[tilespmem:$0x17000] =	vst v63  }
0x150: {  	s12 =	simm.s32 $0x6C00  }
0x151: {  	[spmem:s30] =	stream.indirect.scatter.add.f32 [tilespmem:s13], [sflag:$0x2], $0x10, s12, s8, $0xb8;
	[tilespmem:$0x17000] =	vst v63  }
0x152: {  	s15 =	simm.s32 $0x6C80  }
0x153: {  	[spmem:s30] =	stream.indirect.scatter.add.f32 [tilespmem:s16], [sflag:$0x2], $0x10, s15, s8, $0xb8;
	[tilespmem:$0x17000] =	vst v63  }
0x154: {  	s16 =	simm.s32 $0x6D00  }
0x155: {  	[spmem:s30] =	stream.indirect.scatter.add.f32 [tilespmem:s31], [sflag:$0x2], $0x10, s16, s8, $0xb8;
	[tilespmem:$0x17000] =	vst v63  }
0x156: {  	s18 =	simm.s32 $0x6D80  }
0x157: {  	[spmem:s30] =	stream.indirect.scatter.add.f32 [tilespmem:s26], [sflag:$0x2], $0x10, s18, s8, $0xb8;
	[tilespmem:$0x17000] =	vst v63  }
0x158: {  	s19 =	simm.s32 $0x6E00  }
0x159: {  	[spmem:s30] =	stream.indirect.scatter.add.f32 [tilespmem:s23], [sflag:$0x2], $0x10, s19, s8, $0xb8;
	[tilespmem:$0x17000] =	vst v63  }
0x15a: {  	s26 =	simm.s32 $0x6E80  }
0x15b: {  	[spmem:s30] =	stream.indirect.scatter.add.f32 [tilespmem:s22], [sflag:$0x2], $0x10, s26, s8, $0xb8;
	[tilespmem:$0x17000] =	vst v63  }
0x15c: {  	s31 =	simm.s32 $0x6F00  }
0x15d: {  	[spmem:s30] =	stream.indirect.scatter.add.f32 [tilespmem:s21], [sflag:$0x2], $0x10, s31, s8, $0xb8;
	[tilespmem:$0x17000] =	vst v63  }
0x15e: {  	s5 =	simm.s32 $0x6F80  }
0x15f: {  	[spmem:s30] =	stream.indirect.scatter.add.f32 [tilespmem:s20], [sflag:$0x2], $0x10, s5, s8, $0xb8;
	[tilespmem:$0x17000] =	vst v63  }
0x160: {  	s7 =	simm.s32 $0x0;
	s3 =	rddreg [dreg:$0xe];
	s6 =	simm.s32 $0x5000  }
0x161: {  	[tilespmem:s6], [sflag:$0x3] =	stream.linear.gather [hbm4b:s3+s7], $0x800, $0x38;
	[tilespmem:$0x17000] =	vst v63  }
0x162: {  	_ =	swait.ge [sflag:s1], $0x800  }
0x163: {  	[sflag:s1] =	ssyncset.done $0x0  }
0x164: {  	s22 =	simm.s32 $0x6000;
	s10 =	rddreg [dreg:$0xf];
	[sflag:s1] =	ssyncadd.s32 $0xFFFFF800  }
0x165: {  	[tilespmem:s22], [sflag:$0x3] =	stream.linear.gather [hbm4b:s10+s7], $0x800, $0x38;
	[tilespmem:$0x17000] =	vst v63  }
0x166: {  	_ =	swait.ge [sflag:s1], $0x800  }
0x167: {  	[sflag:s1] =	ssyncset.done $0x0  }
0x168: {  	s10 =	simm.s32 $0x7000;
	[sflag:s1] =	ssyncadd.s32 $0xFFFFF800  }
0x169: {  	[tilespmem:s10], [sflag:$0x1] =	stream.indirect.gather [spmem:s2], $0x10, s6, s8, $0xb8;
	[tilespmem:$0x17000] =	vst v63  }
0x16a: {  	s0 =	simm.s32 $0x7800;
	s11 =	simm.s32 $0x5080  }
0x16b: {  	[tilespmem:s0], [sflag:$0x1] =	stream.indirect.gather [spmem:s2], $0x10, s11, s8, $0xb8;
	[tilespmem:$0x17000] =	vst v63  }
0x16c: {  	s12 =	simm.s32 $0x5100;
	s3 =	simm.s32 $0x8000  }
0x16d: {  	[tilespmem:s3], [sflag:$0x1] =	stream.indirect.gather [spmem:s2], $0x10, s12, s8, $0xb8;
	[tilespmem:$0x17000] =	vst v63  }
0x16e: {  	s13 =	simm.s32 $0x5180;
	s5 =	simm.s32 $0x8800  }
0x16f: {  	[tilespmem:s5], [sflag:$0x1] =	stream.indirect.gather [spmem:s2], $0x10, s13, s8, $0xb8;
	[tilespmem:$0x17000] =	vst v63  }
0x170: {  	s15 =	simm.s32 $0x5200;
	s6 =	simm.s32 $0x9000  }
0x171: {  	[tilespmem:s6], [sflag:$0x1] =	stream.indirect.gather [spmem:s2], $0x10, s15, s8, $0xb8;
	[tilespmem:$0x17000] =	vst v63  }
0x172: {  	s16 =	simm.s32 $0x5280;
	s21 =	simm.s32 $0x9800  }
0x173: {  	[tilespmem:s21], [sflag:$0x1] =	stream.indirect.gather [spmem:s2], $0x10, s16, s8, $0xb8;
	[tilespmem:$0x17000] =	vst v63  }
0x174: {  	s18 =	simm.s32 $0x5300;
	s20 =	simm.s32 $0xA000  }
0x175: {  	[tilespmem:s20], [sflag:$0x1] =	stream.indirect.gather [spmem:s2], $0x10, s18, s8, $0xb8;
	[tilespmem:$0x17000] =	vst v63  }
0x176: {  	s19 =	simm.s32 $0x5380;
	s12 =	simm.s32 $0xA800  }
0x177: {  	[tilespmem:s12], [sflag:$0x1] =	stream.indirect.gather [spmem:s2], $0x10, s19, s8, $0xb8;
	[tilespmem:$0x17000] =	vst v63  }
0x178: {  	s23 =	simm.s32 $0x5400;
	s13 =	simm.s32 $0xB000  }
0x179: {  	[tilespmem:s13], [sflag:$0x1] =	stream.indirect.gather [spmem:s2], $0x10, s23, s8, $0xb8;
	[tilespmem:$0x17000] =	vst v63  }
0x17a: {  	s26 =	simm.s32 $0x5480;
	s15 =	simm.s32 $0xB800  }
0x17b: {  	[tilespmem:s15], [sflag:$0x1] =	stream.indirect.gather [spmem:s2], $0x10, s26, s8, $0xb8;
	[tilespmem:$0x17000] =	vst v63  }
0x17c: {  	s31 =	simm.s32 $0x5500;
	s16 =	simm.s32 $0xC000  }
0x17d: {  	[tilespmem:s16], [sflag:$0x1] =	stream.indirect.gather [spmem:s2], $0x10, s31, s8, $0xb8;
	[tilespmem:$0x17000] =	vst v63  }
0x17e: {  	s1 =	simm.s32 $0x5580;
	s18 =	simm.s32 $0xC800  }
0x17f: {  	[tilespmem:s18], [sflag:$0x1] =	stream.indirect.gather [spmem:s2], $0x10, s1, s8, $0xb8;
	[tilespmem:$0x17000] =	vst v63  }
0x180: {  	s7 =	simm.s32 $0x5600;
	s19 =	simm.s32 $0xD000  }
0x181: {  	[tilespmem:s19], [sflag:$0x1] =	stream.indirect.gather [spmem:s2], $0x10, s7, s8, $0xb8;
	[tilespmem:$0x17000] =	vst v63  }
0x182: {  	s23 =	simm.s32 $0x5680;
	s7 =	simm.s32 $0xD800  }
0x183: {  	[tilespmem:s7], [sflag:$0x1] =	stream.indirect.gather [spmem:s2], $0x10, s23, s8, $0xb8;
	[tilespmem:$0x17000] =	vst v63  }
0x184: {  	s26 =	simm.s32 $0x5700;
	s1 =	simm.s32 $0xE000  }
0x185: {  	[tilespmem:s1], [sflag:$0x1] =	stream.indirect.gather [spmem:s2], $0x10, s26, s8, $0xb8;
	[tilespmem:$0x17000] =	vst v63  }
0x186: {  	s9 =	simm.s32 $0xE800  }
0x187: {  	[tilespmem:s9], [sflag:$0x1] =	stream.indirect.gather [spmem:s2], $0x10, s24, s8, $0xb8;
	[tilespmem:$0x17000] =	vst v63  }
0x188: {  	_ =	swait.ge [sflag:s4], $0x8000  }
0x189: {  	[sflag:s4] =	ssyncset.done $0x0  }
0x18a: {  	[sflag:s4] =	ssyncadd.s32 $0xFFFF8000  }
0x18b: {  	_ =	swait.ge [sflag:s25], $0x8000  }
0x18c: {  	[sflag:s25] =	ssyncset.done $0x0  }
0x18d: {  	[sflag:s25] =	ssyncadd.s32 $0xFFFF8000  }
0x18e: {  	[spmem:s30] =	stream.indirect.scatter.add.f32 [tilespmem:s10], [sflag:$0x2], $0x10, s22, s8, $0xb8;
	[tilespmem:$0x17000] =	vst v63  }
0x18f: {  	_ = 	snop  }
0x190: {  	[spmem:s30] =	stream.indirect.scatter.add.f32 [tilespmem:s0], [sflag:$0x2], $0x10, s14, s8, $0xb8;
	[tilespmem:$0x17000] =	vst v63  }
0x191: {  	s31 =	simm.s32 $0x6100  }
0x192: {  	[spmem:s30] =	stream.indirect.scatter.add.f32 [tilespmem:s3], [sflag:$0x2], $0x10, s31, s8, $0xb8;
	[tilespmem:$0x17000] =	vst v63  }
0x193: {  	s10 =	simm.s32 $0x6180  }
0x194: {  	[spmem:s30] =	stream.indirect.scatter.add.f32 [tilespmem:s5], [sflag:$0x2], $0x10, s10, s8, $0xb8;
	[tilespmem:$0x17000] =	vst v63  }
0x195: {  	s11 =	simm.s32 $0x6200  }
0x196: {  	[spmem:s30] =	stream.indirect.scatter.add.f32 [tilespmem:s6], [sflag:$0x2], $0x10, s11, s8, $0xb8;
	[tilespmem:$0x17000] =	vst v63  }
0x197: {  	s14 =	simm.s32 $0x6280  }
0x198: {  	[spmem:s30] =	stream.indirect.scatter.add.f32 [tilespmem:s21], [sflag:$0x2], $0x10, s14, s8, $0xb8;
	[tilespmem:$0x17000] =	vst v63  }
0x199: {  	_ = 	snop  }
0x19a: {  	[spmem:s30] =	stream.indirect.scatter.add.f32 [tilespmem:s20], [sflag:$0x2], $0x10, s29, s8, $0xb8;
	[tilespmem:$0x17000] =	vst v63  }
0x19b: {  	_ = 	snop  }
0x19c: {  	[spmem:s30] =	stream.indirect.scatter.add.f32 [tilespmem:s12], [sflag:$0x2], $0x10, s17, s8, $0xb8;
	[tilespmem:$0x17000] =	vst v63  }
0x19d: {  	s20 =	simm.s32 $0x6400  }
0x19e: {  	[spmem:s30] =	stream.indirect.scatter.add.f32 [tilespmem:s13], [sflag:$0x2], $0x10, s20, s8, $0xb8;
	[tilespmem:$0x17000] =	vst v63  }
0x19f: {  	s21 =	simm.s32 $0x6480  }
0x1a0: {  	[spmem:s30] =	stream.indirect.scatter.add.f32 [tilespmem:s15], [sflag:$0x2], $0x10, s21, s8, $0xb8;
	[tilespmem:$0x17000] =	vst v63  }
0x1a1: {  	s22 =	simm.s32 $0x6500  }
0x1a2: {  	[spmem:s30] =	stream.indirect.scatter.add.f32 [tilespmem:s16], [sflag:$0x2], $0x10, s22, s8, $0xb8;
	[tilespmem:$0x17000] =	vst v63  }
0x1a3: {  	s23 =	simm.s32 $0x6580  }
0x1a4: {  	[spmem:s30] =	stream.indirect.scatter.add.f32 [tilespmem:s18], [sflag:$0x2], $0x10, s23, s8, $0xb8;
	[tilespmem:$0x17000] =	vst v63  }
0x1a5: {  	s24 =	simm.s32 $0x6600  }
0x1a6: {  	[spmem:s30] =	stream.indirect.scatter.add.f32 [tilespmem:s19], [sflag:$0x2], $0x10, s24, s8, $0xb8;
	[tilespmem:$0x17000] =	vst v63  }
0x1a7: {  	s25 =	simm.s32 $0x6680  }
0x1a8: {  	[spmem:s30] =	stream.indirect.scatter.add.f32 [tilespmem:s7], [sflag:$0x2], $0x10, s25, s8, $0xb8;
	[tilespmem:$0x17000] =	vst v63  }
0x1a9: {  	s26 =	simm.s32 $0x6700  }
0x1aa: {  	[spmem:s30] =	stream.indirect.scatter.add.f32 [tilespmem:s1], [sflag:$0x2], $0x10, s26, s8, $0xb8;
	[tilespmem:$0x17000] =	vst v63  }
0x1ab: {  	s29 =	simm.s32 $0x6780  }
0x1ac: {  	[spmem:s30] =	stream.indirect.scatter.add.f32 [tilespmem:s9], [sflag:$0x2], $0x10, s29, s8, $0xb8;
	[tilespmem:$0x17000] =	vst v63  }
0x1ad: {  	_ =	swait.ge [sflag:s4], $0x8000  }
0x1ae: {  	[sflag:s4] =	ssyncset.done $0x0  }
0x1af: {  	[sflag:s4] =	ssyncadd.s32 $0xFFFF8000  }
0x1b0: {  	[bflag:$0x0] =	sbarrier.arrive $0xFFFF  }
0x1b1: {  	s18 =	rddreg [dreg:$0x10]  }
0x1b2: {  	s3 =	simm.s32 @!p0 $0x3;
	s22 =	rddreg [dreg:$0x19]  }
0x1b3: {  	[hbm:s18], [sflag:s28] =	dma.local @!p0 [spmem:s22], $0x2  }
0x1b4: {  	_ =	swait.ge @!p0 [sflag:s3], $0x2  }
0x1b5: {  	s0 =	rddreg [dreg:$0x11];
	[sflag:s3] =	ssyncset.done @!p0 $0x0  }
0x1b6: {  	s22 =	rddreg [dreg:$0x1a];
	[sflag:s3] =	ssyncadd.s32 @!p0 $0xFFFFFFFE  }
0x1b7: {  	[hbm:s0], [sflag:s28] =	dma.local @!p0 [spmem:s22], $0x2  }
0x1b8: {  	_ =	swait.ge @!p0 [sflag:s3], $0x2  }
0x1b9: {  	s0 =	rddreg [dreg:$0x12];
	[sflag:s3] =	ssyncset.done @!p0 $0x0  }
0x1ba: {  	s22 =	rddreg [dreg:$0x1b];
	[sflag:s3] =	ssyncadd.s32 @!p0 $0xFFFFFFFE  }
0x1bb: {  	[hbm:s0], [sflag:s28] =	dma.local @!p0 [spmem:s22], $0x2  }
0x1bc: {  	_ =	swait.ge @!p0 [sflag:s3], $0x2  }
0x1bd: {  	s0 =	rddreg [dreg:$0x13];
	[sflag:s3] =	ssyncset.done @!p0 $0x0  }
0x1be: {  	s22 =	rddreg [dreg:$0x1c];
	[sflag:s3] =	ssyncadd.s32 @!p0 $0xFFFFFFFE  }
0x1bf: {  	[hbm:s0], [sflag:s28] =	dma.local @!p0 [spmem:s22], $0x2  }
0x1c0: {  	_ =	swait.ge @!p0 [sflag:s3], $0x2  }
0x1c1: {  	s0 =	rddreg [dreg:$0x14];
	[sflag:s3] =	ssyncset.done @!p0 $0x0  }
0x1c2: {  	s22 =	rddreg [dreg:$0x1d];
	[sflag:s3] =	ssyncadd.s32 @!p0 $0xFFFFFFFE  }
0x1c3: {  	[hbm:s0], [sflag:s28] =	dma.local @!p0 [spmem:s22], $0x2  }
0x1c4: {  	_ =	swait.ge @!p0 [sflag:s3], $0x2  }
0x1c5: {  	s0 =	rddreg [dreg:$0x15];
	[sflag:s3] =	ssyncset.done @!p0 $0x0  }
0x1c6: {  	s22 =	rddreg [dreg:$0x1e];
	[sflag:s3] =	ssyncadd.s32 @!p0 $0xFFFFFFFE  }
0x1c7: {  	[hbm:s0], [sflag:s28] =	dma.local @!p0 [spmem:s22], $0x2  }
0x1c8: {  	s0 =	sld [smem:$0x7FD];
	_ =	sdelay $0x2  }
0x1c9: {  	s0 =	ssub.s32 $0x2, s0  }
0x1ca: {  	s31 =	sshrl.u32 s0, $0x1  }
0x1cb: {  	s22 =	ssub.s32 s0, s31  }
0x1cc: {  	s22 =	smax.u32 s22, $0x1  }
0x1cd: {  	s0 =	sadd.s32 $0xFFFFFFFF, s22  }
0x1ce: {  	p1 =	sne.s32 s0, $0x0  }
.Ltmp0:
0x1cf: {  	_ = 	snop;
	(pc) =	sbr.rel @!p1 .LBB2_2-.Ltmp0, $1  }
0x1d0: {  	_ =	sdelay $0x3  }
.LBB2_1:
0x1d1: {  	s0 =	sadd.s32 $0xFFFFFFFF, s0  }
0x1d2: {  	[smem:$0x7FC] =	sst s0  }
0x1d3: {  	_ =	swait.ge @!p0 [sflag:s3], $0x2  }
0x1d4: {  	[sflag:s3] =	ssyncset.done @!p0 $0x0;
	s29 =	rddreg [dreg:$0x16]  }
0x1d5: {  	s31 =	rddreg [dreg:$0x1f];
	[sflag:s3] =	ssyncadd.s32 @!p0 $0xFFFFFFFE  }
0x1d6: {  	[hbm:s29], [sflag:s28] =	dma.local @!p0 [spmem:s31], $0x2  }
0x1d7: {  	_ =	swait.ge @!p0 [sflag:s3], $0x2  }
0x1d8: {  	s19 =	rddreg [dreg:$0x4];
	[sflag:s3] =	ssyncset.done @!p0 $0x0  }
0x1d9: {  	s1 =	simm.s32 $0x3;
	s20 =	rddreg [dreg:$0x17];
	[sflag:s3] =	ssyncadd.s32 @!p0 $0xFFFFFFFE  }
0x1da: {  	[spmem:s20], [sflag:s28] =	dma.local [hbm:s19], $0x500  }
0x1db: {  	_ =	swait.ge [sflag:s1], $0x500  }
0x1dc: {  	[sflag:s1] =	ssyncset.done $0x0;
	s21 =	rddreg [dreg:$0x5]  }
0x1dd: {  	s22 =	rddreg [dreg:$0x18];
	[sflag:s1] =	ssyncadd.s32 $0xFFFFFB00  }
0x1de: {  	[spmem:s22], [sflag:s28] =	dma.local [hbm:s21], $0x500  }
0x1df: {  	_ =	swait.ge [sflag:s1], $0x500  }
0x1e0: {  	[sflag:s1] =	ssyncset.done $0x0  }
0x1e1: {  	[sflag:s1] =	ssyncadd.s32 $0xFFFFFB00  }
0x1e2: {  	[bflag:$0x0] =	sbarrier.arrive $0xFFFF  }
0x1e3: {  	s24 =	simm.s32 $0x5000;
	s25 =	simm.s32 $0x0;
	s23 =	rddreg [dreg:$0x6]  }
0x1e4: {  	[tilespmem:s24], [sflag:$0x3] =	stream.linear.gather [hbm4b:s23+s25], $0x800, $0x38;
	[tilespmem:$0x17000] =	vst v63  }
0x1e5: {  	_ =	swait.ge [sflag:s1], $0x800  }
0x1e6: {  	[sflag:s1] =	ssyncset.done $0x0  }
0x1e7: {  	s31 =	simm.s32 $0x6000;
	s26 =	rddreg [dreg:$0x7];
	[sflag:s1] =	ssyncadd.s32 $0xFFFFF800  }
0x1e8: {  	[tilespmem:s31], [sflag:$0x3] =	stream.linear.gather [hbm4b:s26+s25], $0x800, $0x38;
	[tilespmem:$0x17000] =	vst v63  }
0x1e9: {  	_ =	swait.ge [sflag:s1], $0x800  }
0x1ea: {  	[sflag:s1] =	ssyncset.done $0x0  }
0x1eb: {  	s7 =	simm.s32 $0x5000;
	s6 =	simm.s32 $0x7000;
	[sflag:s1] =	ssyncadd.s32 $0xFFFFF800  }
0x1ec: {  	[tilespmem:s6], [sflag:$0x1] =	stream.indirect.gather [spmem:s2], $0x10, s7, s8, $0xb8;
	[tilespmem:$0x17000] =	vst v63  }
0x1ed: {  	s4 =	simm.s32 $0x5080;
	s5 =	simm.s32 $0x7800  }
0x1ee: {  	[tilespmem:s5], [sflag:$0x1] =	stream.indirect.gather [spmem:s2], $0x10, s4, s8, $0xb8;
	[tilespmem:$0x17000] =	vst v63  }
0x1ef: {  	s9 =	simm.s32 $0x8000;
	s6 =	simm.s32 $0x5100  }
0x1f0: {  	[tilespmem:s9], [sflag:$0x1] =	stream.indirect.gather [spmem:s2], $0x10, s6, s8, $0xb8;
	[tilespmem:$0x17000] =	vst v63  }
0x1f1: {  	s10 =	simm.s32 $0x5180;
	s11 =	simm.s32 $0x8800  }
0x1f2: {  	[tilespmem:s11], [sflag:$0x1] =	stream.indirect.gather [spmem:s2], $0x10, s10, s8, $0xb8;
	[tilespmem:$0x17000] =	vst v63  }
0x1f3: {  	s12 =	simm.s32 $0x5200;
	s13 =	simm.s32 $0x9000  }
0x1f4: {  	[tilespmem:s13], [sflag:$0x1] =	stream.indirect.gather [spmem:s2], $0x10, s12, s8, $0xb8;
	[tilespmem:$0x17000] =	vst v63  }
0x1f5: {  	s14 =	simm.s32 $0x5280;
	s15 =	simm.s32 $0x9800  }
0x1f6: {  	[tilespmem:s15], [sflag:$0x1] =	stream.indirect.gather [spmem:s2], $0x10, s14, s8, $0xb8;
	[tilespmem:$0x17000] =	vst v63  }
0x1f7: {  	s17 =	simm.s32 $0x5300;
	s19 =	simm.s32 $0xA000  }
0x1f8: {  	[tilespmem:s19], [sflag:$0x1] =	stream.indirect.gather [spmem:s2], $0x10, s17, s8, $0xb8;
	[tilespmem:$0x17000] =	vst v63  }
0x1f9: {  	s20 =	simm.s32 $0x5380;
	s21 =	simm.s32 $0xA800  }
0x1fa: {  	[tilespmem:s21], [sflag:$0x1] =	stream.indirect.gather [spmem:s2], $0x10, s20, s8, $0xb8;
	[tilespmem:$0x17000] =	vst v63  }
0x1fb: {  	s22 =	simm.s32 $0x5400;
	s23 =	simm.s32 $0xB000  }
0x1fc: {  	[tilespmem:s23], [sflag:$0x1] =	stream.indirect.gather [spmem:s2], $0x10, s22, s8, $0xb8;
	[tilespmem:$0x17000] =	vst v63  }
0x1fd: {  	s25 =	simm.s32 $0x5480;
	s26 =	simm.s32 $0xB800  }
0x1fe: {  	[tilespmem:s26], [sflag:$0x1] =	stream.indirect.gather [spmem:s2], $0x10, s25, s8, $0xb8;
	[tilespmem:$0x17000] =	vst v63  }
0x1ff: {  	s29 =	simm.s32 $0x5500;
	s31 =	simm.s32 $0xC000  }
0x200: {  	[tilespmem:s31], [sflag:$0x1] =	stream.indirect.gather [spmem:s2], $0x10, s29, s8, $0xb8;
	[tilespmem:$0x17000] =	vst v63  }
0x201: {  	s6 =	simm.s32 $0x5580;
	s14 =	simm.s32 $0xC800  }
0x202: {  	[tilespmem:s14], [sflag:$0x1] =	stream.indirect.gather [spmem:s2], $0x10, s6, s8, $0xb8;
	[tilespmem:$0x17000] =	vst v63  }
0x203: {  	s17 =	simm.s32 $0x5600;
	s21 =	simm.s32 $0xD000  }
0x204: {  	[tilespmem:s21], [sflag:$0x1] =	stream.indirect.gather [spmem:s2], $0x10, s17, s8, $0xb8;
	[tilespmem:$0x17000] =	vst v63  }
0x205: {  	s22 =	simm.s32 $0x5680;
	s23 =	simm.s32 $0xD800  }
0x206: {  	[tilespmem:s23], [sflag:$0x1] =	stream.indirect.gather [spmem:s2], $0x10, s22, s8, $0xb8;
	[tilespmem:$0x17000] =	vst v63  }
0x207: {  	s25 =	simm.s32 $0x5700;
	s29 =	simm.s32 $0xE000  }
0x208: {  	[tilespmem:s29], [sflag:$0x1] =	stream.indirect.gather [spmem:s2], $0x10, s25, s8, $0xb8;
	[tilespmem:$0x17000] =	vst v63  }
0x209: {  	s31 =	simm.s32 $0xE800;
	s14 =	simm.s32 $0x5780;
	s17 =	simm.s32 $0x1  }
0x20a: {  	[tilespmem:s31], [sflag:$0x1] =	stream.indirect.gather [spmem:s2], $0x10, s14, s8, $0xb8;
	[tilespmem:$0x17000] =	vst v63  }
0x20b: {  	_ =	swait.ge [sflag:s17], $0x8000  }
0x20c: {  	[sflag:s17] =	ssyncset.done $0x0  }
0x20d: {  	s3 =	simm.s32 $0x6000;
	s7 =	simm.s32 $0x7000;
	[sflag:s17] =	ssyncadd.s32 $0xFFFF8000  }
0x20e: {  	[spmem:s30] =	stream.indirect.scatter.add.f32 [tilespmem:s7], [sflag:$0x2], $0x10, s3, s8, $0xb8;
	[tilespmem:$0x17000] =	vst v63  }
0x20f: {  	s4 =	simm.s32 $0x7800;
	s22 =	simm.s32 $0x6080  }
0x210: {  	[spmem:s30] =	stream.indirect.scatter.add.f32 [tilespmem:s4], [sflag:$0x2], $0x10, s22, s8, $0xb8;
	[tilespmem:$0x17000] =	vst v63  }
0x211: {  	s5 =	simm.s32 $0x8000;
	s25 =	simm.s32 $0x6100  }
0x212: {  	[spmem:s30] =	stream.indirect.scatter.add.f32 [tilespmem:s5], [sflag:$0x2], $0x10, s25, s8, $0xb8;
	[tilespmem:$0x17000] =	vst v63  }
0x213: {  	s9 =	simm.s32 $0x8800;
	s29 =	simm.s32 $0x6180  }
0x214: {  	[spmem:s30] =	stream.indirect.scatter.add.f32 [tilespmem:s9], [sflag:$0x2], $0x10, s29, s8, $0xb8;
	[tilespmem:$0x17000] =	vst v63  }
0x215: {  	s10 =	simm.s32 $0x9000;
	s31 =	simm.s32 $0x6200  }
0x216: {  	[spmem:s30] =	stream.indirect.scatter.add.f32 [tilespmem:s10], [sflag:$0x2], $0x10, s31, s8, $0xb8;
	[tilespmem:$0x17000] =	vst v63  }
0x217: {  	s11 =	simm.s32 $0x9800;
	s4 =	simm.s32 $0x6280  }
0x218: {  	[spmem:s30] =	stream.indirect.scatter.add.f32 [tilespmem:s11], [sflag:$0x2], $0x10, s4, s8, $0xb8;
	[tilespmem:$0x17000] =	vst v63  }
0x219: {  	s12 =	simm.s32 $0xA000;
	s5 =	simm.s32 $0x6300  }
0x21a: {  	[spmem:s30] =	stream.indirect.scatter.add.f32 [tilespmem:s12], [sflag:$0x2], $0x10, s5, s8, $0xb8;
	[tilespmem:$0x17000] =	vst v63  }
0x21b: {  	s13 =	simm.s32 $0xA800;
	s7 =	simm.s32 $0x6380  }
0x21c: {  	[spmem:s30] =	stream.indirect.scatter.add.f32 [tilespmem:s13], [sflag:$0x2], $0x10, s7, s8, $0xb8;
	[tilespmem:$0x17000] =	vst v63  }
0x21d: {  	s15 =	simm.s32 $0xB000;
	s9 =	simm.s32 $0x6400  }
0x21e: {  	[spmem:s30] =	stream.indirect.scatter.add.f32 [tilespmem:s15], [sflag:$0x2], $0x10, s9, s8, $0xb8;
	[tilespmem:$0x17000] =	vst v63  }
0x21f: {  	s19 =	simm.s32 $0xB800;
	s10 =	simm.s32 $0x6480  }
0x220: {  	[spmem:s30] =	stream.indirect.scatter.add.f32 [tilespmem:s19], [sflag:$0x2], $0x10, s10, s8, $0xb8;
	[tilespmem:$0x17000] =	vst v63  }
0x221: {  	s20 =	simm.s32 $0xC000;
	s11 =	simm.s32 $0x6500  }
0x222: {  	[spmem:s30] =	stream.indirect.scatter.add.f32 [tilespmem:s20], [sflag:$0x2], $0x10, s11, s8, $0xb8;
	[tilespmem:$0x17000] =	vst v63  }
0x223: {  	s26 =	simm.s32 $0xC800;
	s12 =	simm.s32 $0x6580  }
0x224: {  	[spmem:s30] =	stream.indirect.scatter.add.f32 [tilespmem:s26], [sflag:$0x2], $0x10, s12, s8, $0xb8;
	[tilespmem:$0x17000] =	vst v63  }
0x225: {  	s21 =	simm.s32 $0xD000;
	s13 =	simm.s32 $0x6600  }
0x226: {  	[spmem:s30] =	stream.indirect.scatter.add.f32 [tilespmem:s21], [sflag:$0x2], $0x10, s13, s8, $0xb8;
	[tilespmem:$0x17000] =	vst v63  }
0x227: {  	s23 =	simm.s32 $0xD800;
	s14 =	simm.s32 $0x6680  }
0x228: {  	[spmem:s30] =	stream.indirect.scatter.add.f32 [tilespmem:s23], [sflag:$0x2], $0x10, s14, s8, $0xb8;
	[tilespmem:$0x17000] =	vst v63  }
0x229: {  	p1 =	sne.s32 s0, $0x0;
	s0 =	simm.s32 $0xE000;
	s17 =	simm.s32 $0x6700  }
0x22a: {  	[spmem:s30] =	stream.indirect.scatter.add.f32 [tilespmem:s0], [sflag:$0x2], $0x10, s17, s8, $0xb8;
	[tilespmem:$0x17000] =	vst v63  }
0x22b: {  	s6 =	simm.s32 $0xE800;
	s19 =	simm.s32 $0x6780  }
0x22c: {  	[spmem:s30] =	stream.indirect.scatter.add.f32 [tilespmem:s6], [sflag:$0x2], $0x10, s19, s8, $0xb8;
	[tilespmem:$0x17000] =	vst v63  }
0x22d: {  	s15 =	rddreg [dreg:$0x8];
	s20 =	simm.s32 $0x0;
	s19 =	simm.s32 $0x5800  }
0x22e: {  	[tilespmem:s19], [sflag:$0x3] =	stream.linear.gather [hbm4b:s15+s20], $0x800, $0x38;
	[tilespmem:$0x17000] =	vst v63  }
0x22f: {  	_ =	swait.ge [sflag:s1], $0x800  }
0x230: {  	[sflag:s1] =	ssyncset.done $0x0  }
0x231: {  	s22 =	simm.s32 $0x6800;
	s21 =	rddreg [dreg:$0x9];
	[sflag:s1] =	ssyncadd.s32 $0xFFFFF800  }
0x232: {  	[tilespmem:s22], [sflag:$0x3] =	stream.linear.gather [hbm4b:s21+s20], $0x800, $0x38;
	[tilespmem:$0x17000] =	vst v63  }
0x233: {  	_ =	swait.ge [sflag:s1], $0x800  }
0x234: {  	[sflag:s1] =	ssyncset.done $0x0  }
0x235: {  	s23 =	simm.s32 $0xF000;
	[sflag:s1] =	ssyncadd.s32 $0xFFFFF800  }
0x236: {  	[tilespmem:s23], [sflag:$0x1] =	stream.indirect.gather [spmem:s2], $0x10, s19, s8, $0xb8;
	[tilespmem:$0x17000] =	vst v63  }
0x237: {  	s25 =	simm.s32 $0x5880;
	s26 =	simm.s32 $0xF800  }
0x238: {  	[tilespmem:s26], [sflag:$0x1] =	stream.indirect.gather [spmem:s2], $0x10, s25, s8, $0xb8;
	[tilespmem:$0x17000] =	vst v63  }
0x239: {  	s29 =	simm.s32 $0x5900;
	s31 =	simm.s32 $0x10000  }
0x23a: {  	[tilespmem:s31], [sflag:$0x1] =	stream.indirect.gather [spmem:s2], $0x10, s29, s8, $0xb8;
	[tilespmem:$0x17000] =	vst v63  }
0x23b: {  	s3 =	simm.s32 $0x5980;
	s5 =	simm.s32 $0x10800  }
0x23c: {  	[tilespmem:s5], [sflag:$0x1] =	stream.indirect.gather [spmem:s2], $0x10, s3, s8, $0xb8;
	[tilespmem:$0x17000] =	vst v63  }
0x23d: {  	s6 =	simm.s32 $0x5A00;
	s23 =	simm.s32 $0x11000  }
0x23e: {  	[tilespmem:s23], [sflag:$0x1] =	stream.indirect.gather [spmem:s2], $0x10, s6, s8, $0xb8;
	[tilespmem:$0x17000] =	vst v63  }
0x23f: {  	s11 =	simm.s32 $0x5A80;
	s12 =	simm.s32 $0x11800  }
0x240: {  	[tilespmem:s12], [sflag:$0x1] =	stream.indirect.gather [spmem:s2], $0x10, s11, s8, $0xb8;
	[tilespmem:$0x17000] =	vst v63  }
0x241: {  	s13 =	simm.s32 $0x5B00;
	s15 =	simm.s32 $0x12000  }
0x242: {  	[tilespmem:s15], [sflag:$0x1] =	stream.indirect.gather [spmem:s2], $0x10, s13, s8, $0xb8;
	[tilespmem:$0x17000] =	vst v63  }
0x243: {  	s17 =	simm.s32 $0x5B80;
	s21 =	simm.s32 $0x12800  }
0x244: {  	[tilespmem:s21], [sflag:$0x1] =	stream.indirect.gather [spmem:s2], $0x10, s17, s8, $0xb8;
	[tilespmem:$0x17000] =	vst v63  }
0x245: {  	s22 =	simm.s32 $0x5C00;
	s25 =	simm.s32 $0x13000  }
0x246: {  	[tilespmem:s25], [sflag:$0x1] =	stream.indirect.gather [spmem:s2], $0x10, s22, s8, $0xb8;
	[tilespmem:$0x17000] =	vst v63  }
0x247: {  	s29 =	simm.s32 $0x5C80;
	s31 =	simm.s32 $0x13800  }
0x248: {  	[tilespmem:s31], [sflag:$0x1] =	stream.indirect.gather [spmem:s2], $0x10, s29, s8, $0xb8;
	[tilespmem:$0x17000] =	vst v63  }
0x249: {  	s3 =	simm.s32 $0x5D00;
	s5 =	simm.s32 $0x14000  }
0x24a: {  	[tilespmem:s5], [sflag:$0x1] =	stream.indirect.gather [spmem:s2], $0x10, s3, s8, $0xb8;
	[tilespmem:$0x17000] =	vst v63  }
0x24b: {  	s6 =	simm.s32 $0x5D80;
	s17 =	simm.s32 $0x14800  }
0x24c: {  	[tilespmem:s17], [sflag:$0x1] =	stream.indirect.gather [spmem:s2], $0x10, s6, s8, $0xb8;
	[tilespmem:$0x17000] =	vst v63  }
0x24d: {  	s21 =	simm.s32 $0x5E00;
	s29 =	simm.s32 $0x15000  }
0x24e: {  	[tilespmem:s29], [sflag:$0x1] =	stream.indirect.gather [spmem:s2], $0x10, s21, s8, $0xb8;
	[tilespmem:$0x17000] =	vst v63  }
0x24f: {  	s31 =	simm.s32 $0x5E80;
	s21 =	simm.s32 $0x15800  }
0x250: {  	[tilespmem:s21], [sflag:$0x1] =	stream.indirect.gather [spmem:s2], $0x10, s31, s8, $0xb8;
	[tilespmem:$0x17000] =	vst v63  }
0x251: {  	s3 =	simm.s32 $0x5F00;
	s5 =	simm.s32 $0x16000  }
0x252: {  	[tilespmem:s5], [sflag:$0x1] =	stream.indirect.gather [spmem:s2], $0x10, s3, s8, $0xb8;
	[tilespmem:$0x17000] =	vst v63  }
0x253: {  	s29 =	simm.s32 $0x5F80;
	s31 =	simm.s32 $0x16800  }
0x254: {  	[tilespmem:s31], [sflag:$0x1] =	stream.indirect.gather [spmem:s2], $0x10, s29, s8, $0xb8;
	[tilespmem:$0x17000] =	vst v63  }
0x255: {  	s31 =	simm.s32 $0x2  }
0x256: {  	_ =	swait.ge [sflag:s31], $0x8000  }
0x257: {  	[sflag:s31] =	ssyncset.done $0x0  }
0x258: {  	s29 =	simm.s32 $0x1;
	[sflag:s31] =	ssyncadd.s32 $0xFFFF8000  }
0x259: {  	_ =	swait.ge [sflag:s29], $0x8000  }
0x25a: {  	[sflag:s29] =	ssyncset.done $0x0  }
0x25b: {  	s7 =	simm.s32 $0xF000;
	s0 =	simm.s32 $0x6800;
	[sflag:s29] =	ssyncadd.s32 $0xFFFF8000  }
0x25c: {  	[spmem:s30] =	stream.indirect.scatter.add.f32 [tilespmem:s7], [sflag:$0x2], $0x10, s0, s8, $0xb8;
	[tilespmem:$0x17000] =	vst v63  }
0x25d: {  	s29 =	simm.s32 $0x6880  }
0x25e: {  	[spmem:s30] =	stream.indirect.scatter.add.f32 [tilespmem:s26], [sflag:$0x2], $0x10, s29, s8, $0xb8;
	[tilespmem:$0x17000] =	vst v63  }
0x25f: {  	s4 =	simm.s32 $0x6900;
	s9 =	simm.s32 $0x10000  }
0x260: {  	[spmem:s30] =	stream.indirect.scatter.add.f32 [tilespmem:s9], [sflag:$0x2], $0x10, s4, s8, $0xb8;
	[tilespmem:$0x17000] =	vst v63  }
0x261: {  	s10 =	simm.s32 $0x10800;
	s7 =	simm.s32 $0x6980  }
0x262: {  	[spmem:s30] =	stream.indirect.scatter.add.f32 [tilespmem:s10], [sflag:$0x2], $0x10, s7, s8, $0xb8;
	[tilespmem:$0x17000] =	vst v63  }
0x263: {  	s9 =	simm.s32 $0x6A00  }
0x264: {  	[spmem:s30] =	stream.indirect.scatter.add.f32 [tilespmem:s23], [sflag:$0x2], $0x10, s9, s8, $0xb8;
	[tilespmem:$0x17000] =	vst v63  }
0x265: {  	s11 =	simm.s32 $0x11800;
	s10 =	simm.s32 $0x6A80  }
0x266: {  	[spmem:s30] =	stream.indirect.scatter.add.f32 [tilespmem:s11], [sflag:$0x2], $0x10, s10, s8, $0xb8;
	[tilespmem:$0x17000] =	vst v63  }
0x267: {  	s12 =	simm.s32 $0x12000;
	s11 =	simm.s32 $0x6B00  }
0x268: {  	[spmem:s30] =	stream.indirect.scatter.add.f32 [tilespmem:s12], [sflag:$0x2], $0x10, s11, s8, $0xb8;
	[tilespmem:$0x17000] =	vst v63  }
0x269: {  	s13 =	simm.s32 $0x12800;
	s12 =	simm.s32 $0x6B80  }
0x26a: {  	[spmem:s30] =	stream.indirect.scatter.add.f32 [tilespmem:s13], [sflag:$0x2], $0x10, s12, s8, $0xb8;
	[tilespmem:$0x17000] =	vst v63  }
0x26b: {  	s15 =	simm.s32 $0x13000;
	s13 =	simm.s32 $0x6C00  }
0x26c: {  	[spmem:s30] =	stream.indirect.scatter.add.f32 [tilespmem:s15], [sflag:$0x2], $0x10, s13, s8, $0xb8;
	[tilespmem:$0x17000] =	vst v63  }
0x26d: {  	s22 =	simm.s32 $0x13800;
	s15 =	simm.s32 $0x6C80  }
0x26e: {  	[spmem:s30] =	stream.indirect.scatter.add.f32 [tilespmem:s22], [sflag:$0x2], $0x10, s15, s8, $0xb8;
	[tilespmem:$0x17000] =	vst v63  }
0x26f: {  	s25 =	simm.s32 $0x14000;
	s22 =	simm.s32 $0x6D00  }
0x270: {  	[spmem:s30] =	stream.indirect.scatter.add.f32 [tilespmem:s25], [sflag:$0x2], $0x10, s22, s8, $0xb8;
	[tilespmem:$0x17000] =	vst v63  }
0x271: {  	s6 =	simm.s32 $0x14800;
	s29 =	simm.s32 $0x6D80  }
0x272: {  	[spmem:s30] =	stream.indirect.scatter.add.f32 [tilespmem:s6], [sflag:$0x2], $0x10, s29, s8, $0xb8;
	[tilespmem:$0x17000] =	vst v63  }
0x273: {  	s17 =	simm.s32 $0x15000;
	s4 =	simm.s32 $0x6E00  }
0x274: {  	[spmem:s30] =	stream.indirect.scatter.add.f32 [tilespmem:s17], [sflag:$0x2], $0x10, s4, s8, $0xb8;
	[tilespmem:$0x17000] =	vst v63  }
0x275: {  	s6 =	simm.s32 $0x6E80  }
0x276: {  	[spmem:s30] =	stream.indirect.scatter.add.f32 [tilespmem:s21], [sflag:$0x2], $0x10, s6, s8, $0xb8;
	[tilespmem:$0x17000] =	vst v63  }
0x277: {  	s5 =	simm.s32 $0x16000;
	s9 =	simm.s32 $0x6F00  }
0x278: {  	[spmem:s30] =	stream.indirect.scatter.add.f32 [tilespmem:s5], [sflag:$0x2], $0x10, s9, s8, $0xb8;
	[tilespmem:$0x17000] =	vst v63  }
0x279: {  	s3 =	simm.s32 $0x16800;
	s10 =	simm.s32 $0x6F80  }
0x27a: {  	[spmem:s30] =	stream.indirect.scatter.add.f32 [tilespmem:s3], [sflag:$0x2], $0x10, s10, s8, $0xb8;
	[tilespmem:$0x17000] =	vst v63  }
0x27b: {  	s20 =	simm.s32 $0x0;
	s7 =	rddreg [dreg:$0xa];
	s11 =	simm.s32 $0x5000  }
0x27c: {  	[tilespmem:s11], [sflag:$0x3] =	stream.linear.gather [hbm4b:s7+s20], $0x800, $0x38;
	[tilespmem:$0x17000] =	vst v63  }
0x27d: {  	_ =	swait.ge [sflag:s1], $0x800  }
0x27e: {  	[sflag:s1] =	ssyncset.done $0x0  }
0x27f: {  	s6 =	simm.s32 $0x6000;
	s12 =	rddreg [dreg:$0xb];
	[sflag:s1] =	ssyncadd.s32 $0xFFFFF800  }
0x280: {  	[tilespmem:s6], [sflag:$0x3] =	stream.linear.gather [hbm4b:s12+s20], $0x800, $0x38;
	[tilespmem:$0x17000] =	vst v63  }
0x281: {  	_ =	swait.ge [sflag:s1], $0x800  }
0x282: {  	[sflag:s1] =	ssyncset.done $0x0  }
0x283: {  	s29 =	simm.s32 $0x7000;
	[sflag:s1] =	ssyncadd.s32 $0xFFFFF800  }
0x284: {  	[tilespmem:s29], [sflag:$0x1] =	stream.indirect.gather [spmem:s2], $0x10, s11, s8, $0xb8;
	[tilespmem:$0x17000] =	vst v63  }
0x285: {  	s16 =	simm.s32 $0x5080;
	s22 =	simm.s32 $0x7800  }
0x286: {  	[tilespmem:s22], [sflag:$0x1] =	stream.indirect.gather [spmem:s2], $0x10, s16, s8, $0xb8;
	[tilespmem:$0x17000] =	vst v63  }
0x287: {  	s18 =	simm.s32 $0x5100;
	s0 =	simm.s32 $0x8000  }
0x288: {  	[tilespmem:s0], [sflag:$0x1] =	stream.indirect.gather [spmem:s2], $0x10, s18, s8, $0xb8;
	[tilespmem:$0x17000] =	vst v63  }
0x289: {  	s24 =	simm.s32 $0x5180;
	s18 =	simm.s32 $0x8800  }
0x28a: {  	[tilespmem:s18], [sflag:$0x1] =	stream.indirect.gather [spmem:s2], $0x10, s24, s8, $0xb8;
	[tilespmem:$0x17000] =	vst v63  }
0x28b: {  	s13 =	simm.s32 $0x5200;
	s24 =	simm.s32 $0x9000  }
0x28c: {  	[tilespmem:s24], [sflag:$0x1] =	stream.indirect.gather [spmem:s2], $0x10, s13, s8, $0xb8;
	[tilespmem:$0x17000] =	vst v63  }
0x28d: {  	s15 =	simm.s32 $0x5280;
	s5 =	simm.s32 $0x9800  }
0x28e: {  	[tilespmem:s5], [sflag:$0x1] =	stream.indirect.gather [spmem:s2], $0x10, s15, s8, $0xb8;
	[tilespmem:$0x17000] =	vst v63  }
0x28f: {  	s9 =	simm.s32 $0xA000;
	s16 =	simm.s32 $0x5300  }
0x290: {  	[tilespmem:s9], [sflag:$0x1] =	stream.indirect.gather [spmem:s2], $0x10, s16, s8, $0xb8;
	[tilespmem:$0x17000] =	vst v63  }
0x291: {  	s17 =	simm.s32 $0x5380;
	s10 =	simm.s32 $0xA800  }
0x292: {  	[tilespmem:s10], [sflag:$0x1] =	stream.indirect.gather [spmem:s2], $0x10, s17, s8, $0xb8;
	[tilespmem:$0x17000] =	vst v63  }
0x293: {  	s25 =	simm.s32 $0x5400;
	s11 =	simm.s32 $0xB000  }
0x294: {  	[tilespmem:s11], [sflag:$0x1] =	stream.indirect.gather [spmem:s2], $0x10, s25, s8, $0xb8;
	[tilespmem:$0x17000] =	vst v63  }
0x295: {  	s4 =	simm.s32 $0x5480;
	s12 =	simm.s32 $0xB800  }
0x296: {  	[tilespmem:s12], [sflag:$0x1] =	stream.indirect.gather [spmem:s2], $0x10, s4, s8, $0xb8;
	[tilespmem:$0x17000] =	vst v63  }
0x297: {  	s7 =	simm.s32 $0x5500;
	s13 =	simm.s32 $0xC000  }
0x298: {  	[tilespmem:s13], [sflag:$0x1] =	stream.indirect.gather [spmem:s2], $0x10, s7, s8, $0xb8;
	[tilespmem:$0x17000] =	vst v63  }
0x299: {  	s15 =	simm.s32 $0x5580;
	s25 =	simm.s32 $0xC800  }
0x29a: {  	[tilespmem:s25], [sflag:$0x1] =	stream.indirect.gather [spmem:s2], $0x10, s15, s8, $0xb8;
	[tilespmem:$0x17000] =	vst v63  }
0x29b: {  	s16 =	simm.s32 $0x5600;
	s15 =	simm.s32 $0xD000  }
0x29c: {  	[tilespmem:s15], [sflag:$0x1] =	stream.indirect.gather [spmem:s2], $0x10, s16, s8, $0xb8;
	[tilespmem:$0x17000] =	vst v63  }
0x29d: {  	s17 =	simm.s32 $0x5680;
	s16 =	simm.s32 $0xD800  }
0x29e: {  	[tilespmem:s16], [sflag:$0x1] =	stream.indirect.gather [spmem:s2], $0x10, s17, s8, $0xb8;
	[tilespmem:$0x17000] =	vst v63  }
0x29f: {  	s3 =	simm.s32 $0xE000;
	s4 =	simm.s32 $0x5700  }
0x2a0: {  	[tilespmem:s3], [sflag:$0x1] =	stream.indirect.gather [spmem:s2], $0x10, s4, s8, $0xb8;
	[tilespmem:$0x17000] =	vst v63  }
0x2a1: {  	s7 =	simm.s32 $0x5780;
	s17 =	simm.s32 $0xE800  }
0x2a2: {  	[tilespmem:s17], [sflag:$0x1] =	stream.indirect.gather [spmem:s2], $0x10, s7, s8, $0xb8;
	[tilespmem:$0x17000] =	vst v63  }
0x2a3: {  	_ =	swait.ge [sflag:s31], $0x8000  }
0x2a4: {  	[sflag:s31] =	ssyncset.done $0x0  }
0x2a5: {  	s7 =	simm.s32 $0x1;
	[sflag:s31] =	ssyncadd.s32 $0xFFFF8000  }
0x2a6: {  	_ =	swait.ge [sflag:s7], $0x8000  }
0x2a7: {  	[sflag:s7] =	ssyncset.done $0x0  }
0x2a8: {  	[sflag:s7] =	ssyncadd.s32 $0xFFFF8000  }
0x2a9: {  	[spmem:s30] =	stream.indirect.scatter.add.f32 [tilespmem:s29], [sflag:$0x2], $0x10, s6, s8, $0xb8;
	[tilespmem:$0x17000] =	vst v63  }
0x2aa: {  	s7 =	simm.s32 $0x6080  }
0x2ab: {  	[spmem:s30] =	stream.indirect.scatter.add.f32 [tilespmem:s22], [sflag:$0x2], $0x10, s7, s8, $0xb8;
	[tilespmem:$0x17000] =	vst v63  }
0x2ac: {  	s22 =	simm.s32 $0x6100  }
0x2ad: {  	[spmem:s30] =	stream.indirect.scatter.add.f32 [tilespmem:s0], [sflag:$0x2], $0x10, s22, s8, $0xb8;
	[tilespmem:$0x17000] =	vst v63  }
0x2ae: {  	s0 =	simm.s32 $0x6180  }
0x2af: {  	[spmem:s30] =	stream.indirect.scatter.add.f32 [tilespmem:s18], [sflag:$0x2], $0x10, s0, s8, $0xb8;
	[tilespmem:$0x17000] =	vst v63  }
0x2b0: {  	s4 =	simm.s32 $0x6200  }
0x2b1: {  	[spmem:s30] =	stream.indirect.scatter.add.f32 [tilespmem:s24], [sflag:$0x2], $0x10, s4, s8, $0xb8;
	[tilespmem:$0x17000] =	vst v63  }
0x2b2: {  	s6 =	simm.s32 $0x6280  }
0x2b3: {  	[spmem:s30] =	stream.indirect.scatter.add.f32 [tilespmem:s5], [sflag:$0x2], $0x10, s6, s8, $0xb8;
	[tilespmem:$0x17000] =	vst v63  }
0x2b4: {  	s7 =	simm.s32 $0x6300  }
0x2b5: {  	[spmem:s30] =	stream.indirect.scatter.add.f32 [tilespmem:s9], [sflag:$0x2], $0x10, s7, s8, $0xb8;
	[tilespmem:$0x17000] =	vst v63  }
0x2b6: {  	s9 =	simm.s32 $0x6380  }
0x2b7: {  	[spmem:s30] =	stream.indirect.scatter.add.f32 [tilespmem:s10], [sflag:$0x2], $0x10, s9, s8, $0xb8;
	[tilespmem:$0x17000] =	vst v63  }
0x2b8: {  	s18 =	simm.s32 $0x6400  }
0x2b9: {  	[spmem:s30] =	stream.indirect.scatter.add.f32 [tilespmem:s11], [sflag:$0x2], $0x10, s18, s8, $0xb8;
	[tilespmem:$0x17000] =	vst v63  }
0x2ba: {  	s24 =	simm.s32 $0x6480  }
0x2bb: {  	[spmem:s30] =	stream.indirect.scatter.add.f32 [tilespmem:s12], [sflag:$0x2], $0x10, s24, s8, $0xb8;
	[tilespmem:$0x17000] =	vst v63  }
0x2bc: {  	s0 =	simm.s32 $0x6500  }
0x2bd: {  	[spmem:s30] =	stream.indirect.scatter.add.f32 [tilespmem:s13], [sflag:$0x2], $0x10, s0, s8, $0xb8;
	[tilespmem:$0x17000] =	vst v63  }
0x2be: {  	s4 =	simm.s32 $0x6580  }
0x2bf: {  	[spmem:s30] =	stream.indirect.scatter.add.f32 [tilespmem:s25], [sflag:$0x2], $0x10, s4, s8, $0xb8;
	[tilespmem:$0x17000] =	vst v63  }
0x2c0: {  	s5 =	simm.s32 $0x6600  }
0x2c1: {  	[spmem:s30] =	stream.indirect.scatter.add.f32 [tilespmem:s15], [sflag:$0x2], $0x10, s5, s8, $0xb8;
	[tilespmem:$0x17000] =	vst v63  }
0x2c2: {  	s6 =	simm.s32 $0x6680  }
0x2c3: {  	[spmem:s30] =	stream.indirect.scatter.add.f32 [tilespmem:s16], [sflag:$0x2], $0x10, s6, s8, $0xb8;
	[tilespmem:$0x17000] =	vst v63  }
0x2c4: {  	s24 =	simm.s32 $0x6700  }
0x2c5: {  	[spmem:s30] =	stream.indirect.scatter.add.f32 [tilespmem:s3], [sflag:$0x2], $0x10, s24, s8, $0xb8;
	[tilespmem:$0x17000] =	vst v63  }
0x2c6: {  	s25 =	simm.s32 $0x6780  }
0x2c7: {  	[spmem:s30] =	stream.indirect.scatter.add.f32 [tilespmem:s17], [sflag:$0x2], $0x10, s25, s8, $0xb8;
	[tilespmem:$0x17000] =	vst v63  }
0x2c8: {  	s7 =	rddreg [dreg:$0xc]  }
0x2c9: {  	[tilespmem:s19], [sflag:$0x3] =	stream.linear.gather [hbm4b:s7+s20], $0x800, $0x38;
	[tilespmem:$0x17000] =	vst v63  }
0x2ca: {  	_ =	swait.ge [sflag:s1], $0x800  }
0x2cb: {  	[sflag:s1] =	ssyncset.done $0x0  }
0x2cc: {  	s15 =	simm.s32 $0x6800;
	s9 =	rddreg [dreg:$0xd];
	[sflag:s1] =	ssyncadd.s32 $0xFFFFF800  }
0x2cd: {  	[tilespmem:s15], [sflag:$0x3] =	stream.linear.gather [hbm4b:s9+s20], $0x800, $0x38;
	[tilespmem:$0x17000] =	vst v63  }
0x2ce: {  	_ =	swait.ge [sflag:s1], $0x800  }
0x2cf: {  	[sflag:s1] =	ssyncset.done $0x0  }
0x2d0: {  	s0 =	simm.s32 $0xF000;
	[sflag:s1] =	ssyncadd.s32 $0xFFFFF800  }
0x2d1: {  	[tilespmem:s0], [sflag:$0x1] =	stream.indirect.gather [spmem:s2], $0x10, s19, s8, $0xb8;
	[tilespmem:$0x17000] =	vst v63  }
0x2d2: {  	s14 =	simm.s32 $0x5880  }
0x2d3: {  	[tilespmem:s26], [sflag:$0x1] =	stream.indirect.gather [spmem:s2], $0x10, s14, s8, $0xb8;
	[tilespmem:$0x17000] =	vst v63  }
0x2d4: {  	s10 =	simm.s32 $0x5900;
	s4 =	simm.s32 $0x10000  }
0x2d5: {  	[tilespmem:s4], [sflag:$0x1] =	stream.indirect.gather [spmem:s2], $0x10, s10, s8, $0xb8;
	[tilespmem:$0x17000] =	vst v63  }
0x2d6: {  	s11 =	simm.s32 $0x5980;
	s5 =	simm.s32 $0x10800  }
0x2d7: {  	[tilespmem:s5], [sflag:$0x1] =	stream.indirect.gather [spmem:s2], $0x10, s11, s8, $0xb8;
	[tilespmem:$0x17000] =	vst v63  }
0x2d8: {  	s12 =	simm.s32 $0x5A00  }
0x2d9: {  	[tilespmem:s23], [sflag:$0x1] =	stream.indirect.gather [spmem:s2], $0x10, s12, s8, $0xb8;
	[tilespmem:$0x17000] =	vst v63  }
0x2da: {  	s13 =	simm.s32 $0x5A80;
	s7 =	simm.s32 $0x11800  }
0x2db: {  	[tilespmem:s7], [sflag:$0x1] =	stream.indirect.gather [spmem:s2], $0x10, s13, s8, $0xb8;
	[tilespmem:$0x17000] =	vst v63  }
0x2dc: {  	s9 =	simm.s32 $0x12000;
	s14 =	simm.s32 $0x5B00  }
0x2dd: {  	[tilespmem:s9], [sflag:$0x1] =	stream.indirect.gather [spmem:s2], $0x10, s14, s8, $0xb8;
	[tilespmem:$0x17000] =	vst v63  }
0x2de: {  	s16 =	simm.s32 $0x5B80;
	s10 =	simm.s32 $0x12800  }
0x2df: {  	[tilespmem:s10], [sflag:$0x1] =	stream.indirect.gather [spmem:s2], $0x10, s16, s8, $0xb8;
	[tilespmem:$0x17000] =	vst v63  }
0x2e0: {  	s17 =	simm.s32 $0x5C00;
	s11 =	simm.s32 $0x13000  }
0x2e1: {  	[tilespmem:s11], [sflag:$0x1] =	stream.indirect.gather [spmem:s2], $0x10, s17, s8, $0xb8;
	[tilespmem:$0x17000] =	vst v63  }
0x2e2: {  	s19 =	simm.s32 $0x5C80;
	s12 =	simm.s32 $0x13800  }
0x2e3: {  	[tilespmem:s12], [sflag:$0x1] =	stream.indirect.gather [spmem:s2], $0x10, s19, s8, $0xb8;
	[tilespmem:$0x17000] =	vst v63  }
0x2e4: {  	s29 =	simm.s32 $0x5D00;
	s13 =	simm.s32 $0x14000  }
0x2e5: {  	[tilespmem:s13], [sflag:$0x1] =	stream.indirect.gather [spmem:s2], $0x10, s29, s8, $0xb8;
	[tilespmem:$0x17000] =	vst v63  }
0x2e6: {  	s14 =	simm.s32 $0x5D80;
	s17 =	simm.s32 $0x14800  }
0x2e7: {  	[tilespmem:s17], [sflag:$0x1] =	stream.indirect.gather [spmem:s2], $0x10, s14, s8, $0xb8;
	[tilespmem:$0x17000] =	vst v63  }
0x2e8: {  	s16 =	simm.s32 $0x5E00;
	s29 =	simm.s32 $0x15000  }
0x2e9: {  	[tilespmem:s29], [sflag:$0x1] =	stream.indirect.gather [spmem:s2], $0x10, s16, s8, $0xb8;
	[tilespmem:$0x17000] =	vst v63  }
0x2ea: {  	s19 =	simm.s32 $0x5E80  }
0x2eb: {  	[tilespmem:s21], [sflag:$0x1] =	stream.indirect.gather [spmem:s2], $0x10, s19, s8, $0xb8;
	[tilespmem:$0x17000] =	vst v63  }
0x2ec: {  	s14 =	simm.s32 $0x5F00;
	s19 =	simm.s32 $0x16000  }
0x2ed: {  	[tilespmem:s19], [sflag:$0x1] =	stream.indirect.gather [spmem:s2], $0x10, s14, s8, $0xb8;
	[tilespmem:$0x17000] =	vst v63  }
0x2ee: {  	s16 =	simm.s32 $0x5F80;
	s14 =	simm.s32 $0x16800  }
0x2ef: {  	[tilespmem:s14], [sflag:$0x1] =	stream.indirect.gather [spmem:s2], $0x10, s16, s8, $0xb8;
	[tilespmem:$0x17000] =	vst v63  }
0x2f0: {  	_ =	swait.ge [sflag:s31], $0x8000  }
0x2f1: {  	[sflag:s31] =	ssyncset.done $0x0  }
0x2f2: {  	s16 =	simm.s32 $0x1;
	[sflag:s31] =	ssyncadd.s32 $0xFFFF8000  }
0x2f3: {  	_ =	swait.ge [sflag:s16], $0x8000  }
0x2f4: {  	[sflag:s16] =	ssyncset.done $0x0  }
0x2f5: {  	[sflag:s16] =	ssyncadd.s32 $0xFFFF8000  }
0x2f6: {  	[spmem:s30] =	stream.indirect.scatter.add.f32 [tilespmem:s0], [sflag:$0x2], $0x10, s15, s8, $0xb8;
	[tilespmem:$0x17000] =	vst v63  }
0x2f7: {  	s15 =	simm.s32 $0x6880  }
0x2f8: {  	[spmem:s30] =	stream.indirect.scatter.add.f32 [tilespmem:s26], [sflag:$0x2], $0x10, s15, s8, $0xb8;
	[tilespmem:$0x17000] =	vst v63  }
0x2f9: {  	s6 =	simm.s32 $0x6900  }
0x2fa: {  	[spmem:s30] =	stream.indirect.scatter.add.f32 [tilespmem:s4], [sflag:$0x2], $0x10, s6, s8, $0xb8;
	[tilespmem:$0x17000] =	vst v63  }
0x2fb: {  	s15 =	simm.s32 $0x6980  }
0x2fc: {  	[spmem:s30] =	stream.indirect.scatter.add.f32 [tilespmem:s5], [sflag:$0x2], $0x10, s15, s8, $0xb8;
	[tilespmem:$0x17000] =	vst v63  }
0x2fd: {  	s26 =	simm.s32 $0x6A00  }
0x2fe: {  	[spmem:s30] =	stream.indirect.scatter.add.f32 [tilespmem:s23], [sflag:$0x2], $0x10, s26, s8, $0xb8;
	[tilespmem:$0x17000] =	vst v63  }
0x2ff: {  	s4 =	simm.s32 $0x6A80  }
0x300: {  	[spmem:s30] =	stream.indirect.scatter.add.f32 [tilespmem:s7], [sflag:$0x2], $0x10, s4, s8, $0xb8;
	[tilespmem:$0x17000] =	vst v63  }
0x301: {  	s5 =	simm.s32 $0x6B00  }
0x302: {  	[spmem:s30] =	stream.indirect.scatter.add.f32 [tilespmem:s9], [sflag:$0x2], $0x10, s5, s8, $0xb8;
	[tilespmem:$0x17000] =	vst v63  }
0x303: {  	s6 =	simm.s32 $0x6B80  }
0x304: {  	[spmem:s30] =	stream.indirect.scatter.add.f32 [tilespmem:s10], [sflag:$0x2], $0x10, s6, s8, $0xb8;
	[tilespmem:$0x17000] =	vst v63  }
0x305: {  	s7 =	simm.s32 $0x6C00  }
0x306: {  	[spmem:s30] =	stream.indirect.scatter.add.f32 [tilespmem:s11], [sflag:$0x2], $0x10, s7, s8, $0xb8;
	[tilespmem:$0x17000] =	vst v63  }
0x307: {  	s9 =	simm.s32 $0x6C80  }
0x308: {  	[spmem:s30] =	stream.indirect.scatter.add.f32 [tilespmem:s12], [sflag:$0x2], $0x10, s9, s8, $0xb8;
	[tilespmem:$0x17000] =	vst v63  }
0x309: {  	s10 =	simm.s32 $0x6D00  }
0x30a: {  	[spmem:s30] =	stream.indirect.scatter.add.f32 [tilespmem:s13], [sflag:$0x2], $0x10, s10, s8, $0xb8;
	[tilespmem:$0x17000] =	vst v63  }
0x30b: {  	s11 =	simm.s32 $0x6D80  }
0x30c: {  	[spmem:s30] =	stream.indirect.scatter.add.f32 [tilespmem:s17], [sflag:$0x2], $0x10, s11, s8, $0xb8;
	[tilespmem:$0x17000] =	vst v63  }
0x30d: {  	s12 =	simm.s32 $0x6E00  }
0x30e: {  	[spmem:s30] =	stream.indirect.scatter.add.f32 [tilespmem:s29], [sflag:$0x2], $0x10, s12, s8, $0xb8;
	[tilespmem:$0x17000] =	vst v63  }
0x30f: {  	s13 =	simm.s32 $0x6E80  }
0x310: {  	[spmem:s30] =	stream.indirect.scatter.add.f32 [tilespmem:s21], [sflag:$0x2], $0x10, s13, s8, $0xb8;
	[tilespmem:$0x17000] =	vst v63  }
0x311: {  	s17 =	simm.s32 $0x6F00  }
0x312: {  	[spmem:s30] =	stream.indirect.scatter.add.f32 [tilespmem:s19], [sflag:$0x2], $0x10, s17, s8, $0xb8;
	[tilespmem:$0x17000] =	vst v63  }
0x313: {  	s21 =	simm.s32 $0x6F80  }
0x314: {  	[spmem:s30] =	stream.indirect.scatter.add.f32 [tilespmem:s14], [sflag:$0x2], $0x10, s21, s8, $0xb8;
	[tilespmem:$0x17000] =	vst v63  }
0x315: {  	s15 =	rddreg [dreg:$0xe];
	s23 =	simm.s32 $0x5000  }
0x316: {  	[tilespmem:s23], [sflag:$0x3] =	stream.linear.gather [hbm4b:s15+s20], $0x800, $0x38;
	[tilespmem:$0x17000] =	vst v63  }
0x317: {  	_ =	swait.ge [sflag:s1], $0x800  }
0x318: {  	[sflag:s1] =	ssyncset.done $0x0  }
0x319: {  	s19 =	simm.s32 $0x6000;
	s26 =	rddreg [dreg:$0xf];
	[sflag:s1] =	ssyncadd.s32 $0xFFFFF800  }
0x31a: {  	[tilespmem:s19], [sflag:$0x3] =	stream.linear.gather [hbm4b:s26+s20], $0x800, $0x38;
	[tilespmem:$0x17000] =	vst v63  }
0x31b: {  	s0 =	sld [smem:$0x7FC];
	_ =	swait.ge [sflag:s1], $0x800  }
0x31c: {  	[sflag:s1] =	ssyncset.done $0x0  }
0x31d: {  	s26 =	simm.s32 $0x7000;
	[sflag:s1] =	ssyncadd.s32 $0xFFFFF800  }
0x31e: {  	[tilespmem:s26], [sflag:$0x1] =	stream.indirect.gather [spmem:s2], $0x10, s23, s8, $0xb8;
	[tilespmem:$0x17000] =	vst v63  }
0x31f: {  	s29 =	simm.s32 $0x5080;
	s20 =	simm.s32 $0x7800  }
0x320: {  	[tilespmem:s20], [sflag:$0x1] =	stream.indirect.gather [spmem:s2], $0x10, s29, s8, $0xb8;
	[tilespmem:$0x17000] =	vst v63  }
0x321: {  	s22 =	simm.s32 $0x8000;
	s4 =	simm.s32 $0x5100  }
0x322: {  	[tilespmem:s22], [sflag:$0x1] =	stream.indirect.gather [spmem:s2], $0x10, s4, s8, $0xb8;
	[tilespmem:$0x17000] =	vst v63  }
0x323: {  	s5 =	simm.s32 $0x5180;
	s21 =	simm.s32 $0x8800  }
0x324: {  	[tilespmem:s21], [sflag:$0x1] =	stream.indirect.gather [spmem:s2], $0x10, s5, s8, $0xb8;
	[tilespmem:$0x17000] =	vst v63  }
0x325: {  	s6 =	simm.s32 $0x5200;
	s12 =	simm.s32 $0x9000  }
0x326: {  	[tilespmem:s12], [sflag:$0x1] =	stream.indirect.gather [spmem:s2], $0x10, s6, s8, $0xb8;
	[tilespmem:$0x17000] =	vst v63  }
0x327: {  	s7 =	simm.s32 $0x5280;
	s15 =	simm.s32 $0x9800  }
0x328: {  	[tilespmem:s15], [sflag:$0x1] =	stream.indirect.gather [spmem:s2], $0x10, s7, s8, $0xb8;
	[tilespmem:$0x17000] =	vst v63  }
0x329: {  	s9 =	simm.s32 $0x5300;
	s5 =	simm.s32 $0xA000  }
0x32a: {  	[tilespmem:s5], [sflag:$0x1] =	stream.indirect.gather [spmem:s2], $0x10, s9, s8, $0xb8;
	[tilespmem:$0x17000] =	vst v63  }
0x32b: {  	s10 =	simm.s32 $0x5380;
	s23 =	simm.s32 $0xA800  }
0x32c: {  	[tilespmem:s23], [sflag:$0x1] =	stream.indirect.gather [spmem:s2], $0x10, s10, s8, $0xb8;
	[tilespmem:$0x17000] =	vst v63  }
0x32d: {  	s11 =	simm.s32 $0x5400;
	s1 =	simm.s32 $0xB000  }
0x32e: {  	[tilespmem:s1], [sflag:$0x1] =	stream.indirect.gather [spmem:s2], $0x10, s11, s8, $0xb8;
	[tilespmem:$0x17000] =	vst v63  }
0x32f: {  	s13 =	simm.s32 $0x5480;
	s9 =	simm.s32 $0xB800  }
0x330: {  	[tilespmem:s9], [sflag:$0x1] =	stream.indirect.gather [spmem:s2], $0x10, s13, s8, $0xb8;
	[tilespmem:$0x17000] =	vst v63  }
0x331: {  	s14 =	simm.s32 $0x5500;
	s10 =	simm.s32 $0xC000  }
0x332: {  	[tilespmem:s10], [sflag:$0x1] =	stream.indirect.gather [spmem:s2], $0x10, s14, s8, $0xb8;
	[tilespmem:$0x17000] =	vst v63  }
0x333: {  	s17 =	simm.s32 $0x5580;
	s14 =	simm.s32 $0xC800  }
0x334: {  	[tilespmem:s14], [sflag:$0x1] =	stream.indirect.gather [spmem:s2], $0x10, s17, s8, $0xb8;
	[tilespmem:$0x17000] =	vst v63  }
0x335: {  	s29 =	simm.s32 $0x5600;
	s11 =	simm.s32 $0xD000  }
0x336: {  	[tilespmem:s11], [sflag:$0x1] =	stream.indirect.gather [spmem:s2], $0x10, s29, s8, $0xb8;
	[tilespmem:$0x17000] =	vst v63  }
0x337: {  	s4 =	simm.s32 $0x5680;
	s13 =	simm.s32 $0xD800  }
0x338: {  	[tilespmem:s13], [sflag:$0x1] =	stream.indirect.gather [spmem:s2], $0x10, s4, s8, $0xb8;
	[tilespmem:$0x17000] =	vst v63  }
0x339: {  	s18 =	simm.s32 $0xE000;
	s7 =	simm.s32 $0x5700  }
0x33a: {  	[tilespmem:s18], [sflag:$0x1] =	stream.indirect.gather [spmem:s2], $0x10, s7, s8, $0xb8;
	[tilespmem:$0x17000] =	vst v63  }
0x33b: {  	s6 =	simm.s32 $0xE800;
	s17 =	simm.s32 $0x5780  }
0x33c: {  	[tilespmem:s6], [sflag:$0x1] =	stream.indirect.gather [spmem:s2], $0x10, s17, s8, $0xb8;
	[tilespmem:$0x17000] =	vst v63  }
0x33d: {  	_ =	swait.ge [sflag:s31], $0x8000  }
0x33e: {  	[sflag:s31] =	ssyncset.done $0x0  }
0x33f: {  	s16 =	simm.s32 $0x1;
	[sflag:s31] =	ssyncadd.s32 $0xFFFF8000  }
0x340: {  	_ =	swait.ge [sflag:s16], $0x8000  }
0x341: {  	[sflag:s16] =	ssyncset.done $0x0  }
0x342: {  	[sflag:s16] =	ssyncadd.s32 $0xFFFF8000  }
0x343: {  	[spmem:s30] =	stream.indirect.scatter.add.f32 [tilespmem:s26], [sflag:$0x2], $0x10, s19, s8, $0xb8;
	[tilespmem:$0x17000] =	vst v63  }
0x344: {  	s19 =	simm.s32 $0x6080  }
0x345: {  	[spmem:s30] =	stream.indirect.scatter.add.f32 [tilespmem:s20], [sflag:$0x2], $0x10, s19, s8, $0xb8;
	[tilespmem:$0x17000] =	vst v63  }
0x346: {  	s26 =	simm.s32 $0x6100  }
0x347: {  	[spmem:s30] =	stream.indirect.scatter.add.f32 [tilespmem:s22], [sflag:$0x2], $0x10, s26, s8, $0xb8;
	[tilespmem:$0x17000] =	vst v63  }
0x348: {  	s29 =	simm.s32 $0x6180  }
0x349: {  	[spmem:s30] =	stream.indirect.scatter.add.f32 [tilespmem:s21], [sflag:$0x2], $0x10, s29, s8, $0xb8;
	[tilespmem:$0x17000] =	vst v63  }
0x34a: {  	s4 =	simm.s32 $0x6200  }
0x34b: {  	[spmem:s30] =	stream.indirect.scatter.add.f32 [tilespmem:s12], [sflag:$0x2], $0x10, s4, s8, $0xb8;
	[tilespmem:$0x17000] =	vst v63  }
0x34c: {  	s16 =	simm.s32 $0x6280  }
0x34d: {  	[spmem:s30] =	stream.indirect.scatter.add.f32 [tilespmem:s15], [sflag:$0x2], $0x10, s16, s8, $0xb8;
	[tilespmem:$0x17000] =	vst v63  }
0x34e: {  	s17 =	simm.s32 $0x6300  }
0x34f: {  	[spmem:s30] =	stream.indirect.scatter.add.f32 [tilespmem:s5], [sflag:$0x2], $0x10, s17, s8, $0xb8;
	[tilespmem:$0x17000] =	vst v63  }
0x350: {  	s19 =	simm.s32 $0x6380  }
0x351: {  	[spmem:s30] =	stream.indirect.scatter.add.f32 [tilespmem:s23], [sflag:$0x2], $0x10, s19, s8, $0xb8;
	[tilespmem:$0x17000] =	vst v63  }
0x352: {  	s20 =	simm.s32 $0x6400  }
0x353: {  	[spmem:s30] =	stream.indirect.scatter.add.f32 [tilespmem:s1], [sflag:$0x2], $0x10, s20, s8, $0xb8;
	[tilespmem:$0x17000] =	vst v63  }
0x354: {  	s21 =	simm.s32 $0x6480  }
0x355: {  	[spmem:s30] =	stream.indirect.scatter.add.f32 [tilespmem:s9], [sflag:$0x2], $0x10, s21, s8, $0xb8;
	[tilespmem:$0x17000] =	vst v63  }
0x356: {  	s22 =	simm.s32 $0x6500  }
0x357: {  	[spmem:s30] =	stream.indirect.scatter.add.f32 [tilespmem:s10], [sflag:$0x2], $0x10, s22, s8, $0xb8;
	[tilespmem:$0x17000] =	vst v63  }
0x358: {  	s23 =	simm.s32 $0x6580  }
0x359: {  	[spmem:s30] =	stream.indirect.scatter.add.f32 [tilespmem:s14], [sflag:$0x2], $0x10, s23, s8, $0xb8;
	[tilespmem:$0x17000] =	vst v63  }
0x35a: {  	s26 =	simm.s32 $0x6600  }
0x35b: {  	[spmem:s30] =	stream.indirect.scatter.add.f32 [tilespmem:s11], [sflag:$0x2], $0x10, s26, s8, $0xb8;
	[tilespmem:$0x17000] =	vst v63  }
0x35c: {  	s29 =	simm.s32 $0x6680  }
0x35d: {  	[spmem:s30] =	stream.indirect.scatter.add.f32 [tilespmem:s13], [sflag:$0x2], $0x10, s29, s8, $0xb8;
	[tilespmem:$0x17000] =	vst v63  }
0x35e: {  	_ = 	snop  }
0x35f: {  	[spmem:s30] =	stream.indirect.scatter.add.f32 [tilespmem:s18], [sflag:$0x2], $0x10, s24, s8, $0xb8;
	[tilespmem:$0x17000] =	vst v63  }
0x360: {  	_ = 	snop  }
0x361: {  	[spmem:s30] =	stream.indirect.scatter.add.f32 [tilespmem:s6], [sflag:$0x2], $0x10, s25, s8, $0xb8;
	[tilespmem:$0x17000] =	vst v63  }
0x362: {  	_ =	swait.ge [sflag:s31], $0x8000  }
0x363: {  	[sflag:s31] =	ssyncset.done $0x0  }
0x364: {  	[sflag:s31] =	ssyncadd.s32 $0xFFFF8000  }
0x365: {  	[bflag:$0x0] =	sbarrier.arrive $0xFFFF  }
0x366: {  	s29 =	rddreg [dreg:$0x10]  }
0x367: {  	s3 =	simm.s32 @!p0 $0x3;
	s31 =	rddreg [dreg:$0x19]  }
0x368: {  	[hbm:s29], [sflag:s28] =	dma.local @!p0 [spmem:s31], $0x2  }
0x369: {  	_ =	swait.ge @!p0 [sflag:s3], $0x2  }
0x36a: {  	[sflag:s3] =	ssyncset.done @!p0 $0x0;
	s29 =	rddreg [dreg:$0x11]  }
0x36b: {  	s31 =	rddreg [dreg:$0x1a];
	[sflag:s3] =	ssyncadd.s32 @!p0 $0xFFFFFFFE  }
0x36c: {  	[hbm:s29], [sflag:s28] =	dma.local @!p0 [spmem:s31], $0x2  }
0x36d: {  	_ =	swait.ge @!p0 [sflag:s3], $0x2  }
0x36e: {  	[sflag:s3] =	ssyncset.done @!p0 $0x0;
	s29 =	rddreg [dreg:$0x12]  }
0x36f: {  	s31 =	rddreg [dreg:$0x1b];
	[sflag:s3] =	ssyncadd.s32 @!p0 $0xFFFFFFFE  }
0x370: {  	[hbm:s29], [sflag:s28] =	dma.local @!p0 [spmem:s31], $0x2  }
0x371: {  	_ =	swait.ge @!p0 [sflag:s3], $0x2  }
0x372: {  	[sflag:s3] =	ssyncset.done @!p0 $0x0;
	s29 =	rddreg [dreg:$0x13]  }
0x373: {  	s31 =	rddreg [dreg:$0x1c];
	[sflag:s3] =	ssyncadd.s32 @!p0 $0xFFFFFFFE  }
0x374: {  	[hbm:s29], [sflag:s28] =	dma.local @!p0 [spmem:s31], $0x2  }
0x375: {  	_ =	swait.ge @!p0 [sflag:s3], $0x2  }
0x376: {  	[sflag:s3] =	ssyncset.done @!p0 $0x0;
	s29 =	rddreg [dreg:$0x14]  }
0x377: {  	s31 =	rddreg [dreg:$0x1d];
	[sflag:s3] =	ssyncadd.s32 @!p0 $0xFFFFFFFE  }
0x378: {  	[hbm:s29], [sflag:s28] =	dma.local @!p0 [spmem:s31], $0x2  }
.Ltmp1:
0x379: {  	_ = 	snop;
	(pc) =	sbr.rel @p1 .LBB2_1-.Ltmp1, $4  }
0x37a: {  	_ =	swait.ge @!p0 [sflag:s3], $0x2  }
0x37b: {  	[sflag:s3] =	ssyncset.done @!p0 $0x0;
	s29 =	rddreg [dreg:$0x15]  }
0x37c: {  	s31 =	rddreg [dreg:$0x1e];
	[sflag:s3] =	ssyncadd.s32 @!p0 $0xFFFFFFFE  }
0x37d: {  	[hbm:s29], [sflag:s28] =	dma.local @!p0 [spmem:s31], $0x2  }
.LBB2_2:
0x37e: {  	_ =	swait.ge @!p0 [sflag:s3], $0x2  }
0x37f: {  	s0 =	rddreg [dreg:$0x16];
	[sflag:s3] =	ssyncset.done @!p0 $0x0  }
0x380: {  	s1 =	rddreg [dreg:$0x1f];
	[sflag:s3] =	ssyncadd.s32 @!p0 $0xFFFFFFFE  }
0x381: {  	[hbm:s0], [sflag:s28] =	dma.local @!p0 [spmem:s1], $0x2  }
0x382: {  	_ =	swait.ge @!p0 [sflag:s3], $0x2  }
0x383: {  	[sflag:s3] =	ssyncset.done @!p0 $0x0  }
0x384: {  	[sflag:s3] =	ssyncadd.s32 @!p0 $0xFFFFFFFE  }
0x385: {  	_ =	sfence.sel $0x180000  }
0x386: {  	[bflag:$0x0] =	sbarrier.arrive $0xFFFF  }
0x387: {  	_ =	strace $0x9000004D  }
0x388: {  	[bflag:$0x2] =	sbarrier.arrive $0xFFFF  }
0x389: {  	s0 =	rddreg [dreg:$0x3]  }
0x38a: {  	s0 =	sadd.s32 @!p0 $0x100000, s0  }
0x38b: {  	[sflag:s0] =	ssyncadd.tile.s32 @!p0 $0x1;
	_ =	shalt  }
.Lfunc_end2:
_tile_overlayer_lowered:
.L_overlay_start_2:
0x38c: {  	(tag) =	ssettag $0x2  }
0x38d: {  	s0 =	rddreg [dreg:$0x0];
	s2 =	stileid.u32  }
0x38e: {  	s1 =	rddreg [dreg:$0x1];
	p0 =	sne.s32 s2, $0x0  }
0x38f: {  	s3 =	rddreg [dreg:$0x2];
	[bflag:$0x3] =	sbarrier.arrive $0xFFFF;
	s2 =	simm.s32 @!p0 $0x1C03  }
0x390: {  	[timem:s3], [sflag:s2] =	dma.local @!p0 [hbm:s0], s1  }
0x391: {  	s0 =	simm.s32 @!p0 $0x3  }
0x392: {  	_ =	swait.ge @!p0 [sflag:s0], s1  }
0x393: {  	s1 =	ssub.s32 @!p0 $0x0, s1;
	[sflag:s0] =	ssyncset.done @!p0 $0x0  }
0x394: {  	[sflag:s0] =	ssyncadd.s32 @!p0 s1  }
0x395: {  	[bflag:$0x3] =	sbarrier.arrive $0xFFFF  }
0x396: {  	_ =	shalt  }

// kernel: kernel.9.cloned.1.call-start
scs
__scs_entry_jumppad:
0x0: {  	(pc) =	sbr.rel $0x88, $3  }
0x1: {  	(tag) =	ssettag $0x0;
	lr =	simm.s32 $0x1  }
0x2: {  	[smem:$0x3F97] =	sst lr;
	_ =	strace $0xD0000000  }
0x3: {  	_ = 	snop  }
0x4: {  	_ = 	snop  }
0x5: {  	_ = 	snop  }
0x6: {  	_ = 	snop  }
0x7: {  	_ = 	snop  }
__scs_overlays_trampoline_lowered:
0x8: {  	[smem:$0x3FA6] =	sst s0  }
0x9: {  	[smem:$0x3FA7] =	sst s1  }
0xa: {  	[smem:$0x3FA8] =	sst s2  }
0xb: {  	[smem:$0x3FA9] =	sst s3  }
0xc: {  	[smem:$0x3FAA] =	sst s4  }
0xd: {  	[smem:$0x3FAB] =	sst s5  }
0xe: {  	[smem:$0x3FAC] =	sst s6  }
0xf: {  	[smem:$0x3FAD] =	sst s7  }
0x10: {  	[smem:$0x3FAE] =	sst s8  }
0x11: {  	[smem:$0x3FAF] =	sst s9;
	s0 =	simm.s32 @!p0 $0x0  }
0x12: {  	s1 =	sld [smem:$0x3F95];
	s0 =	simm.s32 @p0 $0x1  }
0x13: {  	[smem:$0x3FB0] =	sst s0;
	s0 =	simm.s32 @!p1 $0x0  }
0x14: {  	s2 =	sld [smem:$0x3F94];
	s0 =	simm.s32 @p1 $0x1  }
0x15: {  	[smem:$0x3FB1] =	sst s0;
	s0 =	simm.s32 @!p2 $0x0  }
0x16: {  	s3 =	sld [smem:$0x3FDB];
	s0 =	simm.s32 @p2 $0x1  }
0x17: {  	s4 =	simm.s32 $0x1BF5;
	[smem:$0x3FB3] =	sst s0  }
0x18: {  	s0 =	sld [smem:$0x3F96];
	_ =	swait.ge [sflag:s4], $0x0  }
0x19: {  	s7 =	sld [smem:$0x3F97]  }
0x1a: {  	s8 =	sadd.s32 $0xFFFFE003, lr  }
0x1b: {  	s9 =	sadd.s32 $0xFFFFFEF7, lr;
	s5 =	simm.s32 $0xFFFFFFFF;
	p2 =	slt.u32 s8, $0xFFFFF086  }
0x1c: {  	p1 =	slt.u32 s9, $0xF7A;
	s5 =	simm.s32 @!p2 $0x0  }
0x1d: {  	s5 =	simm.s32 @p1 $0x1;
	p0 =	seq.s32 s7, s2  }
0x1e: {  	s7 =	smul.u32 @!p0 $0xF7A, s2;
	p2 =	seq.s32 @!p0 s5, $0x0  }
0x1f: {  	s9 =	smul.u32 $0xF7A, s1;
	s8 =	simm.s32 @!p0 $0x1BF5;
	p2 =	por !p2, p0  }
0x20: {  	[sflag:s8] =	ssyncset.s32 @!p0 $0xFFFFF086;
	s6 =	sadd.s32 @!p0 s3, s7;
	s7 =	simm.s32 @!p0 $0x108  }
0x21: {  	s3 =	sadd.s32 s3, s9;
	s6 =	sadd.s32 @!p0 $0x88, s6;
	s7 =	simm.s32 @p2 $0x1082  }
0x22: {  	[simem:s7], [sflag:s8] =	dma.local @!p0 [hbm:s6], $0xF7A  }
0x23: {  	s9 =	sor.u32 $0xD0000000, s2;
	s6 =	simm.s32 $0x108;
	_ =	swait.ge @!p0 [sflag:s8], $0x0  }
0x24: {  	s3 =	sadd.s32 $0x88, s3;
	s6 =	simm.s32 @!p1 $0x1082;
	[sflag:s4] =	ssyncset.s32 $0xFFFFF086  }
0x25: {  	[simem:s6], [sflag:s4] =	dma.local [hbm:s3], $0xF7A  }
0x26: {  	[smem:$0x3F97] =	sst s1;
	(tag) =	ssettag s2;
	_ =	strace s9  }
0x27: {  	s1 =	sld [smem:$0x3FA7]  }
0x28: {  	s2 =	sld [smem:$0x3FA8]  }
0x29: {  	s4 =	sld [smem:$0x3FAA]  }
0x2a: {  	p0 =	seq.s32 s5, $0x0;
	s5 =	sld [smem:$0x3FAB]  }
0x2b: {  	s6 =	sld [smem:$0x3FAC]  }
0x2c: {  	s7 =	sld [smem:$0x3FAD]  }
0x2d: {  	s3 =	simm.s32 $0x108;
	s8 =	sld [smem:$0x3FAE]  }
0x2e: {  	s3 =	simm.s32 @!p0 $0x1082;
	s9 =	sld [smem:$0x3FAF]  }
0x2f: {  	lr =	sadd.s32 s0, s3;
	s0 =	sld [smem:$0x3FA6]  }
0x30: {  	s3 =	sld [smem:$0x3FA9]  }
0x31: {  	[smem:$0x3FB2] =	sst s10  }
0x32: {  	s10 =	sld [smem:$0x3FB0];
	_ =	sdelay $0x3  }
0x33: {  	p0 =	seq.s32 s10, $0x1;
	s10 =	sld [smem:$0x3FB2];
	_ =	sdelay $0x3  }
0x34: {  	[smem:$0x3FB2] =	sst s10  }
0x35: {  	s10 =	sld [smem:$0x3FB1];
	_ =	sdelay $0x3  }
0x36: {  	p1 =	seq.s32 s10, $0x1;
	s10 =	sld [smem:$0x3FB2];
	_ =	sdelay $0x3  }
0x37: {  	[smem:$0x3FB2] =	sst s10  }
0x38: {  	s10 =	sld [smem:$0x3FB3]  }
0x39: {  	_ = 	snop;
	(pc) =	sbr.ind lr, $3  }
0x3a: {  	_ = 	snop  }
0x3b: {  	_ = 	snop  }
0x3c: {  	p2 =	seq.s32 s10, $0x1;
	s10 =	sld [smem:$0x3FB2]  }
0x3d: {  	_ =	shalt  }
0x3e: {  	_ =	shalt  }
0x3f: {  	_ =	shalt  }
0x40: {  	_ =	shalt  }
0x41: {  	_ =	shalt  }
0x42: {  	_ =	shalt  }
0x43: {  	_ =	shalt  }
0x44: {  	_ =	shalt  }
0x45: {  	_ =	shalt  }
0x46: {  	_ =	shalt  }
0x47: {  	_ =	shalt  }
0x48: {  	_ =	shalt  }
0x49: {  	_ =	shalt  }
0x4a: {  	_ =	shalt  }
0x4b: {  	_ =	shalt  }
0x4c: {  	_ =	shalt  }
0x4d: {  	_ =	shalt  }
0x4e: {  	_ =	shalt  }
0x4f: {  	_ =	shalt  }
0x50: {  	_ =	shalt  }
0x51: {  	_ =	shalt  }
0x52: {  	_ =	shalt  }
0x53: {  	_ =	shalt  }
0x54: {  	_ =	shalt  }
0x55: {  	_ =	shalt  }
0x56: {  	_ =	shalt  }
0x57: {  	_ =	shalt  }
0x58: {  	_ =	shalt  }
0x59: {  	_ =	shalt  }
0x5a: {  	_ =	shalt  }
0x5b: {  	_ =	shalt  }
0x5c: {  	_ =	shalt  }
0x5d: {  	_ =	shalt  }
0x5e: {  	_ =	shalt  }
0x5f: {  	_ =	shalt  }
0x60: {  	_ =	shalt  }
0x61: {  	_ =	shalt  }
0x62: {  	_ =	shalt  }
0x63: {  	_ =	shalt  }
0x64: {  	_ =	shalt  }
0x65: {  	_ =	shalt  }
0x66: {  	_ =	shalt  }
0x67: {  	_ =	shalt  }
0x68: {  	_ =	shalt  }
0x69: {  	_ =	shalt  }
0x6a: {  	_ =	shalt  }
0x6b: {  	_ =	shalt  }
0x6c: {  	_ =	shalt  }
0x6d: {  	_ =	shalt  }
0x6e: {  	_ =	shalt  }
0x6f: {  	_ =	shalt  }
0x70: {  	_ =	shalt  }
0x71: {  	_ =	shalt  }
0x72: {  	_ =	shalt  }
0x73: {  	_ =	shalt  }
0x74: {  	_ =	shalt  }
0x75: {  	_ =	shalt  }
0x76: {  	_ =	shalt  }
0x77: {  	_ =	shalt  }
0x78: {  	_ =	shalt  }
0x79: {  	_ =	shalt  }
0x7a: {  	_ =	shalt  }
0x7b: {  	_ =	shalt  }
0x7c: {  	_ =	shalt  }
0x7d: {  	_ =	shalt  }
0x7e: {  	_ =	shalt  }
0x7f: {  	_ =	shalt  }
0x80: {  	_ =	shalt  }
0x81: {  	_ =	shalt  }
0x82: {  	_ =	shalt  }
0x83: {  	_ =	shalt  }
0x84: {  	_ =	shalt  }
0x85: {  	_ =	shalt  }
0x86: {  	_ =	shalt  }
0x87: {  	_ =	shalt  }
.Lfunc_end0:
.L_simem_size_0:
called_computation_lowered:
.L_overlay_start_0:
0x88: {  	s2 =	sld [smem:$0x3FD9]  }
0x89: {  	s3 =	sld [smem:$0x3FFE];
	_ =	sdelay $0x1  }
0x8a: {  	s1 =	srdreg.scid  }
0x8b: {  	s0 =	sand.u32 $0x1, s1  }
0x8c: {  	s16 =	sshll.u32 s0, $0xA;
	s2 =	sadd.s32 s3, s2  }
0x8d: {  	s2 =	sadd.s32 s2, s16  }
0x8e: {  	[smem:$0x3FBE] =	sst s2  }
0x8f: {  	_ = 	snop  }
0x90: {  	(tm) =	ssettm $0x1  }
0x91: {  	s17 =	sld [smem:$0x3FFB];
	_ =	sdelay $0x3  }
0x92: {  	_ =	strace s17  }
0x93: {  	s2 =	sld [smem:$0x3FFC];
	_ =	sdelay $0x3  }
0x94: {  	_ =	strace s2  }
0x95: {  	s2 =	sld [smem:$0x3FFD];
	_ =	sdelay $0x3  }
0x96: {  	_ =	strace s2  }
0x97: {  	_ =	strace $0x8FFFFFFF  }
0x98: {  	s18 =	sld [smem:$0x3FDB];
	_ =	sdelay $0x1  }
0x99: {  	s19 =	simm.s32 $_scs_section_size  }
0x9a: {  	s4 =	simm.s32 $_size__tile_overlayer_lowered;
	s5 =	simm.s32 $_tile_overlayer_lowered  }
0x9b: {  	s22 =	simm.s32 $0x1BFF;
	s21 =	sshll.u32 s5, $0x1;
	s2 =	sadd.s32 s19, s18  }
0x9c: {  	s6 =	simm.s32 $0x0;
	s20 =	sshll.u32 s4, $0x1;
	s4 =	sadd.s32 s21, s2  }
0x9d: {  	[timem:s6], [sflag:s22] =	dma.local [hbm:s4], s20  }
0x9e: {  	_ =	swait.ge [sflag:s22], s20  }
0x9f: {  	s3 =	ssub.s32 $0x0, s20;
	[sflag:s22] =	ssyncset.done $0x0  }
0xa0: {  	[sflag:s22] =	ssyncadd.s32 s3;
	_ =	sdelay $0x1  }
0xa1: {  	s23 =	simm.s32 $0x1B8B  }
0xa2: {  	_ =	swait.ge [sflag:s23], $0x1  }
0xa3: {  	[sflag:s23] =	ssyncset.done $0x0  }
0xa4: {  	s25 =	simm.s32 $0x1B8E;
	s24 =	sld [smem:$0x3FFE];
	[sflag:s23] =	ssyncadd.s32 $0xFFFFFFFF  }
0xa5: {  	s26 =	simm.s32 $execute0_lowered;
	[smem:$0x3FD2] =	sst s25  }
0xa6: {  	s4 =	sshll.u32 s26, $0x1;
	_ =	strace $0x80000046;
	[dreg:$0x1] =	wrdreg $0xFFFFFFFF  }
0xa7: {  	s28 =	simm.s32 $_size_execute0_lowered;
	s2 =	sadd.s32 s2, s4;
	[dreg:$0x0] =	wrdreg $0x0  }
0xa8: {  	s4 =	sshll.u32 s28, $0x1;
	[dreg:$0x2] =	wrdreg s2  }
0xa9: {  	[dreg:$0x3] =	wrdreg s4  }
0xaa: {  	[dreg:$0x4] =	wrdreg $0xC0  }
0xab: {  	_ =	task [dreg:s6], $0x5FFFF  }
0xac: {  	[dreg:$0x1] =	wrdreg $0xFFFFFFFF  }
0xad: {  	[dreg:$0x0] =	wrdreg $0x60  }
0xae: {  	[dreg:$0x2] =	wrdreg s24  }
0xaf: {  	[dreg:$0x3] =	wrdreg $0x0  }
0xb0: {  	[dreg:$0x4] =	wrdreg $0x9  }
0xb1: {  	_ =	task.clear_ibuf [dreg:s6], $0x5FFFF;
	_ =	strace $0x90000046  }
0xb2: {  	s29 =	simm.s32 $0x9;
	_ =	strace $0x80000048  }
0xb3: {  	_ =	swait.ge [sflag:s29], $0x1  }
0xb4: {  	[sflag:s29] =	ssyncadd.s32 $0xFFFFFFFF  }
0xb5: {  	_ =	strace $0x90000048  }
0xb6: {  	_ =	sfence  }
0xb7: {  	s30 =	sld [smem:$0x0];
	_ =	sdelay $0x2  }
0xb8: {  	s31 =	sshll.u32 s1, $0xD;
	s1 =	sshrl.u32 s1, $0x2  }
0xb9: {  	s3 =	sand.u32 $0x4000, s31;
	s1 =	sadd.s32 s1, s30  }
0xba: {  	s0 =	sor.u32 s3, s0;
	s1 =	sshll.u32 s1, $0x11  }
0xbb: {  	s0 =	sor.u32 s1, s0  }
0xbc: {  	s0 =	sadd.s32 $0x8F2B, s0  }
0xbd: {  	[sflag:s0] =	ssyncadd.remote.s32 $0x1  }
0xbe: {  	_ =	sfence.sel $0xFFFF  }
0xbf: {  	[dreg:$0x0] =	wrdreg $0xFFFFFFFF;
	(pc) =	sbr.abs _section_cstart, $3  }
0xc0: {  	[dreg:$0x1] =	wrdreg $0xFFFFFFFF  }
0xc1: {  	_ =	task.clear_ibuf [dreg:s6], $0x2FFFF;
	_ =	strace $0x9FFFFFFF  }
0xc2: {  	(tm) =	ssettm $0x7FFFFFFF  }
0xc3: {  	_ =	shalt  }
tec
execute0_lowered:
.L_overlay_start_1:
0x0: {  	(tag) =	ssettag $0x1  }
0x1: {  	s0 =	srdreg.scid  }
0x2: {  	s9 =	stileid.u32;
	s4 =	rddreg [dreg:$0x0]  }
0x3: {  	s2 =	rddreg [dreg:$0x1];
	s3 =	simm.s32 $0x0;
	s16 =	simm.s32 $0x2  }
0x4: {  	s28 =	simm.s32 $0x1400;
	s30 =	simm.s32 $0x1480;
	s13 =	simm.s32 $0x1700  }
0x5: {  	s29 =	simm.s32 $0x1800;
	s11 =	simm.s32 $0x1900;
	s14 =	simm.s32 $0x1980  }
0x6: {  	s15 =	simm.s32 $0x1A00;
	s31 =	simm.s32 $0xD80;
	s6 =	smul.u32 $0x2800, s9  }
0x7: {  	s0 =	sand.u32 $0x1, s0;
	[smem:$0x7FF] =	sst s3;
	s7 =	smul.u32 $0x280, s9  }
0x8: {  	s8 =	sadd.s32 $0x16E00, s4;
	s20 =	sshll.u32 s9, $0x6;
	s1 =	sshll.u32 s0, $0x4  }
0x9: {  	s5 =	smul.u32 $0x28000, s0;
	_ =	strace $0x80000047;
	[dreg:$0x3] =	wrdreg s8  }
0xa: {  	s0 =	ssub.s32 $0x2, s0;
	s1 =	sor.u32 s9, s1;
	s17 =	sshrl.u32 s7, $0x3  }
0xb: {  	s18 =	sshrl.u32 s0, $0x1;
	s7 =	sadd.s32 s7, s2;
	s9 =	simm.s32 $0x1680  }
0xc: {  	s1 =	smul.u32 $0x2800, s1;
	s5 =	sadd.s32 s6, s5;
	s6 =	sadd.s32 s17, s4  }
0xd: {  	s0 =	ssub.s32 s0, s18;
	[dreg:$0x4] =	wrdreg s7;
	s26 =	sshrl.u32 s7, $0x3  }
0xe: {  	s18 =	simm.s32 $0x1280;
	s19 =	sadd.s32 $0x16800, s6;
	[dreg:$0xe] =	wrdreg s26  }
0xf: {  	s7 =	simm.s32 $0x1600;
	s0 =	smax.u32 s0, $0x1;
	[dreg:$0x5] =	wrdreg s19  }
0x10: {  	s5 =	sshrl.u32 s5, $0x3;
	s1 =	sshrl.u32 s1, $0x3;
	[dreg:$0xd] =	wrdreg s0  }
0x11: {  	s1 =	sadd.s32 s1, s4;
	s4 =	sadd.s32 s5, s4;
	s5 =	sor.u32 $0x1C02, s20  }
0x12: {  	s17 =	simm.s32 $0xA80;
	[dreg:$0x6] =	wrdreg s5;
	s21 =	sadd.s32 $0xC800, s1  }
0x13: {  	s6 =	simm.s32 $0x0;
	s22 =	sadd.s32 $0xC900, s1;
	[dreg:$0x7] =	wrdreg s21  }
0x14: {  	s26 =	simm.s32 $0xD00;
	s23 =	sadd.s32 $0xCA00, s1;
	[dreg:$0x8] =	wrdreg s22  }
0x15: {  	s19 =	simm.s32 $0x80;
	s24 =	sadd.s32 $0xCB00, s1;
	[dreg:$0x9] =	wrdreg s23  }
0x16: {  	s0 =	simm.s32 $0x1;
	s1 =	sadd.s32 $0xCC00, s1;
	[dreg:$0xa] =	wrdreg s24  }
0x17: {  	s20 =	simm.s32 $0x1780;
	s25 =	sadd.s32 $0x17000, s4;
	[dreg:$0xb] =	wrdreg s1  }
0x18: {  	[dreg:$0xc] =	wrdreg s25;
	s21 =	simm.s32 $0x0;
	s23 =	simm.s32 $0x1300  }
0x19: {  	s25 =	simm.s32 $0x1380;
	s22 =	simm.s32 $0xC00;
	s24 =	simm.s32 $0xC80  }
.LBB2_1:
0x1a: {  	s8 =	rddreg [dreg:$0x5]  }
0x1b: {  	s10 =	rddreg [dreg:$0x6]  }
0x1c: {  	s12 =	rddreg [dreg:$0xe]  }
0x1d: {  	[spmem:s12], [sflag:s10] =	dma.local [hbm:s8], $0x50  }
0x1e: {  	_ =	swait.ge [sflag:s16], $0x50  }
0x1f: {  	[sflag:s16] =	ssyncset.done $0x0  }
0x20: {  	s5 =	rddreg [dreg:$0x3];
	[sflag:s16] =	ssyncadd.s32 $0xFFFFFFB0  }
0x21: {  	[tilespmem:s18], [sflag:$0x2] =	stream.linear.gather [hbm4b:s5+s3], $0x800, $0x38;
	[tilespmem:$0x4500] =	vst v63  }
0x22: {  	_ =	swait.ge [sflag:s16], $0x800  }
0x23: {  	[sflag:s16] =	ssyncset.done $0x0  }
0x24: {  	[sflag:s16] =	ssyncadd.s32 $0xFFFFF800  }
0x25: {  	[bflag:$0x0] =	sbarrier.arrive $0xFFFF  }
0x26: {  	s3 =	simm.s32 $0x280;
	s10 =	rddreg [dreg:$0x7]  }
0x27: {  	[tilespmem:s3], [sflag:$0x2] =	stream.linear.gather [hbm4b:s10+s6], $0x800, $0x38;
	[tilespmem:$0x4500] =	vst v63  }
0x28: {  	_ =	swait.ge [sflag:s16], $0x800  }
0x29: {  	[sflag:s16] =	ssyncset.done $0x0  }
0x2a: {  	[sflag:s16] =	ssyncadd.s32 $0xFFFFF800  }
0x2b: {  	[spmem:s2] =	stream.indirect.scatter.add.f32 [tilespmem:s18], [sflag:$0x1], $0x1, s3, s19, $0xb8;
	[tilespmem:$0x4500] =	vst v63  }
0x2c: {  	s1 =	simm.s32 $0x300  }
0x2d: {  	[spmem:s2] =	stream.indirect.scatter.add.f32 [tilespmem:s23], [sflag:$0x1], $0x1, s1, s19, $0xb8;
	[tilespmem:$0x4500] =	vst v63  }
0x2e: {  	s12 =	simm.s32 $0x380  }
0x2f: {  	[spmem:s2] =	stream.indirect.scatter.add.f32 [tilespmem:s25], [sflag:$0x1], $0x1, s12, s19, $0xb8;
	[tilespmem:$0x4500] =	vst v63  }
0x30: {  	s4 =	simm.s32 $0x400  }
0x31: {  	[spmem:s2] =	stream.indirect.scatter.add.f32 [tilespmem:s28], [sflag:$0x1], $0x1, s4, s19, $0xb8;
	[tilespmem:$0x4500] =	vst v63  }
0x32: {  	s5 =	simm.s32 $0x480  }
0x33: {  	[spmem:s2] =	stream.indirect.scatter.add.f32 [tilespmem:s30], [sflag:$0x1], $0x1, s5, s19, $0xb8;
	[tilespmem:$0x4500] =	vst v63  }
0x34: {  	s1 =	simm.s32 $0x1500;
	s4 =	simm.s32 $0x500  }
0x35: {  	[spmem:s2] =	stream.indirect.scatter.add.f32 [tilespmem:s1], [sflag:$0x1], $0x1, s4, s19, $0xb8;
	[tilespmem:$0x4500] =	vst v63  }
0x36: {  	s5 =	simm.s32 $0x580;
	s4 =	simm.s32 $0x1580  }
0x37: {  	[spmem:s2] =	stream.indirect.scatter.add.f32 [tilespmem:s4], [sflag:$0x1], $0x1, s5, s19, $0xb8;
	[tilespmem:$0x4500] =	vst v63  }
0x38: {  	s8 =	simm.s32 $0x600  }
0x39: {  	[spmem:s2] =	stream.indirect.scatter.add.f32 [tilespmem:s7], [sflag:$0x1], $0x1, s8, s19, $0xb8;
	[tilespmem:$0x4500] =	vst v63  }
0x3a: {  	s10 =	simm.s32 $0x680  }
0x3b: {  	[spmem:s2] =	stream.indirect.scatter.add.f32 [tilespmem:s9], [sflag:$0x1], $0x1, s10, s19, $0xb8;
	[tilespmem:$0x4500] =	vst v63  }
0x3c: {  	s12 =	simm.s32 $0x700  }
0x3d: {  	[spmem:s2] =	stream.indirect.scatter.add.f32 [tilespmem:s13], [sflag:$0x1], $0x1, s12, s19, $0xb8;
	[tilespmem:$0x4500] =	vst v63  }
0x3e: {  	s8 =	simm.s32 $0x780  }
0x3f: {  	[spmem:s2] =	stream.indirect.scatter.add.f32 [tilespmem:s20], [sflag:$0x1], $0x1, s8, s19, $0xb8;
	[tilespmem:$0x4500] =	vst v63  }
0x40: {  	s10 =	simm.s32 $0x800  }
0x41: {  	[spmem:s2] =	stream.indirect.scatter.add.f32 [tilespmem:s29], [sflag:$0x1], $0x1, s10, s19, $0xb8;
	[tilespmem:$0x4500] =	vst v63  }
0x42: {  	s5 =	simm.s32 $0x1880;
	s12 =	simm.s32 $0x880  }
0x43: {  	[spmem:s2] =	stream.indirect.scatter.add.f32 [tilespmem:s5], [sflag:$0x1], $0x1, s12, s19, $0xb8;
	[tilespmem:$0x4500] =	vst v63  }
0x44: {  	s10 =	simm.s32 $0x900  }
0x45: {  	[spmem:s2] =	stream.indirect.scatter.add.f32 [tilespmem:s11], [sflag:$0x1], $0x1, s10, s19, $0xb8;
	[tilespmem:$0x4500] =	vst v63  }
0x46: {  	s12 =	simm.s32 $0x980  }
0x47: {  	[spmem:s2] =	stream.indirect.scatter.add.f32 [tilespmem:s14], [sflag:$0x1], $0x1, s12, s19, $0xb8;
	[tilespmem:$0x4500] =	vst v63  }
0x48: {  	s10 =	simm.s32 $0xA00  }
0x49: {  	[spmem:s2] =	stream.indirect.scatter.add.f32 [tilespmem:s15], [sflag:$0x1], $0x1, s10, s19, $0xb8;
	[tilespmem:$0x4500] =	vst v63  }
0x4a: {  	s12 =	rddreg [dreg:$0x8]  }
0x4b: {  	[tilespmem:s17], [sflag:$0x2] =	stream.linear.gather [hbm4b:s12+s6], $0x800, $0x38;
	[tilespmem:$0x4500] =	vst v63  }
0x4c: {  	_ =	swait.ge [sflag:s16], $0x800  }
0x4d: {  	[sflag:s16] =	ssyncset.done $0x0  }
0x4e: {  	[sflag:s16] =	ssyncadd.s32 $0xFFFFF800  }
0x4f: {  	_ =	swait.ge [sflag:s0], $0x800  }
0x50: {  	[sflag:s0] =	ssyncset.done $0x0  }
0x51: {  	[sflag:s0] =	ssyncadd.s32 $0xFFFFF800  }
0x52: {  	[spmem:s2] =	stream.indirect.scatter.add.f32 [tilespmem:s18], [sflag:$0x1], $0x1, s17, s19, $0xb8;
	[tilespmem:$0x4500] =	vst v63  }
0x53: {  	s10 =	simm.s32 $0xB00  }
0x54: {  	[spmem:s2] =	stream.indirect.scatter.add.f32 [tilespmem:s23], [sflag:$0x1], $0x1, s10, s19, $0xb8;
	[tilespmem:$0x4500] =	vst v63  }
0x55: {  	s12 =	simm.s32 $0xB80  }
0x56: {  	[spmem:s2] =	stream.indirect.scatter.add.f32 [tilespmem:s25], [sflag:$0x1], $0x1, s12, s19, $0xb8;
	[tilespmem:$0x4500] =	vst v63  }
0x57: {  	_ = 	snop  }
0x58: {  	[spmem:s2] =	stream.indirect.scatter.add.f32 [tilespmem:s28], [sflag:$0x1], $0x1, s22, s19, $0xb8;
	[tilespmem:$0x4500] =	vst v63  }
0x59: {  	_ = 	snop  }
0x5a: {  	[spmem:s2] =	stream.indirect.scatter.add.f32 [tilespmem:s30], [sflag:$0x1], $0x1, s24, s19, $0xb8;
	[tilespmem:$0x4500] =	vst v63  }
0x5b: {  	_ = 	snop  }
0x5c: {  	[spmem:s2] =	stream.indirect.scatter.add.f32 [tilespmem:s1], [sflag:$0x1], $0x1, s26, s19, $0xb8;
	[tilespmem:$0x4500] =	vst v63  }
0x5d: {  	_ = 	snop  }
0x5e: {  	[spmem:s2] =	stream.indirect.scatter.add.f32 [tilespmem:s4], [sflag:$0x1], $0x1, s31, s19, $0xb8;
	[tilespmem:$0x4500] =	vst v63  }
0x5f: {  	s8 =	simm.s32 $0xE00  }
0x60: {  	[spmem:s2] =	stream.indirect.scatter.add.f32 [tilespmem:s7], [sflag:$0x1], $0x1, s8, s19, $0xb8;
	[tilespmem:$0x4500] =	vst v63  }
0x61: {  	s8 =	simm.s32 $0xE80  }
0x62: {  	[spmem:s2] =	stream.indirect.scatter.add.f32 [tilespmem:s9], [sflag:$0x1], $0x1, s8, s19, $0xb8;
	[tilespmem:$0x4500] =	vst v63  }
0x63: {  	s8 =	simm.s32 $0xF00  }
0x64: {  	[spmem:s2] =	stream.indirect.scatter.add.f32 [tilespmem:s13], [sflag:$0x1], $0x1, s8, s19, $0xb8;
	[tilespmem:$0x4500] =	vst v63  }
0x65: {  	s8 =	simm.s32 $0xF80  }
0x66: {  	[spmem:s2] =	stream.indirect.scatter.add.f32 [tilespmem:s20], [sflag:$0x1], $0x1, s8, s19, $0xb8;
	[tilespmem:$0x4500] =	vst v63  }
0x67: {  	s8 =	simm.s32 $0x1000  }
0x68: {  	[spmem:s2] =	stream.indirect.scatter.add.f32 [tilespmem:s29], [sflag:$0x1], $0x1, s8, s19, $0xb8;
	[tilespmem:$0x4500] =	vst v63  }
0x69: {  	s8 =	simm.s32 $0x1080  }
0x6a: {  	[spmem:s2] =	stream.indirect.scatter.add.f32 [tilespmem:s5], [sflag:$0x1], $0x1, s8, s19, $0xb8;
	[tilespmem:$0x4500] =	vst v63  }
0x6b: {  	s8 =	simm.s32 $0x1100  }
0x6c: {  	[spmem:s2] =	stream.indirect.scatter.add.f32 [tilespmem:s11], [sflag:$0x1], $0x1, s8, s19, $0xb8;
	[tilespmem:$0x4500] =	vst v63  }
0x6d: {  	s8 =	simm.s32 $0x1180  }
0x6e: {  	[spmem:s2] =	stream.indirect.scatter.add.f32 [tilespmem:s14], [sflag:$0x1], $0x1, s8, s19, $0xb8;
	[tilespmem:$0x4500] =	vst v63  }
0x6f: {  	s8 =	simm.s32 $0x1200  }
0x70: {  	[spmem:s2] =	stream.indirect.scatter.add.f32 [tilespmem:s15], [sflag:$0x1], $0x1, s8, s19, $0xb8;
	[tilespmem:$0x4500] =	vst v63  }
0x71: {  	s8 =	rddreg [dreg:$0x9]  }
0x72: {  	[tilespmem:s3], [sflag:$0x2] =	stream.linear.gather [hbm4b:s8+s6], $0x800, $0x38;
	[tilespmem:$0x4500] =	vst v63  }
0x73: {  	_ =	swait.ge [sflag:s16], $0x800  }
0x74: {  	[sflag:s16] =	ssyncset.done $0x0  }
0x75: {  	[sflag:s16] =	ssyncadd.s32 $0xFFFFF800  }
0x76: {  	_ =	swait.ge [sflag:s0], $0x800  }
0x77: {  	[sflag:s0] =	ssyncset.done $0x0  }
0x78: {  	[sflag:s0] =	ssyncadd.s32 $0xFFFFF800  }
0x79: {  	[spmem:s2] =	stream.indirect.scatter.add.f32 [tilespmem:s18], [sflag:$0x1], $0x1, s3, s19, $0xb8;
	[tilespmem:$0x4500] =	vst v63  }
0x7a: {  	s8 =	simm.s32 $0x300  }
0x7b: {  	[spmem:s2] =	stream.indirect.scatter.add.f32 [tilespmem:s23], [sflag:$0x1], $0x1, s8, s19, $0xb8;
	[tilespmem:$0x4500] =	vst v63  }
0x7c: {  	s8 =	simm.s32 $0x380  }
0x7d: {  	[spmem:s2] =	stream.indirect.scatter.add.f32 [tilespmem:s25], [sflag:$0x1], $0x1, s8, s19, $0xb8;
	[tilespmem:$0x4500] =	vst v63  }
0x7e: {  	s8 =	simm.s32 $0x400  }
0x7f: {  	[spmem:s2] =	stream.indirect.scatter.add.f32 [tilespmem:s28], [sflag:$0x1], $0x1, s8, s19, $0xb8;
	[tilespmem:$0x4500] =	vst v63  }
0x80: {  	s8 =	simm.s32 $0x480  }
0x81: {  	[spmem:s2] =	stream.indirect.scatter.add.f32 [tilespmem:s30], [sflag:$0x1], $0x1, s8, s19, $0xb8;
	[tilespmem:$0x4500] =	vst v63  }
0x82: {  	s8 =	simm.s32 $0x500  }
0x83: {  	[spmem:s2] =	stream.indirect.scatter.add.f32 [tilespmem:s1], [sflag:$0x1], $0x1, s8, s19, $0xb8;
	[tilespmem:$0x4500] =	vst v63  }
0x84: {  	s8 =	simm.s32 $0x580  }
0x85: {  	[spmem:s2] =	stream.indirect.scatter.add.f32 [tilespmem:s4], [sflag:$0x1], $0x1, s8, s19, $0xb8;
	[tilespmem:$0x4500] =	vst v63  }
0x86: {  	s8 =	simm.s32 $0x600  }
0x87: {  	[spmem:s2] =	stream.indirect.scatter.add.f32 [tilespmem:s7], [sflag:$0x1], $0x1, s8, s19, $0xb8;
	[tilespmem:$0x4500] =	vst v63  }
0x88: {  	s8 =	simm.s32 $0x680  }
0x89: {  	[spmem:s2] =	stream.indirect.scatter.add.f32 [tilespmem:s9], [sflag:$0x1], $0x1, s8, s19, $0xb8;
	[tilespmem:$0x4500] =	vst v63  }
0x8a: {  	s8 =	simm.s32 $0x700  }
0x8b: {  	[spmem:s2] =	stream.indirect.scatter.add.f32 [tilespmem:s13], [sflag:$0x1], $0x1, s8, s19, $0xb8;
	[tilespmem:$0x4500] =	vst v63  }
0x8c: {  	s8 =	simm.s32 $0x780  }
0x8d: {  	[spmem:s2] =	stream.indirect.scatter.add.f32 [tilespmem:s20], [sflag:$0x1], $0x1, s8, s19, $0xb8;
	[tilespmem:$0x4500] =	vst v63  }
0x8e: {  	s8 =	simm.s32 $0x800  }
0x8f: {  	[spmem:s2] =	stream.indirect.scatter.add.f32 [tilespmem:s29], [sflag:$0x1], $0x1, s8, s19, $0xb8;
	[tilespmem:$0x4500] =	vst v63  }
0x90: {  	s8 =	simm.s32 $0x880  }
0x91: {  	[spmem:s2] =	stream.indirect.scatter.add.f32 [tilespmem:s5], [sflag:$0x1], $0x1, s8, s19, $0xb8;
	[tilespmem:$0x4500] =	vst v63  }
0x92: {  	s8 =	simm.s32 $0x900  }
0x93: {  	[spmem:s2] =	stream.indirect.scatter.add.f32 [tilespmem:s11], [sflag:$0x1], $0x1, s8, s19, $0xb8;
	[tilespmem:$0x4500] =	vst v63  }
0x94: {  	s8 =	simm.s32 $0x980  }
0x95: {  	[spmem:s2] =	stream.indirect.scatter.add.f32 [tilespmem:s14], [sflag:$0x1], $0x1, s8, s19, $0xb8;
	[tilespmem:$0x4500] =	vst v63  }
0x96: {  	s8 =	simm.s32 $0xA00  }
0x97: {  	[spmem:s2] =	stream.indirect.scatter.add.f32 [tilespmem:s15], [sflag:$0x1], $0x1, s8, s19, $0xb8;
	[tilespmem:$0x4500] =	vst v63  }
0x98: {  	s8 =	rddreg [dreg:$0xa]  }
0x99: {  	[tilespmem:s17], [sflag:$0x2] =	stream.linear.gather [hbm4b:s8+s6], $0x800, $0x38;
	[tilespmem:$0x4500] =	vst v63  }
0x9a: {  	_ =	swait.ge [sflag:s16], $0x800  }
0x9b: {  	[sflag:s16] =	ssyncset.done $0x0  }
0x9c: {  	[sflag:s16] =	ssyncadd.s32 $0xFFFFF800  }
0x9d: {  	_ =	swait.ge [sflag:s0], $0x800  }
0x9e: {  	[sflag:s0] =	ssyncset.done $0x0  }
0x9f: {  	[sflag:s0] =	ssyncadd.s32 $0xFFFFF800  }
0xa0: {  	[spmem:s2] =	stream.indirect.scatter.add.f32 [tilespmem:s18], [sflag:$0x1], $0x1, s17, s19, $0xb8;
	[tilespmem:$0x4500] =	vst v63  }
0xa1: {  	_ = 	snop  }
0xa2: {  	[spmem:s2] =	stream.indirect.scatter.add.f32 [tilespmem:s23], [sflag:$0x1], $0x1, s10, s19, $0xb8;
	[tilespmem:$0x4500] =	vst v63  }
0xa3: {  	_ = 	snop  }
0xa4: {  	[spmem:s2] =	stream.indirect.scatter.add.f32 [tilespmem:s25], [sflag:$0x1], $0x1, s12, s19, $0xb8;
	[tilespmem:$0x4500] =	vst v63  }
0xa5: {  	_ = 	snop  }
0xa6: {  	[spmem:s2] =	stream.indirect.scatter.add.f32 [tilespmem:s28], [sflag:$0x1], $0x1, s22, s19, $0xb8;
	[tilespmem:$0x4500] =	vst v63  }
0xa7: {  	_ = 	snop  }
0xa8: {  	[spmem:s2] =	stream.indirect.scatter.add.f32 [tilespmem:s30], [sflag:$0x1], $0x1, s24, s19, $0xb8;
	[tilespmem:$0x4500] =	vst v63  }
0xa9: {  	_ = 	snop  }
0xaa: {  	[spmem:s2] =	stream.indirect.scatter.add.f32 [tilespmem:s1], [sflag:$0x1], $0x1, s26, s19, $0xb8;
	[tilespmem:$0x4500] =	vst v63  }
0xab: {  	_ = 	snop  }
0xac: {  	[spmem:s2] =	stream.indirect.scatter.add.f32 [tilespmem:s4], [sflag:$0x1], $0x1, s31, s19, $0xb8;
	[tilespmem:$0x4500] =	vst v63  }
0xad: {  	s10 =	simm.s32 $0xE00  }
0xae: {  	[spmem:s2] =	stream.indirect.scatter.add.f32 [tilespmem:s7], [sflag:$0x1], $0x1, s10, s19, $0xb8;
	[tilespmem:$0x4500] =	vst v63  }
0xaf: {  	s12 =	simm.s32 $0xE80  }
0xb0: {  	[spmem:s2] =	stream.indirect.scatter.add.f32 [tilespmem:s9], [sflag:$0x1], $0x1, s12, s19, $0xb8;
	[tilespmem:$0x4500] =	vst v63  }
0xb1: {  	s10 =	simm.s32 $0xF00  }
0xb2: {  	[spmem:s2] =	stream.indirect.scatter.add.f32 [tilespmem:s13], [sflag:$0x1], $0x1, s10, s19, $0xb8;
	[tilespmem:$0x4500] =	vst v63  }
0xb3: {  	s12 =	simm.s32 $0xF80  }
0xb4: {  	[spmem:s2] =	stream.indirect.scatter.add.f32 [tilespmem:s20], [sflag:$0x1], $0x1, s12, s19, $0xb8;
	[tilespmem:$0x4500] =	vst v63  }
0xb5: {  	s10 =	simm.s32 $0x1000  }
0xb6: {  	[spmem:s2] =	stream.indirect.scatter.add.f32 [tilespmem:s29], [sflag:$0x1], $0x1, s10, s19, $0xb8;
	[tilespmem:$0x4500] =	vst v63  }
0xb7: {  	s12 =	simm.s32 $0x1080  }
0xb8: {  	[spmem:s2] =	stream.indirect.scatter.add.f32 [tilespmem:s5], [sflag:$0x1], $0x1, s12, s19, $0xb8;
	[tilespmem:$0x4500] =	vst v63  }
0xb9: {  	s10 =	simm.s32 $0x1100  }
0xba: {  	[spmem:s2] =	stream.indirect.scatter.add.f32 [tilespmem:s11], [sflag:$0x1], $0x1, s10, s19, $0xb8;
	[tilespmem:$0x4500] =	vst v63  }
0xbb: {  	s12 =	simm.s32 $0x1180  }
0xbc: {  	[spmem:s2] =	stream.indirect.scatter.add.f32 [tilespmem:s14], [sflag:$0x1], $0x1, s12, s19, $0xb8;
	[tilespmem:$0x4500] =	vst v63  }
0xbd: {  	s10 =	simm.s32 $0x1200  }
0xbe: {  	[spmem:s2] =	stream.indirect.scatter.add.f32 [tilespmem:s15], [sflag:$0x1], $0x1, s10, s19, $0xb8;
	[tilespmem:$0x4500] =	vst v63  }
0xbf: {  	s12 =	rddreg [dreg:$0xb]  }
0xc0: {  	[tilespmem:s3], [sflag:$0x2] =	stream.linear.gather [hbm4b:s12+s6], $0x800, $0x38;
	[tilespmem:$0x4500] =	vst v63  }
0xc1: {  	_ =	swait.ge [sflag:s16], $0x800  }
0xc2: {  	[sflag:s16] =	ssyncset.done $0x0  }
0xc3: {  	[sflag:s16] =	ssyncadd.s32 $0xFFFFF800  }
0xc4: {  	_ =	swait.ge [sflag:s0], $0x800  }
0xc5: {  	[sflag:s0] =	ssyncset.done $0x0  }
0xc6: {  	[sflag:s0] =	ssyncadd.s32 $0xFFFFF800  }
0xc7: {  	[spmem:s2] =	stream.indirect.scatter.add.f32 [tilespmem:s18], [sflag:$0x1], $0x1, s3, s19, $0xb8;
	[tilespmem:$0x4500] =	vst v63  }
0xc8: {  	s10 =	simm.s32 $0x300  }
0xc9: {  	[spmem:s2] =	stream.indirect.scatter.add.f32 [tilespmem:s23], [sflag:$0x1], $0x1, s10, s19, $0xb8;
	[tilespmem:$0x4500] =	vst v63  }
0xca: {  	s12 =	simm.s32 $0x380  }
0xcb: {  	[spmem:s2] =	stream.indirect.scatter.add.f32 [tilespmem:s25], [sflag:$0x1], $0x1, s12, s19, $0xb8;
	[tilespmem:$0x4500] =	vst v63  }
0xcc: {  	s8 =	simm.s32 $0x400  }
0xcd: {  	[spmem:s2] =	stream.indirect.scatter.add.f32 [tilespmem:s28], [sflag:$0x1], $0x1, s8, s19, $0xb8;
	[tilespmem:$0x4500] =	vst v63  }
0xce: {  	s10 =	simm.s32 $0x480  }
0xcf: {  	[spmem:s2] =	stream.indirect.scatter.add.f32 [tilespmem:s30], [sflag:$0x1], $0x1, s10, s19, $0xb8;
	[tilespmem:$0x4500] =	vst v63  }
0xd0: {  	s12 =	simm.s32 $0x500  }
0xd1: {  	[spmem:s2] =	stream.indirect.scatter.add.f32 [tilespmem:s1], [sflag:$0x1], $0x1, s12, s19, $0xb8;
	[tilespmem:$0x4500] =	vst v63  }
0xd2: {  	s8 =	simm.s32 $0x580  }
0xd3: {  	[spmem:s2] =	stream.indirect.scatter.add.f32 [tilespmem:s4], [sflag:$0x1], $0x1, s8, s19, $0xb8;
	[tilespmem:$0x4500] =	vst v63  }
0xd4: {  	s10 =	simm.s32 $0x600  }
0xd5: {  	[spmem:s2] =	stream.indirect.scatter.add.f32 [tilespmem:s7], [sflag:$0x1], $0x1, s10, s19, $0xb8;
	[tilespmem:$0x4500] =	vst v63  }
0xd6: {  	s12 =	simm.s32 $0x680  }
0xd7: {  	[spmem:s2] =	stream.indirect.scatter.add.f32 [tilespmem:s9], [sflag:$0x1], $0x1, s12, s19, $0xb8;
	[tilespmem:$0x4500] =	vst v63  }
0xd8: {  	s3 =	simm.s32 $0x700  }
0xd9: {  	[spmem:s2] =	stream.indirect.scatter.add.f32 [tilespmem:s13], [sflag:$0x1], $0x1, s3, s19, $0xb8;
	[tilespmem:$0x4500] =	vst v63  }
0xda: {  	s4 =	simm.s32 $0x780  }
0xdb: {  	[spmem:s2] =	stream.indirect.scatter.add.f32 [tilespmem:s20], [sflag:$0x1], $0x1, s4, s19, $0xb8;
	[tilespmem:$0x4500] =	vst v63  }
0xdc: {  	s8 =	simm.s32 $0x800  }
0xdd: {  	[spmem:s2] =	stream.indirect.scatter.add.f32 [tilespmem:s29], [sflag:$0x1], $0x1, s8, s19, $0xb8;
	[tilespmem:$0x4500] =	vst v63  }
0xde: {  	s10 =	simm.s32 $0x880  }
0xdf: {  	[spmem:s2] =	stream.indirect.scatter.add.f32 [tilespmem:s5], [sflag:$0x1], $0x1, s10, s19, $0xb8;
	[tilespmem:$0x4500] =	vst v63  }
0xe0: {  	s12 =	simm.s32 $0x900  }
0xe1: {  	[spmem:s2] =	stream.indirect.scatter.add.f32 [tilespmem:s11], [sflag:$0x1], $0x1, s12, s19, $0xb8;
	[tilespmem:$0x4500] =	vst v63  }
0xe2: {  	s3 =	simm.s32 $0x980  }
0xe3: {  	[spmem:s2] =	stream.indirect.scatter.add.f32 [tilespmem:s14], [sflag:$0x1], $0x1, s3, s19, $0xb8;
	[tilespmem:$0x4500] =	vst v63  }
0xe4: {  	s4 =	simm.s32 $0xA00  }
0xe5: {  	[spmem:s2] =	stream.indirect.scatter.add.f32 [tilespmem:s15], [sflag:$0x1], $0x1, s4, s19, $0xb8;
	[tilespmem:$0x4500] =	vst v63  }
0xe6: {  	_ =	swait.ge [sflag:s0], $0x800  }
0xe7: {  	[sflag:s0] =	ssyncset.done $0x0  }
0xe8: {  	[sflag:s0] =	ssyncadd.s32 $0xFFFFF800  }
0xe9: {  	[bflag:$0x0] =	sbarrier.arrive $0xFFFF  }
0xea: {  	s10 =	simm.s32 $0x1A80;
	s5 =	rddreg [dreg:$0x4]  }
0xeb: {  	[tilespmem:s10], [sflag:$0x2] =	stream.linear.gather [spmem:s5], $0x280, $0x38;
	[tilespmem:$0x4500] =	vst v63  }
0xec: {  	_ =	swait.ge [sflag:s16], $0x280  }
0xed: {  	[sflag:s16] =	ssyncset.done $0x0  }
0xee: {  	s12 =	simm.s32 $0x0;
	[sflag:s16] =	ssyncadd.s32 $0xFFFFFD80  }
0xef: {  	v0 =	vld [tilespmem:s12+$0x1A80];
	_ =	sdelay $0x4  }
0xf0: {  	v1 =	vbroadcast v0, $0x0  }
0xf1: {  	s8 =	simm.s32 $0x1D80;
	v2 =	vbroadcast v0, $0x1  }
0xf2: {  	v3 =	vbroadcast v0, $0x2;
	[tilespmem:s8+$0xFFFFFF80] =	vst v1  }
0xf3: {  	v52 =	vbroadcast v0, $0x3;
	[tilespmem:s8+$0xFFFFFF90] =	vst v2  }
0xf4: {  	v53 =	vbroadcast v0, $0x4;
	[tilespmem:s8+$0xFFFFFFA0] =	vst v3  }
0xf5: {  	v54 =	vbroadcast v0, $0x5;
	[tilespmem:s8+$0xFFFFFFB0] =	vst v52  }
0xf6: {  	v55 =	vbroadcast v0, $0x6;
	[tilespmem:s8+$0xFFFFFFC0] =	vst v53  }
0xf7: {  	v56 =	vbroadcast v0, $0x7;
	[tilespmem:s8+$0xFFFFFFD0] =	vst v54  }
0xf8: {  	v57 =	vbroadcast v0, $0x8;
	[tilespmem:s8+$0xFFFFFFE0] =	vst v55  }
0xf9: {  	v58 =	vbroadcast v0, $0x9;
	[tilespmem:s8+$0xFFFFFFF0] =	vst v56  }
0xfa: {  	v59 =	vbroadcast v0, $0xA;
	[tilespmem:s8+$0x0] =	vst v57  }
0xfb: {  	v60 =	vbroadcast v0, $0xB;
	[tilespmem:s8+$0x10] =	vst v58  }
0xfc: {  	v61 =	vbroadcast v0, $0xC;
	[tilespmem:s8+$0x20] =	vst v59  }
0xfd: {  	v62 =	vbroadcast v0, $0xD;
	[tilespmem:s8+$0x30] =	vst v60  }
0xfe: {  	v63 =	vbroadcast v0, $0xE;
	[tilespmem:s8+$0x40] =	vst v61  }
0xff: {  	v0 =	vbroadcast v0, $0xF;
	[tilespmem:s8+$0x50] =	vst v62  }
0x100: {  	[tilespmem:s8+$0x60] =	vst v63  }
0x101: {  	s10 =	simm.s32 $0x80;
	s12 =	simm.s32 $0x10;
	[tilespmem:s8+$0x70] =	vst v0  }
.LBB2_2:
0x102: {  	p0 =	sne.s32 s10, $0x9C0;
	v0 =	vld [tilespmem:s12+$0x1A80];
	_ =	sdelay $0x4  }
0x103: {  	v1 =	vbroadcast v0, $0x0;
	v2 =	vbroadcast v0, $0x1  }
0x104: {  	s8 =	sadd.s32 $0x100, s8;
	v3 =	vbroadcast v0, $0x2;
	v4 =	vbroadcast v0, $0x3  }
0x105: {  	v5 =	vbroadcast v0, $0x5;
	[tilespmem:s8+$0xFFFFFF80] =	vst v1;
	v1 =	vbroadcast v0, $0x4  }
0x106: {  	v6 =	vbroadcast v0, $0x7;
	[tilespmem:s8+$0xFFFFFF90] =	vst v2;
	v2 =	vbroadcast v0, $0x6  }
0x107: {  	v7 =	vbroadcast v0, $0x9;
	[tilespmem:s8+$0xFFFFFFA0] =	vst v3;
	v3 =	vbroadcast v0, $0x8  }
0x108: {  	v8 =	vbroadcast v0, $0xB;
	[tilespmem:s8+$0xFFFFFFB0] =	vst v4;
	v4 =	vbroadcast v0, $0xA  }
0x109: {  	v9 =	vbroadcast v0, $0xD;
	[tilespmem:s8+$0xFFFFFFC0] =	vst v1;
	v1 =	vbroadcast v0, $0xC  }
0x10a: {  	[tilespmem:s8+$0xFFFFFFD0] =	vst v5;
	v5 =	vbroadcast v0, $0xE;
	v0 =	vbroadcast v0, $0xF  }
0x10b: {  	[tilespmem:s8+$0xFFFFFFE0] =	vst v2  }
0x10c: {  	[tilespmem:s8+$0xFFFFFFF0] =	vst v6  }
0x10d: {  	[tilespmem:s8+$0x0] =	vst v3  }
0x10e: {  	[tilespmem:s8+$0x10] =	vst v7  }
0x10f: {  	[tilespmem:s8+$0x20] =	vst v4  }
.Ltmp0:
0x110: {  	[tilespmem:s8+$0x30] =	vst v8;
	(pc) =	sbr.rel @p0 .LBB2_2-.Ltmp0, $4  }
0x111: {  	[tilespmem:s8+$0x40] =	vst v1  }
0x112: {  	[tilespmem:s8+$0x50] =	vst v9  }
0x113: {  	[tilespmem:s8+$0x60] =	vst v5  }
0x114: {  	s12 =	sshra.s32 s10, $0x2;
	s10 =	sadd.s32 $0x40, s10;
	[tilespmem:s8+$0x70] =	vst v0  }
0x115: {  	v0 =	vld [tilespmem:s12+$0x1A80];
	_ =	sdelay $0x4  }
0x116: {  	v1 =	vbroadcast v0, $0x0  }
0x117: {  	s8 =	sadd.s32 $0x100, s8;
	v2 =	vbroadcast v0, $0x1  }
0x118: {  	v3 =	vbroadcast v0, $0x2;
	[tilespmem:s8+$0xFFFFFF80] =	vst v1  }
0x119: {  	v52 =	vbroadcast v0, $0x3;
	[tilespmem:s8+$0xFFFFFF90] =	vst v2  }
0x11a: {  	v53 =	vbroadcast v0, $0x4;
	[tilespmem:s8+$0xFFFFFFA0] =	vst v3  }
0x11b: {  	v54 =	vbroadcast v0, $0x5;
	[tilespmem:s8+$0xFFFFFFB0] =	vst v52  }
0x11c: {  	v55 =	vbroadcast v0, $0x6;
	[tilespmem:s8+$0xFFFFFFC0] =	vst v53  }
0x11d: {  	v56 =	vbroadcast v0, $0x7;
	[tilespmem:s8+$0xFFFFFFD0] =	vst v54  }
0x11e: {  	v57 =	vbroadcast v0, $0x8;
	[tilespmem:s8+$0xFFFFFFE0] =	vst v55  }
0x11f: {  	v58 =	vbroadcast v0, $0x9;
	[tilespmem:s8+$0xFFFFFFF0] =	vst v56  }
0x120: {  	v59 =	vbroadcast v0, $0xA;
	[tilespmem:s8+$0x0] =	vst v57  }
0x121: {  	v60 =	vbroadcast v0, $0xB;
	[tilespmem:s8+$0x10] =	vst v58  }
0x122: {  	v61 =	vbroadcast v0, $0xC;
	[tilespmem:s8+$0x20] =	vst v59  }
0x123: {  	v62 =	vbroadcast v0, $0xD;
	[tilespmem:s8+$0x30] =	vst v60  }
0x124: {  	v63 =	vbroadcast v0, $0xE;
	[tilespmem:s8+$0x40] =	vst v61  }
0x125: {  	v0 =	vbroadcast v0, $0xF;
	[tilespmem:s8+$0x50] =	vst v62  }
0x126: {  	[tilespmem:s8+$0x60] =	vst v63  }
0x127: {  	s10 =	rddreg [dreg:$0xc];
	s3 =	simm.s32 $0x0;
	s1 =	simm.s32 $0x1D00;
	[tilespmem:s8+$0x70] =	vst v0  }
0x128: {  	[hbm4b:s10+s3] =	stream.linear.scatter [tilespmem:s1], [sflag:$0x2], $0x2800, $0x38;
	[tilespmem:$0x4500] =	vst v63  }
0x129: {  	_ =	swait.ge [sflag:s16], $0x2800  }
0x12a: {  	s21 =	sadd.s32 $0x1, s21;
	s12 =	rddreg [dreg:$0xd]  }
0x12b: {  	p0 =	sne.s32 s21, s12  }
.Ltmp1:
0x12c: {  	_ = 	snop;
	(pc) =	sbr.rel @p0 .LBB2_1-.Ltmp1, $3  }
0x12d: {  	_ =	sdelay $0x1  }
0x12e: {  	[sflag:s16] =	ssyncset.done $0x0  }
0x12f: {  	[sflag:s16] =	ssyncadd.s32 $0xFFFFD800  }
0x130: {  	_ =	sfence.sel $0x180000  }
0x131: {  	[bflag:$0x0] =	sbarrier.arrive $0xFFFF  }
0x132: {  	_ =	strace $0x90000047  }
0x133: {  	s0 =	stileid.u32;
	[bflag:$0x2] =	sbarrier.arrive $0xFFFF  }
0x134: {  	p0 =	sne.s32 s0, $0x0;
	s0 =	rddreg [dreg:$0x2]  }
0x135: {  	s0 =	sadd.s32 @!p0 $0x100000, s0  }
0x136: {  	[sflag:s0] =	ssyncadd.tile.s32 @!p0 $0x1;
	_ =	shalt  }
.Lfunc_end2:
_tile_overlayer_lowered:
.L_overlay_start_2:
0x137: {  	(tag) =	ssettag $0x2  }
0x138: {  	s0 =	rddreg [dreg:$0x0];
	s2 =	stileid.u32  }
0x139: {  	s1 =	rddreg [dreg:$0x1];
	p0 =	sne.s32 s2, $0x0  }
0x13a: {  	s3 =	rddreg [dreg:$0x2];
	[bflag:$0x3] =	sbarrier.arrive $0xFFFF;
	s2 =	simm.s32 @!p0 $0x1C02  }
0x13b: {  	[timem:s3], [sflag:s2] =	dma.local @!p0 [hbm:s0], s1  }
0x13c: {  	s0 =	simm.s32 @!p0 $0x2  }
0x13d: {  	_ =	swait.ge @!p0 [sflag:s0], s1  }
0x13e: {  	s1 =	ssub.s32 @!p0 $0x0, s1;
	[sflag:s0] =	ssyncset.done @!p0 $0x0  }
0x13f: {  	[sflag:s0] =	ssyncadd.s32 @!p0 s1  }
0x140: {  	[bflag:$0x3] =	sbarrier.arrive $0xFFFF  }
0x141: {  	_ =	shalt  }

</sc_bundles>
